<compile_context>
chip_gen: v7x
topology: tpu7x:2x2x1
jax: 0.10.2.dev20260603
libtpu: 0.0.44.dev20260713+nightly
codegen_flags: <defaults>
</compile_context>

<pallas_src>
import functools

import jax
import jax.numpy as jnp
from jax import lax
from jax.experimental import pallas as pl
from jax.experimental.pallas import tpu as pltpu
from jax.experimental.pallas import tpu_sc as plsc

INNER = 256
NCLS = 19
QLEN = 2975
BSZ = 8
HW = 128 * 128
NPX = BSZ * HW
TEMP = 0.2

NC, NS, L = 2, 16, 16
NW = NC * NS
PXT = NPX // NW
CHG = INNER // 4
ACC = NCLS * L * CHG
BLK = 128
NBLK = (QLEN + BLK - 1) // BLK
TAIL = QLEN - (NBLK - 1) * BLK


def _sc_mesh():
    return plsc.VectorSubcoreMesh(
        core_axis_name="c", subcore_axis_name="s", num_cores=NC, num_subcores=NS
    )


def _argmax_body(res_hbm, pred16_hbm, counts_hbm, resbuf, predbuf, cntbuf,
                 credbuf, sem):
    wid = lax.axis_index("s") * NC + lax.axis_index("c")
    b = wid // 4
    q = wid % 4
    base = b * (NCLS * HW) + q * PXT
    for c in range(NCLS):
        pltpu.async_copy(
            res_hbm.at[pl.ds(base + c * HW, PXT)],
            resbuf.at[pl.ds(c * PXT, PXT)],
            sem,
        )
    for c in range(NCLS):
        pltpu.make_async_copy(
            res_hbm.at[pl.ds(base + c * HW, PXT)],
            resbuf.at[pl.ds(c * PXT, PXT)],
            sem,
        ).wait()

    zero = jnp.zeros((L,), jnp.float32)
    for i in range(NCLS):
        cntbuf[pl.ds(i * L, L)] = zero
    credbuf[pl.ds(0, L)] = zero
    credbuf[pl.ds(L, L)] = zero

    lane = lax.iota(jnp.int32, L)
    ones = jnp.ones((L,), jnp.float32)

    @pl.loop(0, PXT // L)
    def _px(v):
        off = v * L
        best = resbuf[pl.ds(off, L)]
        bidx = jnp.zeros((L,), jnp.int32)
        for c in range(1, NCLS):
            x = resbuf[pl.ds(c * PXT + off, L)]
            gt = x > best
            best = jnp.where(gt, x, best)
            bidx = jnp.where(gt, jnp.full((L,), c, jnp.int32), bidx)
        predbuf[pl.ds(off, L)] = bidx * (L * CHG) + lane
        plsc.addupdate_scatter(cntbuf, [bidx * L + lane], ones)

    m15 = lane == (L - 1)
    for c in range(NCLS):
        cs = plsc.cumsum(cntbuf[pl.ds(c * L, L)])
        plsc.store_scatter(
            credbuf, [jnp.full((L,), c, jnp.int32)], cs, mask=m15
        )

    pltpu.sync_copy(predbuf, pred16_hbm.at[pl.ds(wid * PXT, PXT)])
    pltpu.sync_copy(credbuf, counts_hbm.at[wid])


@functools.cache
def _argmax_call():
    return pl.kernel(
        _argmax_body,
        out_type=[
            jax.ShapeDtypeStruct((NPX,), jnp.int32),
            jax.ShapeDtypeStruct((NW, 32), jnp.float32),
        ],
        mesh=_sc_mesh(),
        scratch_types=[
            pltpu.VMEM((NCLS * PXT,), jnp.float32),
            pltpu.VMEM((PXT,), jnp.int32),
            pltpu.VMEM((NCLS * L,), jnp.float32),
            pltpu.VMEM((32,), jnp.float32),
            pltpu.SemaphoreType.DMA,
        ],
        compiler_params=pltpu.CompilerParams(needs_layout_passes=False),
    )


NG = CHG // 8
NH = 4
PXQ = HW // NH
UN = NG * NH
NSLOT = 2


def _segsum_body(fea_hbm, pred16_hbm, part_hbm, pbuf, fbuf, acc, racc,
                 sem0, sem1, sem2, sem3):
    wid = lax.axis_index("s") * NC + lax.axis_index("c")
    b = wid // 4
    cg = wid % 4

    pltpu.sync_copy(pred16_hbm.at[pl.ds(b * HW, HW)], pbuf)

    zero = jnp.zeros((L,), jnp.float32)

    @pl.loop(0, ACC // L)
    def _z(i):
        acc[pl.ds(i * L, L)] = zero

    febase = (b * INNER + cg * CHG) * HW
    sems = (sem0, sem1, sem2, sem3)

    def start_unit(u, slot):
        g = u // NH
        h = u % NH
        base = febase + g * (8 * HW) + h * PXQ
        for j in range(8):
            pltpu.async_copy(
                fea_hbm.at[pl.ds(base + j * HW, PXQ)],
                fbuf.at[pl.ds((slot * 8 + j) * PXQ, PXQ)],
                sems[slot],
            )

    def wait_unit(slot):
        for j in range(8):
            pltpu.make_async_copy(
                fea_hbm.at[pl.ds(0, PXQ)],
                fbuf.at[pl.ds((slot * 8 + j) * PXQ, PXQ)],
                sems[slot],
            ).wait()

    for s in range(NSLOT - 1):
        start_unit(s, s)

    @pl.loop(0, UN, step=NSLOT)
    def _u(u0):
        for r in range(NSLOT):
            u = u0 + r

            @pl.when(u + NSLOT - 1 < UN)
            def _():
                start_unit(u + NSLOT - 1, (r + NSLOT - 1) % NSLOT)

            wait_unit(r)
            g = u // NH
            h = u % NH
            koff = g * (8 * L)
            hoff = h * PXQ
            fbase = r * 8 * PXQ

            @plsc.parallel_loop(0, PXQ // L, unroll=8)
            def _px(v):
                off = v * L
                idx = pbuf[pl.ds(hoff + off, L)] + koff
                for j in range(8):
                    plsc.addupdate_scatter(
                        acc,
                        [idx if j == 0 else idx + j * L],
                        fbuf[pl.ds(fbase + j * PXQ + off, L)],
                    )

    lane = lax.iota(jnp.int32, L)
    m15 = lane == (L - 1)

    @plsc.parallel_loop(0, NCLS * CHG, unroll=8)
    def _red(i):
        cs = plsc.cumsum(acc[pl.ds(i * L, L)])
        plsc.store_scatter(
            racc, [jnp.full((L,), i, jnp.int32)], cs, mask=m15
        )

    for c in range(NCLS):
        dst = part_hbm.at[pl.ds(((b * NCLS + c) * 4 + cg) * CHG, CHG)]
        pltpu.async_copy(racc.at[pl.ds(c * CHG, CHG)], dst, sem0)
    for c in range(NCLS):
        dst = part_hbm.at[pl.ds(((b * NCLS + c) * 4 + cg) * CHG, CHG)]
        pltpu.make_async_copy(racc.at[pl.ds(c * CHG, CHG)], dst, sem0).wait()


@functools.cache
def _segsum_call():
    return pl.kernel(
        _segsum_body,
        out_type=jax.ShapeDtypeStruct((BSZ * NCLS * 4 * CHG,), jnp.float32),
        mesh=_sc_mesh(),
        scratch_types=[
            pltpu.VMEM((HW,), jnp.int32),
            pltpu.VMEM((NSLOT * 8 * PXQ,), jnp.float32),
            pltpu.VMEM((ACC,), jnp.float32),
            pltpu.VMEM((NCLS * CHG,), jnp.float32),
            pltpu.SemaphoreType.DMA,
            pltpu.SemaphoreType.DMA,
            pltpu.SemaphoreType.DMA,
            pltpu.SemaphoreType.DMA,
        ],
        compiler_params=pltpu.CompilerParams(needs_layout_passes=False),
    )


def _loss_body(pref, cref, qref, out, keys_b, l0s, sacc3):
    j = pl.program_id(0)
    invt = jnp.float32(1.0 / TEMP)
    qb = qref[...].reshape(NCLS, 4, CHG, BLK)

    @pl.when(j == 0)
    def _init():
        sums = jnp.sum(pref[...], axis=0)
        counts = jnp.sum(cref[...], axis=0)[:NCLS]
        safe = jnp.where(counts > 0, counts, jnp.ones_like(counts))
        k0 = sums / safe[:, None, None]
        nrm = jnp.sqrt(jnp.sum(k0 * k0, axis=(1, 2), keepdims=True))
        ks = k0 / jnp.maximum(nrm, 1e-12) * invt
        keys_b[...] = jnp.broadcast_to(
            ks[:, :, :, None], (NCLS, 4, CHG, BLK)
        )
        l0s[...] = ks * qb[:, :, :, 0]
        out[0, 0] = jnp.float32(0.0)

    qsum = jnp.sum(qb, axis=0)
    ks = keys_b[...]
    x1 = ks * qb
    x2 = ks * qsum[None] - x1
    e = jnp.exp(x1) + jnp.exp(x2)

    @pl.when(j == 0)
    def _acc0():
        sacc3[...] = e

    @pl.when(jnp.logical_and(j > 0, j < NBLK - 1))
    def _accmid():
        sacc3[...] = sacc3[...] + e

    @pl.when(j == NBLK - 1)
    def _fin():
        col = lax.broadcasted_iota(jnp.int32, (NCLS, 4, CHG, BLK), 3)
        em = jnp.where(col < TAIL, e, jnp.float32(0.0))
        s2 = jnp.sum(sacc3[...] + em, axis=3)
        counts = jnp.sum(cref[...], axis=0)[:NCLS]
        pres = (counts > 0).astype(jnp.float32)
        loss = jnp.sum(pres[:, None, None] * (jnp.log(s2) - l0s[...]))
        out[0, 0] = loss / jnp.float32(INNER)


def _loss_call(p4, c2, queues, interpret=False):
    return pl.pallas_call(
        _loss_body,
        grid=(NBLK,),
        in_specs=[
            pl.BlockSpec((BSZ, NCLS, 4, CHG), lambda j: (0, 0, 0, 0)),
            pl.BlockSpec((NW, 32), lambda j: (0, 0)),
            pl.BlockSpec((NCLS, INNER, BLK), lambda j: (0, 0, j)),
        ],
        out_specs=pl.BlockSpec(memory_space=pltpu.SMEM),
        out_shape=jax.ShapeDtypeStruct((1, 1), jnp.float32),
        scratch_shapes=[
            pltpu.VMEM((NCLS, 4, CHG, BLK), jnp.float32),
            pltpu.VMEM((NCLS, 4, CHG), jnp.float32),
            pltpu.VMEM((NCLS, 4, CHG, BLK), jnp.float32),
        ],
        compiler_params=pltpu.CompilerParams(
            dimension_semantics=("arbitrary",)
        ),
        interpret=interpret,
    )(p4, c2, queues)


def kernel(fea, res, queues):
    res_flat = res.reshape(-1)
    fea_flat = fea.reshape(-1)
    pred16, countsp = _argmax_call()(res_flat)
    partials = _segsum_call()(fea_flat, pred16)
    p4 = partials.reshape(BSZ, NCLS, 4, CHG)
    loss = _loss_call(p4, countsp, queues)[0, 0]
    return res, loss

# --- scband reference (transcript-rebuilt; emitter-appended) ---
"""Pipeline reference for scband-dec-contrast-78580721648167 (READ-ONLY COPY).

The authoritative reference and input builder live on the scoring server;
editing this copy changes nothing except your own understanding.
"""

import jax, jax.numpy as jnp
import numpy as np

INNER_PLANES = 256
NUM_CLASSES = 19
TEMPERATURE = 0.2
QUEUE_LEN = 2975
BS, H, W = 8, 128, 128


def setup_inputs(seed: int = 0) -> dict:
    key = jax.random.key(seed)
    k1, k2, k3 = jax.random.split(key, 3)
    fea = jax.random.normal(k1, (BS, INNER_PLANES, H, W), dtype=jnp.float32)
    res = jax.random.normal(k2, (BS, NUM_CLASSES, H, W), dtype=jnp.float32)
    # class queues: randn(inner_planes, queue_len), L2-normalized along dim 0 (as in __init__)
    q = jax.random.normal(k3, (NUM_CLASSES, INNER_PLANES, QUEUE_LEN), dtype=jnp.float32)
    queues = q / jnp.clip(jnp.linalg.norm(q, axis=1, keepdims=True), 1e-12)
    return {"fea": fea, "res": res, "queues": queues}


def reference(fea, res, queues):
    bs = fea.shape[0]
    # certainty is computed in construct_region but unused when use_certainty=False
    cert = jax.nn.softmax(res, axis=1)
    cert = jnp.abs(cert[:, 0] - cert[:, 1]).reshape(bs, -1)
    pred = jnp.argmax(res, axis=1).reshape(bs, -1)
    flat_pred = pred.reshape(-1)
    # masked per-class mean == scatter-add (segment_sum) of features / counts
    fea_flat = fea.reshape(bs, INNER_PLANES, -1).transpose(0, 2, 1).reshape(-1, INNER_PLANES)
    sums = jax.ops.segment_sum(fea_flat, flat_pred, num_segments=NUM_CLASSES)
    counts = jax.ops.segment_sum(jnp.ones((fea_flat.shape[0],), dtype=fea.dtype), flat_pred, num_segments=NUM_CLASSES)
    present = counts > 0
    safe_counts = jnp.where(present, counts, jnp.ones_like(counts))
    keys = sums / safe_counts[:, None]
    # F.normalize(keys, dim=1)
    keys = keys / jnp.clip(jnp.linalg.norm(keys, axis=1, keepdims=True), 1e-12)
    qsum = queues.sum(axis=0)
    contrast_loss = jnp.float32(0.0)
    for c in range(NUM_CLASSES):
        query = keys[c]
        l_pos = query[:, None] * queues[c]
        # sum_{j != c} query[:,None] * queue_j == query[:,None] * (sum_j queue_j - queue_c)
        l_neg = query[:, None] * (qsum - queues[c])
        logits = jnp.concatenate((l_pos, l_neg), axis=1) / TEMPERATURE
        # CrossEntropyLoss with labels all zero, mean reduction over N=inner_planes rows
        logp = jax.nn.log_softmax(logits, axis=1)
        contrast_loss = contrast_loss + jnp.where(present[c], -logp[:, 0].mean(), jnp.float32(0.0))
    return res, contrast_loss

if __name__ == "__main__":
    import jax
    _d = setup_inputs()
    print(jax.jit(kernel)(*tuple(_d.values())))

</pallas_src>

<mosaic_0001>
#map = affine_map<(d0, d1) -> (0)>
module attributes {stable_mosaic.version = 14 : i64} {
  func.func @_segsum_body(%arg0: i32, %arg1: i32, %arg2: memref<33554432xf32, #tpu.memory_space<hbm>>, %arg3: memref<131072xi32, #tpu.memory_space<hbm>>, %arg4: memref<38912xf32, #tpu.memory_space<hbm>>, %arg5: memref<16384xi32, #tpu.memory_space<vmem>>, %arg6: memref<65536xf32, #tpu.memory_space<vmem>>, %arg7: memref<19456xf32, #tpu.memory_space<vmem>>, %arg8: memref<1216xf32, #tpu.memory_space<vmem>>, %arg9: memref<!tpu.dma_semaphore, #tpu.memory_space<semaphore_mem>>, %arg10: memref<!tpu.dma_semaphore, #tpu.memory_space<semaphore_mem>>, %arg11: memref<!tpu.dma_semaphore, #tpu.memory_space<semaphore_mem>>, %arg12: memref<!tpu.dma_semaphore, #tpu.memory_space<semaphore_mem>>) attributes {dimension_semantics = [#tpu.dimension_semantics<core_parallel>, #tpu.dimension_semantics<subcore_parallel>], iteration_bounds = array<i64: 2, 16>, scalar_prefetch = 0 : i64, scratch_operands = 8 : i64, tpu.core_type = #tpu.core_type<sc_vector_subcore>, window_params = [{transform_indices = #map}, {transform_indices = #map}, {transform_indices = #map}]} {
    %mul3A = arith.constant 2 : i32
    %mul3A_0 = arith.muli %arg1, %mul3A : i32
    %add3A = arith.addi %mul3A_0, %arg0 : i32
    %jit3A = arith.constant 4 : i32
    %div3A = arith.divsi %add3A, %jit3A : i32
    %sign3A = arith.constant 0 : i32
    %sign3A_1 = arith.cmpi sgt, %add3A, %sign3A : i32
    %sign3A_2 = arith.extui %sign3A_1 : i1 to i32
    %sign3A_3 = arith.constant 0 : i32
    %sign3A_4 = arith.cmpi slt, %add3A, %sign3A_3 : i32
    %sign3A_5 = arith.extui %sign3A_4 : i1 to i32
    %sign3A_6 = arith.subi %sign3A_2, %sign3A_5 : i32
    %sign3A_7 = arith.constant 0 : i32
    %sign3A_8 = arith.cmpi sgt, %jit3A, %sign3A_7 : i32
    %sign3A_9 = arith.extui %sign3A_8 : i1 to i32
    %sign3A_10 = arith.constant 0 : i32
    %sign3A_11 = arith.cmpi slt, %jit3A, %sign3A_10 : i32
    %sign3A_12 = arith.extui %sign3A_11 : i1 to i32
    %sign3A_13 = arith.subi %sign3A_9, %sign3A_12 : i32
    %ne3A = arith.cmpi ne, %sign3A_6, %sign3A_13 : i32
    %rem3A = arith.remsi %add3A, %jit3A : i32
    %ne3A_14 = arith.constant 0 : i32
    %ne3A_15 = arith.cmpi ne, %rem3A, %ne3A_14 : i32
    %and3A = arith.andi %ne3A, %ne3A_15 : i1
    %sub3A = arith.constant 1 : i32
    %sub3A_16 = arith.subi %div3A, %sub3A : i32
    %select_n3A = arith.select %and3A, %sub3A_16, %div3A : i32
    %jit3A_17 = arith.constant 4 : i32
    %eq3A = arith.constant 0 : i32
    %eq3A_18 = arith.cmpi eq, %jit3A_17, %eq3A : i32
    %jit3A_19 = arith.constant 1 : i32
    %select_n3A_20 = arith.select %eq3A_18, %jit3A_19, %jit3A_17 : i32
    %rem3A_21 = arith.remsi %add3A, %select_n3A_20 : i32
    %ne3A_22 = arith.constant 0 : i32
    %ne3A_23 = arith.cmpi ne, %rem3A_21, %ne3A_22 : i32
    %lt3A = arith.constant 0 : i32
    %lt3A_24 = arith.cmpi slt, %rem3A_21, %lt3A : i32
    %lt3A_25 = arith.constant 0 : i32
    %lt3A_26 = arith.cmpi slt, %select_n3A_20, %lt3A_25 : i32
    %ne3A_27 = arith.xori %lt3A_24, %lt3A_26 : i1
    %and3A_28 = arith.andi %ne3A_27, %ne3A_23 : i1
    %add3A_29 = arith.addi %rem3A_21, %select_n3A_20 : i32
    %select_n3A_30 = arith.select %and3A_28, %add3A_29, %rem3A_21 : i32
    %mul3A_31 = arith.constant 16384 : i32
    %mul3A_32 = arith.muli %select_n3A, %mul3A_31 : i32
    "tpu.region"() ({
      %run_scoped3A = tpu.sem_alloc : memref<!tpu.dma_semaphore, #tpu.memory_space<semaphore_mem>>
      %dma_start3A_691 = tpu.memref_slice %arg3[%mul3A_32] : memref<131072xi32, #tpu.memory_space<hbm>> -> memref<16384xi32, #tpu.memory_space<hbm>>
      %dma_start3A_692 = tpu.memref_slice %arg3[%mul3A_32] : memref<131072xi32, #tpu.memory_space<hbm>> -> memref<16384xi32, #tpu.memory_space<hbm>>
      tpu.enqueue_dma source(%dma_start3A_692 : memref<16384xi32, #tpu.memory_space<hbm>>) target(%arg5 : memref<16384xi32, #tpu.memory_space<vmem>>) target_semaphore(%run_scoped3A : memref<!tpu.dma_semaphore, #tpu.memory_space<semaphore_mem>>)
      %dma_wait3A_693 = tpu.memref_slice %arg3[%mul3A_32] : memref<131072xi32, #tpu.memory_space<hbm>> -> memref<16384xi32, #tpu.memory_space<hbm>>
      %dma_wait3A_694 = tpu.memref_slice %arg3[%mul3A_32] : memref<131072xi32, #tpu.memory_space<hbm>> -> memref<16384xi32, #tpu.memory_space<hbm>>
      tpu.wait_dma2 semaphore(%run_scoped3A : memref<!tpu.dma_semaphore, #tpu.memory_space<semaphore_mem>>) src(%dma_wait3A_694 : memref<16384xi32, #tpu.memory_space<hbm>>) dst(%arg5 : memref<16384xi32, #tpu.memory_space<vmem>>)
      tpu.yield
    }) : () -> ()
    %broadcast_in_dim3A = arith.constant 0.000000e+00 : f32
    %broadcast_in_dim3A_33 = vector.broadcast %broadcast_in_dim3A : f32 to vector<16xf32>
    %scan3A = arith.constant 0 : i32
    %scan3A_34 = arith.constant 1216 : i32
    %scan3A_35 = arith.addi %scan3A, %scan3A_34 : i32
    %scan3A_36 = arith.constant 1 : i32
    scf.for %scan3A_691 = %scan3A to %scan3A_35 step %scan3A_36  : i32 {
      %mul3A_692 = arith.constant 1 : i32
      %mul3A_693 = arith.muli %scan3A_691, %mul3A_692 : i32
      %add3A_694 = arith.constant 0 : i32
      %add3A_695 = arith.addi %add3A_694, %mul3A_693 : i32
      %mul3A_696 = arith.constant 16 : i32
      %mul3A_697 = arith.muli %add3A_695, %mul3A_696 : i32
      %swap3A = arith.index_cast %mul3A_697 : i32 to index
      %swap3A_698 = tpu.vector_load %arg7[%swap3A] {strides = array<i32>} : memref<19456xf32, #tpu.memory_space<vmem>>, vector<16xf32>,
      tpu.vector_store %arg7[%swap3A], %broadcast_in_dim3A_33 {strides = array<i32>} : memref<19456xf32, #tpu.memory_space<vmem>>, vector<16xf32>,
    }
    %scan3A_37 = arith.constant 1216 : i32
    %mul3A_38 = arith.constant 256 : i32
    %mul3A_39 = arith.muli %select_n3A, %mul3A_38 : i32
    %mul3A_40 = arith.constant 64 : i32
    %mul3A_41 = arith.muli %select_n3A_30, %mul3A_40 : i32
    %add3A_42 = arith.addi %mul3A_39, %mul3A_41 : i32
    %mul3A_43 = arith.constant 16384 : i32
    %mul3A_44 = arith.muli %add3A_42, %mul3A_43 : i32
    %add3A_45 = arith.constant 0 : i32
    %add3A_46 = arith.addi %mul3A_44, %add3A_45 : i32
    %add3A_47 = arith.constant 0 : i32
    %add3A_48 = arith.addi %add3A_46, %add3A_47 : i32
    %add3A_49 = arith.constant 0 : i32
    %add3A_50 = arith.addi %add3A_48, %add3A_49 : i32
    %dma_start3A = arith.constant 0 : i32
    %dma_start3A_51 = tpu.memref_slice %arg6[%dma_start3A] : memref<65536xf32, #tpu.memory_space<vmem>> -> memref<4096xf32, #tpu.memory_space<vmem>>
    %dma_start3A_52 = tpu.memref_slice %arg2[%add3A_50] : memref<33554432xf32, #tpu.memory_space<hbm>> -> memref<4096xf32, #tpu.memory_space<hbm>>
    %dma_start3A_53 = arith.constant 0 : i32
    %dma_start3A_54 = tpu.memref_slice %arg6[%dma_start3A_53] : memref<65536xf32, #tpu.memory_space<vmem>> -> memref<4096xf32, #tpu.memory_space<vmem>>
    %dma_start3A_55 = tpu.memref_slice %arg2[%add3A_50] : memref<33554432xf32, #tpu.memory_space<hbm>> -> memref<4096xf32, #tpu.memory_space<hbm>>
    tpu.enqueue_dma source(%dma_start3A_55 : memref<4096xf32, #tpu.memory_space<hbm>>) target(%dma_start3A_54 : memref<4096xf32, #tpu.memory_space<vmem>>) target_semaphore(%arg9 : memref<!tpu.dma_semaphore, #tpu.memory_space<semaphore_mem>>)
    %add3A_56 = arith.constant 16384 : i32
    %add3A_57 = arith.addi %add3A_48, %add3A_56 : i32
    %dma_start3A_58 = arith.constant 4096 : i32
    %dma_start3A_59 = tpu.memref_slice %arg6[%dma_start3A_58] : memref<65536xf32, #tpu.memory_space<vmem>> -> memref<4096xf32, #tpu.memory_space<vmem>>
    %dma_start3A_60 = tpu.memref_slice %arg2[%add3A_57] : memref<33554432xf32, #tpu.memory_space<hbm>> -> memref<4096xf32, #tpu.memory_space<hbm>>
    %dma_start3A_61 = arith.constant 4096 : i32
    %dma_start3A_62 = tpu.memref_slice %arg6[%dma_start3A_61] : memref<65536xf32, #tpu.memory_space<vmem>> -> memref<4096xf32, #tpu.memory_space<vmem>>
    %dma_start3A_63 = tpu.memref_slice %arg2[%add3A_57] : memref<33554432xf32, #tpu.memory_space<hbm>> -> memref<4096xf32, #tpu.memory_space<hbm>>
    tpu.enqueue_dma source(%dma_start3A_63 : memref<4096xf32, #tpu.memory_space<hbm>>) target(%dma_start3A_62 : memref<4096xf32, #tpu.memory_space<vmem>>) target_semaphore(%arg9 : memref<!tpu.dma_semaphore, #tpu.memory_space<semaphore_mem>>)
    %add3A_64 = arith.constant 32768 : i32
    %add3A_65 = arith.addi %add3A_48, %add3A_64 : i32
    %dma_start3A_66 = arith.constant 8192 : i32
    %dma_start3A_67 = tpu.memref_slice %arg6[%dma_start3A_66] : memref<65536xf32, #tpu.memory_space<vmem>> -> memref<4096xf32, #tpu.memory_space<vmem>>
    %dma_start3A_68 = tpu.memref_slice %arg2[%add3A_65] : memref<33554432xf32, #tpu.memory_space<hbm>> -> memref<4096xf32, #tpu.memory_space<hbm>>
    %dma_start3A_69 = arith.constant 8192 : i32
    %dma_start3A_70 = tpu.memref_slice %arg6[%dma_start3A_69] : memref<65536xf32, #tpu.memory_space<vmem>> -> memref<4096xf32, #tpu.memory_space<vmem>>
    %dma_start3A_71 = tpu.memref_slice %arg2[%add3A_65] : memref<33554432xf32, #tpu.memory_space<hbm>> -> memref<4096xf32, #tpu.memory_space<hbm>>
    tpu.enqueue_dma source(%dma_start3A_71 : memref<4096xf32, #tpu.memory_space<hbm>>) target(%dma_start3A_70 : memref<4096xf32, #tpu.memory_space<vmem>>) target_semaphore(%arg9 : memref<!tpu.dma_semaphore, #tpu.memory_space<semaphore_mem>>)
    %add3A_72 = arith.constant 49152 : i32
    %add3A_73 = arith.addi %add3A_48, %add3A_72 : i32
    %dma_start3A_74 = arith.constant 12288 : i32
    %dma_start3A_75 = tpu.memref_slice %arg6[%dma_start3A_74] : memref<65536xf32, #tpu.memory_space<vmem>> -> memref<4096xf32, #tpu.memory_space<vmem>>
    %dma_start3A_76 = tpu.memref_slice %arg2[%add3A_73] : memref<33554432xf32, #tpu.memory_space<hbm>> -> memref<4096xf32, #tpu.memory_space<hbm>>
    %dma_start3A_77 = arith.constant 12288 : i32
    %dma_start3A_78 = tpu.memref_slice %arg6[%dma_start3A_77] : memref<65536xf32, #tpu.memory_space<vmem>> -> memref<4096xf32, #tpu.memory_space<vmem>>
    %dma_start3A_79 = tpu.memref_slice %arg2[%add3A_73] : memref<33554432xf32, #tpu.memory_space<hbm>> -> memref<4096xf32, #tpu.memory_space<hbm>>
    tpu.enqueue_dma source(%dma_start3A_79 : memref<4096xf32, #tpu.memory_space<hbm>>) target(%dma_start3A_78 : memref<4096xf32, #tpu.memory_space<vmem>>) target_semaphore(%arg9 : memref<!tpu.dma_semaphore, #tpu.memory_space<semaphore_mem>>)
    %add3A_80 = arith.constant 65536 : i32
    %add3A_81 = arith.addi %add3A_48, %add3A_80 : i32
    %dma_start3A_82 = arith.constant 16384 : i32
    %dma_start3A_83 = tpu.memref_slice %arg6[%dma_start3A_82] : memref<65536xf32, #tpu.memory_space<vmem>> -> memref<4096xf32, #tpu.memory_space<vmem>>
    %dma_start3A_84 = tpu.memref_slice %arg2[%add3A_81] : memref<33554432xf32, #tpu.memory_space<hbm>> -> memref<4096xf32, #tpu.memory_space<hbm>>
    %dma_start3A_85 = arith.constant 16384 : i32
    %dma_start3A_86 = tpu.memref_slice %arg6[%dma_start3A_85] : memref<65536xf32, #tpu.memory_space<vmem>> -> memref<4096xf32, #tpu.memory_space<vmem>>
    %dma_start3A_87 = tpu.memref_slice %arg2[%add3A_81] : memref<33554432xf32, #tpu.memory_space<hbm>> -> memref<4096xf32, #tpu.memory_space<hbm>>
    tpu.enqueue_dma source(%dma_start3A_87 : memref<4096xf32, #tpu.memory_space<hbm>>) target(%dma_start3A_86 : memref<4096xf32, #tpu.memory_space<vmem>>) target_semaphore(%arg9 : memref<!tpu.dma_semaphore, #tpu.memory_space<semaphore_mem>>)
    %add3A_88 = arith.constant 81920 : i32
    %add3A_89 = arith.addi %add3A_48, %add3A_88 : i32
    %dma_start3A_90 = arith.constant 20480 : i32
    %dma_start3A_91 = tpu.memref_slice %arg6[%dma_start3A_90] : memref<65536xf32, #tpu.memory_space<vmem>> -> memref<4096xf32, #tpu.memory_space<vmem>>
    %dma_start3A_92 = tpu.memref_slice %arg2[%add3A_89] : memref<33554432xf32, #tpu.memory_space<hbm>> -> memref<4096xf32, #tpu.memory_space<hbm>>
    %dma_start3A_93 = arith.constant 20480 : i32
    %dma_start3A_94 = tpu.memref_slice %arg6[%dma_start3A_93] : memref<65536xf32, #tpu.memory_space<vmem>> -> memref<4096xf32, #tpu.memory_space<vmem>>
    %dma_start3A_95 = tpu.memref_slice %arg2[%add3A_89] : memref<33554432xf32, #tpu.memory_space<hbm>> -> memref<4096xf32, #tpu.memory_space<hbm>>
    tpu.enqueue_dma source(%dma_start3A_95 : memref<4096xf32, #tpu.memory_space<hbm>>) target(%dma_start3A_94 : memref<4096xf32, #tpu.memory_space<vmem>>) target_semaphore(%arg9 : memref<!tpu.dma_semaphore, #tpu.memory_space<semaphore_mem>>)
    %add3A_96 = arith.constant 98304 : i32
    %add3A_97 = arith.addi %add3A_48, %add3A_96 : i32
    %dma_start3A_98 = arith.constant 24576 : i32
    %dma_start3A_99 = tpu.memref_slice %arg6[%dma_start3A_98] : memref<65536xf32, #tpu.memory_space<vmem>> -> memref<4096xf32, #tpu.memory_space<vmem>>
    %dma_start3A_100 = tpu.memref_slice %arg2[%add3A_97] : memref<33554432xf32, #tpu.memory_space<hbm>> -> memref<4096xf32, #tpu.memory_space<hbm>>
    %dma_start3A_101 = arith.constant 24576 : i32
    %dma_start3A_102 = tpu.memref_slice %arg6[%dma_start3A_101] : memref<65536xf32, #tpu.memory_space<vmem>> -> memref<4096xf32, #tpu.memory_space<vmem>>
    %dma_start3A_103 = tpu.memref_slice %arg2[%add3A_97] : memref<33554432xf32, #tpu.memory_space<hbm>> -> memref<4096xf32, #tpu.memory_space<hbm>>
    tpu.enqueue_dma source(%dma_start3A_103 : memref<4096xf32, #tpu.memory_space<hbm>>) target(%dma_start3A_102 : memref<4096xf32, #tpu.memory_space<vmem>>) target_semaphore(%arg9 : memref<!tpu.dma_semaphore, #tpu.memory_space<semaphore_mem>>)
    %add3A_104 = arith.constant 114688 : i32
    %add3A_105 = arith.addi %add3A_48, %add3A_104 : i32
    %dma_start3A_106 = arith.constant 28672 : i32
    %dma_start3A_107 = tpu.memref_slice %arg6[%dma_start3A_106] : memref<65536xf32, #tpu.memory_space<vmem>> -> memref<4096xf32, #tpu.memory_space<vmem>>
    %dma_start3A_108 = tpu.memref_slice %arg2[%add3A_105] : memref<33554432xf32, #tpu.memory_space<hbm>> -> memref<4096xf32, #tpu.memory_space<hbm>>
    %dma_start3A_109 = arith.constant 28672 : i32
    %dma_start3A_110 = tpu.memref_slice %arg6[%dma_start3A_109] : memref<65536xf32, #tpu.memory_space<vmem>> -> memref<4096xf32, #tpu.memory_space<vmem>>
    %dma_start3A_111 = tpu.memref_slice %arg2[%add3A_105] : memref<33554432xf32, #tpu.memory_space<hbm>> -> memref<4096xf32, #tpu.memory_space<hbm>>
    tpu.enqueue_dma source(%dma_start3A_111 : memref<4096xf32, #tpu.memory_space<hbm>>) target(%dma_start3A_110 : memref<4096xf32, #tpu.memory_space<vmem>>) target_semaphore(%arg9 : memref<!tpu.dma_semaphore, #tpu.memory_space<semaphore_mem>>)
    %scan3A_112 = arith.constant 0 : i32
    %scan3A_113 = arith.constant 16 : i32
    %scan3A_114 = arith.addi %scan3A_112, %scan3A_113 : i32
    %scan3A_115 = arith.constant 1 : i32
    scf.for %scan3A_691 = %scan3A_112 to %scan3A_114 step %scan3A_115  : i32 {
      %mul3A_692 = arith.constant 2 : i32
      %mul3A_693 = arith.muli %scan3A_691, %mul3A_692 : i32
      %add3A_694 = arith.constant 0 : i32
      %add3A_695 = arith.addi %add3A_694, %mul3A_693 : i32
      %add3A_696 = arith.constant 0 : i32
      %add3A_697 = arith.addi %add3A_695, %add3A_696 : i32
      %add3A_698 = arith.constant 2 : i32
      %add3A_699 = arith.addi %add3A_697, %add3A_698 : i32
      %sub3A_700 = arith.constant 1 : i32
      %sub3A_701 = arith.subi %add3A_699, %sub3A_700 : i32
      %lt3A_702 = arith.constant 32 : i32
      %lt3A_703 = arith.cmpi slt, %sub3A_701, %lt3A_702 : i32
      %convert_element_type3A = arith.extui %lt3A_703 : i1 to i32
      %cond3A = arith.constant 0 : i32
      %cond3A_704 = arith.cmpi ne, %convert_element_type3A, %cond3A : i32
      scf.if %cond3A_704 {
        %add3A_938 = arith.constant 2 : i32
        %add3A_939 = arith.addi %add3A_697, %add3A_938 : i32
        %sub3A_940 = arith.constant 1 : i32
        %sub3A_941 = arith.subi %add3A_939, %sub3A_940 : i32
        %jit3A_942 = arith.constant 4 : i32
        %div3A_943 = arith.divsi %sub3A_941, %jit3A_942 : i32
        %sign3A_944 = arith.constant 0 : i32
        %sign3A_945 = arith.cmpi sgt, %sub3A_941, %sign3A_944 : i32
        %sign3A_946 = arith.extui %sign3A_945 : i1 to i32
        %sign3A_947 = arith.constant 0 : i32
        %sign3A_948 = arith.cmpi slt, %sub3A_941, %sign3A_947 : i32
        %sign3A_949 = arith.extui %sign3A_948 : i1 to i32
        %sign3A_950 = arith.subi %sign3A_946, %sign3A_949 : i32
        %sign3A_951 = arith.constant 0 : i32
        %sign3A_952 = arith.cmpi sgt, %jit3A_942, %sign3A_951 : i32
        %sign3A_953 = arith.extui %sign3A_952 : i1 to i32
        %sign3A_954 = arith.constant 0 : i32
        %sign3A_955 = arith.cmpi slt, %jit3A_942, %sign3A_954 : i32
        %sign3A_956 = arith.extui %sign3A_955 : i1 to i32
        %sign3A_957 = arith.subi %sign3A_953, %sign3A_956 : i32
        %ne3A_958 = arith.cmpi ne, %sign3A_950, %sign3A_957 : i32
        %rem3A_959 = arith.remsi %sub3A_941, %jit3A_942 : i32
        %ne3A_960 = arith.constant 0 : i32
        %ne3A_961 = arith.cmpi ne, %rem3A_959, %ne3A_960 : i32
        %and3A_962 = arith.andi %ne3A_958, %ne3A_961 : i1
        %sub3A_963 = arith.constant 1 : i32
        %sub3A_964 = arith.subi %div3A_943, %sub3A_963 : i32
        %select_n3A_965 = arith.select %and3A_962, %sub3A_964, %div3A_943 : i32
        %jit3A_966 = arith.constant 4 : i32
        %eq3A_967 = arith.constant 0 : i32
        %eq3A_968 = arith.cmpi eq, %jit3A_966, %eq3A_967 : i32
        %jit3A_969 = arith.constant 1 : i32
        %select_n3A_970 = arith.select %eq3A_968, %jit3A_969, %jit3A_966 : i32
        %rem3A_971 = arith.remsi %sub3A_941, %select_n3A_970 : i32
        %ne3A_972 = arith.constant 0 : i32
        %ne3A_973 = arith.cmpi ne, %rem3A_971, %ne3A_972 : i32
        %lt3A_974 = arith.constant 0 : i32
        %lt3A_975 = arith.cmpi slt, %rem3A_971, %lt3A_974 : i32
        %lt3A_976 = arith.constant 0 : i32
        %lt3A_977 = arith.cmpi slt, %select_n3A_970, %lt3A_976 : i32
        %ne3A_978 = arith.xori %lt3A_975, %lt3A_977 : i1
        %and3A_979 = arith.andi %ne3A_978, %ne3A_973 : i1
        %add3A_980 = arith.addi %rem3A_971, %select_n3A_970 : i32
        %select_n3A_981 = arith.select %and3A_979, %add3A_980, %rem3A_971 : i32
        %mul3A_982 = arith.constant 131072 : i32
        %mul3A_983 = arith.muli %select_n3A_965, %mul3A_982 : i32
        %add3A_984 = arith.addi %mul3A_44, %mul3A_983 : i32
        %mul3A_985 = arith.constant 4096 : i32
        %mul3A_986 = arith.muli %select_n3A_981, %mul3A_985 : i32
        %add3A_987 = arith.addi %add3A_984, %mul3A_986 : i32
        %add3A_988 = arith.constant 0 : i32
        %add3A_989 = arith.addi %add3A_987, %add3A_988 : i32
        %dma_start3A_990 = arith.constant 32768 : i32
        %dma_start3A_991 = tpu.memref_slice %arg6[%dma_start3A_990] : memref<65536xf32, #tpu.memory_space<vmem>> -> memref<4096xf32, #tpu.memory_space<vmem>>
        %dma_start3A_992 = tpu.memref_slice %arg2[%add3A_989] : memref<33554432xf32, #tpu.memory_space<hbm>> -> memref<4096xf32, #tpu.memory_space<hbm>>
        %dma_start3A_993 = arith.constant 32768 : i32
        %dma_start3A_994 = tpu.memref_slice %arg6[%dma_start3A_993] : memref<65536xf32, #tpu.memory_space<vmem>> -> memref<4096xf32, #tpu.memory_space<vmem>>
        %dma_start3A_995 = tpu.memref_slice %arg2[%add3A_989] : memref<33554432xf32, #tpu.memory_space<hbm>> -> memref<4096xf32, #tpu.memory_space<hbm>>
        tpu.enqueue_dma source(%dma_start3A_995 : memref<4096xf32, #tpu.memory_space<hbm>>) target(%dma_start3A_994 : memref<4096xf32, #tpu.memory_space<vmem>>) target_semaphore(%arg10 : memref<!tpu.dma_semaphore, #tpu.memory_space<semaphore_mem>>)
        %add3A_996 = arith.constant 16384 : i32
        %add3A_997 = arith.addi %add3A_987, %add3A_996 : i32
        %dma_start3A_998 = arith.constant 36864 : i32
        %dma_start3A_999 = tpu.memref_slice %arg6[%dma_start3A_998] : memref<65536xf32, #tpu.memory_space<vmem>> -> memref<4096xf32, #tpu.memory_space<vmem>>
        %dma_start3A_1000 = tpu.memref_slice %arg2[%add3A_997] : memref<33554432xf32, #tpu.memory_space<hbm>> -> memref<4096xf32, #tpu.memory_space<hbm>>
        %dma_start3A_1001 = arith.constant 36864 : i32
        %dma_start3A_1002 = tpu.memref_slice %arg6[%dma_start3A_1001] : memref<65536xf32, #tpu.memory_space<vmem>> -> memref<4096xf32, #tpu.memory_space<vmem>>
        %dma_start3A_1003 = tpu.memref_slice %arg2[%add3A_997] : memref<33554432xf32, #tpu.memory_space<hbm>> -> memref<4096xf32, #tpu.memory_space<hbm>>
        tpu.enqueue_dma source(%dma_start3A_1003 : memref<4096xf32, #tpu.memory_space<hbm>>) target(%dma_start3A_1002 : memref<4096xf32, #tpu.memory_space<vmem>>) target_semaphore(%arg10 : memref<!tpu.dma_semaphore, #tpu.memory_space<semaphore_mem>>)
        %add3A_1004 = arith.constant 32768 : i32
        %add3A_1005 = arith.addi %add3A_987, %add3A_1004 : i32
        %dma_start3A_1006 = arith.constant 40960 : i32
        %dma_start3A_1007 = tpu.memref_slice %arg6[%dma_start3A_1006] : memref<65536xf32, #tpu.memory_space<vmem>> -> memref<4096xf32, #tpu.memory_space<vmem>>
        %dma_start3A_1008 = tpu.memref_slice %arg2[%add3A_1005] : memref<33554432xf32, #tpu.memory_space<hbm>> -> memref<4096xf32, #tpu.memory_space<hbm>>
        %dma_start3A_1009 = arith.constant 40960 : i32
        %dma_start3A_1010 = tpu.memref_slice %arg6[%dma_start3A_1009] : memref<65536xf32, #tpu.memory_space<vmem>> -> memref<4096xf32, #tpu.memory_space<vmem>>
        %dma_start3A_1011 = tpu.memref_slice %arg2[%add3A_1005] : memref<33554432xf32, #tpu.memory_space<hbm>> -> memref<4096xf32, #tpu.memory_space<hbm>>
        tpu.enqueue_dma source(%dma_start3A_1011 : memref<4096xf32, #tpu.memory_space<hbm>>) target(%dma_start3A_1010 : memref<4096xf32, #tpu.memory_space<vmem>>) target_semaphore(%arg10 : memref<!tpu.dma_semaphore, #tpu.memory_space<semaphore_mem>>)
        %add3A_1012 = arith.constant 49152 : i32
        %add3A_1013 = arith.addi %add3A_987, %add3A_1012 : i32
        %dma_start3A_1014 = arith.constant 45056 : i32
        %dma_start3A_1015 = tpu.memref_slice %arg6[%dma_start3A_1014] : memref<65536xf32, #tpu.memory_space<vmem>> -> memref<4096xf32, #tpu.memory_space<vmem>>
        %dma_start3A_1016 = tpu.memref_slice %arg2[%add3A_1013] : memref<33554432xf32, #tpu.memory_space<hbm>> -> memref<4096xf32, #tpu.memory_space<hbm>>
        %dma_start3A_1017 = arith.constant 45056 : i32
        %dma_start3A_1018 = tpu.memref_slice %arg6[%dma_start3A_1017] : memref<65536xf32, #tpu.memory_space<vmem>> -> memref<4096xf32, #tpu.memory_space<vmem>>
        %dma_start3A_1019 = tpu.memref_slice %arg2[%add3A_1013] : memref<33554432xf32, #tpu.memory_space<hbm>> -> memref<4096xf32, #tpu.memory_space<hbm>>
        tpu.enqueue_dma source(%dma_start3A_1019 : memref<4096xf32, #tpu.memory_space<hbm>>) target(%dma_start3A_1018 : memref<4096xf32, #tpu.memory_space<vmem>>) target_semaphore(%arg10 : memref<!tpu.dma_semaphore, #tpu.memory_space<semaphore_mem>>)
        %add3A_1020 = arith.constant 65536 : i32
        %add3A_1021 = arith.addi %add3A_987, %add3A_1020 : i32
        %dma_start3A_1022 = arith.constant 49152 : i32
        %dma_start3A_1023 = tpu.memref_slice %arg6[%dma_start3A_1022] : memref<65536xf32, #tpu.memory_space<vmem>> -> memref<4096xf32, #tpu.memory_space<vmem>>
        %dma_start3A_1024 = tpu.memref_slice %arg2[%add3A_1021] : memref<33554432xf32, #tpu.memory_space<hbm>> -> memref<4096xf32, #tpu.memory_space<hbm>>
        %dma_start3A_1025 = arith.constant 49152 : i32
        %dma_start3A_1026 = tpu.memref_slice %arg6[%dma_start3A_1025] : memref<65536xf32, #tpu.memory_space<vmem>> -> memref<4096xf32, #tpu.memory_space<vmem>>
        %dma_start3A_1027 = tpu.memref_slice %arg2[%add3A_1021] : memref<33554432xf32, #tpu.memory_space<hbm>> -> memref<4096xf32, #tpu.memory_space<hbm>>
        tpu.enqueue_dma source(%dma_start3A_1027 : memref<4096xf32, #tpu.memory_space<hbm>>) target(%dma_start3A_1026 : memref<4096xf32, #tpu.memory_space<vmem>>) target_semaphore(%arg10 : memref<!tpu.dma_semaphore, #tpu.memory_space<semaphore_mem>>)
        %add3A_1028 = arith.constant 81920 : i32
        %add3A_1029 = arith.addi %add3A_987, %add3A_1028 : i32
        %dma_start3A_1030 = arith.constant 53248 : i32
        %dma_start3A_1031 = tpu.memref_slice %arg6[%dma_start3A_1030] : memref<65536xf32, #tpu.memory_space<vmem>> -> memref<4096xf32, #tpu.memory_space<vmem>>
        %dma_start3A_1032 = tpu.memref_slice %arg2[%add3A_1029] : memref<33554432xf32, #tpu.memory_space<hbm>> -> memref<4096xf32, #tpu.memory_space<hbm>>
        %dma_start3A_1033 = arith.constant 53248 : i32
        %dma_start3A_1034 = tpu.memref_slice %arg6[%dma_start3A_1033] : memref<65536xf32, #tpu.memory_space<vmem>> -> memref<4096xf32, #tpu.memory_space<vmem>>
        %dma_start3A_1035 = tpu.memref_slice %arg2[%add3A_1029] : memref<33554432xf32, #tpu.memory_space<hbm>> -> memref<4096xf32, #tpu.memory_space<hbm>>
        tpu.enqueue_dma source(%dma_start3A_1035 : memref<4096xf32, #tpu.memory_space<hbm>>) target(%dma_start3A_1034 : memref<4096xf32, #tpu.memory_space<vmem>>) target_semaphore(%arg10 : memref<!tpu.dma_semaphore, #tpu.memory_space<semaphore_mem>>)
        %add3A_1036 = arith.constant 98304 : i32
        %add3A_1037 = arith.addi %add3A_987, %add3A_1036 : i32
        %dma_start3A_1038 = arith.constant 57344 : i32
        %dma_start3A_1039 = tpu.memref_slice %arg6[%dma_start3A_1038] : memref<65536xf32, #tpu.memory_space<vmem>> -> memref<4096xf32, #tpu.memory_space<vmem>>
        %dma_start3A_1040 = tpu.memref_slice %arg2[%add3A_1037] : memref<33554432xf32, #tpu.memory_space<hbm>> -> memref<4096xf32, #tpu.memory_space<hbm>>
        %dma_start3A_1041 = arith.constant 57344 : i32
        %dma_start3A_1042 = tpu.memref_slice %arg6[%dma_start3A_1041] : memref<65536xf32, #tpu.memory_space<vmem>> -> memref<4096xf32, #tpu.memory_space<vmem>>
        %dma_start3A_1043 = tpu.memref_slice %arg2[%add3A_1037] : memref<33554432xf32, #tpu.memory_space<hbm>> -> memref<4096xf32, #tpu.memory_space<hbm>>
        tpu.enqueue_dma source(%dma_start3A_1043 : memref<4096xf32, #tpu.memory_space<hbm>>) target(%dma_start3A_1042 : memref<4096xf32, #tpu.memory_space<vmem>>) target_semaphore(%arg10 : memref<!tpu.dma_semaphore, #tpu.memory_space<semaphore_mem>>)
        %add3A_1044 = arith.constant 114688 : i32
        %add3A_1045 = arith.addi %add3A_987, %add3A_1044 : i32
        %dma_start3A_1046 = arith.constant 61440 : i32
        %dma_start3A_1047 = tpu.memref_slice %arg6[%dma_start3A_1046] : memref<65536xf32, #tpu.memory_space<vmem>> -> memref<4096xf32, #tpu.memory_space<vmem>>
        %dma_start3A_1048 = tpu.memref_slice %arg2[%add3A_1045] : memref<33554432xf32, #tpu.memory_space<hbm>> -> memref<4096xf32, #tpu.memory_space<hbm>>
        %dma_start3A_1049 = arith.constant 61440 : i32
        %dma_start3A_1050 = tpu.memref_slice %arg6[%dma_start3A_1049] : memref<65536xf32, #tpu.memory_space<vmem>> -> memref<4096xf32, #tpu.memory_space<vmem>>
        %dma_start3A_1051 = tpu.memref_slice %arg2[%add3A_1045] : memref<33554432xf32, #tpu.memory_space<hbm>> -> memref<4096xf32, #tpu.memory_space<hbm>>
        tpu.enqueue_dma source(%dma_start3A_1051 : memref<4096xf32, #tpu.memory_space<hbm>>) target(%dma_start3A_1050 : memref<4096xf32, #tpu.memory_space<vmem>>) target_semaphore(%arg10 : memref<!tpu.dma_semaphore, #tpu.memory_space<semaphore_mem>>)
      } else {
      }
      %dma_wait3A_705 = arith.constant 0 : i32
      %dma_wait3A_706 = tpu.memref_slice %arg6[%dma_wait3A_705] : memref<65536xf32, #tpu.memory_space<vmem>> -> memref<4096xf32, #tpu.memory_space<vmem>>
      %dma_wait3A_707 = arith.constant 0 : i32
      %dma_wait3A_708 = tpu.memref_slice %arg2[%dma_wait3A_707] : memref<33554432xf32, #tpu.memory_space<hbm>> -> memref<4096xf32, #tpu.memory_space<hbm>>
      %dma_wait3A_709 = arith.constant 0 : i32
      %dma_wait3A_710 = tpu.memref_slice %arg6[%dma_wait3A_709] : memref<65536xf32, #tpu.memory_space<vmem>> -> memref<4096xf32, #tpu.memory_space<vmem>>
      %dma_wait3A_711 = arith.constant 0 : i32
      %dma_wait3A_712 = tpu.memref_slice %arg2[%dma_wait3A_711] : memref<33554432xf32, #tpu.memory_space<hbm>> -> memref<4096xf32, #tpu.memory_space<hbm>>
      tpu.wait_dma2 semaphore(%arg9 : memref<!tpu.dma_semaphore, #tpu.memory_space<semaphore_mem>>) src(%dma_wait3A_712 : memref<4096xf32, #tpu.memory_space<hbm>>) dst(%dma_wait3A_710 : memref<4096xf32, #tpu.memory_space<vmem>>)
      %dma_wait3A_713 = arith.constant 4096 : i32
      %dma_wait3A_714 = tpu.memref_slice %arg6[%dma_wait3A_713] : memref<65536xf32, #tpu.memory_space<vmem>> -> memref<4096xf32, #tpu.memory_space<vmem>>
      %dma_wait3A_715 = arith.constant 0 : i32
      %dma_wait3A_716 = tpu.memref_slice %arg2[%dma_wait3A_715] : memref<33554432xf32, #tpu.memory_space<hbm>> -> memref<4096xf32, #tpu.memory_space<hbm>>
      %dma_wait3A_717 = arith.constant 4096 : i32
      %dma_wait3A_718 = tpu.memref_slice %arg6[%dma_wait3A_717] : memref<65536xf32, #tpu.memory_space<vmem>> -> memref<4096xf32, #tpu.memory_space<vmem>>
      %dma_wait3A_719 = arith.constant 0 : i32
      %dma_wait3A_720 = tpu.memref_slice %arg2[%dma_wait3A_719] : memref<33554432xf32, #tpu.memory_space<hbm>> -> memref<4096xf32, #tpu.memory_space<hbm>>
      tpu.wait_dma2 semaphore(%arg9 : memref<!tpu.dma_semaphore, #tpu.memory_space<semaphore_mem>>) src(%dma_wait3A_720 : memref<4096xf32, #tpu.memory_space<hbm>>) dst(%dma_wait3A_718 : memref<4096xf32, #tpu.memory_space<vmem>>)
      %dma_wait3A_721 = arith.constant 8192 : i32
      %dma_wait3A_722 = tpu.memref_slice %arg6[%dma_wait3A_721] : memref<65536xf32, #tpu.memory_space<vmem>> -> memref<4096xf32, #tpu.memory_space<vmem>>
      %dma_wait3A_723 = arith.constant 0 : i32
      %dma_wait3A_724 = tpu.memref_slice %arg2[%dma_wait3A_723] : memref<33554432xf32, #tpu.memory_space<hbm>> -> memref<4096xf32, #tpu.memory_space<hbm>>
      %dma_wait3A_725 = arith.constant 8192 : i32
      %dma_wait3A_726 = tpu.memref_slice %arg6[%dma_wait3A_725] : memref<65536xf32, #tpu.memory_space<vmem>> -> memref<4096xf32, #tpu.memory_space<vmem>>
      %dma_wait3A_727 = arith.constant 0 : i32
      %dma_wait3A_728 = tpu.memref_slice %arg2[%dma_wait3A_727] : memref<33554432xf32, #tpu.memory_space<hbm>> -> memref<4096xf32, #tpu.memory_space<hbm>>
      tpu.wait_dma2 semaphore(%arg9 : memref<!tpu.dma_semaphore, #tpu.memory_space<semaphore_mem>>) src(%dma_wait3A_728 : memref<4096xf32, #tpu.memory_space<hbm>>) dst(%dma_wait3A_726 : memref<4096xf32, #tpu.memory_space<vmem>>)
      %dma_wait3A_729 = arith.constant 12288 : i32
      %dma_wait3A_730 = tpu.memref_slice %arg6[%dma_wait3A_729] : memref<65536xf32, #tpu.memory_space<vmem>> -> memref<4096xf32, #tpu.memory_space<vmem>>
      %dma_wait3A_731 = arith.constant 0 : i32
      %dma_wait3A_732 = tpu.memref_slice %arg2[%dma_wait3A_731] : memref<33554432xf32, #tpu.memory_space<hbm>> -> memref<4096xf32, #tpu.memory_space<hbm>>
      %dma_wait3A_733 = arith.constant 12288 : i32
      %dma_wait3A_734 = tpu.memref_slice %arg6[%dma_wait3A_733] : memref<65536xf32, #tpu.memory_space<vmem>> -> memref<4096xf32, #tpu.memory_space<vmem>>
      %dma_wait3A_735 = arith.constant 0 : i32
      %dma_wait3A_736 = tpu.memref_slice %arg2[%dma_wait3A_735] : memref<33554432xf32, #tpu.memory_space<hbm>> -> memref<4096xf32, #tpu.memory_space<hbm>>
      tpu.wait_dma2 semaphore(%arg9 : memref<!tpu.dma_semaphore, #tpu.memory_space<semaphore_mem>>) src(%dma_wait3A_736 : memref<4096xf32, #tpu.memory_space<hbm>>) dst(%dma_wait3A_734 : memref<4096xf32, #tpu.memory_space<vmem>>)
      %dma_wait3A_737 = arith.constant 16384 : i32
      %dma_wait3A_738 = tpu.memref_slice %arg6[%dma_wait3A_737] : memref<65536xf32, #tpu.memory_space<vmem>> -> memref<4096xf32, #tpu.memory_space<vmem>>
      %dma_wait3A_739 = arith.constant 0 : i32
      %dma_wait3A_740 = tpu.memref_slice %arg2[%dma_wait3A_739] : memref<33554432xf32, #tpu.memory_space<hbm>> -> memref<4096xf32, #tpu.memory_space<hbm>>
      %dma_wait3A_741 = arith.constant 16384 : i32
      %dma_wait3A_742 = tpu.memref_slice %arg6[%dma_wait3A_741] : memref<65536xf32, #tpu.memory_space<vmem>> -> memref<4096xf32, #tpu.memory_space<vmem>>
      %dma_wait3A_743 = arith.constant 0 : i32
      %dma_wait3A_744 = tpu.memref_slice %arg2[%dma_wait3A_743] : memref<33554432xf32, #tpu.memory_space<hbm>> -> memref<4096xf32, #tpu.memory_space<hbm>>
      tpu.wait_dma2 semaphore(%arg9 : memref<!tpu.dma_semaphore, #tpu.memory_space<semaphore_mem>>) src(%dma_wait3A_744 : memref<4096xf32, #tpu.memory_space<hbm>>) dst(%dma_wait3A_742 : memref<4096xf32, #tpu.memory_space<vmem>>)
      %dma_wait3A_745 = arith.constant 20480 : i32
      %dma_wait3A_746 = tpu.memref_slice %arg6[%dma_wait3A_745] : memref<65536xf32, #tpu.memory_space<vmem>> -> memref<4096xf32, #tpu.memory_space<vmem>>
      %dma_wait3A_747 = arith.constant 0 : i32
      %dma_wait3A_748 = tpu.memref_slice %arg2[%dma_wait3A_747] : memref<33554432xf32, #tpu.memory_space<hbm>> -> memref<4096xf32, #tpu.memory_space<hbm>>
      %dma_wait3A_749 = arith.constant 20480 : i32
      %dma_wait3A_750 = tpu.memref_slice %arg6[%dma_wait3A_749] : memref<65536xf32, #tpu.memory_space<vmem>> -> memref<4096xf32, #tpu.memory_space<vmem>>
      %dma_wait3A_751 = arith.constant 0 : i32
      %dma_wait3A_752 = tpu.memref_slice %arg2[%dma_wait3A_751] : memref<33554432xf32, #tpu.memory_space<hbm>> -> memref<4096xf32, #tpu.memory_space<hbm>>
      tpu.wait_dma2 semaphore(%arg9 : memref<!tpu.dma_semaphore, #tpu.memory_space<semaphore_mem>>) src(%dma_wait3A_752 : memref<4096xf32, #tpu.memory_space<hbm>>) dst(%dma_wait3A_750 : memref<4096xf32, #tpu.memory_space<vmem>>)
      %dma_wait3A_753 = arith.constant 24576 : i32
      %dma_wait3A_754 = tpu.memref_slice %arg6[%dma_wait3A_753] : memref<65536xf32, #tpu.memory_space<vmem>> -> memref<4096xf32, #tpu.memory_space<vmem>>
      %dma_wait3A_755 = arith.constant 0 : i32
      %dma_wait3A_756 = tpu.memref_slice %arg2[%dma_wait3A_755] : memref<33554432xf32, #tpu.memory_space<hbm>> -> memref<4096xf32, #tpu.memory_space<hbm>>
      %dma_wait3A_757 = arith.constant 24576 : i32
      %dma_wait3A_758 = tpu.memref_slice %arg6[%dma_wait3A_757] : memref<65536xf32, #tpu.memory_space<vmem>> -> memref<4096xf32, #tpu.memory_space<vmem>>
      %dma_wait3A_759 = arith.constant 0 : i32
      %dma_wait3A_760 = tpu.memref_slice %arg2[%dma_wait3A_759] : memref<33554432xf32, #tpu.memory_space<hbm>> -> memref<4096xf32, #tpu.memory_space<hbm>>
      tpu.wait_dma2 semaphore(%arg9 : memref<!tpu.dma_semaphore, #tpu.memory_space<semaphore_mem>>) src(%dma_wait3A_760 : memref<4096xf32, #tpu.memory_space<hbm>>) dst(%dma_wait3A_758 : memref<4096xf32, #tpu.memory_space<vmem>>)
      %dma_wait3A_761 = arith.constant 28672 : i32
      %dma_wait3A_762 = tpu.memref_slice %arg6[%dma_wait3A_761] : memref<65536xf32, #tpu.memory_space<vmem>> -> memref<4096xf32, #tpu.memory_space<vmem>>
      %dma_wait3A_763 = arith.constant 0 : i32
      %dma_wait3A_764 = tpu.memref_slice %arg2[%dma_wait3A_763] : memref<33554432xf32, #tpu.memory_space<hbm>> -> memref<4096xf32, #tpu.memory_space<hbm>>
      %dma_wait3A_765 = arith.constant 28672 : i32
      %dma_wait3A_766 = tpu.memref_slice %arg6[%dma_wait3A_765] : memref<65536xf32, #tpu.memory_space<vmem>> -> memref<4096xf32, #tpu.memory_space<vmem>>
      %dma_wait3A_767 = arith.constant 0 : i32
      %dma_wait3A_768 = tpu.memref_slice %arg2[%dma_wait3A_767] : memref<33554432xf32, #tpu.memory_space<hbm>> -> memref<4096xf32, #tpu.memory_space<hbm>>
      tpu.wait_dma2 semaphore(%arg9 : memref<!tpu.dma_semaphore, #tpu.memory_space<semaphore_mem>>) src(%dma_wait3A_768 : memref<4096xf32, #tpu.memory_space<hbm>>) dst(%dma_wait3A_766 : memref<4096xf32, #tpu.memory_space<vmem>>)
      %jit3A_769 = arith.constant 4 : i32
      %div3A_770 = arith.divsi %add3A_697, %jit3A_769 : i32
      %sign3A_771 = arith.constant 0 : i32
      %sign3A_772 = arith.cmpi sgt, %add3A_697, %sign3A_771 : i32
      %sign3A_773 = arith.extui %sign3A_772 : i1 to i32
      %sign3A_774 = arith.constant 0 : i32
      %sign3A_775 = arith.cmpi slt, %add3A_697, %sign3A_774 : i32
      %sign3A_776 = arith.extui %sign3A_775 : i1 to i32
      %sign3A_777 = arith.subi %sign3A_773, %sign3A_776 : i32
      %sign3A_778 = arith.constant 0 : i32
      %sign3A_779 = arith.cmpi sgt, %jit3A_769, %sign3A_778 : i32
      %sign3A_780 = arith.extui %sign3A_779 : i1 to i32
      %sign3A_781 = arith.constant 0 : i32
      %sign3A_782 = arith.cmpi slt, %jit3A_769, %sign3A_781 : i32
      %sign3A_783 = arith.extui %sign3A_782 : i1 to i32
      %sign3A_784 = arith.subi %sign3A_780, %sign3A_783 : i32
      %ne3A_785 = arith.cmpi ne, %sign3A_777, %sign3A_784 : i32
      %rem3A_786 = arith.remsi %add3A_697, %jit3A_769 : i32
      %ne3A_787 = arith.constant 0 : i32
      %ne3A_788 = arith.cmpi ne, %rem3A_786, %ne3A_787 : i32
      %and3A_789 = arith.andi %ne3A_785, %ne3A_788 : i1
      %sub3A_790 = arith.constant 1 : i32
      %sub3A_791 = arith.subi %div3A_770, %sub3A_790 : i32
      %select_n3A_792 = arith.select %and3A_789, %sub3A_791, %div3A_770 : i32
      %jit3A_793 = arith.constant 4 : i32
      %eq3A_794 = arith.constant 0 : i32
      %eq3A_795 = arith.cmpi eq, %jit3A_793, %eq3A_794 : i32
      %jit3A_796 = arith.constant 1 : i32
      %select_n3A_797 = arith.select %eq3A_795, %jit3A_796, %jit3A_793 : i32
      %rem3A_798 = arith.remsi %add3A_697, %select_n3A_797 : i32
      %ne3A_799 = arith.constant 0 : i32
      %ne3A_800 = arith.cmpi ne, %rem3A_798, %ne3A_799 : i32
      %lt3A_801 = arith.constant 0 : i32
      %lt3A_802 = arith.cmpi slt, %rem3A_798, %lt3A_801 : i32
      %lt3A_803 = arith.constant 0 : i32
      %lt3A_804 = arith.cmpi slt, %select_n3A_797, %lt3A_803 : i32
      %ne3A_805 = arith.xori %lt3A_802, %lt3A_804 : i1
      %and3A_806 = arith.andi %ne3A_805, %ne3A_800 : i1
      %add3A_807 = arith.addi %rem3A_798, %select_n3A_797 : i32
      %select_n3A_808 = arith.select %and3A_806, %add3A_807, %rem3A_798 : i32
      %mul3A_809 = arith.constant 128 : i32
      %mul3A_810 = arith.muli %select_n3A_792, %mul3A_809 : i32
      %mul3A_811 = arith.constant 4096 : i32
      %mul3A_812 = arith.muli %select_n3A_808, %mul3A_811 : i32
      %parallel_loop3A_813 = arith.constant 0 : i32
      %parallel_loop3A_814 = arith.constant 256 : i32
      %parallel_loop3A_815 = arith.constant 1 : i32
      scf.for %parallel_loop3A_938 = %parallel_loop3A_813 to %parallel_loop3A_814 step %parallel_loop3A_815  : i32 {
        %parallel_loop3A_939 = arith.constant 16 : i32
        %parallel_loop3A_940 = arith.muli %parallel_loop3A_938, %parallel_loop3A_939 : i32
        %parallel_loop3A_941 = arith.addi %mul3A_812, %parallel_loop3A_940 : i32
        %parallel_loop3A_942 = arith.index_cast %parallel_loop3A_941 : i32 to index
        %parallel_loop3A_943 = tpu.vector_load %arg5[%parallel_loop3A_942] {strides = array<i32>} : memref<16384xi32, #tpu.memory_space<vmem>>, vector<16xi32>,
        %parallel_loop3A_944 = vector.broadcast %mul3A_810 : i32 to vector<16xi32>
        %parallel_loop3A_945 = arith.addi %parallel_loop3A_943, %parallel_loop3A_944 : vector<16xi32>
        %parallel_loop3A_946 = arith.constant 0 : i32
        %parallel_loop3A_947 = arith.addi %parallel_loop3A_946, %parallel_loop3A_940 : i32
        %parallel_loop3A_948 = arith.index_cast %parallel_loop3A_947 : i32 to index
        %parallel_loop3A_949 = tpu.vector_load %arg6[%parallel_loop3A_948] {strides = array<i32>} : memref<65536xf32, #tpu.memory_space<vmem>>, vector<16xf32>,
        tpu.vector_store_idx %arg7[%parallel_loop3A_945], %parallel_loop3A_949 {add = true} : memref<19456xf32, #tpu.memory_space<vmem>>[vector<16xi32>], vector<16xf32>,
        %parallel_loop3A_950 = arith.constant 16 : i32
        %parallel_loop3A_951 = vector.broadcast %parallel_loop3A_950 : i32 to vector<16xi32>
        %parallel_loop3A_952 = arith.addi %parallel_loop3A_945, %parallel_loop3A_951 : vector<16xi32>
        %parallel_loop3A_953 = arith.constant 4096 : i32
        %parallel_loop3A_954 = arith.addi %parallel_loop3A_953, %parallel_loop3A_940 : i32
        %parallel_loop3A_955 = arith.index_cast %parallel_loop3A_954 : i32 to index
        %parallel_loop3A_956 = tpu.vector_load %arg6[%parallel_loop3A_955] {strides = array<i32>} : memref<65536xf32, #tpu.memory_space<vmem>>, vector<16xf32>,
        tpu.vector_store_idx %arg7[%parallel_loop3A_952], %parallel_loop3A_956 {add = true} : memref<19456xf32, #tpu.memory_space<vmem>>[vector<16xi32>], vector<16xf32>,
        %parallel_loop3A_957 = arith.constant 32 : i32
        %parallel_loop3A_958 = vector.broadcast %parallel_loop3A_957 : i32 to vector<16xi32>
        %parallel_loop3A_959 = arith.addi %parallel_loop3A_945, %parallel_loop3A_958 : vector<16xi32>
        %parallel_loop3A_960 = arith.constant 8192 : i32
        %parallel_loop3A_961 = arith.addi %parallel_loop3A_960, %parallel_loop3A_940 : i32
        %parallel_loop3A_962 = arith.index_cast %parallel_loop3A_961 : i32 to index
        %parallel_loop3A_963 = tpu.vector_load %arg6[%parallel_loop3A_962] {strides = array<i32>} : memref<65536xf32, #tpu.memory_space<vmem>>, vector<16xf32>,
        tpu.vector_store_idx %arg7[%parallel_loop3A_959], %parallel_loop3A_963 {add = true} : memref<19456xf32, #tpu.memory_space<vmem>>[vector<16xi32>], vector<16xf32>,
        %parallel_loop3A_964 = arith.constant 48 : i32
        %parallel_loop3A_965 = vector.broadcast %parallel_loop3A_964 : i32 to vector<16xi32>
        %parallel_loop3A_966 = arith.addi %parallel_loop3A_945, %parallel_loop3A_965 : vector<16xi32>
        %parallel_loop3A_967 = arith.constant 12288 : i32
        %parallel_loop3A_968 = arith.addi %parallel_loop3A_967, %parallel_loop3A_940 : i32
        %parallel_loop3A_969 = arith.index_cast %parallel_loop3A_968 : i32 to index
        %parallel_loop3A_970 = tpu.vector_load %arg6[%parallel_loop3A_969] {strides = array<i32>} : memref<65536xf32, #tpu.memory_space<vmem>>, vector<16xf32>,
        tpu.vector_store_idx %arg7[%parallel_loop3A_966], %parallel_loop3A_970 {add = true} : memref<19456xf32, #tpu.memory_space<vmem>>[vector<16xi32>], vector<16xf32>,
        %parallel_loop3A_971 = arith.constant 64 : i32
        %parallel_loop3A_972 = vector.broadcast %parallel_loop3A_971 : i32 to vector<16xi32>
        %parallel_loop3A_973 = arith.addi %parallel_loop3A_945, %parallel_loop3A_972 : vector<16xi32>
        %parallel_loop3A_974 = arith.constant 16384 : i32
        %parallel_loop3A_975 = arith.addi %parallel_loop3A_974, %parallel_loop3A_940 : i32
        %parallel_loop3A_976 = arith.index_cast %parallel_loop3A_975 : i32 to index
        %parallel_loop3A_977 = tpu.vector_load %arg6[%parallel_loop3A_976] {strides = array<i32>} : memref<65536xf32, #tpu.memory_space<vmem>>, vector<16xf32>,
        tpu.vector_store_idx %arg7[%parallel_loop3A_973], %parallel_loop3A_977 {add = true} : memref<19456xf32, #tpu.memory_space<vmem>>[vector<16xi32>], vector<16xf32>,
        %parallel_loop3A_978 = arith.constant 80 : i32
        %parallel_loop3A_979 = vector.broadcast %parallel_loop3A_978 : i32 to vector<16xi32>
        %parallel_loop3A_980 = arith.addi %parallel_loop3A_945, %parallel_loop3A_979 : vector<16xi32>
        %parallel_loop3A_981 = arith.constant 20480 : i32
        %parallel_loop3A_982 = arith.addi %parallel_loop3A_981, %parallel_loop3A_940 : i32
        %parallel_loop3A_983 = arith.index_cast %parallel_loop3A_982 : i32 to index
        %parallel_loop3A_984 = tpu.vector_load %arg6[%parallel_loop3A_983] {strides = array<i32>} : memref<65536xf32, #tpu.memory_space<vmem>>, vector<16xf32>,
        tpu.vector_store_idx %arg7[%parallel_loop3A_980], %parallel_loop3A_984 {add = true} : memref<19456xf32, #tpu.memory_space<vmem>>[vector<16xi32>], vector<16xf32>,
        %parallel_loop3A_985 = arith.constant 96 : i32
        %parallel_loop3A_986 = vector.broadcast %parallel_loop3A_985 : i32 to vector<16xi32>
        %parallel_loop3A_987 = arith.addi %parallel_loop3A_945, %parallel_loop3A_986 : vector<16xi32>
        %parallel_loop3A_988 = arith.constant 24576 : i32
        %parallel_loop3A_989 = arith.addi %parallel_loop3A_988, %parallel_loop3A_940 : i32
        %parallel_loop3A_990 = arith.index_cast %parallel_loop3A_989 : i32 to index
        %parallel_loop3A_991 = tpu.vector_load %arg6[%parallel_loop3A_990] {strides = array<i32>} : memref<65536xf32, #tpu.memory_space<vmem>>, vector<16xf32>,
        tpu.vector_store_idx %arg7[%parallel_loop3A_987], %parallel_loop3A_991 {add = true} : memref<19456xf32, #tpu.memory_space<vmem>>[vector<16xi32>], vector<16xf32>,
        %parallel_loop3A_992 = arith.constant 112 : i32
        %parallel_loop3A_993 = vector.broadcast %parallel_loop3A_992 : i32 to vector<16xi32>
        %parallel_loop3A_994 = arith.addi %parallel_loop3A_945, %parallel_loop3A_993 : vector<16xi32>
        %parallel_loop3A_995 = arith.constant 28672 : i32
        %parallel_loop3A_996 = arith.addi %parallel_loop3A_995, %parallel_loop3A_940 : i32
        %parallel_loop3A_997 = arith.index_cast %parallel_loop3A_996 : i32 to index
        %parallel_loop3A_998 = tpu.vector_load %arg6[%parallel_loop3A_997] {strides = array<i32>} : memref<65536xf32, #tpu.memory_space<vmem>>, vector<16xf32>,
        tpu.vector_store_idx %arg7[%parallel_loop3A_994], %parallel_loop3A_998 {add = true} : memref<19456xf32, #tpu.memory_space<vmem>>[vector<16xi32>], vector<16xf32>,
      } {sc.loop_unroll_factor = 8 : i64, sc.parallel_access}
      %add3A_816 = arith.constant 1 : i32
      %add3A_817 = arith.addi %add3A_695, %add3A_816 : i32
      %add3A_818 = arith.constant 2 : i32
      %add3A_819 = arith.addi %add3A_817, %add3A_818 : i32
      %sub3A_820 = arith.constant 1 : i32
      %sub3A_821 = arith.subi %add3A_819, %sub3A_820 : i32
      %lt3A_822 = arith.constant 32 : i32
      %lt3A_823 = arith.cmpi slt, %sub3A_821, %lt3A_822 : i32
      %convert_element_type3A_824 = arith.extui %lt3A_823 : i1 to i32
      %cond3A_825 = arith.constant 0 : i32
      %cond3A_826 = arith.cmpi ne, %convert_element_type3A_824, %cond3A_825 : i32
      scf.if %cond3A_826 {
        %add3A_938 = arith.constant 2 : i32
        %add3A_939 = arith.addi %add3A_817, %add3A_938 : i32
        %sub3A_940 = arith.constant 1 : i32
        %sub3A_941 = arith.subi %add3A_939, %sub3A_940 : i32
        %jit3A_942 = arith.constant 4 : i32
        %div3A_943 = arith.divsi %sub3A_941, %jit3A_942 : i32
        %sign3A_944 = arith.constant 0 : i32
        %sign3A_945 = arith.cmpi sgt, %sub3A_941, %sign3A_944 : i32
        %sign3A_946 = arith.extui %sign3A_945 : i1 to i32
        %sign3A_947 = arith.constant 0 : i32
        %sign3A_948 = arith.cmpi slt, %sub3A_941, %sign3A_947 : i32
        %sign3A_949 = arith.extui %sign3A_948 : i1 to i32
        %sign3A_950 = arith.subi %sign3A_946, %sign3A_949 : i32
        %sign3A_951 = arith.constant 0 : i32
        %sign3A_952 = arith.cmpi sgt, %jit3A_942, %sign3A_951 : i32
        %sign3A_953 = arith.extui %sign3A_952 : i1 to i32
        %sign3A_954 = arith.constant 0 : i32
        %sign3A_955 = arith.cmpi slt, %jit3A_942, %sign3A_954 : i32
        %sign3A_956 = arith.extui %sign3A_955 : i1 to i32
        %sign3A_957 = arith.subi %sign3A_953, %sign3A_956 : i32
        %ne3A_958 = arith.cmpi ne, %sign3A_950, %sign3A_957 : i32
        %rem3A_959 = arith.remsi %sub3A_941, %jit3A_942 : i32
        %ne3A_960 = arith.constant 0 : i32
        %ne3A_961 = arith.cmpi ne, %rem3A_959, %ne3A_960 : i32
        %and3A_962 = arith.andi %ne3A_958, %ne3A_961 : i1
        %sub3A_963 = arith.constant 1 : i32
        %sub3A_964 = arith.subi %div3A_943, %sub3A_963 : i32
        %select_n3A_965 = arith.select %and3A_962, %sub3A_964, %div3A_943 : i32
        %jit3A_966 = arith.constant 4 : i32
        %eq3A_967 = arith.constant 0 : i32
        %eq3A_968 = arith.cmpi eq, %jit3A_966, %eq3A_967 : i32
        %jit3A_969 = arith.constant 1 : i32
        %select_n3A_970 = arith.select %eq3A_968, %jit3A_969, %jit3A_966 : i32
        %rem3A_971 = arith.remsi %sub3A_941, %select_n3A_970 : i32
        %ne3A_972 = arith.constant 0 : i32
        %ne3A_973 = arith.cmpi ne, %rem3A_971, %ne3A_972 : i32
        %lt3A_974 = arith.constant 0 : i32
        %lt3A_975 = arith.cmpi slt, %rem3A_971, %lt3A_974 : i32
        %lt3A_976 = arith.constant 0 : i32
        %lt3A_977 = arith.cmpi slt, %select_n3A_970, %lt3A_976 : i32
        %ne3A_978 = arith.xori %lt3A_975, %lt3A_977 : i1
        %and3A_979 = arith.andi %ne3A_978, %ne3A_973 : i1
        %add3A_980 = arith.addi %rem3A_971, %select_n3A_970 : i32
        %select_n3A_981 = arith.select %and3A_979, %add3A_980, %rem3A_971 : i32
        %mul3A_982 = arith.constant 131072 : i32
        %mul3A_983 = arith.muli %select_n3A_965, %mul3A_982 : i32
        %add3A_984 = arith.addi %mul3A_44, %mul3A_983 : i32
        %mul3A_985 = arith.constant 4096 : i32
        %mul3A_986 = arith.muli %select_n3A_981, %mul3A_985 : i32
        %add3A_987 = arith.addi %add3A_984, %mul3A_986 : i32
        %add3A_988 = arith.constant 0 : i32
        %add3A_989 = arith.addi %add3A_987, %add3A_988 : i32
        %dma_start3A_990 = arith.constant 0 : i32
        %dma_start3A_991 = tpu.memref_slice %arg6[%dma_start3A_990] : memref<65536xf32, #tpu.memory_space<vmem>> -> memref<4096xf32, #tpu.memory_space<vmem>>
        %dma_start3A_992 = tpu.memref_slice %arg2[%add3A_989] : memref<33554432xf32, #tpu.memory_space<hbm>> -> memref<4096xf32, #tpu.memory_space<hbm>>
        %dma_start3A_993 = arith.constant 0 : i32
        %dma_start3A_994 = tpu.memref_slice %arg6[%dma_start3A_993] : memref<65536xf32, #tpu.memory_space<vmem>> -> memref<4096xf32, #tpu.memory_space<vmem>>
        %dma_start3A_995 = tpu.memref_slice %arg2[%add3A_989] : memref<33554432xf32, #tpu.memory_space<hbm>> -> memref<4096xf32, #tpu.memory_space<hbm>>
        tpu.enqueue_dma source(%dma_start3A_995 : memref<4096xf32, #tpu.memory_space<hbm>>) target(%dma_start3A_994 : memref<4096xf32, #tpu.memory_space<vmem>>) target_semaphore(%arg9 : memref<!tpu.dma_semaphore, #tpu.memory_space<semaphore_mem>>)
        %add3A_996 = arith.constant 16384 : i32
        %add3A_997 = arith.addi %add3A_987, %add3A_996 : i32
        %dma_start3A_998 = arith.constant 4096 : i32
        %dma_start3A_999 = tpu.memref_slice %arg6[%dma_start3A_998] : memref<65536xf32, #tpu.memory_space<vmem>> -> memref<4096xf32, #tpu.memory_space<vmem>>
        %dma_start3A_1000 = tpu.memref_slice %arg2[%add3A_997] : memref<33554432xf32, #tpu.memory_space<hbm>> -> memref<4096xf32, #tpu.memory_space<hbm>>
        %dma_start3A_1001 = arith.constant 4096 : i32
        %dma_start3A_1002 = tpu.memref_slice %arg6[%dma_start3A_1001] : memref<65536xf32, #tpu.memory_space<vmem>> -> memref<4096xf32, #tpu.memory_space<vmem>>
        %dma_start3A_1003 = tpu.memref_slice %arg2[%add3A_997] : memref<33554432xf32, #tpu.memory_space<hbm>> -> memref<4096xf32, #tpu.memory_space<hbm>>
        tpu.enqueue_dma source(%dma_start3A_1003 : memref<4096xf32, #tpu.memory_space<hbm>>) target(%dma_start3A_1002 : memref<4096xf32, #tpu.memory_space<vmem>>) target_semaphore(%arg9 : memref<!tpu.dma_semaphore, #tpu.memory_space<semaphore_mem>>)
        %add3A_1004 = arith.constant 32768 : i32
        %add3A_1005 = arith.addi %add3A_987, %add3A_1004 : i32
        %dma_start3A_1006 = arith.constant 8192 : i32
        %dma_start3A_1007 = tpu.memref_slice %arg6[%dma_start3A_1006] : memref<65536xf32, #tpu.memory_space<vmem>> -> memref<4096xf32, #tpu.memory_space<vmem>>
        %dma_start3A_1008 = tpu.memref_slice %arg2[%add3A_1005] : memref<33554432xf32, #tpu.memory_space<hbm>> -> memref<4096xf32, #tpu.memory_space<hbm>>
        %dma_start3A_1009 = arith.constant 8192 : i32
        %dma_start3A_1010 = tpu.memref_slice %arg6[%dma_start3A_1009] : memref<65536xf32, #tpu.memory_space<vmem>> -> memref<4096xf32, #tpu.memory_space<vmem>>
        %dma_start3A_1011 = tpu.memref_slice %arg2[%add3A_1005] : memref<33554432xf32, #tpu.memory_space<hbm>> -> memref<4096xf32, #tpu.memory_space<hbm>>
        tpu.enqueue_dma source(%dma_start3A_1011 : memref<4096xf32, #tpu.memory_space<hbm>>) target(%dma_start3A_1010 : memref<4096xf32, #tpu.memory_space<vmem>>) target_semaphore(%arg9 : memref<!tpu.dma_semaphore, #tpu.memory_space<semaphore_mem>>)
        %add3A_1012 = arith.constant 49152 : i32
        %add3A_1013 = arith.addi %add3A_987, %add3A_1012 : i32
        %dma_start3A_1014 = arith.constant 12288 : i32
        %dma_start3A_1015 = tpu.memref_slice %arg6[%dma_start3A_1014] : memref<65536xf32, #tpu.memory_space<vmem>> -> memref<4096xf32, #tpu.memory_space<vmem>>
        %dma_start3A_1016 = tpu.memref_slice %arg2[%add3A_1013] : memref<33554432xf32, #tpu.memory_space<hbm>> -> memref<4096xf32, #tpu.memory_space<hbm>>
        %dma_start3A_1017 = arith.constant 12288 : i32
        %dma_start3A_1018 = tpu.memref_slice %arg6[%dma_start3A_1017] : memref<65536xf32, #tpu.memory_space<vmem>> -> memref<4096xf32, #tpu.memory_space<vmem>>
        %dma_start3A_1019 = tpu.memref_slice %arg2[%add3A_1013] : memref<33554432xf32, #tpu.memory_space<hbm>> -> memref<4096xf32, #tpu.memory_space<hbm>>
        tpu.enqueue_dma source(%dma_start3A_1019 : memref<4096xf32, #tpu.memory_space<hbm>>) target(%dma_start3A_1018 : memref<4096xf32, #tpu.memory_space<vmem>>) target_semaphore(%arg9 : memref<!tpu.dma_semaphore, #tpu.memory_space<semaphore_mem>>)
        %add3A_1020 = arith.constant 65536 : i32
        %add3A_1021 = arith.addi %add3A_987, %add3A_1020 : i32
        %dma_start3A_1022 = arith.constant 16384 : i32
        %dma_start3A_1023 = tpu.memref_slice %arg6[%dma_start3A_1022] : memref<65536xf32, #tpu.memory_space<vmem>> -> memref<4096xf32, #tpu.memory_space<vmem>>
        %dma_start3A_1024 = tpu.memref_slice %arg2[%add3A_1021] : memref<33554432xf32, #tpu.memory_space<hbm>> -> memref<4096xf32, #tpu.memory_space<hbm>>
        %dma_start3A_1025 = arith.constant 16384 : i32
        %dma_start3A_1026 = tpu.memref_slice %arg6[%dma_start3A_1025] : memref<65536xf32, #tpu.memory_space<vmem>> -> memref<4096xf32, #tpu.memory_space<vmem>>
        %dma_start3A_1027 = tpu.memref_slice %arg2[%add3A_1021] : memref<33554432xf32, #tpu.memory_space<hbm>> -> memref<4096xf32, #tpu.memory_space<hbm>>
        tpu.enqueue_dma source(%dma_start3A_1027 : memref<4096xf32, #tpu.memory_space<hbm>>) target(%dma_start3A_1026 : memref<4096xf32, #tpu.memory_space<vmem>>) target_semaphore(%arg9 : memref<!tpu.dma_semaphore, #tpu.memory_space<semaphore_mem>>)
        %add3A_1028 = arith.constant 81920 : i32
        %add3A_1029 = arith.addi %add3A_987, %add3A_1028 : i32
        %dma_start3A_1030 = arith.constant 20480 : i32
        %dma_start3A_1031 = tpu.memref_slice %arg6[%dma_start3A_1030] : memref<65536xf32, #tpu.memory_space<vmem>> -> memref<4096xf32, #tpu.memory_space<vmem>>
        %dma_start3A_1032 = tpu.memref_slice %arg2[%add3A_1029] : memref<33554432xf32, #tpu.memory_space<hbm>> -> memref<4096xf32, #tpu.memory_space<hbm>>
        %dma_start3A_1033 = arith.constant 20480 : i32
        %dma_start3A_1034 = tpu.memref_slice %arg6[%dma_start3A_1033] : memref<65536xf32, #tpu.memory_space<vmem>> -> memref<4096xf32, #tpu.memory_space<vmem>>
        %dma_start3A_1035 = tpu.memref_slice %arg2[%add3A_1029] : memref<33554432xf32, #tpu.memory_space<hbm>> -> memref<4096xf32, #tpu.memory_space<hbm>>
        tpu.enqueue_dma source(%dma_start3A_1035 : memref<4096xf32, #tpu.memory_space<hbm>>) target(%dma_start3A_1034 : memref<4096xf32, #tpu.memory_space<vmem>>) target_semaphore(%arg9 : memref<!tpu.dma_semaphore, #tpu.memory_space<semaphore_mem>>)
        %add3A_1036 = arith.constant 98304 : i32
        %add3A_1037 = arith.addi %add3A_987, %add3A_1036 : i32
        %dma_start3A_1038 = arith.constant 24576 : i32
        %dma_start3A_1039 = tpu.memref_slice %arg6[%dma_start3A_1038] : memref<65536xf32, #tpu.memory_space<vmem>> -> memref<4096xf32, #tpu.memory_space<vmem>>
        %dma_start3A_1040 = tpu.memref_slice %arg2[%add3A_1037] : memref<33554432xf32, #tpu.memory_space<hbm>> -> memref<4096xf32, #tpu.memory_space<hbm>>
        %dma_start3A_1041 = arith.constant 24576 : i32
        %dma_start3A_1042 = tpu.memref_slice %arg6[%dma_start3A_1041] : memref<65536xf32, #tpu.memory_space<vmem>> -> memref<4096xf32, #tpu.memory_space<vmem>>
        %dma_start3A_1043 = tpu.memref_slice %arg2[%add3A_1037] : memref<33554432xf32, #tpu.memory_space<hbm>> -> memref<4096xf32, #tpu.memory_space<hbm>>
        tpu.enqueue_dma source(%dma_start3A_1043 : memref<4096xf32, #tpu.memory_space<hbm>>) target(%dma_start3A_1042 : memref<4096xf32, #tpu.memory_space<vmem>>) target_semaphore(%arg9 : memref<!tpu.dma_semaphore, #tpu.memory_space<semaphore_mem>>)
        %add3A_1044 = arith.constant 114688 : i32
        %add3A_1045 = arith.addi %add3A_987, %add3A_1044 : i32
        %dma_start3A_1046 = arith.constant 28672 : i32
        %dma_start3A_1047 = tpu.memref_slice %arg6[%dma_start3A_1046] : memref<65536xf32, #tpu.memory_space<vmem>> -> memref<4096xf32, #tpu.memory_space<vmem>>
        %dma_start3A_1048 = tpu.memref_slice %arg2[%add3A_1045] : memref<33554432xf32, #tpu.memory_space<hbm>> -> memref<4096xf32, #tpu.memory_space<hbm>>
        %dma_start3A_1049 = arith.constant 28672 : i32
        %dma_start3A_1050 = tpu.memref_slice %arg6[%dma_start3A_1049] : memref<65536xf32, #tpu.memory_space<vmem>> -> memref<4096xf32, #tpu.memory_space<vmem>>
        %dma_start3A_1051 = tpu.memref_slice %arg2[%add3A_1045] : memref<33554432xf32, #tpu.memory_space<hbm>> -> memref<4096xf32, #tpu.memory_space<hbm>>
        tpu.enqueue_dma source(%dma_start3A_1051 : memref<4096xf32, #tpu.memory_space<hbm>>) target(%dma_start3A_1050 : memref<4096xf32, #tpu.memory_space<vmem>>) target_semaphore(%arg9 : memref<!tpu.dma_semaphore, #tpu.memory_space<semaphore_mem>>)
      } else {
      }
      %dma_wait3A_827 = arith.constant 32768 : i32
      %dma_wait3A_828 = tpu.memref_slice %arg6[%dma_wait3A_827] : memref<65536xf32, #tpu.memory_space<vmem>> -> memref<4096xf32, #tpu.memory_space<vmem>>
      %dma_wait3A_829 = arith.constant 0 : i32
      %dma_wait3A_830 = tpu.memref_slice %arg2[%dma_wait3A_829] : memref<33554432xf32, #tpu.memory_space<hbm>> -> memref<4096xf32, #tpu.memory_space<hbm>>
      %dma_wait3A_831 = arith.constant 32768 : i32
      %dma_wait3A_832 = tpu.memref_slice %arg6[%dma_wait3A_831] : memref<65536xf32, #tpu.memory_space<vmem>> -> memref<4096xf32, #tpu.memory_space<vmem>>
      %dma_wait3A_833 = arith.constant 0 : i32
      %dma_wait3A_834 = tpu.memref_slice %arg2[%dma_wait3A_833] : memref<33554432xf32, #tpu.memory_space<hbm>> -> memref<4096xf32, #tpu.memory_space<hbm>>
      tpu.wait_dma2 semaphore(%arg10 : memref<!tpu.dma_semaphore, #tpu.memory_space<semaphore_mem>>) src(%dma_wait3A_834 : memref<4096xf32, #tpu.memory_space<hbm>>) dst(%dma_wait3A_832 : memref<4096xf32, #tpu.memory_space<vmem>>)
      %dma_wait3A_835 = arith.constant 36864 : i32
      %dma_wait3A_836 = tpu.memref_slice %arg6[%dma_wait3A_835] : memref<65536xf32, #tpu.memory_space<vmem>> -> memref<4096xf32, #tpu.memory_space<vmem>>
      %dma_wait3A_837 = arith.constant 0 : i32
      %dma_wait3A_838 = tpu.memref_slice %arg2[%dma_wait3A_837] : memref<33554432xf32, #tpu.memory_space<hbm>> -> memref<4096xf32, #tpu.memory_space<hbm>>
      %dma_wait3A_839 = arith.constant 36864 : i32
      %dma_wait3A_840 = tpu.memref_slice %arg6[%dma_wait3A_839] : memref<65536xf32, #tpu.memory_space<vmem>> -> memref<4096xf32, #tpu.memory_space<vmem>>
      %dma_wait3A_841 = arith.constant 0 : i32
      %dma_wait3A_842 = tpu.memref_slice %arg2[%dma_wait3A_841] : memref<33554432xf32, #tpu.memory_space<hbm>> -> memref<4096xf32, #tpu.memory_space<hbm>>
      tpu.wait_dma2 semaphore(%arg10 : memref<!tpu.dma_semaphore, #tpu.memory_space<semaphore_mem>>) src(%dma_wait3A_842 : memref<4096xf32, #tpu.memory_space<hbm>>) dst(%dma_wait3A_840 : memref<4096xf32, #tpu.memory_space<vmem>>)
      %dma_wait3A_843 = arith.constant 40960 : i32
      %dma_wait3A_844 = tpu.memref_slice %arg6[%dma_wait3A_843] : memref<65536xf32, #tpu.memory_space<vmem>> -> memref<4096xf32, #tpu.memory_space<vmem>>
      %dma_wait3A_845 = arith.constant 0 : i32
      %dma_wait3A_846 = tpu.memref_slice %arg2[%dma_wait3A_845] : memref<33554432xf32, #tpu.memory_space<hbm>> -> memref<4096xf32, #tpu.memory_space<hbm>>
      %dma_wait3A_847 = arith.constant 40960 : i32
      %dma_wait3A_848 = tpu.memref_slice %arg6[%dma_wait3A_847] : memref<65536xf32, #tpu.memory_space<vmem>> -> memref<4096xf32, #tpu.memory_space<vmem>>
      %dma_wait3A_849 = arith.constant 0 : i32
      %dma_wait3A_850 = tpu.memref_slice %arg2[%dma_wait3A_849] : memref<33554432xf32, #tpu.memory_space<hbm>> -> memref<4096xf32, #tpu.memory_space<hbm>>
      tpu.wait_dma2 semaphore(%arg10 : memref<!tpu.dma_semaphore, #tpu.memory_space<semaphore_mem>>) src(%dma_wait3A_850 : memref<4096xf32, #tpu.memory_space<hbm>>) dst(%dma_wait3A_848 : memref<4096xf32, #tpu.memory_space<vmem>>)
      %dma_wait3A_851 = arith.constant 45056 : i32
      %dma_wait3A_852 = tpu.memref_slice %arg6[%dma_wait3A_851] : memref<65536xf32, #tpu.memory_space<vmem>> -> memref<4096xf32, #tpu.memory_space<vmem>>
      %dma_wait3A_853 = arith.constant 0 : i32
      %dma_wait3A_854 = tpu.memref_slice %arg2[%dma_wait3A_853] : memref<33554432xf32, #tpu.memory_space<hbm>> -> memref<4096xf32, #tpu.memory_space<hbm>>
      %dma_wait3A_855 = arith.constant 45056 : i32
      %dma_wait3A_856 = tpu.memref_slice %arg6[%dma_wait3A_855] : memref<65536xf32, #tpu.memory_space<vmem>> -> memref<4096xf32, #tpu.memory_space<vmem>>
      %dma_wait3A_857 = arith.constant 0 : i32
      %dma_wait3A_858 = tpu.memref_slice %arg2[%dma_wait3A_857] : memref<33554432xf32, #tpu.memory_space<hbm>> -> memref<4096xf32, #tpu.memory_space<hbm>>
      tpu.wait_dma2 semaphore(%arg10 : memref<!tpu.dma_semaphore, #tpu.memory_space<semaphore_mem>>) src(%dma_wait3A_858 : memref<4096xf32, #tpu.memory_space<hbm>>) dst(%dma_wait3A_856 : memref<4096xf32, #tpu.memory_space<vmem>>)
      %dma_wait3A_859 = arith.constant 49152 : i32
      %dma_wait3A_860 = tpu.memref_slice %arg6[%dma_wait3A_859] : memref<65536xf32, #tpu.memory_space<vmem>> -> memref<4096xf32, #tpu.memory_space<vmem>>
      %dma_wait3A_861 = arith.constant 0 : i32
      %dma_wait3A_862 = tpu.memref_slice %arg2[%dma_wait3A_861] : memref<33554432xf32, #tpu.memory_space<hbm>> -> memref<4096xf32, #tpu.memory_space<hbm>>
      %dma_wait3A_863 = arith.constant 49152 : i32
      %dma_wait3A_864 = tpu.memref_slice %arg6[%dma_wait3A_863] : memref<65536xf32, #tpu.memory_space<vmem>> -> memref<4096xf32, #tpu.memory_space<vmem>>
      %dma_wait3A_865 = arith.constant 0 : i32
      %dma_wait3A_866 = tpu.memref_slice %arg2[%dma_wait3A_865] : memref<33554432xf32, #tpu.memory_space<hbm>> -> memref<4096xf32, #tpu.memory_space<hbm>>
      tpu.wait_dma2 semaphore(%arg10 : memref<!tpu.dma_semaphore, #tpu.memory_space<semaphore_mem>>) src(%dma_wait3A_866 : memref<4096xf32, #tpu.memory_space<hbm>>) dst(%dma_wait3A_864 : memref<4096xf32, #tpu.memory_space<vmem>>)
      %dma_wait3A_867 = arith.constant 53248 : i32
      %dma_wait3A_868 = tpu.memref_slice %arg6[%dma_wait3A_867] : memref<65536xf32, #tpu.memory_space<vmem>> -> memref<4096xf32, #tpu.memory_space<vmem>>
      %dma_wait3A_869 = arith.constant 0 : i32
      %dma_wait3A_870 = tpu.memref_slice %arg2[%dma_wait3A_869] : memref<33554432xf32, #tpu.memory_space<hbm>> -> memref<4096xf32, #tpu.memory_space<hbm>>
      %dma_wait3A_871 = arith.constant 53248 : i32
      %dma_wait3A_872 = tpu.memref_slice %arg6[%dma_wait3A_871] : memref<65536xf32, #tpu.memory_space<vmem>> -> memref<4096xf32, #tpu.memory_space<vmem>>
      %dma_wait3A_873 = arith.constant 0 : i32
      %dma_wait3A_874 = tpu.memref_slice %arg2[%dma_wait3A_873] : memref<33554432xf32, #tpu.memory_space<hbm>> -> memref<4096xf32, #tpu.memory_space<hbm>>
      tpu.wait_dma2 semaphore(%arg10 : memref<!tpu.dma_semaphore, #tpu.memory_space<semaphore_mem>>) src(%dma_wait3A_874 : memref<4096xf32, #tpu.memory_space<hbm>>) dst(%dma_wait3A_872 : memref<4096xf32, #tpu.memory_space<vmem>>)
      %dma_wait3A_875 = arith.constant 57344 : i32
      %dma_wait3A_876 = tpu.memref_slice %arg6[%dma_wait3A_875] : memref<65536xf32, #tpu.memory_space<vmem>> -> memref<4096xf32, #tpu.memory_space<vmem>>
      %dma_wait3A_877 = arith.constant 0 : i32
      %dma_wait3A_878 = tpu.memref_slice %arg2[%dma_wait3A_877] : memref<33554432xf32, #tpu.memory_space<hbm>> -> memref<4096xf32, #tpu.memory_space<hbm>>
      %dma_wait3A_879 = arith.constant 57344 : i32
      %dma_wait3A_880 = tpu.memref_slice %arg6[%dma_wait3A_879] : memref<65536xf32, #tpu.memory_space<vmem>> -> memref<4096xf32, #tpu.memory_space<vmem>>
      %dma_wait3A_881 = arith.constant 0 : i32
      %dma_wait3A_882 = tpu.memref_slice %arg2[%dma_wait3A_881] : memref<33554432xf32, #tpu.memory_space<hbm>> -> memref<4096xf32, #tpu.memory_space<hbm>>
      tpu.wait_dma2 semaphore(%arg10 : memref<!tpu.dma_semaphore, #tpu.memory_space<semaphore_mem>>) src(%dma_wait3A_882 : memref<4096xf32, #tpu.memory_space<hbm>>) dst(%dma_wait3A_880 : memref<4096xf32, #tpu.memory_space<vmem>>)
      %dma_wait3A_883 = arith.constant 61440 : i32
      %dma_wait3A_884 = tpu.memref_slice %arg6[%dma_wait3A_883] : memref<65536xf32, #tpu.memory_space<vmem>> -> memref<4096xf32, #tpu.memory_space<vmem>>
      %dma_wait3A_885 = arith.constant 0 : i32
      %dma_wait3A_886 = tpu.memref_slice %arg2[%dma_wait3A_885] : memref<33554432xf32, #tpu.memory_space<hbm>> -> memref<4096xf32, #tpu.memory_space<hbm>>
      %dma_wait3A_887 = arith.constant 61440 : i32
      %dma_wait3A_888 = tpu.memref_slice %arg6[%dma_wait3A_887] : memref<65536xf32, #tpu.memory_space<vmem>> -> memref<4096xf32, #tpu.memory_space<vmem>>
      %dma_wait3A_889 = arith.constant 0 : i32
      %dma_wait3A_890 = tpu.memref_slice %arg2[%dma_wait3A_889] : memref<33554432xf32, #tpu.memory_space<hbm>> -> memref<4096xf32, #tpu.memory_space<hbm>>
      tpu.wait_dma2 semaphore(%arg10 : memref<!tpu.dma_semaphore, #tpu.memory_space<semaphore_mem>>) src(%dma_wait3A_890 : memref<4096xf32, #tpu.memory_space<hbm>>) dst(%dma_wait3A_888 : memref<4096xf32, #tpu.memory_space<vmem>>)
      %jit3A_891 = arith.constant 4 : i32
      %div3A_892 = arith.divsi %add3A_817, %jit3A_891 : i32
      %sign3A_893 = arith.constant 0 : i32
      %sign3A_894 = arith.cmpi sgt, %add3A_817, %sign3A_893 : i32
      %sign3A_895 = arith.extui %sign3A_894 : i1 to i32
      %sign3A_896 = arith.constant 0 : i32
      %sign3A_897 = arith.cmpi slt, %add3A_817, %sign3A_896 : i32
      %sign3A_898 = arith.extui %sign3A_897 : i1 to i32
      %sign3A_899 = arith.subi %sign3A_895, %sign3A_898 : i32
      %sign3A_900 = arith.constant 0 : i32
      %sign3A_901 = arith.cmpi sgt, %jit3A_891, %sign3A_900 : i32
      %sign3A_902 = arith.extui %sign3A_901 : i1 to i32
      %sign3A_903 = arith.constant 0 : i32
      %sign3A_904 = arith.cmpi slt, %jit3A_891, %sign3A_903 : i32
      %sign3A_905 = arith.extui %sign3A_904 : i1 to i32
      %sign3A_906 = arith.subi %sign3A_902, %sign3A_905 : i32
      %ne3A_907 = arith.cmpi ne, %sign3A_899, %sign3A_906 : i32
      %rem3A_908 = arith.remsi %add3A_817, %jit3A_891 : i32
      %ne3A_909 = arith.constant 0 : i32
      %ne3A_910 = arith.cmpi ne, %rem3A_908, %ne3A_909 : i32
      %and3A_911 = arith.andi %ne3A_907, %ne3A_910 : i1
      %sub3A_912 = arith.constant 1 : i32
      %sub3A_913 = arith.subi %div3A_892, %sub3A_912 : i32
      %select_n3A_914 = arith.select %and3A_911, %sub3A_913, %div3A_892 : i32
      %jit3A_915 = arith.constant 4 : i32
      %eq3A_916 = arith.constant 0 : i32
      %eq3A_917 = arith.cmpi eq, %jit3A_915, %eq3A_916 : i32
      %jit3A_918 = arith.constant 1 : i32
      %select_n3A_919 = arith.select %eq3A_917, %jit3A_918, %jit3A_915 : i32
      %rem3A_920 = arith.remsi %add3A_817, %select_n3A_919 : i32
      %ne3A_921 = arith.constant 0 : i32
      %ne3A_922 = arith.cmpi ne, %rem3A_920, %ne3A_921 : i32
      %lt3A_923 = arith.constant 0 : i32
      %lt3A_924 = arith.cmpi slt, %rem3A_920, %lt3A_923 : i32
      %lt3A_925 = arith.constant 0 : i32
      %lt3A_926 = arith.cmpi slt, %select_n3A_919, %lt3A_925 : i32
      %ne3A_927 = arith.xori %lt3A_924, %lt3A_926 : i1
      %and3A_928 = arith.andi %ne3A_927, %ne3A_922 : i1
      %add3A_929 = arith.addi %rem3A_920, %select_n3A_919 : i32
      %select_n3A_930 = arith.select %and3A_928, %add3A_929, %rem3A_920 : i32
      %mul3A_931 = arith.constant 128 : i32
      %mul3A_932 = arith.muli %select_n3A_914, %mul3A_931 : i32
      %mul3A_933 = arith.constant 4096 : i32
      %mul3A_934 = arith.muli %select_n3A_930, %mul3A_933 : i32
      %parallel_loop3A_935 = arith.constant 0 : i32
      %parallel_loop3A_936 = arith.constant 256 : i32
      %parallel_loop3A_937 = arith.constant 1 : i32
      scf.for %parallel_loop3A_938 = %parallel_loop3A_935 to %parallel_loop3A_936 step %parallel_loop3A_937  : i32 {
        %parallel_loop3A_939 = arith.constant 16 : i32
        %parallel_loop3A_940 = arith.muli %parallel_loop3A_938, %parallel_loop3A_939 : i32
        %parallel_loop3A_941 = arith.addi %mul3A_934, %parallel_loop3A_940 : i32
        %parallel_loop3A_942 = arith.index_cast %parallel_loop3A_941 : i32 to index
        %parallel_loop3A_943 = tpu.vector_load %arg5[%parallel_loop3A_942] {strides = array<i32>} : memref<16384xi32, #tpu.memory_space<vmem>>, vector<16xi32>,
        %parallel_loop3A_944 = vector.broadcast %mul3A_932 : i32 to vector<16xi32>
        %parallel_loop3A_945 = arith.addi %parallel_loop3A_943, %parallel_loop3A_944 : vector<16xi32>
        %parallel_loop3A_946 = arith.constant 32768 : i32
        %parallel_loop3A_947 = arith.addi %parallel_loop3A_946, %parallel_loop3A_940 : i32
        %parallel_loop3A_948 = arith.index_cast %parallel_loop3A_947 : i32 to index
        %parallel_loop3A_949 = tpu.vector_load %arg6[%parallel_loop3A_948] {strides = array<i32>} : memref<65536xf32, #tpu.memory_space<vmem>>, vector<16xf32>,
        tpu.vector_store_idx %arg7[%parallel_loop3A_945], %parallel_loop3A_949 {add = true} : memref<19456xf32, #tpu.memory_space<vmem>>[vector<16xi32>], vector<16xf32>,
        %parallel_loop3A_950 = arith.constant 16 : i32
        %parallel_loop3A_951 = vector.broadcast %parallel_loop3A_950 : i32 to vector<16xi32>
        %parallel_loop3A_952 = arith.addi %parallel_loop3A_945, %parallel_loop3A_951 : vector<16xi32>
        %parallel_loop3A_953 = arith.constant 36864 : i32
        %parallel_loop3A_954 = arith.addi %parallel_loop3A_953, %parallel_loop3A_940 : i32
        %parallel_loop3A_955 = arith.index_cast %parallel_loop3A_954 : i32 to index
        %parallel_loop3A_956 = tpu.vector_load %arg6[%parallel_loop3A_955] {strides = array<i32>} : memref<65536xf32, #tpu.memory_space<vmem>>, vector<16xf32>,
        tpu.vector_store_idx %arg7[%parallel_loop3A_952], %parallel_loop3A_956 {add = true} : memref<19456xf32, #tpu.memory_space<vmem>>[vector<16xi32>], vector<16xf32>,
        %parallel_loop3A_957 = arith.constant 32 : i32
        %parallel_loop3A_958 = vector.broadcast %parallel_loop3A_957 : i32 to vector<16xi32>
        %parallel_loop3A_959 = arith.addi %parallel_loop3A_945, %parallel_loop3A_958 : vector<16xi32>
        %parallel_loop3A_960 = arith.constant 40960 : i32
        %parallel_loop3A_961 = arith.addi %parallel_loop3A_960, %parallel_loop3A_940 : i32
        %parallel_loop3A_962 = arith.index_cast %parallel_loop3A_961 : i32 to index
        %parallel_loop3A_963 = tpu.vector_load %arg6[%parallel_loop3A_962] {strides = array<i32>} : memref<65536xf32, #tpu.memory_space<vmem>>, vector<16xf32>,
        tpu.vector_store_idx %arg7[%parallel_loop3A_959], %parallel_loop3A_963 {add = true} : memref<19456xf32, #tpu.memory_space<vmem>>[vector<16xi32>], vector<16xf32>,
        %parallel_loop3A_964 = arith.constant 48 : i32
        %parallel_loop3A_965 = vector.broadcast %parallel_loop3A_964 : i32 to vector<16xi32>
        %parallel_loop3A_966 = arith.addi %parallel_loop3A_945, %parallel_loop3A_965 : vector<16xi32>
        %parallel_loop3A_967 = arith.constant 45056 : i32
        %parallel_loop3A_968 = arith.addi %parallel_loop3A_967, %parallel_loop3A_940 : i32
        %parallel_loop3A_969 = arith.index_cast %parallel_loop3A_968 : i32 to index
        %parallel_loop3A_970 = tpu.vector_load %arg6[%parallel_loop3A_969] {strides = array<i32>} : memref<65536xf32, #tpu.memory_space<vmem>>, vector<16xf32>,
        tpu.vector_store_idx %arg7[%parallel_loop3A_966], %parallel_loop3A_970 {add = true} : memref<19456xf32, #tpu.memory_space<vmem>>[vector<16xi32>], vector<16xf32>,
        %parallel_loop3A_971 = arith.constant 64 : i32
        %parallel_loop3A_972 = vector.broadcast %parallel_loop3A_971 : i32 to vector<16xi32>
        %parallel_loop3A_973 = arith.addi %parallel_loop3A_945, %parallel_loop3A_972 : vector<16xi32>
        %parallel_loop3A_974 = arith.constant 49152 : i32
        %parallel_loop3A_975 = arith.addi %parallel_loop3A_974, %parallel_loop3A_940 : i32
        %parallel_loop3A_976 = arith.index_cast %parallel_loop3A_975 : i32 to index
        %parallel_loop3A_977 = tpu.vector_load %arg6[%parallel_loop3A_976] {strides = array<i32>} : memref<65536xf32, #tpu.memory_space<vmem>>, vector<16xf32>,
        tpu.vector_store_idx %arg7[%parallel_loop3A_973], %parallel_loop3A_977 {add = true} : memref<19456xf32, #tpu.memory_space<vmem>>[vector<16xi32>], vector<16xf32>,
        %parallel_loop3A_978 = arith.constant 80 : i32
        %parallel_loop3A_979 = vector.broadcast %parallel_loop3A_978 : i32 to vector<16xi32>
        %parallel_loop3A_980 = arith.addi %parallel_loop3A_945, %parallel_loop3A_979 : vector<16xi32>
        %parallel_loop3A_981 = arith.constant 53248 : i32
        %parallel_loop3A_982 = arith.addi %parallel_loop3A_981, %parallel_loop3A_940 : i32
        %parallel_loop3A_983 = arith.index_cast %parallel_loop3A_982 : i32 to index
        %parallel_loop3A_984 = tpu.vector_load %arg6[%parallel_loop3A_983] {strides = array<i32>} : memref<65536xf32, #tpu.memory_space<vmem>>, vector<16xf32>,
        tpu.vector_store_idx %arg7[%parallel_loop3A_980], %parallel_loop3A_984 {add = true} : memref<19456xf32, #tpu.memory_space<vmem>>[vector<16xi32>], vector<16xf32>,
        %parallel_loop3A_985 = arith.constant 96 : i32
        %parallel_loop3A_986 = vector.broadcast %parallel_loop3A_985 : i32 to vector<16xi32>
        %parallel_loop3A_987 = arith.addi %parallel_loop3A_945, %parallel_loop3A_986 : vector<16xi32>
        %parallel_loop3A_988 = arith.constant 57344 : i32
        %parallel_loop3A_989 = arith.addi %parallel_loop3A_988, %parallel_loop3A_940 : i32
        %parallel_loop3A_990 = arith.index_cast %parallel_loop3A_989 : i32 to index
        %parallel_loop3A_991 = tpu.vector_load %arg6[%parallel_loop3A_990] {strides = array<i32>} : memref<65536xf32, #tpu.memory_space<vmem>>, vector<16xf32>,
        tpu.vector_store_idx %arg7[%parallel_loop3A_987], %parallel_loop3A_991 {add = true} : memref<19456xf32, #tpu.memory_space<vmem>>[vector<16xi32>], vector<16xf32>,
        %parallel_loop3A_992 = arith.constant 112 : i32
        %parallel_loop3A_993 = vector.broadcast %parallel_loop3A_992 : i32 to vector<16xi32>
        %parallel_loop3A_994 = arith.addi %parallel_loop3A_945, %parallel_loop3A_993 : vector<16xi32>
        %parallel_loop3A_995 = arith.constant 61440 : i32
        %parallel_loop3A_996 = arith.addi %parallel_loop3A_995, %parallel_loop3A_940 : i32
        %parallel_loop3A_997 = arith.index_cast %parallel_loop3A_996 : i32 to index
        %parallel_loop3A_998 = tpu.vector_load %arg6[%parallel_loop3A_997] {strides = array<i32>} : memref<65536xf32, #tpu.memory_space<vmem>>, vector<16xf32>,
        tpu.vector_store_idx %arg7[%parallel_loop3A_994], %parallel_loop3A_998 {add = true} : memref<19456xf32, #tpu.memory_space<vmem>>[vector<16xi32>], vector<16xf32>,
      } {sc.loop_unroll_factor = 8 : i64, sc.parallel_access}
    }
    %scan3A_116 = arith.constant 16 : i32
    %iota3A = tpu.iota {dimensions = array<i32: 0>} : vector<16xi32>
    %eq3A_117 = arith.constant 15 : i32
    %eq3A_118 = vector.broadcast %eq3A_117 : i32 to vector<16xi32>
    %eq3A_119 = arith.cmpi eq, %iota3A, %eq3A_118 : vector<16xi32>
    %parallel_loop3A = arith.constant 0 : i32
    %parallel_loop3A_120 = arith.constant 1216 : i32
    %parallel_loop3A_121 = arith.constant 1 : i32
    scf.for %parallel_loop3A_691 = %parallel_loop3A to %parallel_loop3A_120 step %parallel_loop3A_121  : i32 {
      %parallel_loop3A_692 = arith.constant 16 : i32
      %parallel_loop3A_693 = arith.muli %parallel_loop3A_691, %parallel_loop3A_692 : i32
      %parallel_loop3A_694 = arith.index_cast %parallel_loop3A_693 : i32 to index
      %parallel_loop3A_695 = tpu.vector_load %arg7[%parallel_loop3A_694] {strides = array<i32>} : memref<19456xf32, #tpu.memory_space<vmem>>, vector<16xf32>,
      %parallel_loop3A_696 = arith.constant true
      %parallel_loop3A_697 = vector.broadcast %parallel_loop3A_696 : i1 to vector<16xi1>
      %parallel_loop3A_698 = tpu.scan <sum>, %parallel_loop3A_695 masked %parallel_loop3A_697 : vector<16xf32>, vector<16xi1> -> vector<16xf32>
      %parallel_loop3A_699 = vector.broadcast %parallel_loop3A_691 : i32 to vector<16xi32>
      tpu.vector_store_idx %arg8[%parallel_loop3A_699], %parallel_loop3A_698 masked %eq3A_119 : memref<1216xf32, #tpu.memory_space<vmem>>[vector<16xi32>], vector<16xf32>, vector<16xi1>
    } {sc.loop_unroll_factor = 8 : i64, sc.parallel_access}
    %mul3A_122 = arith.constant 19 : i32
    %mul3A_123 = arith.muli %select_n3A, %mul3A_122 : i32
    %add3A_124 = arith.constant 0 : i32
    %add3A_125 = arith.addi %mul3A_123, %add3A_124 : i32
    %mul3A_126 = arith.constant 4 : i32
    %mul3A_127 = arith.muli %add3A_125, %mul3A_126 : i32
    %add3A_128 = arith.addi %mul3A_127, %select_n3A_30 : i32
    %mul3A_129 = arith.constant 64 : i32
    %mul3A_130 = arith.muli %add3A_128, %mul3A_129 : i32
    %dma_start3A_131 = arith.constant 0 : i32
    %dma_start3A_132 = tpu.memref_slice %arg8[%dma_start3A_131] : memref<1216xf32, #tpu.memory_space<vmem>> -> memref<64xf32, #tpu.memory_space<vmem>>
    %dma_start3A_133 = tpu.memref_slice %arg4[%mul3A_130] : memref<38912xf32, #tpu.memory_space<hbm>> -> memref<64xf32, #tpu.memory_space<hbm>>
    %dma_start3A_134 = tpu.memref_slice %arg4[%mul3A_130] : memref<38912xf32, #tpu.memory_space<hbm>> -> memref<64xf32, #tpu.memory_space<hbm>>
    %dma_start3A_135 = arith.constant 0 : i32
    %dma_start3A_136 = tpu.memref_slice %arg8[%dma_start3A_135] : memref<1216xf32, #tpu.memory_space<vmem>> -> memref<64xf32, #tpu.memory_space<vmem>>
    tpu.enqueue_dma source(%dma_start3A_136 : memref<64xf32, #tpu.memory_space<vmem>>) target(%dma_start3A_134 : memref<64xf32, #tpu.memory_space<hbm>>) target_semaphore(%arg9 : memref<!tpu.dma_semaphore, #tpu.memory_space<semaphore_mem>>)
    %mul3A_137 = arith.constant 19 : i32
    %mul3A_138 = arith.muli %select_n3A, %mul3A_137 : i32
    %add3A_139 = arith.constant 1 : i32
    %add3A_140 = arith.addi %mul3A_138, %add3A_139 : i32
    %mul3A_141 = arith.constant 4 : i32
    %mul3A_142 = arith.muli %add3A_140, %mul3A_141 : i32
    %add3A_143 = arith.addi %mul3A_142, %select_n3A_30 : i32
    %mul3A_144 = arith.constant 64 : i32
    %mul3A_145 = arith.muli %add3A_143, %mul3A_144 : i32
    %dma_start3A_146 = arith.constant 64 : i32
    %dma_start3A_147 = tpu.memref_slice %arg8[%dma_start3A_146] : memref<1216xf32, #tpu.memory_space<vmem>> -> memref<64xf32, #tpu.memory_space<vmem>>
    %dma_start3A_148 = tpu.memref_slice %arg4[%mul3A_145] : memref<38912xf32, #tpu.memory_space<hbm>> -> memref<64xf32, #tpu.memory_space<hbm>>
    %dma_start3A_149 = tpu.memref_slice %arg4[%mul3A_145] : memref<38912xf32, #tpu.memory_space<hbm>> -> memref<64xf32, #tpu.memory_space<hbm>>
    %dma_start3A_150 = arith.constant 64 : i32
    %dma_start3A_151 = tpu.memref_slice %arg8[%dma_start3A_150] : memref<1216xf32, #tpu.memory_space<vmem>> -> memref<64xf32, #tpu.memory_space<vmem>>
    tpu.enqueue_dma source(%dma_start3A_151 : memref<64xf32, #tpu.memory_space<vmem>>) target(%dma_start3A_149 : memref<64xf32, #tpu.memory_space<hbm>>) target_semaphore(%arg9 : memref<!tpu.dma_semaphore, #tpu.memory_space<semaphore_mem>>)
    %mul3A_152 = arith.constant 19 : i32
    %mul3A_153 = arith.muli %select_n3A, %mul3A_152 : i32
    %add3A_154 = arith.constant 2 : i32
    %add3A_155 = arith.addi %mul3A_153, %add3A_154 : i32
    %mul3A_156 = arith.constant 4 : i32
    %mul3A_157 = arith.muli %add3A_155, %mul3A_156 : i32
    %add3A_158 = arith.addi %mul3A_157, %select_n3A_30 : i32
    %mul3A_159 = arith.constant 64 : i32
    %mul3A_160 = arith.muli %add3A_158, %mul3A_159 : i32
    %dma_start3A_161 = arith.constant 128 : i32
    %dma_start3A_162 = tpu.memref_slice %arg8[%dma_start3A_161] : memref<1216xf32, #tpu.memory_space<vmem>> -> memref<64xf32, #tpu.memory_space<vmem>>
    %dma_start3A_163 = tpu.memref_slice %arg4[%mul3A_160] : memref<38912xf32, #tpu.memory_space<hbm>> -> memref<64xf32, #tpu.memory_space<hbm>>
    %dma_start3A_164 = tpu.memref_slice %arg4[%mul3A_160] : memref<38912xf32, #tpu.memory_space<hbm>> -> memref<64xf32, #tpu.memory_space<hbm>>
    %dma_start3A_165 = arith.constant 128 : i32
    %dma_start3A_166 = tpu.memref_slice %arg8[%dma_start3A_165] : memref<1216xf32, #tpu.memory_space<vmem>> -> memref<64xf32, #tpu.memory_space<vmem>>
    tpu.enqueue_dma source(%dma_start3A_166 : memref<64xf32, #tpu.memory_space<vmem>>) target(%dma_start3A_164 : memref<64xf32, #tpu.memory_space<hbm>>) target_semaphore(%arg9 : memref<!tpu.dma_semaphore, #tpu.memory_space<semaphore_mem>>)
    %mul3A_167 = arith.constant 19 : i32
    %mul3A_168 = arith.muli %select_n3A, %mul3A_167 : i32
    %add3A_169 = arith.constant 3 : i32
    %add3A_170 = arith.addi %mul3A_168, %add3A_169 : i32
    %mul3A_171 = arith.constant 4 : i32
    %mul3A_172 = arith.muli %add3A_170, %mul3A_171 : i32
    %add3A_173 = arith.addi %mul3A_172, %select_n3A_30 : i32
    %mul3A_174 = arith.constant 64 : i32
    %mul3A_175 = arith.muli %add3A_173, %mul3A_174 : i32
    %dma_start3A_176 = arith.constant 192 : i32
    %dma_start3A_177 = tpu.memref_slice %arg8[%dma_start3A_176] : memref<1216xf32, #tpu.memory_space<vmem>> -> memref<64xf32, #tpu.memory_space<vmem>>
    %dma_start3A_178 = tpu.memref_slice %arg4[%mul3A_175] : memref<38912xf32, #tpu.memory_space<hbm>> -> memref<64xf32, #tpu.memory_space<hbm>>
    %dma_start3A_179 = tpu.memref_slice %arg4[%mul3A_175] : memref<38912xf32, #tpu.memory_space<hbm>> -> memref<64xf32, #tpu.memory_space<hbm>>
    %dma_start3A_180 = arith.constant 192 : i32
    %dma_start3A_181 = tpu.memref_slice %arg8[%dma_start3A_180] : memref<1216xf32, #tpu.memory_space<vmem>> -> memref<64xf32, #tpu.memory_space<vmem>>
    tpu.enqueue_dma source(%dma_start3A_181 : memref<64xf32, #tpu.memory_space<vmem>>) target(%dma_start3A_179 : memref<64xf32, #tpu.memory_space<hbm>>) target_semaphore(%arg9 : memref<!tpu.dma_semaphore, #tpu.memory_space<semaphore_mem>>)
    %mul3A_182 = arith.constant 19 : i32
    %mul3A_183 = arith.muli %select_n3A, %mul3A_182 : i32
    %add3A_184 = arith.constant 4 : i32
    %add3A_185 = arith.addi %mul3A_183, %add3A_184 : i32
    %mul3A_186 = arith.constant 4 : i32
    %mul3A_187 = arith.muli %add3A_185, %mul3A_186 : i32
    %add3A_188 = arith.addi %mul3A_187, %select_n3A_30 : i32
    %mul3A_189 = arith.constant 64 : i32
    %mul3A_190 = arith.muli %add3A_188, %mul3A_189 : i32
    %dma_start3A_191 = arith.constant 256 : i32
    %dma_start3A_192 = tpu.memref_slice %arg8[%dma_start3A_191] : memref<1216xf32, #tpu.memory_space<vmem>> -> memref<64xf32, #tpu.memory_space<vmem>>
    %dma_start3A_193 = tpu.memref_slice %arg4[%mul3A_190] : memref<38912xf32, #tpu.memory_space<hbm>> -> memref<64xf32, #tpu.memory_space<hbm>>
    %dma_start3A_194 = tpu.memref_slice %arg4[%mul3A_190] : memref<38912xf32, #tpu.memory_space<hbm>> -> memref<64xf32, #tpu.memory_space<hbm>>
    %dma_start3A_195 = arith.constant 256 : i32
    %dma_start3A_196 = tpu.memref_slice %arg8[%dma_start3A_195] : memref<1216xf32, #tpu.memory_space<vmem>> -> memref<64xf32, #tpu.memory_space<vmem>>
    tpu.enqueue_dma source(%dma_start3A_196 : memref<64xf32, #tpu.memory_space<vmem>>) target(%dma_start3A_194 : memref<64xf32, #tpu.memory_space<hbm>>) target_semaphore(%arg9 : memref<!tpu.dma_semaphore, #tpu.memory_space<semaphore_mem>>)
    %mul3A_197 = arith.constant 19 : i32
    %mul3A_198 = arith.muli %select_n3A, %mul3A_197 : i32
    %add3A_199 = arith.constant 5 : i32
    %add3A_200 = arith.addi %mul3A_198, %add3A_199 : i32
    %mul3A_201 = arith.constant 4 : i32
    %mul3A_202 = arith.muli %add3A_200, %mul3A_201 : i32
    %add3A_203 = arith.addi %mul3A_202, %select_n3A_30 : i32
    %mul3A_204 = arith.constant 64 : i32
    %mul3A_205 = arith.muli %add3A_203, %mul3A_204 : i32
    %dma_start3A_206 = arith.constant 320 : i32
    %dma_start3A_207 = tpu.memref_slice %arg8[%dma_start3A_206] : memref<1216xf32, #tpu.memory_space<vmem>> -> memref<64xf32, #tpu.memory_space<vmem>>
    %dma_start3A_208 = tpu.memref_slice %arg4[%mul3A_205] : memref<38912xf32, #tpu.memory_space<hbm>> -> memref<64xf32, #tpu.memory_space<hbm>>
    %dma_start3A_209 = tpu.memref_slice %arg4[%mul3A_205] : memref<38912xf32, #tpu.memory_space<hbm>> -> memref<64xf32, #tpu.memory_space<hbm>>
    %dma_start3A_210 = arith.constant 320 : i32
    %dma_start3A_211 = tpu.memref_slice %arg8[%dma_start3A_210] : memref<1216xf32, #tpu.memory_space<vmem>> -> memref<64xf32, #tpu.memory_space<vmem>>
    tpu.enqueue_dma source(%dma_start3A_211 : memref<64xf32, #tpu.memory_space<vmem>>) target(%dma_start3A_209 : memref<64xf32, #tpu.memory_space<hbm>>) target_semaphore(%arg9 : memref<!tpu.dma_semaphore, #tpu.memory_space<semaphore_mem>>)
    %mul3A_212 = arith.constant 19 : i32
    %mul3A_213 = arith.muli %select_n3A, %mul3A_212 : i32
    %add3A_214 = arith.constant 6 : i32
    %add3A_215 = arith.addi %mul3A_213, %add3A_214 : i32
    %mul3A_216 = arith.constant 4 : i32
    %mul3A_217 = arith.muli %add3A_215, %mul3A_216 : i32
    %add3A_218 = arith.addi %mul3A_217, %select_n3A_30 : i32
    %mul3A_219 = arith.constant 64 : i32
    %mul3A_220 = arith.muli %add3A_218, %mul3A_219 : i32
    %dma_start3A_221 = arith.constant 384 : i32
    %dma_start3A_222 = tpu.memref_slice %arg8[%dma_start3A_221] : memref<1216xf32, #tpu.memory_space<vmem>> -> memref<64xf32, #tpu.memory_space<vmem>>
    %dma_start3A_223 = tpu.memref_slice %arg4[%mul3A_220] : memref<38912xf32, #tpu.memory_space<hbm>> -> memref<64xf32, #tpu.memory_space<hbm>>
    %dma_start3A_224 = tpu.memref_slice %arg4[%mul3A_220] : memref<38912xf32, #tpu.memory_space<hbm>> -> memref<64xf32, #tpu.memory_space<hbm>>
    %dma_start3A_225 = arith.constant 384 : i32
    %dma_start3A_226 = tpu.memref_slice %arg8[%dma_start3A_225] : memref<1216xf32, #tpu.memory_space<vmem>> -> memref<64xf32, #tpu.memory_space<vmem>>
    tpu.enqueue_dma source(%dma_start3A_226 : memref<64xf32, #tpu.memory_space<vmem>>) target(%dma_start3A_224 : memref<64xf32, #tpu.memory_space<hbm>>) target_semaphore(%arg9 : memref<!tpu.dma_semaphore, #tpu.memory_space<semaphore_mem>>)
    %mul3A_227 = arith.constant 19 : i32
    %mul3A_228 = arith.muli %select_n3A, %mul3A_227 : i32
    %add3A_229 = arith.constant 7 : i32
    %add3A_230 = arith.addi %mul3A_228, %add3A_229 : i32
    %mul3A_231 = arith.constant 4 : i32
    %mul3A_232 = arith.muli %add3A_230, %mul3A_231 : i32
    %add3A_233 = arith.addi %mul3A_232, %select_n3A_30 : i32
    %mul3A_234 = arith.constant 64 : i32
    %mul3A_235 = arith.muli %add3A_233, %mul3A_234 : i32
    %dma_start3A_236 = arith.constant 448 : i32
    %dma_start3A_237 = tpu.memref_slice %arg8[%dma_start3A_236] : memref<1216xf32, #tpu.memory_space<vmem>> -> memref<64xf32, #tpu.memory_space<vmem>>
    %dma_start3A_238 = tpu.memref_slice %arg4[%mul3A_235] : memref<38912xf32, #tpu.memory_space<hbm>> -> memref<64xf32, #tpu.memory_space<hbm>>
    %dma_start3A_239 = tpu.memref_slice %arg4[%mul3A_235] : memref<38912xf32, #tpu.memory_space<hbm>> -> memref<64xf32, #tpu.memory_space<hbm>>
    %dma_start3A_240 = arith.constant 448 : i32
    %dma_start3A_241 = tpu.memref_slice %arg8[%dma_start3A_240] : memref<1216xf32, #tpu.memory_space<vmem>> -> memref<64xf32, #tpu.memory_space<vmem>>
    tpu.enqueue_dma source(%dma_start3A_241 : memref<64xf32, #tpu.memory_space<vmem>>) target(%dma_start3A_239 : memref<64xf32, #tpu.memory_space<hbm>>) target_semaphore(%arg9 : memref<!tpu.dma_semaphore, #tpu.memory_space<semaphore_mem>>)
    %mul3A_242 = arith.constant 19 : i32
    %mul3A_243 = arith.muli %select_n3A, %mul3A_242 : i32
    %add3A_244 = arith.constant 8 : i32
    %add3A_245 = arith.addi %mul3A_243, %add3A_244 : i32
    %mul3A_246 = arith.constant 4 : i32
    %mul3A_247 = arith.muli %add3A_245, %mul3A_246 : i32
    %add3A_248 = arith.addi %mul3A_247, %select_n3A_30 : i32
    %mul3A_249 = arith.constant 64 : i32
    %mul3A_250 = arith.muli %add3A_248, %mul3A_249 : i32
    %dma_start3A_251 = arith.constant 512 : i32
    %dma_start3A_252 = tpu.memref_slice %arg8[%dma_start3A_251] : memref<1216xf32, #tpu.memory_space<vmem>> -> memref<64xf32, #tpu.memory_space<vmem>>
    %dma_start3A_253 = tpu.memref_slice %arg4[%mul3A_250] : memref<38912xf32, #tpu.memory_space<hbm>> -> memref<64xf32, #tpu.memory_space<hbm>>
    %dma_start3A_254 = tpu.memref_slice %arg4[%mul3A_250] : memref<38912xf32, #tpu.memory_space<hbm>> -> memref<64xf32, #tpu.memory_space<hbm>>
    %dma_start3A_255 = arith.constant 512 : i32
    %dma_start3A_256 = tpu.memref_slice %arg8[%dma_start3A_255] : memref<1216xf32, #tpu.memory_space<vmem>> -> memref<64xf32, #tpu.memory_space<vmem>>
    tpu.enqueue_dma source(%dma_start3A_256 : memref<64xf32, #tpu.memory_space<vmem>>) target(%dma_start3A_254 : memref<64xf32, #tpu.memory_space<hbm>>) target_semaphore(%arg9 : memref<!tpu.dma_semaphore, #tpu.memory_space<semaphore_mem>>)
    %mul3A_257 = arith.constant 19 : i32
    %mul3A_258 = arith.muli %select_n3A, %mul3A_257 : i32
    %add3A_259 = arith.constant 9 : i32
    %add3A_260 = arith.addi %mul3A_258, %add3A_259 : i32
    %mul3A_261 = arith.constant 4 : i32
    %mul3A_262 = arith.muli %add3A_260, %mul3A_261 : i32
    %add3A_263 = arith.addi %mul3A_262, %select_n3A_30 : i32
    %mul3A_264 = arith.constant 64 : i32
    %mul3A_265 = arith.muli %add3A_263, %mul3A_264 : i32
    %dma_start3A_266 = arith.constant 576 : i32
    %dma_start3A_267 = tpu.memref_slice %arg8[%dma_start3A_266] : memref<1216xf32, #tpu.memory_space<vmem>> -> memref<64xf32, #tpu.memory_space<vmem>>
    %dma_start3A_268 = tpu.memref_slice %arg4[%mul3A_265] : memref<38912xf32, #tpu.memory_space<hbm>> -> memref<64xf32, #tpu.memory_space<hbm>>
    %dma_start3A_269 = tpu.memref_slice %arg4[%mul3A_265] : memref<38912xf32, #tpu.memory_space<hbm>> -> memref<64xf32, #tpu.memory_space<hbm>>
    %dma_start3A_270 = arith.constant 576 : i32
    %dma_start3A_271 = tpu.memref_slice %arg8[%dma_start3A_270] : memref<1216xf32, #tpu.memory_space<vmem>> -> memref<64xf32, #tpu.memory_space<vmem>>
    tpu.enqueue_dma source(%dma_start3A_271 : memref<64xf32, #tpu.memory_space<vmem>>) target(%dma_start3A_269 : memref<64xf32, #tpu.memory_space<hbm>>) target_semaphore(%arg9 : memref<!tpu.dma_semaphore, #tpu.memory_space<semaphore_mem>>)
    %mul3A_272 = arith.constant 19 : i32
    %mul3A_273 = arith.muli %select_n3A, %mul3A_272 : i32
    %add3A_274 = arith.constant 10 : i32
    %add3A_275 = arith.addi %mul3A_273, %add3A_274 : i32
    %mul3A_276 = arith.constant 4 : i32
    %mul3A_277 = arith.muli %add3A_275, %mul3A_276 : i32
    %add3A_278 = arith.addi %mul3A_277, %select_n3A_30 : i32
    %mul3A_279 = arith.constant 64 : i32
    %mul3A_280 = arith.muli %add3A_278, %mul3A_279 : i32
    %dma_start3A_281 = arith.constant 640 : i32
    %dma_start3A_282 = tpu.memref_slice %arg8[%dma_start3A_281] : memref<1216xf32, #tpu.memory_space<vmem>> -> memref<64xf32, #tpu.memory_space<vmem>>
    %dma_start3A_283 = tpu.memref_slice %arg4[%mul3A_280] : memref<38912xf32, #tpu.memory_space<hbm>> -> memref<64xf32, #tpu.memory_space<hbm>>
    %dma_start3A_284 = tpu.memref_slice %arg4[%mul3A_280] : memref<38912xf32, #tpu.memory_space<hbm>> -> memref<64xf32, #tpu.memory_space<hbm>>
    %dma_start3A_285 = arith.constant 640 : i32
    %dma_start3A_286 = tpu.memref_slice %arg8[%dma_start3A_285] : memref<1216xf32, #tpu.memory_space<vmem>> -> memref<64xf32, #tpu.memory_space<vmem>>
    tpu.enqueue_dma source(%dma_start3A_286 : memref<64xf32, #tpu.memory_space<vmem>>) target(%dma_start3A_284 : memref<64xf32, #tpu.memory_space<hbm>>) target_semaphore(%arg9 : memref<!tpu.dma_semaphore, #tpu.memory_space<semaphore_mem>>)
    %mul3A_287 = arith.constant 19 : i32
    %mul3A_288 = arith.muli %select_n3A, %mul3A_287 : i32
    %add3A_289 = arith.constant 11 : i32
    %add3A_290 = arith.addi %mul3A_288, %add3A_289 : i32
    %mul3A_291 = arith.constant 4 : i32
    %mul3A_292 = arith.muli %add3A_290, %mul3A_291 : i32
    %add3A_293 = arith.addi %mul3A_292, %select_n3A_30 : i32
    %mul3A_294 = arith.constant 64 : i32
    %mul3A_295 = arith.muli %add3A_293, %mul3A_294 : i32
    %dma_start3A_296 = arith.constant 704 : i32
    %dma_start3A_297 = tpu.memref_slice %arg8[%dma_start3A_296] : memref<1216xf32, #tpu.memory_space<vmem>> -> memref<64xf32, #tpu.memory_space<vmem>>
    %dma_start3A_298 = tpu.memref_slice %arg4[%mul3A_295] : memref<38912xf32, #tpu.memory_space<hbm>> -> memref<64xf32, #tpu.memory_space<hbm>>
    %dma_start3A_299 = tpu.memref_slice %arg4[%mul3A_295] : memref<38912xf32, #tpu.memory_space<hbm>> -> memref<64xf32, #tpu.memory_space<hbm>>
    %dma_start3A_300 = arith.constant 704 : i32
    %dma_start3A_301 = tpu.memref_slice %arg8[%dma_start3A_300] : memref<1216xf32, #tpu.memory_space<vmem>> -> memref<64xf32, #tpu.memory_space<vmem>>
    tpu.enqueue_dma source(%dma_start3A_301 : memref<64xf32, #tpu.memory_space<vmem>>) target(%dma_start3A_299 : memref<64xf32, #tpu.memory_space<hbm>>) target_semaphore(%arg9 : memref<!tpu.dma_semaphore, #tpu.memory_space<semaphore_mem>>)
    %mul3A_302 = arith.constant 19 : i32
    %mul3A_303 = arith.muli %select_n3A, %mul3A_302 : i32
    %add3A_304 = arith.constant 12 : i32
    %add3A_305 = arith.addi %mul3A_303, %add3A_304 : i32
    %mul3A_306 = arith.constant 4 : i32
    %mul3A_307 = arith.muli %add3A_305, %mul3A_306 : i32
    %add3A_308 = arith.addi %mul3A_307, %select_n3A_30 : i32
    %mul3A_309 = arith.constant 64 : i32
    %mul3A_310 = arith.muli %add3A_308, %mul3A_309 : i32
    %dma_start3A_311 = arith.constant 768 : i32
    %dma_start3A_312 = tpu.memref_slice %arg8[%dma_start3A_311] : memref<1216xf32, #tpu.memory_space<vmem>> -> memref<64xf32, #tpu.memory_space<vmem>>
    %dma_start3A_313 = tpu.memref_slice %arg4[%mul3A_310] : memref<38912xf32, #tpu.memory_space<hbm>> -> memref<64xf32, #tpu.memory_space<hbm>>
    %dma_start3A_314 = tpu.memref_slice %arg4[%mul3A_310] : memref<38912xf32, #tpu.memory_space<hbm>> -> memref<64xf32, #tpu.memory_space<hbm>>
    %dma_start3A_315 = arith.constant 768 : i32
    %dma_start3A_316 = tpu.memref_slice %arg8[%dma_start3A_315] : memref<1216xf32, #tpu.memory_space<vmem>> -> memref<64xf32, #tpu.memory_space<vmem>>
    tpu.enqueue_dma source(%dma_start3A_316 : memref<64xf32, #tpu.memory_space<vmem>>) target(%dma_start3A_314 : memref<64xf32, #tpu.memory_space<hbm>>) target_semaphore(%arg9 : memref<!tpu.dma_semaphore, #tpu.memory_space<semaphore_mem>>)
    %mul3A_317 = arith.constant 19 : i32
    %mul3A_318 = arith.muli %select_n3A, %mul3A_317 : i32
    %add3A_319 = arith.constant 13 : i32
    %add3A_320 = arith.addi %mul3A_318, %add3A_319 : i32
    %mul3A_321 = arith.constant 4 : i32
    %mul3A_322 = arith.muli %add3A_320, %mul3A_321 : i32
    %add3A_323 = arith.addi %mul3A_322, %select_n3A_30 : i32
    %mul3A_324 = arith.constant 64 : i32
    %mul3A_325 = arith.muli %add3A_323, %mul3A_324 : i32
    %dma_start3A_326 = arith.constant 832 : i32
    %dma_start3A_327 = tpu.memref_slice %arg8[%dma_start3A_326] : memref<1216xf32, #tpu.memory_space<vmem>> -> memref<64xf32, #tpu.memory_space<vmem>>
    %dma_start3A_328 = tpu.memref_slice %arg4[%mul3A_325] : memref<38912xf32, #tpu.memory_space<hbm>> -> memref<64xf32, #tpu.memory_space<hbm>>
    %dma_start3A_329 = tpu.memref_slice %arg4[%mul3A_325] : memref<38912xf32, #tpu.memory_space<hbm>> -> memref<64xf32, #tpu.memory_space<hbm>>
    %dma_start3A_330 = arith.constant 832 : i32
    %dma_start3A_331 = tpu.memref_slice %arg8[%dma_start3A_330] : memref<1216xf32, #tpu.memory_space<vmem>> -> memref<64xf32, #tpu.memory_space<vmem>>
    tpu.enqueue_dma source(%dma_start3A_331 : memref<64xf32, #tpu.memory_space<vmem>>) target(%dma_start3A_329 : memref<64xf32, #tpu.memory_space<hbm>>) target_semaphore(%arg9 : memref<!tpu.dma_semaphore, #tpu.memory_space<semaphore_mem>>)
    %mul3A_332 = arith.constant 19 : i32
    %mul3A_333 = arith.muli %select_n3A, %mul3A_332 : i32
    %add3A_334 = arith.constant 14 : i32
    %add3A_335 = arith.addi %mul3A_333, %add3A_334 : i32
    %mul3A_336 = arith.constant 4 : i32
    %mul3A_337 = arith.muli %add3A_335, %mul3A_336 : i32
    %add3A_338 = arith.addi %mul3A_337, %select_n3A_30 : i32
    %mul3A_339 = arith.constant 64 : i32
    %mul3A_340 = arith.muli %add3A_338, %mul3A_339 : i32
    %dma_start3A_341 = arith.constant 896 : i32
    %dma_start3A_342 = tpu.memref_slice %arg8[%dma_start3A_341] : memref<1216xf32, #tpu.memory_space<vmem>> -> memref<64xf32, #tpu.memory_space<vmem>>
    %dma_start3A_343 = tpu.memref_slice %arg4[%mul3A_340] : memref<38912xf32, #tpu.memory_space<hbm>> -> memref<64xf32, #tpu.memory_space<hbm>>
    %dma_start3A_344 = tpu.memref_slice %arg4[%mul3A_340] : memref<38912xf32, #tpu.memory_space<hbm>> -> memref<64xf32, #tpu.memory_space<hbm>>
    %dma_start3A_345 = arith.constant 896 : i32
    %dma_start3A_346 = tpu.memref_slice %arg8[%dma_start3A_345] : memref<1216xf32, #tpu.memory_space<vmem>> -> memref<64xf32, #tpu.memory_space<vmem>>
    tpu.enqueue_dma source(%dma_start3A_346 : memref<64xf32, #tpu.memory_space<vmem>>) target(%dma_start3A_344 : memref<64xf32, #tpu.memory_space<hbm>>) target_semaphore(%arg9 : memref<!tpu.dma_semaphore, #tpu.memory_space<semaphore_mem>>)
    %mul3A_347 = arith.constant 19 : i32
    %mul3A_348 = arith.muli %select_n3A, %mul3A_347 : i32
    %add3A_349 = arith.constant 15 : i32
    %add3A_350 = arith.addi %mul3A_348, %add3A_349 : i32
    %mul3A_351 = arith.constant 4 : i32
    %mul3A_352 = arith.muli %add3A_350, %mul3A_351 : i32
    %add3A_353 = arith.addi %mul3A_352, %select_n3A_30 : i32
    %mul3A_354 = arith.constant 64 : i32
    %mul3A_355 = arith.muli %add3A_353, %mul3A_354 : i32
    %dma_start3A_356 = arith.constant 960 : i32
    %dma_start3A_357 = tpu.memref_slice %arg8[%dma_start3A_356] : memref<1216xf32, #tpu.memory_space<vmem>> -> memref<64xf32, #tpu.memory_space<vmem>>
    %dma_start3A_358 = tpu.memref_slice %arg4[%mul3A_355] : memref<38912xf32, #tpu.memory_space<hbm>> -> memref<64xf32, #tpu.memory_space<hbm>>
    %dma_start3A_359 = tpu.memref_slice %arg4[%mul3A_355] : memref<38912xf32, #tpu.memory_space<hbm>> -> memref<64xf32, #tpu.memory_space<hbm>>
    %dma_start3A_360 = arith.constant 960 : i32
    %dma_start3A_361 = tpu.memref_slice %arg8[%dma_start3A_360] : memref<1216xf32, #tpu.memory_space<vmem>> -> memref<64xf32, #tpu.memory_space<vmem>>
    tpu.enqueue_dma source(%dma_start3A_361 : memref<64xf32, #tpu.memory_space<vmem>>) target(%dma_start3A_359 : memref<64xf32, #tpu.memory_space<hbm>>) target_semaphore(%arg9 : memref<!tpu.dma_semaphore, #tpu.memory_space<semaphore_mem>>)
    %mul3A_362 = arith.constant 19 : i32
    %mul3A_363 = arith.muli %select_n3A, %mul3A_362 : i32
    %add3A_364 = arith.constant 16 : i32
    %add3A_365 = arith.addi %mul3A_363, %add3A_364 : i32
    %mul3A_366 = arith.constant 4 : i32
    %mul3A_367 = arith.muli %add3A_365, %mul3A_366 : i32
    %add3A_368 = arith.addi %mul3A_367, %select_n3A_30 : i32
    %mul3A_369 = arith.constant 64 : i32
    %mul3A_370 = arith.muli %add3A_368, %mul3A_369 : i32
    %dma_start3A_371 = arith.constant 1024 : i32
    %dma_start3A_372 = tpu.memref_slice %arg8[%dma_start3A_371] : memref<1216xf32, #tpu.memory_space<vmem>> -> memref<64xf32, #tpu.memory_space<vmem>>
    %dma_start3A_373 = tpu.memref_slice %arg4[%mul3A_370] : memref<38912xf32, #tpu.memory_space<hbm>> -> memref<64xf32, #tpu.memory_space<hbm>>
    %dma_start3A_374 = tpu.memref_slice %arg4[%mul3A_370] : memref<38912xf32, #tpu.memory_space<hbm>> -> memref<64xf32, #tpu.memory_space<hbm>>
    %dma_start3A_375 = arith.constant 1024 : i32
    %dma_start3A_376 = tpu.memref_slice %arg8[%dma_start3A_375] : memref<1216xf32, #tpu.memory_space<vmem>> -> memref<64xf32, #tpu.memory_space<vmem>>
    tpu.enqueue_dma source(%dma_start3A_376 : memref<64xf32, #tpu.memory_space<vmem>>) target(%dma_start3A_374 : memref<64xf32, #tpu.memory_space<hbm>>) target_semaphore(%arg9 : memref<!tpu.dma_semaphore, #tpu.memory_space<semaphore_mem>>)
    %mul3A_377 = arith.constant 19 : i32
    %mul3A_378 = arith.muli %select_n3A, %mul3A_377 : i32
    %add3A_379 = arith.constant 17 : i32
    %add3A_380 = arith.addi %mul3A_378, %add3A_379 : i32
    %mul3A_381 = arith.constant 4 : i32
    %mul3A_382 = arith.muli %add3A_380, %mul3A_381 : i32
    %add3A_383 = arith.addi %mul3A_382, %select_n3A_30 : i32
    %mul3A_384 = arith.constant 64 : i32
    %mul3A_385 = arith.muli %add3A_383, %mul3A_384 : i32
    %dma_start3A_386 = arith.constant 1088 : i32
    %dma_start3A_387 = tpu.memref_slice %arg8[%dma_start3A_386] : memref<1216xf32, #tpu.memory_space<vmem>> -> memref<64xf32, #tpu.memory_space<vmem>>
    %dma_start3A_388 = tpu.memref_slice %arg4[%mul3A_385] : memref<38912xf32, #tpu.memory_space<hbm>> -> memref<64xf32, #tpu.memory_space<hbm>>
    %dma_start3A_389 = tpu.memref_slice %arg4[%mul3A_385] : memref<38912xf32, #tpu.memory_space<hbm>> -> memref<64xf32, #tpu.memory_space<hbm>>
    %dma_start3A_390 = arith.constant 1088 : i32
    %dma_start3A_391 = tpu.memref_slice %arg8[%dma_start3A_390] : memref<1216xf32, #tpu.memory_space<vmem>> -> memref<64xf32, #tpu.memory_space<vmem>>
    tpu.enqueue_dma source(%dma_start3A_391 : memref<64xf32, #tpu.memory_space<vmem>>) target(%dma_start3A_389 : memref<64xf32, #tpu.memory_space<hbm>>) target_semaphore(%arg9 : memref<!tpu.dma_semaphore, #tpu.memory_space<semaphore_mem>>)
    %mul3A_392 = arith.constant 19 : i32
    %mul3A_393 = arith.muli %select_n3A, %mul3A_392 : i32
    %add3A_394 = arith.constant 18 : i32
    %add3A_395 = arith.addi %mul3A_393, %add3A_394 : i32
    %mul3A_396 = arith.constant 4 : i32
    %mul3A_397 = arith.muli %add3A_395, %mul3A_396 : i32
    %add3A_398 = arith.addi %mul3A_397, %select_n3A_30 : i32
    %mul3A_399 = arith.constant 64 : i32
    %mul3A_400 = arith.muli %add3A_398, %mul3A_399 : i32
    %dma_start3A_401 = arith.constant 1152 : i32
    %dma_start3A_402 = tpu.memref_slice %arg8[%dma_start3A_401] : memref<1216xf32, #tpu.memory_space<vmem>> -> memref<64xf32, #tpu.memory_space<vmem>>
    %dma_start3A_403 = tpu.memref_slice %arg4[%mul3A_400] : memref<38912xf32, #tpu.memory_space<hbm>> -> memref<64xf32, #tpu.memory_space<hbm>>
    %dma_start3A_404 = tpu.memref_slice %arg4[%mul3A_400] : memref<38912xf32, #tpu.memory_space<hbm>> -> memref<64xf32, #tpu.memory_space<hbm>>
    %dma_start3A_405 = arith.constant 1152 : i32
    %dma_start3A_406 = tpu.memref_slice %arg8[%dma_start3A_405] : memref<1216xf32, #tpu.memory_space<vmem>> -> memref<64xf32, #tpu.memory_space<vmem>>
    tpu.enqueue_dma source(%dma_start3A_406 : memref<64xf32, #tpu.memory_space<vmem>>) target(%dma_start3A_404 : memref<64xf32, #tpu.memory_space<hbm>>) target_semaphore(%arg9 : memref<!tpu.dma_semaphore, #tpu.memory_space<semaphore_mem>>)
    %mul3A_407 = arith.constant 19 : i32
    %mul3A_408 = arith.muli %select_n3A, %mul3A_407 : i32
    %add3A_409 = arith.constant 0 : i32
    %add3A_410 = arith.addi %mul3A_408, %add3A_409 : i32
    %mul3A_411 = arith.constant 4 : i32
    %mul3A_412 = arith.muli %add3A_410, %mul3A_411 : i32
    %add3A_413 = arith.addi %mul3A_412, %select_n3A_30 : i32
    %mul3A_414 = arith.constant 64 : i32
    %mul3A_415 = arith.muli %add3A_413, %mul3A_414 : i32
    %dma_wait3A = arith.constant 0 : i32
    %dma_wait3A_416 = tpu.memref_slice %arg8[%dma_wait3A] : memref<1216xf32, #tpu.memory_space<vmem>> -> memref<64xf32, #tpu.memory_space<vmem>>
    %dma_wait3A_417 = tpu.memref_slice %arg4[%mul3A_415] : memref<38912xf32, #tpu.memory_space<hbm>> -> memref<64xf32, #tpu.memory_space<hbm>>
    %dma_wait3A_418 = tpu.memref_slice %arg4[%mul3A_415] : memref<38912xf32, #tpu.memory_space<hbm>> -> memref<64xf32, #tpu.memory_space<hbm>>
    %dma_wait3A_419 = arith.constant 0 : i32
    %dma_wait3A_420 = tpu.memref_slice %arg8[%dma_wait3A_419] : memref<1216xf32, #tpu.memory_space<vmem>> -> memref<64xf32, #tpu.memory_space<vmem>>
    tpu.wait_dma2 semaphore(%arg9 : memref<!tpu.dma_semaphore, #tpu.memory_space<semaphore_mem>>) src(%dma_wait3A_420 : memref<64xf32, #tpu.memory_space<vmem>>) dst(%dma_wait3A_418 : memref<64xf32, #tpu.memory_space<hbm>>)
    %mul3A_421 = arith.constant 19 : i32
    %mul3A_422 = arith.muli %select_n3A, %mul3A_421 : i32
    %add3A_423 = arith.constant 1 : i32
    %add3A_424 = arith.addi %mul3A_422, %add3A_423 : i32
    %mul3A_425 = arith.constant 4 : i32
    %mul3A_426 = arith.muli %add3A_424, %mul3A_425 : i32
    %add3A_427 = arith.addi %mul3A_426, %select_n3A_30 : i32
    %mul3A_428 = arith.constant 64 : i32
    %mul3A_429 = arith.muli %add3A_427, %mul3A_428 : i32
    %dma_wait3A_430 = arith.constant 64 : i32
    %dma_wait3A_431 = tpu.memref_slice %arg8[%dma_wait3A_430] : memref<1216xf32, #tpu.memory_space<vmem>> -> memref<64xf32, #tpu.memory_space<vmem>>
    %dma_wait3A_432 = tpu.memref_slice %arg4[%mul3A_429] : memref<38912xf32, #tpu.memory_space<hbm>> -> memref<64xf32, #tpu.memory_space<hbm>>
    %dma_wait3A_433 = tpu.memref_slice %arg4[%mul3A_429] : memref<38912xf32, #tpu.memory_space<hbm>> -> memref<64xf32, #tpu.memory_space<hbm>>
    %dma_wait3A_434 = arith.constant 64 : i32
    %dma_wait3A_435 = tpu.memref_slice %arg8[%dma_wait3A_434] : memref<1216xf32, #tpu.memory_space<vmem>> -> memref<64xf32, #tpu.memory_space<vmem>>
    tpu.wait_dma2 semaphore(%arg9 : memref<!tpu.dma_semaphore, #tpu.memory_space<semaphore_mem>>) src(%dma_wait3A_435 : memref<64xf32, #tpu.memory_space<vmem>>) dst(%dma_wait3A_433 : memref<64xf32, #tpu.memory_space<hbm>>)
    %mul3A_436 = arith.constant 19 : i32
    %mul3A_437 = arith.muli %select_n3A, %mul3A_436 : i32
    %add3A_438 = arith.constant 2 : i32
    %add3A_439 = arith.addi %mul3A_437, %add3A_438 : i32
    %mul3A_440 = arith.constant 4 : i32
    %mul3A_441 = arith.muli %add3A_439, %mul3A_440 : i32
    %add3A_442 = arith.addi %mul3A_441, %select_n3A_30 : i32
    %mul3A_443 = arith.constant 64 : i32
    %mul3A_444 = arith.muli %add3A_442, %mul3A_443 : i32
    %dma_wait3A_445 = arith.constant 128 : i32
    %dma_wait3A_446 = tpu.memref_slice %arg8[%dma_wait3A_445] : memref<1216xf32, #tpu.memory_space<vmem>> -> memref<64xf32, #tpu.memory_space<vmem>>
    %dma_wait3A_447 = tpu.memref_slice %arg4[%mul3A_444] : memref<38912xf32, #tpu.memory_space<hbm>> -> memref<64xf32, #tpu.memory_space<hbm>>
    %dma_wait3A_448 = tpu.memref_slice %arg4[%mul3A_444] : memref<38912xf32, #tpu.memory_space<hbm>> -> memref<64xf32, #tpu.memory_space<hbm>>
    %dma_wait3A_449 = arith.constant 128 : i32
    %dma_wait3A_450 = tpu.memref_slice %arg8[%dma_wait3A_449] : memref<1216xf32, #tpu.memory_space<vmem>> -> memref<64xf32, #tpu.memory_space<vmem>>
    tpu.wait_dma2 semaphore(%arg9 : memref<!tpu.dma_semaphore, #tpu.memory_space<semaphore_mem>>) src(%dma_wait3A_450 : memref<64xf32, #tpu.memory_space<vmem>>) dst(%dma_wait3A_448 : memref<64xf32, #tpu.memory_space<hbm>>)
    %mul3A_451 = arith.constant 19 : i32
    %mul3A_452 = arith.muli %select_n3A, %mul3A_451 : i32
    %add3A_453 = arith.constant 3 : i32
    %add3A_454 = arith.addi %mul3A_452, %add3A_453 : i32
    %mul3A_455 = arith.constant 4 : i32
    %mul3A_456 = arith.muli %add3A_454, %mul3A_455 : i32
    %add3A_457 = arith.addi %mul3A_456, %select_n3A_30 : i32
    %mul3A_458 = arith.constant 64 : i32
    %mul3A_459 = arith.muli %add3A_457, %mul3A_458 : i32
    %dma_wait3A_460 = arith.constant 192 : i32
    %dma_wait3A_461 = tpu.memref_slice %arg8[%dma_wait3A_460] : memref<1216xf32, #tpu.memory_space<vmem>> -> memref<64xf32, #tpu.memory_space<vmem>>
    %dma_wait3A_462 = tpu.memref_slice %arg4[%mul3A_459] : memref<38912xf32, #tpu.memory_space<hbm>> -> memref<64xf32, #tpu.memory_space<hbm>>
    %dma_wait3A_463 = tpu.memref_slice %arg4[%mul3A_459] : memref<38912xf32, #tpu.memory_space<hbm>> -> memref<64xf32, #tpu.memory_space<hbm>>
    %dma_wait3A_464 = arith.constant 192 : i32
    %dma_wait3A_465 = tpu.memref_slice %arg8[%dma_wait3A_464] : memref<1216xf32, #tpu.memory_space<vmem>> -> memref<64xf32, #tpu.memory_space<vmem>>
    tpu.wait_dma2 semaphore(%arg9 : memref<!tpu.dma_semaphore, #tpu.memory_space<semaphore_mem>>) src(%dma_wait3A_465 : memref<64xf32, #tpu.memory_space<vmem>>) dst(%dma_wait3A_463 : memref<64xf32, #tpu.memory_space<hbm>>)
    %mul3A_466 = arith.constant 19 : i32
    %mul3A_467 = arith.muli %select_n3A, %mul3A_466 : i32
    %add3A_468 = arith.constant 4 : i32
    %add3A_469 = arith.addi %mul3A_467, %add3A_468 : i32
    %mul3A_470 = arith.constant 4 : i32
    %mul3A_471 = arith.muli %add3A_469, %mul3A_470 : i32
    %add3A_472 = arith.addi %mul3A_471, %select_n3A_30 : i32
    %mul3A_473 = arith.constant 64 : i32
    %mul3A_474 = arith.muli %add3A_472, %mul3A_473 : i32
    %dma_wait3A_475 = arith.constant 256 : i32
    %dma_wait3A_476 = tpu.memref_slice %arg8[%dma_wait3A_475] : memref<1216xf32, #tpu.memory_space<vmem>> -> memref<64xf32, #tpu.memory_space<vmem>>
    %dma_wait3A_477 = tpu.memref_slice %arg4[%mul3A_474] : memref<38912xf32, #tpu.memory_space<hbm>> -> memref<64xf32, #tpu.memory_space<hbm>>
    %dma_wait3A_478 = tpu.memref_slice %arg4[%mul3A_474] : memref<38912xf32, #tpu.memory_space<hbm>> -> memref<64xf32, #tpu.memory_space<hbm>>
    %dma_wait3A_479 = arith.constant 256 : i32
    %dma_wait3A_480 = tpu.memref_slice %arg8[%dma_wait3A_479] : memref<1216xf32, #tpu.memory_space<vmem>> -> memref<64xf32, #tpu.memory_space<vmem>>
    tpu.wait_dma2 semaphore(%arg9 : memref<!tpu.dma_semaphore, #tpu.memory_space<semaphore_mem>>) src(%dma_wait3A_480 : memref<64xf32, #tpu.memory_space<vmem>>) dst(%dma_wait3A_478 : memref<64xf32, #tpu.memory_space<hbm>>)
    %mul3A_481 = arith.constant 19 : i32
    %mul3A_482 = arith.muli %select_n3A, %mul3A_481 : i32
    %add3A_483 = arith.constant 5 : i32
    %add3A_484 = arith.addi %mul3A_482, %add3A_483 : i32
    %mul3A_485 = arith.constant 4 : i32
    %mul3A_486 = arith.muli %add3A_484, %mul3A_485 : i32
    %add3A_487 = arith.addi %mul3A_486, %select_n3A_30 : i32
    %mul3A_488 = arith.constant 64 : i32
    %mul3A_489 = arith.muli %add3A_487, %mul3A_488 : i32
    %dma_wait3A_490 = arith.constant 320 : i32
    %dma_wait3A_491 = tpu.memref_slice %arg8[%dma_wait3A_490] : memref<1216xf32, #tpu.memory_space<vmem>> -> memref<64xf32, #tpu.memory_space<vmem>>
    %dma_wait3A_492 = tpu.memref_slice %arg4[%mul3A_489] : memref<38912xf32, #tpu.memory_space<hbm>> -> memref<64xf32, #tpu.memory_space<hbm>>
    %dma_wait3A_493 = tpu.memref_slice %arg4[%mul3A_489] : memref<38912xf32, #tpu.memory_space<hbm>> -> memref<64xf32, #tpu.memory_space<hbm>>
    %dma_wait3A_494 = arith.constant 320 : i32
    %dma_wait3A_495 = tpu.memref_slice %arg8[%dma_wait3A_494] : memref<1216xf32, #tpu.memory_space<vmem>> -> memref<64xf32, #tpu.memory_space<vmem>>
    tpu.wait_dma2 semaphore(%arg9 : memref<!tpu.dma_semaphore, #tpu.memory_space<semaphore_mem>>) src(%dma_wait3A_495 : memref<64xf32, #tpu.memory_space<vmem>>) dst(%dma_wait3A_493 : memref<64xf32, #tpu.memory_space<hbm>>)
    %mul3A_496 = arith.constant 19 : i32
    %mul3A_497 = arith.muli %select_n3A, %mul3A_496 : i32
    %add3A_498 = arith.constant 6 : i32
    %add3A_499 = arith.addi %mul3A_497, %add3A_498 : i32
    %mul3A_500 = arith.constant 4 : i32
    %mul3A_501 = arith.muli %add3A_499, %mul3A_500 : i32
    %add3A_502 = arith.addi %mul3A_501, %select_n3A_30 : i32
    %mul3A_503 = arith.constant 64 : i32
    %mul3A_504 = arith.muli %add3A_502, %mul3A_503 : i32
    %dma_wait3A_505 = arith.constant 384 : i32
    %dma_wait3A_506 = tpu.memref_slice %arg8[%dma_wait3A_505] : memref<1216xf32, #tpu.memory_space<vmem>> -> memref<64xf32, #tpu.memory_space<vmem>>
    %dma_wait3A_507 = tpu.memref_slice %arg4[%mul3A_504] : memref<38912xf32, #tpu.memory_space<hbm>> -> memref<64xf32, #tpu.memory_space<hbm>>
    %dma_wait3A_508 = tpu.memref_slice %arg4[%mul3A_504] : memref<38912xf32, #tpu.memory_space<hbm>> -> memref<64xf32, #tpu.memory_space<hbm>>
    %dma_wait3A_509 = arith.constant 384 : i32
    %dma_wait3A_510 = tpu.memref_slice %arg8[%dma_wait3A_509] : memref<1216xf32, #tpu.memory_space<vmem>> -> memref<64xf32, #tpu.memory_space<vmem>>
    tpu.wait_dma2 semaphore(%arg9 : memref<!tpu.dma_semaphore, #tpu.memory_space<semaphore_mem>>) src(%dma_wait3A_510 : memref<64xf32, #tpu.memory_space<vmem>>) dst(%dma_wait3A_508 : memref<64xf32, #tpu.memory_space<hbm>>)
    %mul3A_511 = arith.constant 19 : i32
    %mul3A_512 = arith.muli %select_n3A, %mul3A_511 : i32
    %add3A_513 = arith.constant 7 : i32
    %add3A_514 = arith.addi %mul3A_512, %add3A_513 : i32
    %mul3A_515 = arith.constant 4 : i32
    %mul3A_516 = arith.muli %add3A_514, %mul3A_515 : i32
    %add3A_517 = arith.addi %mul3A_516, %select_n3A_30 : i32
    %mul3A_518 = arith.constant 64 : i32
    %mul3A_519 = arith.muli %add3A_517, %mul3A_518 : i32
    %dma_wait3A_520 = arith.constant 448 : i32
    %dma_wait3A_521 = tpu.memref_slice %arg8[%dma_wait3A_520] : memref<1216xf32, #tpu.memory_space<vmem>> -> memref<64xf32, #tpu.memory_space<vmem>>
    %dma_wait3A_522 = tpu.memref_slice %arg4[%mul3A_519] : memref<38912xf32, #tpu.memory_space<hbm>> -> memref<64xf32, #tpu.memory_space<hbm>>
    %dma_wait3A_523 = tpu.memref_slice %arg4[%mul3A_519] : memref<38912xf32, #tpu.memory_space<hbm>> -> memref<64xf32, #tpu.memory_space<hbm>>
    %dma_wait3A_524 = arith.constant 448 : i32
    %dma_wait3A_525 = tpu.memref_slice %arg8[%dma_wait3A_524] : memref<1216xf32, #tpu.memory_space<vmem>> -> memref<64xf32, #tpu.memory_space<vmem>>
    tpu.wait_dma2 semaphore(%arg9 : memref<!tpu.dma_semaphore, #tpu.memory_space<semaphore_mem>>) src(%dma_wait3A_525 : memref<64xf32, #tpu.memory_space<vmem>>) dst(%dma_wait3A_523 : memref<64xf32, #tpu.memory_space<hbm>>)
    %mul3A_526 = arith.constant 19 : i32
    %mul3A_527 = arith.muli %select_n3A, %mul3A_526 : i32
    %add3A_528 = arith.constant 8 : i32
    %add3A_529 = arith.addi %mul3A_527, %add3A_528 : i32
    %mul3A_530 = arith.constant 4 : i32
    %mul3A_531 = arith.muli %add3A_529, %mul3A_530 : i32
    %add3A_532 = arith.addi %mul3A_531, %select_n3A_30 : i32
    %mul3A_533 = arith.constant 64 : i32
    %mul3A_534 = arith.muli %add3A_532, %mul3A_533 : i32
    %dma_wait3A_535 = arith.constant 512 : i32
    %dma_wait3A_536 = tpu.memref_slice %arg8[%dma_wait3A_535] : memref<1216xf32, #tpu.memory_space<vmem>> -> memref<64xf32, #tpu.memory_space<vmem>>
    %dma_wait3A_537 = tpu.memref_slice %arg4[%mul3A_534] : memref<38912xf32, #tpu.memory_space<hbm>> -> memref<64xf32, #tpu.memory_space<hbm>>
    %dma_wait3A_538 = tpu.memref_slice %arg4[%mul3A_534] : memref<38912xf32, #tpu.memory_space<hbm>> -> memref<64xf32, #tpu.memory_space<hbm>>
    %dma_wait3A_539 = arith.constant 512 : i32
    %dma_wait3A_540 = tpu.memref_slice %arg8[%dma_wait3A_539] : memref<1216xf32, #tpu.memory_space<vmem>> -> memref<64xf32, #tpu.memory_space<vmem>>
    tpu.wait_dma2 semaphore(%arg9 : memref<!tpu.dma_semaphore, #tpu.memory_space<semaphore_mem>>) src(%dma_wait3A_540 : memref<64xf32, #tpu.memory_space<vmem>>) dst(%dma_wait3A_538 : memref<64xf32, #tpu.memory_space<hbm>>)
    %mul3A_541 = arith.constant 19 : i32
    %mul3A_542 = arith.muli %select_n3A, %mul3A_541 : i32
    %add3A_543 = arith.constant 9 : i32
    %add3A_544 = arith.addi %mul3A_542, %add3A_543 : i32
    %mul3A_545 = arith.constant 4 : i32
    %mul3A_546 = arith.muli %add3A_544, %mul3A_545 : i32
    %add3A_547 = arith.addi %mul3A_546, %select_n3A_30 : i32
    %mul3A_548 = arith.constant 64 : i32
    %mul3A_549 = arith.muli %add3A_547, %mul3A_548 : i32
    %dma_wait3A_550 = arith.constant 576 : i32
    %dma_wait3A_551 = tpu.memref_slice %arg8[%dma_wait3A_550] : memref<1216xf32, #tpu.memory_space<vmem>> -> memref<64xf32, #tpu.memory_space<vmem>>
    %dma_wait3A_552 = tpu.memref_slice %arg4[%mul3A_549] : memref<38912xf32, #tpu.memory_space<hbm>> -> memref<64xf32, #tpu.memory_space<hbm>>
    %dma_wait3A_553 = tpu.memref_slice %arg4[%mul3A_549] : memref<38912xf32, #tpu.memory_space<hbm>> -> memref<64xf32, #tpu.memory_space<hbm>>
    %dma_wait3A_554 = arith.constant 576 : i32
    %dma_wait3A_555 = tpu.memref_slice %arg8[%dma_wait3A_554] : memref<1216xf32, #tpu.memory_space<vmem>> -> memref<64xf32, #tpu.memory_space<vmem>>
    tpu.wait_dma2 semaphore(%arg9 : memref<!tpu.dma_semaphore, #tpu.memory_space<semaphore_mem>>) src(%dma_wait3A_555 : memref<64xf32, #tpu.memory_space<vmem>>) dst(%dma_wait3A_553 : memref<64xf32, #tpu.memory_space<hbm>>)
    %mul3A_556 = arith.constant 19 : i32
    %mul3A_557 = arith.muli %select_n3A, %mul3A_556 : i32
    %add3A_558 = arith.constant 10 : i32
    %add3A_559 = arith.addi %mul3A_557, %add3A_558 : i32
    %mul3A_560 = arith.constant 4 : i32
    %mul3A_561 = arith.muli %add3A_559, %mul3A_560 : i32
    %add3A_562 = arith.addi %mul3A_561, %select_n3A_30 : i32
    %mul3A_563 = arith.constant 64 : i32
    %mul3A_564 = arith.muli %add3A_562, %mul3A_563 : i32
    %dma_wait3A_565 = arith.constant 640 : i32
    %dma_wait3A_566 = tpu.memref_slice %arg8[%dma_wait3A_565] : memref<1216xf32, #tpu.memory_space<vmem>> -> memref<64xf32, #tpu.memory_space<vmem>>
    %dma_wait3A_567 = tpu.memref_slice %arg4[%mul3A_564] : memref<38912xf32, #tpu.memory_space<hbm>> -> memref<64xf32, #tpu.memory_space<hbm>>
    %dma_wait3A_568 = tpu.memref_slice %arg4[%mul3A_564] : memref<38912xf32, #tpu.memory_space<hbm>> -> memref<64xf32, #tpu.memory_space<hbm>>
    %dma_wait3A_569 = arith.constant 640 : i32
    %dma_wait3A_570 = tpu.memref_slice %arg8[%dma_wait3A_569] : memref<1216xf32, #tpu.memory_space<vmem>> -> memref<64xf32, #tpu.memory_space<vmem>>
    tpu.wait_dma2 semaphore(%arg9 : memref<!tpu.dma_semaphore, #tpu.memory_space<semaphore_mem>>) src(%dma_wait3A_570 : memref<64xf32, #tpu.memory_space<vmem>>) dst(%dma_wait3A_568 : memref<64xf32, #tpu.memory_space<hbm>>)
    %mul3A_571 = arith.constant 19 : i32
    %mul3A_572 = arith.muli %select_n3A, %mul3A_571 : i32
    %add3A_573 = arith.constant 11 : i32
    %add3A_574 = arith.addi %mul3A_572, %add3A_573 : i32
    %mul3A_575 = arith.constant 4 : i32
    %mul3A_576 = arith.muli %add3A_574, %mul3A_575 : i32
    %add3A_577 = arith.addi %mul3A_576, %select_n3A_30 : i32
    %mul3A_578 = arith.constant 64 : i32
    %mul3A_579 = arith.muli %add3A_577, %mul3A_578 : i32
    %dma_wait3A_580 = arith.constant 704 : i32
    %dma_wait3A_581 = tpu.memref_slice %arg8[%dma_wait3A_580] : memref<1216xf32, #tpu.memory_space<vmem>> -> memref<64xf32, #tpu.memory_space<vmem>>
    %dma_wait3A_582 = tpu.memref_slice %arg4[%mul3A_579] : memref<38912xf32, #tpu.memory_space<hbm>> -> memref<64xf32, #tpu.memory_space<hbm>>
    %dma_wait3A_583 = tpu.memref_slice %arg4[%mul3A_579] : memref<38912xf32, #tpu.memory_space<hbm>> -> memref<64xf32, #tpu.memory_space<hbm>>
    %dma_wait3A_584 = arith.constant 704 : i32
    %dma_wait3A_585 = tpu.memref_slice %arg8[%dma_wait3A_584] : memref<1216xf32, #tpu.memory_space<vmem>> -> memref<64xf32, #tpu.memory_space<vmem>>
    tpu.wait_dma2 semaphore(%arg9 : memref<!tpu.dma_semaphore, #tpu.memory_space<semaphore_mem>>) src(%dma_wait3A_585 : memref<64xf32, #tpu.memory_space<vmem>>) dst(%dma_wait3A_583 : memref<64xf32, #tpu.memory_space<hbm>>)
    %mul3A_586 = arith.constant 19 : i32
    %mul3A_587 = arith.muli %select_n3A, %mul3A_586 : i32
    %add3A_588 = arith.constant 12 : i32
    %add3A_589 = arith.addi %mul3A_587, %add3A_588 : i32
    %mul3A_590 = arith.constant 4 : i32
    %mul3A_591 = arith.muli %add3A_589, %mul3A_590 : i32
    %add3A_592 = arith.addi %mul3A_591, %select_n3A_30 : i32
    %mul3A_593 = arith.constant 64 : i32
    %mul3A_594 = arith.muli %add3A_592, %mul3A_593 : i32
    %dma_wait3A_595 = arith.constant 768 : i32
    %dma_wait3A_596 = tpu.memref_slice %arg8[%dma_wait3A_595] : memref<1216xf32, #tpu.memory_space<vmem>> -> memref<64xf32, #tpu.memory_space<vmem>>
    %dma_wait3A_597 = tpu.memref_slice %arg4[%mul3A_594] : memref<38912xf32, #tpu.memory_space<hbm>> -> memref<64xf32, #tpu.memory_space<hbm>>
    %dma_wait3A_598 = tpu.memref_slice %arg4[%mul3A_594] : memref<38912xf32, #tpu.memory_space<hbm>> -> memref<64xf32, #tpu.memory_space<hbm>>
    %dma_wait3A_599 = arith.constant 768 : i32
    %dma_wait3A_600 = tpu.memref_slice %arg8[%dma_wait3A_599] : memref<1216xf32, #tpu.memory_space<vmem>> -> memref<64xf32, #tpu.memory_space<vmem>>
    tpu.wait_dma2 semaphore(%arg9 : memref<!tpu.dma_semaphore, #tpu.memory_space<semaphore_mem>>) src(%dma_wait3A_600 : memref<64xf32, #tpu.memory_space<vmem>>) dst(%dma_wait3A_598 : memref<64xf32, #tpu.memory_space<hbm>>)
    %mul3A_601 = arith.constant 19 : i32
    %mul3A_602 = arith.muli %select_n3A, %mul3A_601 : i32
    %add3A_603 = arith.constant 13 : i32
    %add3A_604 = arith.addi %mul3A_602, %add3A_603 : i32
    %mul3A_605 = arith.constant 4 : i32
    %mul3A_606 = arith.muli %add3A_604, %mul3A_605 : i32
    %add3A_607 = arith.addi %mul3A_606, %select_n3A_30 : i32
    %mul3A_608 = arith.constant 64 : i32
    %mul3A_609 = arith.muli %add3A_607, %mul3A_608 : i32
    %dma_wait3A_610 = arith.constant 832 : i32
    %dma_wait3A_611 = tpu.memref_slice %arg8[%dma_wait3A_610] : memref<1216xf32, #tpu.memory_space<vmem>> -> memref<64xf32, #tpu.memory_space<vmem>>
    %dma_wait3A_612 = tpu.memref_slice %arg4[%mul3A_609] : memref<38912xf32, #tpu.memory_space<hbm>> -> memref<64xf32, #tpu.memory_space<hbm>>
    %dma_wait3A_613 = tpu.memref_slice %arg4[%mul3A_609] : memref<38912xf32, #tpu.memory_space<hbm>> -> memref<64xf32, #tpu.memory_space<hbm>>
    %dma_wait3A_614 = arith.constant 832 : i32
    %dma_wait3A_615 = tpu.memref_slice %arg8[%dma_wait3A_614] : memref<1216xf32, #tpu.memory_space<vmem>> -> memref<64xf32, #tpu.memory_space<vmem>>
    tpu.wait_dma2 semaphore(%arg9 : memref<!tpu.dma_semaphore, #tpu.memory_space<semaphore_mem>>) src(%dma_wait3A_615 : memref<64xf32, #tpu.memory_space<vmem>>) dst(%dma_wait3A_613 : memref<64xf32, #tpu.memory_space<hbm>>)
    %mul3A_616 = arith.constant 19 : i32
    %mul3A_617 = arith.muli %select_n3A, %mul3A_616 : i32
    %add3A_618 = arith.constant 14 : i32
    %add3A_619 = arith.addi %mul3A_617, %add3A_618 : i32
    %mul3A_620 = arith.constant 4 : i32
    %mul3A_621 = arith.muli %add3A_619, %mul3A_620 : i32
    %add3A_622 = arith.addi %mul3A_621, %select_n3A_30 : i32
    %mul3A_623 = arith.constant 64 : i32
    %mul3A_624 = arith.muli %add3A_622, %mul3A_623 : i32
    %dma_wait3A_625 = arith.constant 896 : i32
    %dma_wait3A_626 = tpu.memref_slice %arg8[%dma_wait3A_625] : memref<1216xf32, #tpu.memory_space<vmem>> -> memref<64xf32, #tpu.memory_space<vmem>>
    %dma_wait3A_627 = tpu.memref_slice %arg4[%mul3A_624] : memref<38912xf32, #tpu.memory_space<hbm>> -> memref<64xf32, #tpu.memory_space<hbm>>
    %dma_wait3A_628 = tpu.memref_slice %arg4[%mul3A_624] : memref<38912xf32, #tpu.memory_space<hbm>> -> memref<64xf32, #tpu.memory_space<hbm>>
    %dma_wait3A_629 = arith.constant 896 : i32
    %dma_wait3A_630 = tpu.memref_slice %arg8[%dma_wait3A_629] : memref<1216xf32, #tpu.memory_space<vmem>> -> memref<64xf32, #tpu.memory_space<vmem>>
    tpu.wait_dma2 semaphore(%arg9 : memref<!tpu.dma_semaphore, #tpu.memory_space<semaphore_mem>>) src(%dma_wait3A_630 : memref<64xf32, #tpu.memory_space<vmem>>) dst(%dma_wait3A_628 : memref<64xf32, #tpu.memory_space<hbm>>)
    %mul3A_631 = arith.constant 19 : i32
    %mul3A_632 = arith.muli %select_n3A, %mul3A_631 : i32
    %add3A_633 = arith.constant 15 : i32
    %add3A_634 = arith.addi %mul3A_632, %add3A_633 : i32
    %mul3A_635 = arith.constant 4 : i32
    %mul3A_636 = arith.muli %add3A_634, %mul3A_635 : i32
    %add3A_637 = arith.addi %mul3A_636, %select_n3A_30 : i32
    %mul3A_638 = arith.constant 64 : i32
    %mul3A_639 = arith.muli %add3A_637, %mul3A_638 : i32
    %dma_wait3A_640 = arith.constant 960 : i32
    %dma_wait3A_641 = tpu.memref_slice %arg8[%dma_wait3A_640] : memref<1216xf32, #tpu.memory_space<vmem>> -> memref<64xf32, #tpu.memory_space<vmem>>
    %dma_wait3A_642 = tpu.memref_slice %arg4[%mul3A_639] : memref<38912xf32, #tpu.memory_space<hbm>> -> memref<64xf32, #tpu.memory_space<hbm>>
    %dma_wait3A_643 = tpu.memref_slice %arg4[%mul3A_639] : memref<38912xf32, #tpu.memory_space<hbm>> -> memref<64xf32, #tpu.memory_space<hbm>>
    %dma_wait3A_644 = arith.constant 960 : i32
    %dma_wait3A_645 = tpu.memref_slice %arg8[%dma_wait3A_644] : memref<1216xf32, #tpu.memory_space<vmem>> -> memref<64xf32, #tpu.memory_space<vmem>>
    tpu.wait_dma2 semaphore(%arg9 : memref<!tpu.dma_semaphore, #tpu.memory_space<semaphore_mem>>) src(%dma_wait3A_645 : memref<64xf32, #tpu.memory_space<vmem>>) dst(%dma_wait3A_643 : memref<64xf32, #tpu.memory_space<hbm>>)
    %mul3A_646 = arith.constant 19 : i32
    %mul3A_647 = arith.muli %select_n3A, %mul3A_646 : i32
    %add3A_648 = arith.constant 16 : i32
    %add3A_649 = arith.addi %mul3A_647, %add3A_648 : i32
    %mul3A_650 = arith.constant 4 : i32
    %mul3A_651 = arith.muli %add3A_649, %mul3A_650 : i32
    %add3A_652 = arith.addi %mul3A_651, %select_n3A_30 : i32
    %mul3A_653 = arith.constant 64 : i32
    %mul3A_654 = arith.muli %add3A_652, %mul3A_653 : i32
    %dma_wait3A_655 = arith.constant 1024 : i32
    %dma_wait3A_656 = tpu.memref_slice %arg8[%dma_wait3A_655] : memref<1216xf32, #tpu.memory_space<vmem>> -> memref<64xf32, #tpu.memory_space<vmem>>
    %dma_wait3A_657 = tpu.memref_slice %arg4[%mul3A_654] : memref<38912xf32, #tpu.memory_space<hbm>> -> memref<64xf32, #tpu.memory_space<hbm>>
    %dma_wait3A_658 = tpu.memref_slice %arg4[%mul3A_654] : memref<38912xf32, #tpu.memory_space<hbm>> -> memref<64xf32, #tpu.memory_space<hbm>>
    %dma_wait3A_659 = arith.constant 1024 : i32
    %dma_wait3A_660 = tpu.memref_slice %arg8[%dma_wait3A_659] : memref<1216xf32, #tpu.memory_space<vmem>> -> memref<64xf32, #tpu.memory_space<vmem>>
    tpu.wait_dma2 semaphore(%arg9 : memref<!tpu.dma_semaphore, #tpu.memory_space<semaphore_mem>>) src(%dma_wait3A_660 : memref<64xf32, #tpu.memory_space<vmem>>) dst(%dma_wait3A_658 : memref<64xf32, #tpu.memory_space<hbm>>)
    %mul3A_661 = arith.constant 19 : i32
    %mul3A_662 = arith.muli %select_n3A, %mul3A_661 : i32
    %add3A_663 = arith.constant 17 : i32
    %add3A_664 = arith.addi %mul3A_662, %add3A_663 : i32
    %mul3A_665 = arith.constant 4 : i32
    %mul3A_666 = arith.muli %add3A_664, %mul3A_665 : i32
    %add3A_667 = arith.addi %mul3A_666, %select_n3A_30 : i32
    %mul3A_668 = arith.constant 64 : i32
    %mul3A_669 = arith.muli %add3A_667, %mul3A_668 : i32
    %dma_wait3A_670 = arith.constant 1088 : i32
    %dma_wait3A_671 = tpu.memref_slice %arg8[%dma_wait3A_670] : memref<1216xf32, #tpu.memory_space<vmem>> -> memref<64xf32, #tpu.memory_space<vmem>>
    %dma_wait3A_672 = tpu.memref_slice %arg4[%mul3A_669] : memref<38912xf32, #tpu.memory_space<hbm>> -> memref<64xf32, #tpu.memory_space<hbm>>
    %dma_wait3A_673 = tpu.memref_slice %arg4[%mul3A_669] : memref<38912xf32, #tpu.memory_space<hbm>> -> memref<64xf32, #tpu.memory_space<hbm>>
    %dma_wait3A_674 = arith.constant 1088 : i32
    %dma_wait3A_675 = tpu.memref_slice %arg8[%dma_wait3A_674] : memref<1216xf32, #tpu.memory_space<vmem>> -> memref<64xf32, #tpu.memory_space<vmem>>
    tpu.wait_dma2 semaphore(%arg9 : memref<!tpu.dma_semaphore, #tpu.memory_space<semaphore_mem>>) src(%dma_wait3A_675 : memref<64xf32, #tpu.memory_space<vmem>>) dst(%dma_wait3A_673 : memref<64xf32, #tpu.memory_space<hbm>>)
    %mul3A_676 = arith.constant 19 : i32
    %mul3A_677 = arith.muli %select_n3A, %mul3A_676 : i32
    %add3A_678 = arith.constant 18 : i32
    %add3A_679 = arith.addi %mul3A_677, %add3A_678 : i32
    %mul3A_680 = arith.constant 4 : i32
    %mul3A_681 = arith.muli %add3A_679, %mul3A_680 : i32
    %add3A_682 = arith.addi %mul3A_681, %select_n3A_30 : i32
    %mul3A_683 = arith.constant 64 : i32
    %mul3A_684 = arith.muli %add3A_682, %mul3A_683 : i32
    %dma_wait3A_685 = arith.constant 1152 : i32
    %dma_wait3A_686 = tpu.memref_slice %arg8[%dma_wait3A_685] : memref<1216xf32, #tpu.memory_space<vmem>> -> memref<64xf32, #tpu.memory_space<vmem>>
    %dma_wait3A_687 = tpu.memref_slice %arg4[%mul3A_684] : memref<38912xf32, #tpu.memory_space<hbm>> -> memref<64xf32, #tpu.memory_space<hbm>>
    %dma_wait3A_688 = tpu.memref_slice %arg4[%mul3A_684] : memref<38912xf32, #tpu.memory_space<hbm>> -> memref<64xf32, #tpu.memory_space<hbm>>
    %dma_wait3A_689 = arith.constant 1152 : i32
    %dma_wait3A_690 = tpu.memref_slice %arg8[%dma_wait3A_689] : memref<1216xf32, #tpu.memory_space<vmem>> -> memref<64xf32, #tpu.memory_space<vmem>>
    tpu.wait_dma2 semaphore(%arg9 : memref<!tpu.dma_semaphore, #tpu.memory_space<semaphore_mem>>) src(%dma_wait3A_690 : memref<64xf32, #tpu.memory_space<vmem>>) dst(%dma_wait3A_688 : memref<64xf32, #tpu.memory_space<hbm>>)
    return
  }
}

#map = affine_map<(d0, d1) -> (0)>
#map1 = affine_map<(d0, d1) -> (0, 0)>
module attributes {stable_mosaic.version = 14 : i64} {
  func.func @_argmax_body(%arg0: i32, %arg1: i32, %arg2: memref<2490368xf32, #tpu.memory_space<hbm>>, %arg3: memref<131072xi32, #tpu.memory_space<hbm>>, %arg4: memref<32x32xf32, #tpu.memory_space<hbm>>, %arg5: memref<77824xf32, #tpu.memory_space<vmem>>, %arg6: memref<4096xi32, #tpu.memory_space<vmem>>, %arg7: memref<304xf32, #tpu.memory_space<vmem>>, %arg8: memref<32xf32, #tpu.memory_space<vmem>>, %arg9: memref<!tpu.dma_semaphore, #tpu.memory_space<semaphore_mem>>) attributes {dimension_semantics = [#tpu.dimension_semantics<core_parallel>, #tpu.dimension_semantics<subcore_parallel>], iteration_bounds = array<i64: 2, 16>, scalar_prefetch = 0 : i64, scratch_operands = 5 : i64, tpu.core_type = #tpu.core_type<sc_vector_subcore>, window_params = [{transform_indices = #map}, {transform_indices = #map}, {transform_indices = #map1}]} {
    %mul3A = arith.constant 2 : i32
    %mul3A_0 = arith.muli %arg1, %mul3A : i32
    %add3A = arith.addi %mul3A_0, %arg0 : i32
    %jit3A = arith.constant 4 : i32
    %div3A = arith.divsi %add3A, %jit3A : i32
    %sign3A = arith.constant 0 : i32
    %sign3A_1 = arith.cmpi sgt, %add3A, %sign3A : i32
    %sign3A_2 = arith.extui %sign3A_1 : i1 to i32
    %sign3A_3 = arith.constant 0 : i32
    %sign3A_4 = arith.cmpi slt, %add3A, %sign3A_3 : i32
    %sign3A_5 = arith.extui %sign3A_4 : i1 to i32
    %sign3A_6 = arith.subi %sign3A_2, %sign3A_5 : i32
    %sign3A_7 = arith.constant 0 : i32
    %sign3A_8 = arith.cmpi sgt, %jit3A, %sign3A_7 : i32
    %sign3A_9 = arith.extui %sign3A_8 : i1 to i32
    %sign3A_10 = arith.constant 0 : i32
    %sign3A_11 = arith.cmpi slt, %jit3A, %sign3A_10 : i32
    %sign3A_12 = arith.extui %sign3A_11 : i1 to i32
    %sign3A_13 = arith.subi %sign3A_9, %sign3A_12 : i32
    %ne3A = arith.cmpi ne, %sign3A_6, %sign3A_13 : i32
    %rem3A = arith.remsi %add3A, %jit3A : i32
    %ne3A_14 = arith.constant 0 : i32
    %ne3A_15 = arith.cmpi ne, %rem3A, %ne3A_14 : i32
    %and3A = arith.andi %ne3A, %ne3A_15 : i1
    %sub3A = arith.constant 1 : i32
    %sub3A_16 = arith.subi %div3A, %sub3A : i32
    %select_n3A = arith.select %and3A, %sub3A_16, %div3A : i32
    %jit3A_17 = arith.constant 4 : i32
    %eq3A = arith.constant 0 : i32
    %eq3A_18 = arith.cmpi eq, %jit3A_17, %eq3A : i32
    %jit3A_19 = arith.constant 1 : i32
    %select_n3A_20 = arith.select %eq3A_18, %jit3A_19, %jit3A_17 : i32
    %rem3A_21 = arith.remsi %add3A, %select_n3A_20 : i32
    %ne3A_22 = arith.constant 0 : i32
    %ne3A_23 = arith.cmpi ne, %rem3A_21, %ne3A_22 : i32
    %lt3A = arith.constant 0 : i32
    %lt3A_24 = arith.cmpi slt, %rem3A_21, %lt3A : i32
    %lt3A_25 = arith.constant 0 : i32
    %lt3A_26 = arith.cmpi slt, %select_n3A_20, %lt3A_25 : i32
    %ne3A_27 = arith.xori %lt3A_24, %lt3A_26 : i1
    %and3A_28 = arith.andi %ne3A_27, %ne3A_23 : i1
    %add3A_29 = arith.addi %rem3A_21, %select_n3A_20 : i32
    %select_n3A_30 = arith.select %and3A_28, %add3A_29, %rem3A_21 : i32
    %mul3A_31 = arith.constant 311296 : i32
    %mul3A_32 = arith.muli %select_n3A, %mul3A_31 : i32
    %mul3A_33 = arith.constant 4096 : i32
    %mul3A_34 = arith.muli %select_n3A_30, %mul3A_33 : i32
    %add3A_35 = arith.addi %mul3A_32, %mul3A_34 : i32
    %add3A_36 = arith.constant 0 : i32
    %add3A_37 = arith.addi %add3A_35, %add3A_36 : i32
    %dma_start3A = arith.constant 0 : i32
    %dma_start3A_38 = tpu.memref_slice %arg5[%dma_start3A] : memref<77824xf32, #tpu.memory_space<vmem>> -> memref<4096xf32, #tpu.memory_space<vmem>>
    %dma_start3A_39 = tpu.memref_slice %arg2[%add3A_37] : memref<2490368xf32, #tpu.memory_space<hbm>> -> memref<4096xf32, #tpu.memory_space<hbm>>
    %dma_start3A_40 = arith.constant 0 : i32
    %dma_start3A_41 = tpu.memref_slice %arg5[%dma_start3A_40] : memref<77824xf32, #tpu.memory_space<vmem>> -> memref<4096xf32, #tpu.memory_space<vmem>>
    %dma_start3A_42 = tpu.memref_slice %arg2[%add3A_37] : memref<2490368xf32, #tpu.memory_space<hbm>> -> memref<4096xf32, #tpu.memory_space<hbm>>
    tpu.enqueue_dma source(%dma_start3A_42 : memref<4096xf32, #tpu.memory_space<hbm>>) target(%dma_start3A_41 : memref<4096xf32, #tpu.memory_space<vmem>>) target_semaphore(%arg9 : memref<!tpu.dma_semaphore, #tpu.memory_space<semaphore_mem>>)
    %add3A_43 = arith.constant 16384 : i32
    %add3A_44 = arith.addi %add3A_35, %add3A_43 : i32
    %dma_start3A_45 = arith.constant 4096 : i32
    %dma_start3A_46 = tpu.memref_slice %arg5[%dma_start3A_45] : memref<77824xf32, #tpu.memory_space<vmem>> -> memref<4096xf32, #tpu.memory_space<vmem>>
    %dma_start3A_47 = tpu.memref_slice %arg2[%add3A_44] : memref<2490368xf32, #tpu.memory_space<hbm>> -> memref<4096xf32, #tpu.memory_space<hbm>>
    %dma_start3A_48 = arith.constant 4096 : i32
    %dma_start3A_49 = tpu.memref_slice %arg5[%dma_start3A_48] : memref<77824xf32, #tpu.memory_space<vmem>> -> memref<4096xf32, #tpu.memory_space<vmem>>
    %dma_start3A_50 = tpu.memref_slice %arg2[%add3A_44] : memref<2490368xf32, #tpu.memory_space<hbm>> -> memref<4096xf32, #tpu.memory_space<hbm>>
    tpu.enqueue_dma source(%dma_start3A_50 : memref<4096xf32, #tpu.memory_space<hbm>>) target(%dma_start3A_49 : memref<4096xf32, #tpu.memory_space<vmem>>) target_semaphore(%arg9 : memref<!tpu.dma_semaphore, #tpu.memory_space<semaphore_mem>>)
    %add3A_51 = arith.constant 32768 : i32
    %add3A_52 = arith.addi %add3A_35, %add3A_51 : i32
    %dma_start3A_53 = arith.constant 8192 : i32
    %dma_start3A_54 = tpu.memref_slice %arg5[%dma_start3A_53] : memref<77824xf32, #tpu.memory_space<vmem>> -> memref<4096xf32, #tpu.memory_space<vmem>>
    %dma_start3A_55 = tpu.memref_slice %arg2[%add3A_52] : memref<2490368xf32, #tpu.memory_space<hbm>> -> memref<4096xf32, #tpu.memory_space<hbm>>
    %dma_start3A_56 = arith.constant 8192 : i32
    %dma_start3A_57 = tpu.memref_slice %arg5[%dma_start3A_56] : memref<77824xf32, #tpu.memory_space<vmem>> -> memref<4096xf32, #tpu.memory_space<vmem>>
    %dma_start3A_58 = tpu.memref_slice %arg2[%add3A_52] : memref<2490368xf32, #tpu.memory_space<hbm>> -> memref<4096xf32, #tpu.memory_space<hbm>>
    tpu.enqueue_dma source(%dma_start3A_58 : memref<4096xf32, #tpu.memory_space<hbm>>) target(%dma_start3A_57 : memref<4096xf32, #tpu.memory_space<vmem>>) target_semaphore(%arg9 : memref<!tpu.dma_semaphore, #tpu.memory_space<semaphore_mem>>)
    %add3A_59 = arith.constant 49152 : i32
    %add3A_60 = arith.addi %add3A_35, %add3A_59 : i32
    %dma_start3A_61 = arith.constant 12288 : i32
    %dma_start3A_62 = tpu.memref_slice %arg5[%dma_start3A_61] : memref<77824xf32, #tpu.memory_space<vmem>> -> memref<4096xf32, #tpu.memory_space<vmem>>
    %dma_start3A_63 = tpu.memref_slice %arg2[%add3A_60] : memref<2490368xf32, #tpu.memory_space<hbm>> -> memref<4096xf32, #tpu.memory_space<hbm>>
    %dma_start3A_64 = arith.constant 12288 : i32
    %dma_start3A_65 = tpu.memref_slice %arg5[%dma_start3A_64] : memref<77824xf32, #tpu.memory_space<vmem>> -> memref<4096xf32, #tpu.memory_space<vmem>>
    %dma_start3A_66 = tpu.memref_slice %arg2[%add3A_60] : memref<2490368xf32, #tpu.memory_space<hbm>> -> memref<4096xf32, #tpu.memory_space<hbm>>
    tpu.enqueue_dma source(%dma_start3A_66 : memref<4096xf32, #tpu.memory_space<hbm>>) target(%dma_start3A_65 : memref<4096xf32, #tpu.memory_space<vmem>>) target_semaphore(%arg9 : memref<!tpu.dma_semaphore, #tpu.memory_space<semaphore_mem>>)
    %add3A_67 = arith.constant 65536 : i32
    %add3A_68 = arith.addi %add3A_35, %add3A_67 : i32
    %dma_start3A_69 = arith.constant 16384 : i32
    %dma_start3A_70 = tpu.memref_slice %arg5[%dma_start3A_69] : memref<77824xf32, #tpu.memory_space<vmem>> -> memref<4096xf32, #tpu.memory_space<vmem>>
    %dma_start3A_71 = tpu.memref_slice %arg2[%add3A_68] : memref<2490368xf32, #tpu.memory_space<hbm>> -> memref<4096xf32, #tpu.memory_space<hbm>>
    %dma_start3A_72 = arith.constant 16384 : i32
    %dma_start3A_73 = tpu.memref_slice %arg5[%dma_start3A_72] : memref<77824xf32, #tpu.memory_space<vmem>> -> memref<4096xf32, #tpu.memory_space<vmem>>
    %dma_start3A_74 = tpu.memref_slice %arg2[%add3A_68] : memref<2490368xf32, #tpu.memory_space<hbm>> -> memref<4096xf32, #tpu.memory_space<hbm>>
    tpu.enqueue_dma source(%dma_start3A_74 : memref<4096xf32, #tpu.memory_space<hbm>>) target(%dma_start3A_73 : memref<4096xf32, #tpu.memory_space<vmem>>) target_semaphore(%arg9 : memref<!tpu.dma_semaphore, #tpu.memory_space<semaphore_mem>>)
    %add3A_75 = arith.constant 81920 : i32
    %add3A_76 = arith.addi %add3A_35, %add3A_75 : i32
    %dma_start3A_77 = arith.constant 20480 : i32
    %dma_start3A_78 = tpu.memref_slice %arg5[%dma_start3A_77] : memref<77824xf32, #tpu.memory_space<vmem>> -> memref<4096xf32, #tpu.memory_space<vmem>>
    %dma_start3A_79 = tpu.memref_slice %arg2[%add3A_76] : memref<2490368xf32, #tpu.memory_space<hbm>> -> memref<4096xf32, #tpu.memory_space<hbm>>
    %dma_start3A_80 = arith.constant 20480 : i32
    %dma_start3A_81 = tpu.memref_slice %arg5[%dma_start3A_80] : memref<77824xf32, #tpu.memory_space<vmem>> -> memref<4096xf32, #tpu.memory_space<vmem>>
    %dma_start3A_82 = tpu.memref_slice %arg2[%add3A_76] : memref<2490368xf32, #tpu.memory_space<hbm>> -> memref<4096xf32, #tpu.memory_space<hbm>>
    tpu.enqueue_dma source(%dma_start3A_82 : memref<4096xf32, #tpu.memory_space<hbm>>) target(%dma_start3A_81 : memref<4096xf32, #tpu.memory_space<vmem>>) target_semaphore(%arg9 : memref<!tpu.dma_semaphore, #tpu.memory_space<semaphore_mem>>)
    %add3A_83 = arith.constant 98304 : i32
    %add3A_84 = arith.addi %add3A_35, %add3A_83 : i32
    %dma_start3A_85 = arith.constant 24576 : i32
    %dma_start3A_86 = tpu.memref_slice %arg5[%dma_start3A_85] : memref<77824xf32, #tpu.memory_space<vmem>> -> memref<4096xf32, #tpu.memory_space<vmem>>
    %dma_start3A_87 = tpu.memref_slice %arg2[%add3A_84] : memref<2490368xf32, #tpu.memory_space<hbm>> -> memref<4096xf32, #tpu.memory_space<hbm>>
    %dma_start3A_88 = arith.constant 24576 : i32
    %dma_start3A_89 = tpu.memref_slice %arg5[%dma_start3A_88] : memref<77824xf32, #tpu.memory_space<vmem>> -> memref<4096xf32, #tpu.memory_space<vmem>>
    %dma_start3A_90 = tpu.memref_slice %arg2[%add3A_84] : memref<2490368xf32, #tpu.memory_space<hbm>> -> memref<4096xf32, #tpu.memory_space<hbm>>
    tpu.enqueue_dma source(%dma_start3A_90 : memref<4096xf32, #tpu.memory_space<hbm>>) target(%dma_start3A_89 : memref<4096xf32, #tpu.memory_space<vmem>>) target_semaphore(%arg9 : memref<!tpu.dma_semaphore, #tpu.memory_space<semaphore_mem>>)
    %add3A_91 = arith.constant 114688 : i32
    %add3A_92 = arith.addi %add3A_35, %add3A_91 : i32
    %dma_start3A_93 = arith.constant 28672 : i32
    %dma_start3A_94 = tpu.memref_slice %arg5[%dma_start3A_93] : memref<77824xf32, #tpu.memory_space<vmem>> -> memref<4096xf32, #tpu.memory_space<vmem>>
    %dma_start3A_95 = tpu.memref_slice %arg2[%add3A_92] : memref<2490368xf32, #tpu.memory_space<hbm>> -> memref<4096xf32, #tpu.memory_space<hbm>>
    %dma_start3A_96 = arith.constant 28672 : i32
    %dma_start3A_97 = tpu.memref_slice %arg5[%dma_start3A_96] : memref<77824xf32, #tpu.memory_space<vmem>> -> memref<4096xf32, #tpu.memory_space<vmem>>
    %dma_start3A_98 = tpu.memref_slice %arg2[%add3A_92] : memref<2490368xf32, #tpu.memory_space<hbm>> -> memref<4096xf32, #tpu.memory_space<hbm>>
    tpu.enqueue_dma source(%dma_start3A_98 : memref<4096xf32, #tpu.memory_space<hbm>>) target(%dma_start3A_97 : memref<4096xf32, #tpu.memory_space<vmem>>) target_semaphore(%arg9 : memref<!tpu.dma_semaphore, #tpu.memory_space<semaphore_mem>>)
    %add3A_99 = arith.constant 131072 : i32
    %add3A_100 = arith.addi %add3A_35, %add3A_99 : i32
    %dma_start3A_101 = arith.constant 32768 : i32
    %dma_start3A_102 = tpu.memref_slice %arg5[%dma_start3A_101] : memref<77824xf32, #tpu.memory_space<vmem>> -> memref<4096xf32, #tpu.memory_space<vmem>>
    %dma_start3A_103 = tpu.memref_slice %arg2[%add3A_100] : memref<2490368xf32, #tpu.memory_space<hbm>> -> memref<4096xf32, #tpu.memory_space<hbm>>
    %dma_start3A_104 = arith.constant 32768 : i32
    %dma_start3A_105 = tpu.memref_slice %arg5[%dma_start3A_104] : memref<77824xf32, #tpu.memory_space<vmem>> -> memref<4096xf32, #tpu.memory_space<vmem>>
    %dma_start3A_106 = tpu.memref_slice %arg2[%add3A_100] : memref<2490368xf32, #tpu.memory_space<hbm>> -> memref<4096xf32, #tpu.memory_space<hbm>>
    tpu.enqueue_dma source(%dma_start3A_106 : memref<4096xf32, #tpu.memory_space<hbm>>) target(%dma_start3A_105 : memref<4096xf32, #tpu.memory_space<vmem>>) target_semaphore(%arg9 : memref<!tpu.dma_semaphore, #tpu.memory_space<semaphore_mem>>)
    %add3A_107 = arith.constant 147456 : i32
    %add3A_108 = arith.addi %add3A_35, %add3A_107 : i32
    %dma_start3A_109 = arith.constant 36864 : i32
    %dma_start3A_110 = tpu.memref_slice %arg5[%dma_start3A_109] : memref<77824xf32, #tpu.memory_space<vmem>> -> memref<4096xf32, #tpu.memory_space<vmem>>
    %dma_start3A_111 = tpu.memref_slice %arg2[%add3A_108] : memref<2490368xf32, #tpu.memory_space<hbm>> -> memref<4096xf32, #tpu.memory_space<hbm>>
    %dma_start3A_112 = arith.constant 36864 : i32
    %dma_start3A_113 = tpu.memref_slice %arg5[%dma_start3A_112] : memref<77824xf32, #tpu.memory_space<vmem>> -> memref<4096xf32, #tpu.memory_space<vmem>>
    %dma_start3A_114 = tpu.memref_slice %arg2[%add3A_108] : memref<2490368xf32, #tpu.memory_space<hbm>> -> memref<4096xf32, #tpu.memory_space<hbm>>
    tpu.enqueue_dma source(%dma_start3A_114 : memref<4096xf32, #tpu.memory_space<hbm>>) target(%dma_start3A_113 : memref<4096xf32, #tpu.memory_space<vmem>>) target_semaphore(%arg9 : memref<!tpu.dma_semaphore, #tpu.memory_space<semaphore_mem>>)
    %add3A_115 = arith.constant 163840 : i32
    %add3A_116 = arith.addi %add3A_35, %add3A_115 : i32
    %dma_start3A_117 = arith.constant 40960 : i32
    %dma_start3A_118 = tpu.memref_slice %arg5[%dma_start3A_117] : memref<77824xf32, #tpu.memory_space<vmem>> -> memref<4096xf32, #tpu.memory_space<vmem>>
    %dma_start3A_119 = tpu.memref_slice %arg2[%add3A_116] : memref<2490368xf32, #tpu.memory_space<hbm>> -> memref<4096xf32, #tpu.memory_space<hbm>>
    %dma_start3A_120 = arith.constant 40960 : i32
    %dma_start3A_121 = tpu.memref_slice %arg5[%dma_start3A_120] : memref<77824xf32, #tpu.memory_space<vmem>> -> memref<4096xf32, #tpu.memory_space<vmem>>
    %dma_start3A_122 = tpu.memref_slice %arg2[%add3A_116] : memref<2490368xf32, #tpu.memory_space<hbm>> -> memref<4096xf32, #tpu.memory_space<hbm>>
    tpu.enqueue_dma source(%dma_start3A_122 : memref<4096xf32, #tpu.memory_space<hbm>>) target(%dma_start3A_121 : memref<4096xf32, #tpu.memory_space<vmem>>) target_semaphore(%arg9 : memref<!tpu.dma_semaphore, #tpu.memory_space<semaphore_mem>>)
    %add3A_123 = arith.constant 180224 : i32
    %add3A_124 = arith.addi %add3A_35, %add3A_123 : i32
    %dma_start3A_125 = arith.constant 45056 : i32
    %dma_start3A_126 = tpu.memref_slice %arg5[%dma_start3A_125] : memref<77824xf32, #tpu.memory_space<vmem>> -> memref<4096xf32, #tpu.memory_space<vmem>>
    %dma_start3A_127 = tpu.memref_slice %arg2[%add3A_124] : memref<2490368xf32, #tpu.memory_space<hbm>> -> memref<4096xf32, #tpu.memory_space<hbm>>
    %dma_start3A_128 = arith.constant 45056 : i32
    %dma_start3A_129 = tpu.memref_slice %arg5[%dma_start3A_128] : memref<77824xf32, #tpu.memory_space<vmem>> -> memref<4096xf32, #tpu.memory_space<vmem>>
    %dma_start3A_130 = tpu.memref_slice %arg2[%add3A_124] : memref<2490368xf32, #tpu.memory_space<hbm>> -> memref<4096xf32, #tpu.memory_space<hbm>>
    tpu.enqueue_dma source(%dma_start3A_130 : memref<4096xf32, #tpu.memory_space<hbm>>) target(%dma_start3A_129 : memref<4096xf32, #tpu.memory_space<vmem>>) target_semaphore(%arg9 : memref<!tpu.dma_semaphore, #tpu.memory_space<semaphore_mem>>)
    %add3A_131 = arith.constant 196608 : i32
    %add3A_132 = arith.addi %add3A_35, %add3A_131 : i32
    %dma_start3A_133 = arith.constant 49152 : i32
    %dma_start3A_134 = tpu.memref_slice %arg5[%dma_start3A_133] : memref<77824xf32, #tpu.memory_space<vmem>> -> memref<4096xf32, #tpu.memory_space<vmem>>
    %dma_start3A_135 = tpu.memref_slice %arg2[%add3A_132] : memref<2490368xf32, #tpu.memory_space<hbm>> -> memref<4096xf32, #tpu.memory_space<hbm>>
    %dma_start3A_136 = arith.constant 49152 : i32
    %dma_start3A_137 = tpu.memref_slice %arg5[%dma_start3A_136] : memref<77824xf32, #tpu.memory_space<vmem>> -> memref<4096xf32, #tpu.memory_space<vmem>>
    %dma_start3A_138 = tpu.memref_slice %arg2[%add3A_132] : memref<2490368xf32, #tpu.memory_space<hbm>> -> memref<4096xf32, #tpu.memory_space<hbm>>
    tpu.enqueue_dma source(%dma_start3A_138 : memref<4096xf32, #tpu.memory_space<hbm>>) target(%dma_start3A_137 : memref<4096xf32, #tpu.memory_space<vmem>>) target_semaphore(%arg9 : memref<!tpu.dma_semaphore, #tpu.memory_space<semaphore_mem>>)
    %add3A_139 = arith.constant 212992 : i32
    %add3A_140 = arith.addi %add3A_35, %add3A_139 : i32
    %dma_start3A_141 = arith.constant 53248 : i32
    %dma_start3A_142 = tpu.memref_slice %arg5[%dma_start3A_141] : memref<77824xf32, #tpu.memory_space<vmem>> -> memref<4096xf32, #tpu.memory_space<vmem>>
    %dma_start3A_143 = tpu.memref_slice %arg2[%add3A_140] : memref<2490368xf32, #tpu.memory_space<hbm>> -> memref<4096xf32, #tpu.memory_space<hbm>>
    %dma_start3A_144 = arith.constant 53248 : i32
    %dma_start3A_145 = tpu.memref_slice %arg5[%dma_start3A_144] : memref<77824xf32, #tpu.memory_space<vmem>> -> memref<4096xf32, #tpu.memory_space<vmem>>
    %dma_start3A_146 = tpu.memref_slice %arg2[%add3A_140] : memref<2490368xf32, #tpu.memory_space<hbm>> -> memref<4096xf32, #tpu.memory_space<hbm>>
    tpu.enqueue_dma source(%dma_start3A_146 : memref<4096xf32, #tpu.memory_space<hbm>>) target(%dma_start3A_145 : memref<4096xf32, #tpu.memory_space<vmem>>) target_semaphore(%arg9 : memref<!tpu.dma_semaphore, #tpu.memory_space<semaphore_mem>>)
    %add3A_147 = arith.constant 229376 : i32
    %add3A_148 = arith.addi %add3A_35, %add3A_147 : i32
    %dma_start3A_149 = arith.constant 57344 : i32
    %dma_start3A_150 = tpu.memref_slice %arg5[%dma_start3A_149] : memref<77824xf32, #tpu.memory_space<vmem>> -> memref<4096xf32, #tpu.memory_space<vmem>>
    %dma_start3A_151 = tpu.memref_slice %arg2[%add3A_148] : memref<2490368xf32, #tpu.memory_space<hbm>> -> memref<4096xf32, #tpu.memory_space<hbm>>
    %dma_start3A_152 = arith.constant 57344 : i32
    %dma_start3A_153 = tpu.memref_slice %arg5[%dma_start3A_152] : memref<77824xf32, #tpu.memory_space<vmem>> -> memref<4096xf32, #tpu.memory_space<vmem>>
    %dma_start3A_154 = tpu.memref_slice %arg2[%add3A_148] : memref<2490368xf32, #tpu.memory_space<hbm>> -> memref<4096xf32, #tpu.memory_space<hbm>>
    tpu.enqueue_dma source(%dma_start3A_154 : memref<4096xf32, #tpu.memory_space<hbm>>) target(%dma_start3A_153 : memref<4096xf32, #tpu.memory_space<vmem>>) target_semaphore(%arg9 : memref<!tpu.dma_semaphore, #tpu.memory_space<semaphore_mem>>)
    %add3A_155 = arith.constant 245760 : i32
    %add3A_156 = arith.addi %add3A_35, %add3A_155 : i32
    %dma_start3A_157 = arith.constant 61440 : i32
    %dma_start3A_158 = tpu.memref_slice %arg5[%dma_start3A_157] : memref<77824xf32, #tpu.memory_space<vmem>> -> memref<4096xf32, #tpu.memory_space<vmem>>
    %dma_start3A_159 = tpu.memref_slice %arg2[%add3A_156] : memref<2490368xf32, #tpu.memory_space<hbm>> -> memref<4096xf32, #tpu.memory_space<hbm>>
    %dma_start3A_160 = arith.constant 61440 : i32
    %dma_start3A_161 = tpu.memref_slice %arg5[%dma_start3A_160] : memref<77824xf32, #tpu.memory_space<vmem>> -> memref<4096xf32, #tpu.memory_space<vmem>>
    %dma_start3A_162 = tpu.memref_slice %arg2[%add3A_156] : memref<2490368xf32, #tpu.memory_space<hbm>> -> memref<4096xf32, #tpu.memory_space<hbm>>
    tpu.enqueue_dma source(%dma_start3A_162 : memref<4096xf32, #tpu.memory_space<hbm>>) target(%dma_start3A_161 : memref<4096xf32, #tpu.memory_space<vmem>>) target_semaphore(%arg9 : memref<!tpu.dma_semaphore, #tpu.memory_space<semaphore_mem>>)
    %add3A_163 = arith.constant 262144 : i32
    %add3A_164 = arith.addi %add3A_35, %add3A_163 : i32
    %dma_start3A_165 = arith.constant 65536 : i32
    %dma_start3A_166 = tpu.memref_slice %arg5[%dma_start3A_165] : memref<77824xf32, #tpu.memory_space<vmem>> -> memref<4096xf32, #tpu.memory_space<vmem>>
    %dma_start3A_167 = tpu.memref_slice %arg2[%add3A_164] : memref<2490368xf32, #tpu.memory_space<hbm>> -> memref<4096xf32, #tpu.memory_space<hbm>>
    %dma_start3A_168 = arith.constant 65536 : i32
    %dma_start3A_169 = tpu.memref_slice %arg5[%dma_start3A_168] : memref<77824xf32, #tpu.memory_space<vmem>> -> memref<4096xf32, #tpu.memory_space<vmem>>
    %dma_start3A_170 = tpu.memref_slice %arg2[%add3A_164] : memref<2490368xf32, #tpu.memory_space<hbm>> -> memref<4096xf32, #tpu.memory_space<hbm>>
    tpu.enqueue_dma source(%dma_start3A_170 : memref<4096xf32, #tpu.memory_space<hbm>>) target(%dma_start3A_169 : memref<4096xf32, #tpu.memory_space<vmem>>) target_semaphore(%arg9 : memref<!tpu.dma_semaphore, #tpu.memory_space<semaphore_mem>>)
    %add3A_171 = arith.constant 278528 : i32
    %add3A_172 = arith.addi %add3A_35, %add3A_171 : i32
    %dma_start3A_173 = arith.constant 69632 : i32
    %dma_start3A_174 = tpu.memref_slice %arg5[%dma_start3A_173] : memref<77824xf32, #tpu.memory_space<vmem>> -> memref<4096xf32, #tpu.memory_space<vmem>>
    %dma_start3A_175 = tpu.memref_slice %arg2[%add3A_172] : memref<2490368xf32, #tpu.memory_space<hbm>> -> memref<4096xf32, #tpu.memory_space<hbm>>
    %dma_start3A_176 = arith.constant 69632 : i32
    %dma_start3A_177 = tpu.memref_slice %arg5[%dma_start3A_176] : memref<77824xf32, #tpu.memory_space<vmem>> -> memref<4096xf32, #tpu.memory_space<vmem>>
    %dma_start3A_178 = tpu.memref_slice %arg2[%add3A_172] : memref<2490368xf32, #tpu.memory_space<hbm>> -> memref<4096xf32, #tpu.memory_space<hbm>>
    tpu.enqueue_dma source(%dma_start3A_178 : memref<4096xf32, #tpu.memory_space<hbm>>) target(%dma_start3A_177 : memref<4096xf32, #tpu.memory_space<vmem>>) target_semaphore(%arg9 : memref<!tpu.dma_semaphore, #tpu.memory_space<semaphore_mem>>)
    %add3A_179 = arith.constant 294912 : i32
    %add3A_180 = arith.addi %add3A_35, %add3A_179 : i32
    %dma_start3A_181 = arith.constant 73728 : i32
    %dma_start3A_182 = tpu.memref_slice %arg5[%dma_start3A_181] : memref<77824xf32, #tpu.memory_space<vmem>> -> memref<4096xf32, #tpu.memory_space<vmem>>
    %dma_start3A_183 = tpu.memref_slice %arg2[%add3A_180] : memref<2490368xf32, #tpu.memory_space<hbm>> -> memref<4096xf32, #tpu.memory_space<hbm>>
    %dma_start3A_184 = arith.constant 73728 : i32
    %dma_start3A_185 = tpu.memref_slice %arg5[%dma_start3A_184] : memref<77824xf32, #tpu.memory_space<vmem>> -> memref<4096xf32, #tpu.memory_space<vmem>>
    %dma_start3A_186 = tpu.memref_slice %arg2[%add3A_180] : memref<2490368xf32, #tpu.memory_space<hbm>> -> memref<4096xf32, #tpu.memory_space<hbm>>
    tpu.enqueue_dma source(%dma_start3A_186 : memref<4096xf32, #tpu.memory_space<hbm>>) target(%dma_start3A_185 : memref<4096xf32, #tpu.memory_space<vmem>>) target_semaphore(%arg9 : memref<!tpu.dma_semaphore, #tpu.memory_space<semaphore_mem>>)
    %add3A_187 = arith.constant 0 : i32
    %add3A_188 = arith.addi %add3A_35, %add3A_187 : i32
    %dma_wait3A = arith.constant 0 : i32
    %dma_wait3A_189 = tpu.memref_slice %arg5[%dma_wait3A] : memref<77824xf32, #tpu.memory_space<vmem>> -> memref<4096xf32, #tpu.memory_space<vmem>>
    %dma_wait3A_190 = tpu.memref_slice %arg2[%add3A_188] : memref<2490368xf32, #tpu.memory_space<hbm>> -> memref<4096xf32, #tpu.memory_space<hbm>>
    %dma_wait3A_191 = arith.constant 0 : i32
    %dma_wait3A_192 = tpu.memref_slice %arg5[%dma_wait3A_191] : memref<77824xf32, #tpu.memory_space<vmem>> -> memref<4096xf32, #tpu.memory_space<vmem>>
    %dma_wait3A_193 = tpu.memref_slice %arg2[%add3A_188] : memref<2490368xf32, #tpu.memory_space<hbm>> -> memref<4096xf32, #tpu.memory_space<hbm>>
    tpu.wait_dma2 semaphore(%arg9 : memref<!tpu.dma_semaphore, #tpu.memory_space<semaphore_mem>>) src(%dma_wait3A_193 : memref<4096xf32, #tpu.memory_space<hbm>>) dst(%dma_wait3A_192 : memref<4096xf32, #tpu.memory_space<vmem>>)
    %add3A_194 = arith.constant 16384 : i32
    %add3A_195 = arith.addi %add3A_35, %add3A_194 : i32
    %dma_wait3A_196 = arith.constant 4096 : i32
    %dma_wait3A_197 = tpu.memref_slice %arg5[%dma_wait3A_196] : memref<77824xf32, #tpu.memory_space<vmem>> -> memref<4096xf32, #tpu.memory_space<vmem>>
    %dma_wait3A_198 = tpu.memref_slice %arg2[%add3A_195] : memref<2490368xf32, #tpu.memory_space<hbm>> -> memref<4096xf32, #tpu.memory_space<hbm>>
    %dma_wait3A_199 = arith.constant 4096 : i32
    %dma_wait3A_200 = tpu.memref_slice %arg5[%dma_wait3A_199] : memref<77824xf32, #tpu.memory_space<vmem>> -> memref<4096xf32, #tpu.memory_space<vmem>>
    %dma_wait3A_201 = tpu.memref_slice %arg2[%add3A_195] : memref<2490368xf32, #tpu.memory_space<hbm>> -> memref<4096xf32, #tpu.memory_space<hbm>>
    tpu.wait_dma2 semaphore(%arg9 : memref<!tpu.dma_semaphore, #tpu.memory_space<semaphore_mem>>) src(%dma_wait3A_201 : memref<4096xf32, #tpu.memory_space<hbm>>) dst(%dma_wait3A_200 : memref<4096xf32, #tpu.memory_space<vmem>>)
    %add3A_202 = arith.constant 32768 : i32
    %add3A_203 = arith.addi %add3A_35, %add3A_202 : i32
    %dma_wait3A_204 = arith.constant 8192 : i32
    %dma_wait3A_205 = tpu.memref_slice %arg5[%dma_wait3A_204] : memref<77824xf32, #tpu.memory_space<vmem>> -> memref<4096xf32, #tpu.memory_space<vmem>>
    %dma_wait3A_206 = tpu.memref_slice %arg2[%add3A_203] : memref<2490368xf32, #tpu.memory_space<hbm>> -> memref<4096xf32, #tpu.memory_space<hbm>>
    %dma_wait3A_207 = arith.constant 8192 : i32
    %dma_wait3A_208 = tpu.memref_slice %arg5[%dma_wait3A_207] : memref<77824xf32, #tpu.memory_space<vmem>> -> memref<4096xf32, #tpu.memory_space<vmem>>
    %dma_wait3A_209 = tpu.memref_slice %arg2[%add3A_203] : memref<2490368xf32, #tpu.memory_space<hbm>> -> memref<4096xf32, #tpu.memory_space<hbm>>
    tpu.wait_dma2 semaphore(%arg9 : memref<!tpu.dma_semaphore, #tpu.memory_space<semaphore_mem>>) src(%dma_wait3A_209 : memref<4096xf32, #tpu.memory_space<hbm>>) dst(%dma_wait3A_208 : memref<4096xf32, #tpu.memory_space<vmem>>)
    %add3A_210 = arith.constant 49152 : i32
    %add3A_211 = arith.addi %add3A_35, %add3A_210 : i32
    %dma_wait3A_212 = arith.constant 12288 : i32
    %dma_wait3A_213 = tpu.memref_slice %arg5[%dma_wait3A_212] : memref<77824xf32, #tpu.memory_space<vmem>> -> memref<4096xf32, #tpu.memory_space<vmem>>
    %dma_wait3A_214 = tpu.memref_slice %arg2[%add3A_211] : memref<2490368xf32, #tpu.memory_space<hbm>> -> memref<4096xf32, #tpu.memory_space<hbm>>
    %dma_wait3A_215 = arith.constant 12288 : i32
    %dma_wait3A_216 = tpu.memref_slice %arg5[%dma_wait3A_215] : memref<77824xf32, #tpu.memory_space<vmem>> -> memref<4096xf32, #tpu.memory_space<vmem>>
    %dma_wait3A_217 = tpu.memref_slice %arg2[%add3A_211] : memref<2490368xf32, #tpu.memory_space<hbm>> -> memref<4096xf32, #tpu.memory_space<hbm>>
    tpu.wait_dma2 semaphore(%arg9 : memref<!tpu.dma_semaphore, #tpu.memory_space<semaphore_mem>>) src(%dma_wait3A_217 : memref<4096xf32, #tpu.memory_space<hbm>>) dst(%dma_wait3A_216 : memref<4096xf32, #tpu.memory_space<vmem>>)
    %add3A_218 = arith.constant 65536 : i32
    %add3A_219 = arith.addi %add3A_35, %add3A_218 : i32
    %dma_wait3A_220 = arith.constant 16384 : i32
    %dma_wait3A_221 = tpu.memref_slice %arg5[%dma_wait3A_220] : memref<77824xf32, #tpu.memory_space<vmem>> -> memref<4096xf32, #tpu.memory_space<vmem>>
    %dma_wait3A_222 = tpu.memref_slice %arg2[%add3A_219] : memref<2490368xf32, #tpu.memory_space<hbm>> -> memref<4096xf32, #tpu.memory_space<hbm>>
    %dma_wait3A_223 = arith.constant 16384 : i32
    %dma_wait3A_224 = tpu.memref_slice %arg5[%dma_wait3A_223] : memref<77824xf32, #tpu.memory_space<vmem>> -> memref<4096xf32, #tpu.memory_space<vmem>>
    %dma_wait3A_225 = tpu.memref_slice %arg2[%add3A_219] : memref<2490368xf32, #tpu.memory_space<hbm>> -> memref<4096xf32, #tpu.memory_space<hbm>>
    tpu.wait_dma2 semaphore(%arg9 : memref<!tpu.dma_semaphore, #tpu.memory_space<semaphore_mem>>) src(%dma_wait3A_225 : memref<4096xf32, #tpu.memory_space<hbm>>) dst(%dma_wait3A_224 : memref<4096xf32, #tpu.memory_space<vmem>>)
    %add3A_226 = arith.constant 81920 : i32
    %add3A_227 = arith.addi %add3A_35, %add3A_226 : i32
    %dma_wait3A_228 = arith.constant 20480 : i32
    %dma_wait3A_229 = tpu.memref_slice %arg5[%dma_wait3A_228] : memref<77824xf32, #tpu.memory_space<vmem>> -> memref<4096xf32, #tpu.memory_space<vmem>>
    %dma_wait3A_230 = tpu.memref_slice %arg2[%add3A_227] : memref<2490368xf32, #tpu.memory_space<hbm>> -> memref<4096xf32, #tpu.memory_space<hbm>>
    %dma_wait3A_231 = arith.constant 20480 : i32
    %dma_wait3A_232 = tpu.memref_slice %arg5[%dma_wait3A_231] : memref<77824xf32, #tpu.memory_space<vmem>> -> memref<4096xf32, #tpu.memory_space<vmem>>
    %dma_wait3A_233 = tpu.memref_slice %arg2[%add3A_227] : memref<2490368xf32, #tpu.memory_space<hbm>> -> memref<4096xf32, #tpu.memory_space<hbm>>
    tpu.wait_dma2 semaphore(%arg9 : memref<!tpu.dma_semaphore, #tpu.memory_space<semaphore_mem>>) src(%dma_wait3A_233 : memref<4096xf32, #tpu.memory_space<hbm>>) dst(%dma_wait3A_232 : memref<4096xf32, #tpu.memory_space<vmem>>)
    %add3A_234 = arith.constant 98304 : i32
    %add3A_235 = arith.addi %add3A_35, %add3A_234 : i32
    %dma_wait3A_236 = arith.constant 24576 : i32
    %dma_wait3A_237 = tpu.memref_slice %arg5[%dma_wait3A_236] : memref<77824xf32, #tpu.memory_space<vmem>> -> memref<4096xf32, #tpu.memory_space<vmem>>
    %dma_wait3A_238 = tpu.memref_slice %arg2[%add3A_235] : memref<2490368xf32, #tpu.memory_space<hbm>> -> memref<4096xf32, #tpu.memory_space<hbm>>
    %dma_wait3A_239 = arith.constant 24576 : i32
    %dma_wait3A_240 = tpu.memref_slice %arg5[%dma_wait3A_239] : memref<77824xf32, #tpu.memory_space<vmem>> -> memref<4096xf32, #tpu.memory_space<vmem>>
    %dma_wait3A_241 = tpu.memref_slice %arg2[%add3A_235] : memref<2490368xf32, #tpu.memory_space<hbm>> -> memref<4096xf32, #tpu.memory_space<hbm>>
    tpu.wait_dma2 semaphore(%arg9 : memref<!tpu.dma_semaphore, #tpu.memory_space<semaphore_mem>>) src(%dma_wait3A_241 : memref<4096xf32, #tpu.memory_space<hbm>>) dst(%dma_wait3A_240 : memref<4096xf32, #tpu.memory_space<vmem>>)
    %add3A_242 = arith.constant 114688 : i32
    %add3A_243 = arith.addi %add3A_35, %add3A_242 : i32
    %dma_wait3A_244 = arith.constant 28672 : i32
    %dma_wait3A_245 = tpu.memref_slice %arg5[%dma_wait3A_244] : memref<77824xf32, #tpu.memory_space<vmem>> -> memref<4096xf32, #tpu.memory_space<vmem>>
    %dma_wait3A_246 = tpu.memref_slice %arg2[%add3A_243] : memref<2490368xf32, #tpu.memory_space<hbm>> -> memref<4096xf32, #tpu.memory_space<hbm>>
    %dma_wait3A_247 = arith.constant 28672 : i32
    %dma_wait3A_248 = tpu.memref_slice %arg5[%dma_wait3A_247] : memref<77824xf32, #tpu.memory_space<vmem>> -> memref<4096xf32, #tpu.memory_space<vmem>>
    %dma_wait3A_249 = tpu.memref_slice %arg2[%add3A_243] : memref<2490368xf32, #tpu.memory_space<hbm>> -> memref<4096xf32, #tpu.memory_space<hbm>>
    tpu.wait_dma2 semaphore(%arg9 : memref<!tpu.dma_semaphore, #tpu.memory_space<semaphore_mem>>) src(%dma_wait3A_249 : memref<4096xf32, #tpu.memory_space<hbm>>) dst(%dma_wait3A_248 : memref<4096xf32, #tpu.memory_space<vmem>>)
    %add3A_250 = arith.constant 131072 : i32
    %add3A_251 = arith.addi %add3A_35, %add3A_250 : i32
    %dma_wait3A_252 = arith.constant 32768 : i32
    %dma_wait3A_253 = tpu.memref_slice %arg5[%dma_wait3A_252] : memref<77824xf32, #tpu.memory_space<vmem>> -> memref<4096xf32, #tpu.memory_space<vmem>>
    %dma_wait3A_254 = tpu.memref_slice %arg2[%add3A_251] : memref<2490368xf32, #tpu.memory_space<hbm>> -> memref<4096xf32, #tpu.memory_space<hbm>>
    %dma_wait3A_255 = arith.constant 32768 : i32
    %dma_wait3A_256 = tpu.memref_slice %arg5[%dma_wait3A_255] : memref<77824xf32, #tpu.memory_space<vmem>> -> memref<4096xf32, #tpu.memory_space<vmem>>
    %dma_wait3A_257 = tpu.memref_slice %arg2[%add3A_251] : memref<2490368xf32, #tpu.memory_space<hbm>> -> memref<4096xf32, #tpu.memory_space<hbm>>
    tpu.wait_dma2 semaphore(%arg9 : memref<!tpu.dma_semaphore, #tpu.memory_space<semaphore_mem>>) src(%dma_wait3A_257 : memref<4096xf32, #tpu.memory_space<hbm>>) dst(%dma_wait3A_256 : memref<4096xf32, #tpu.memory_space<vmem>>)
    %add3A_258 = arith.constant 147456 : i32
    %add3A_259 = arith.addi %add3A_35, %add3A_258 : i32
    %dma_wait3A_260 = arith.constant 36864 : i32
    %dma_wait3A_261 = tpu.memref_slice %arg5[%dma_wait3A_260] : memref<77824xf32, #tpu.memory_space<vmem>> -> memref<4096xf32, #tpu.memory_space<vmem>>
    %dma_wait3A_262 = tpu.memref_slice %arg2[%add3A_259] : memref<2490368xf32, #tpu.memory_space<hbm>> -> memref<4096xf32, #tpu.memory_space<hbm>>
    %dma_wait3A_263 = arith.constant 36864 : i32
    %dma_wait3A_264 = tpu.memref_slice %arg5[%dma_wait3A_263] : memref<77824xf32, #tpu.memory_space<vmem>> -> memref<4096xf32, #tpu.memory_space<vmem>>
    %dma_wait3A_265 = tpu.memref_slice %arg2[%add3A_259] : memref<2490368xf32, #tpu.memory_space<hbm>> -> memref<4096xf32, #tpu.memory_space<hbm>>
    tpu.wait_dma2 semaphore(%arg9 : memref<!tpu.dma_semaphore, #tpu.memory_space<semaphore_mem>>) src(%dma_wait3A_265 : memref<4096xf32, #tpu.memory_space<hbm>>) dst(%dma_wait3A_264 : memref<4096xf32, #tpu.memory_space<vmem>>)
    %add3A_266 = arith.constant 163840 : i32
    %add3A_267 = arith.addi %add3A_35, %add3A_266 : i32
    %dma_wait3A_268 = arith.constant 40960 : i32
    %dma_wait3A_269 = tpu.memref_slice %arg5[%dma_wait3A_268] : memref<77824xf32, #tpu.memory_space<vmem>> -> memref<4096xf32, #tpu.memory_space<vmem>>
    %dma_wait3A_270 = tpu.memref_slice %arg2[%add3A_267] : memref<2490368xf32, #tpu.memory_space<hbm>> -> memref<4096xf32, #tpu.memory_space<hbm>>
    %dma_wait3A_271 = arith.constant 40960 : i32
    %dma_wait3A_272 = tpu.memref_slice %arg5[%dma_wait3A_271] : memref<77824xf32, #tpu.memory_space<vmem>> -> memref<4096xf32, #tpu.memory_space<vmem>>
    %dma_wait3A_273 = tpu.memref_slice %arg2[%add3A_267] : memref<2490368xf32, #tpu.memory_space<hbm>> -> memref<4096xf32, #tpu.memory_space<hbm>>
    tpu.wait_dma2 semaphore(%arg9 : memref<!tpu.dma_semaphore, #tpu.memory_space<semaphore_mem>>) src(%dma_wait3A_273 : memref<4096xf32, #tpu.memory_space<hbm>>) dst(%dma_wait3A_272 : memref<4096xf32, #tpu.memory_space<vmem>>)
    %add3A_274 = arith.constant 180224 : i32
    %add3A_275 = arith.addi %add3A_35, %add3A_274 : i32
    %dma_wait3A_276 = arith.constant 45056 : i32
    %dma_wait3A_277 = tpu.memref_slice %arg5[%dma_wait3A_276] : memref<77824xf32, #tpu.memory_space<vmem>> -> memref<4096xf32, #tpu.memory_space<vmem>>
    %dma_wait3A_278 = tpu.memref_slice %arg2[%add3A_275] : memref<2490368xf32, #tpu.memory_space<hbm>> -> memref<4096xf32, #tpu.memory_space<hbm>>
    %dma_wait3A_279 = arith.constant 45056 : i32
    %dma_wait3A_280 = tpu.memref_slice %arg5[%dma_wait3A_279] : memref<77824xf32, #tpu.memory_space<vmem>> -> memref<4096xf32, #tpu.memory_space<vmem>>
    %dma_wait3A_281 = tpu.memref_slice %arg2[%add3A_275] : memref<2490368xf32, #tpu.memory_space<hbm>> -> memref<4096xf32, #tpu.memory_space<hbm>>
    tpu.wait_dma2 semaphore(%arg9 : memref<!tpu.dma_semaphore, #tpu.memory_space<semaphore_mem>>) src(%dma_wait3A_281 : memref<4096xf32, #tpu.memory_space<hbm>>) dst(%dma_wait3A_280 : memref<4096xf32, #tpu.memory_space<vmem>>)
    %add3A_282 = arith.constant 196608 : i32
    %add3A_283 = arith.addi %add3A_35, %add3A_282 : i32
    %dma_wait3A_284 = arith.constant 49152 : i32
    %dma_wait3A_285 = tpu.memref_slice %arg5[%dma_wait3A_284] : memref<77824xf32, #tpu.memory_space<vmem>> -> memref<4096xf32, #tpu.memory_space<vmem>>
    %dma_wait3A_286 = tpu.memref_slice %arg2[%add3A_283] : memref<2490368xf32, #tpu.memory_space<hbm>> -> memref<4096xf32, #tpu.memory_space<hbm>>
    %dma_wait3A_287 = arith.constant 49152 : i32
    %dma_wait3A_288 = tpu.memref_slice %arg5[%dma_wait3A_287] : memref<77824xf32, #tpu.memory_space<vmem>> -> memref<4096xf32, #tpu.memory_space<vmem>>
    %dma_wait3A_289 = tpu.memref_slice %arg2[%add3A_283] : memref<2490368xf32, #tpu.memory_space<hbm>> -> memref<4096xf32, #tpu.memory_space<hbm>>
    tpu.wait_dma2 semaphore(%arg9 : memref<!tpu.dma_semaphore, #tpu.memory_space<semaphore_mem>>) src(%dma_wait3A_289 : memref<4096xf32, #tpu.memory_space<hbm>>) dst(%dma_wait3A_288 : memref<4096xf32, #tpu.memory_space<vmem>>)
    %add3A_290 = arith.constant 212992 : i32
    %add3A_291 = arith.addi %add3A_35, %add3A_290 : i32
    %dma_wait3A_292 = arith.constant 53248 : i32
    %dma_wait3A_293 = tpu.memref_slice %arg5[%dma_wait3A_292] : memref<77824xf32, #tpu.memory_space<vmem>> -> memref<4096xf32, #tpu.memory_space<vmem>>
    %dma_wait3A_294 = tpu.memref_slice %arg2[%add3A_291] : memref<2490368xf32, #tpu.memory_space<hbm>> -> memref<4096xf32, #tpu.memory_space<hbm>>
    %dma_wait3A_295 = arith.constant 53248 : i32
    %dma_wait3A_296 = tpu.memref_slice %arg5[%dma_wait3A_295] : memref<77824xf32, #tpu.memory_space<vmem>> -> memref<4096xf32, #tpu.memory_space<vmem>>
    %dma_wait3A_297 = tpu.memref_slice %arg2[%add3A_291] : memref<2490368xf32, #tpu.memory_space<hbm>> -> memref<4096xf32, #tpu.memory_space<hbm>>
    tpu.wait_dma2 semaphore(%arg9 : memref<!tpu.dma_semaphore, #tpu.memory_space<semaphore_mem>>) src(%dma_wait3A_297 : memref<4096xf32, #tpu.memory_space<hbm>>) dst(%dma_wait3A_296 : memref<4096xf32, #tpu.memory_space<vmem>>)
    %add3A_298 = arith.constant 229376 : i32
    %add3A_299 = arith.addi %add3A_35, %add3A_298 : i32
    %dma_wait3A_300 = arith.constant 57344 : i32
    %dma_wait3A_301 = tpu.memref_slice %arg5[%dma_wait3A_300] : memref<77824xf32, #tpu.memory_space<vmem>> -> memref<4096xf32, #tpu.memory_space<vmem>>
    %dma_wait3A_302 = tpu.memref_slice %arg2[%add3A_299] : memref<2490368xf32, #tpu.memory_space<hbm>> -> memref<4096xf32, #tpu.memory_space<hbm>>
    %dma_wait3A_303 = arith.constant 57344 : i32
    %dma_wait3A_304 = tpu.memref_slice %arg5[%dma_wait3A_303] : memref<77824xf32, #tpu.memory_space<vmem>> -> memref<4096xf32, #tpu.memory_space<vmem>>
    %dma_wait3A_305 = tpu.memref_slice %arg2[%add3A_299] : memref<2490368xf32, #tpu.memory_space<hbm>> -> memref<4096xf32, #tpu.memory_space<hbm>>
    tpu.wait_dma2 semaphore(%arg9 : memref<!tpu.dma_semaphore, #tpu.memory_space<semaphore_mem>>) src(%dma_wait3A_305 : memref<4096xf32, #tpu.memory_space<hbm>>) dst(%dma_wait3A_304 : memref<4096xf32, #tpu.memory_space<vmem>>)
    %add3A_306 = arith.constant 245760 : i32
    %add3A_307 = arith.addi %add3A_35, %add3A_306 : i32
    %dma_wait3A_308 = arith.constant 61440 : i32
    %dma_wait3A_309 = tpu.memref_slice %arg5[%dma_wait3A_308] : memref<77824xf32, #tpu.memory_space<vmem>> -> memref<4096xf32, #tpu.memory_space<vmem>>
    %dma_wait3A_310 = tpu.memref_slice %arg2[%add3A_307] : memref<2490368xf32, #tpu.memory_space<hbm>> -> memref<4096xf32, #tpu.memory_space<hbm>>
    %dma_wait3A_311 = arith.constant 61440 : i32
    %dma_wait3A_312 = tpu.memref_slice %arg5[%dma_wait3A_311] : memref<77824xf32, #tpu.memory_space<vmem>> -> memref<4096xf32, #tpu.memory_space<vmem>>
    %dma_wait3A_313 = tpu.memref_slice %arg2[%add3A_307] : memref<2490368xf32, #tpu.memory_space<hbm>> -> memref<4096xf32, #tpu.memory_space<hbm>>
    tpu.wait_dma2 semaphore(%arg9 : memref<!tpu.dma_semaphore, #tpu.memory_space<semaphore_mem>>) src(%dma_wait3A_313 : memref<4096xf32, #tpu.memory_space<hbm>>) dst(%dma_wait3A_312 : memref<4096xf32, #tpu.memory_space<vmem>>)
    %add3A_314 = arith.constant 262144 : i32
    %add3A_315 = arith.addi %add3A_35, %add3A_314 : i32
    %dma_wait3A_316 = arith.constant 65536 : i32
    %dma_wait3A_317 = tpu.memref_slice %arg5[%dma_wait3A_316] : memref<77824xf32, #tpu.memory_space<vmem>> -> memref<4096xf32, #tpu.memory_space<vmem>>
    %dma_wait3A_318 = tpu.memref_slice %arg2[%add3A_315] : memref<2490368xf32, #tpu.memory_space<hbm>> -> memref<4096xf32, #tpu.memory_space<hbm>>
    %dma_wait3A_319 = arith.constant 65536 : i32
    %dma_wait3A_320 = tpu.memref_slice %arg5[%dma_wait3A_319] : memref<77824xf32, #tpu.memory_space<vmem>> -> memref<4096xf32, #tpu.memory_space<vmem>>
    %dma_wait3A_321 = tpu.memref_slice %arg2[%add3A_315] : memref<2490368xf32, #tpu.memory_space<hbm>> -> memref<4096xf32, #tpu.memory_space<hbm>>
    tpu.wait_dma2 semaphore(%arg9 : memref<!tpu.dma_semaphore, #tpu.memory_space<semaphore_mem>>) src(%dma_wait3A_321 : memref<4096xf32, #tpu.memory_space<hbm>>) dst(%dma_wait3A_320 : memref<4096xf32, #tpu.memory_space<vmem>>)
    %add3A_322 = arith.constant 278528 : i32
    %add3A_323 = arith.addi %add3A_35, %add3A_322 : i32
    %dma_wait3A_324 = arith.constant 69632 : i32
    %dma_wait3A_325 = tpu.memref_slice %arg5[%dma_wait3A_324] : memref<77824xf32, #tpu.memory_space<vmem>> -> memref<4096xf32, #tpu.memory_space<vmem>>
    %dma_wait3A_326 = tpu.memref_slice %arg2[%add3A_323] : memref<2490368xf32, #tpu.memory_space<hbm>> -> memref<4096xf32, #tpu.memory_space<hbm>>
    %dma_wait3A_327 = arith.constant 69632 : i32
    %dma_wait3A_328 = tpu.memref_slice %arg5[%dma_wait3A_327] : memref<77824xf32, #tpu.memory_space<vmem>> -> memref<4096xf32, #tpu.memory_space<vmem>>
    %dma_wait3A_329 = tpu.memref_slice %arg2[%add3A_323] : memref<2490368xf32, #tpu.memory_space<hbm>> -> memref<4096xf32, #tpu.memory_space<hbm>>
    tpu.wait_dma2 semaphore(%arg9 : memref<!tpu.dma_semaphore, #tpu.memory_space<semaphore_mem>>) src(%dma_wait3A_329 : memref<4096xf32, #tpu.memory_space<hbm>>) dst(%dma_wait3A_328 : memref<4096xf32, #tpu.memory_space<vmem>>)
    %add3A_330 = arith.constant 294912 : i32
    %add3A_331 = arith.addi %add3A_35, %add3A_330 : i32
    %dma_wait3A_332 = arith.constant 73728 : i32
    %dma_wait3A_333 = tpu.memref_slice %arg5[%dma_wait3A_332] : memref<77824xf32, #tpu.memory_space<vmem>> -> memref<4096xf32, #tpu.memory_space<vmem>>
    %dma_wait3A_334 = tpu.memref_slice %arg2[%add3A_331] : memref<2490368xf32, #tpu.memory_space<hbm>> -> memref<4096xf32, #tpu.memory_space<hbm>>
    %dma_wait3A_335 = arith.constant 73728 : i32
    %dma_wait3A_336 = tpu.memref_slice %arg5[%dma_wait3A_335] : memref<77824xf32, #tpu.memory_space<vmem>> -> memref<4096xf32, #tpu.memory_space<vmem>>
    %dma_wait3A_337 = tpu.memref_slice %arg2[%add3A_331] : memref<2490368xf32, #tpu.memory_space<hbm>> -> memref<4096xf32, #tpu.memory_space<hbm>>
    tpu.wait_dma2 semaphore(%arg9 : memref<!tpu.dma_semaphore, #tpu.memory_space<semaphore_mem>>) src(%dma_wait3A_337 : memref<4096xf32, #tpu.memory_space<hbm>>) dst(%dma_wait3A_336 : memref<4096xf32, #tpu.memory_space<vmem>>)
    %broadcast_in_dim3A = arith.constant 0.000000e+00 : f32
    %broadcast_in_dim3A_338 = vector.broadcast %broadcast_in_dim3A : f32 to vector<16xf32>
    %swap3A = arith.constant 0 : index
    %swap3A_339 = tpu.vector_load %arg7[%swap3A] {strides = array<i32>} : memref<304xf32, #tpu.memory_space<vmem>>, vector<16xf32>,
    tpu.vector_store %arg7[%swap3A], %broadcast_in_dim3A_338 {strides = array<i32>} : memref<304xf32, #tpu.memory_space<vmem>>, vector<16xf32>,
    %swap3A_340 = arith.constant 16 : index
    %swap3A_341 = tpu.vector_load %arg7[%swap3A_340] {strides = array<i32>} : memref<304xf32, #tpu.memory_space<vmem>>, vector<16xf32>,
    tpu.vector_store %arg7[%swap3A_340], %broadcast_in_dim3A_338 {strides = array<i32>} : memref<304xf32, #tpu.memory_space<vmem>>, vector<16xf32>,
    %swap3A_342 = arith.constant 32 : index
    %swap3A_343 = tpu.vector_load %arg7[%swap3A_342] {strides = array<i32>} : memref<304xf32, #tpu.memory_space<vmem>>, vector<16xf32>,
    tpu.vector_store %arg7[%swap3A_342], %broadcast_in_dim3A_338 {strides = array<i32>} : memref<304xf32, #tpu.memory_space<vmem>>, vector<16xf32>,
    %swap3A_344 = arith.constant 48 : index
    %swap3A_345 = tpu.vector_load %arg7[%swap3A_344] {strides = array<i32>} : memref<304xf32, #tpu.memory_space<vmem>>, vector<16xf32>,
    tpu.vector_store %arg7[%swap3A_344], %broadcast_in_dim3A_338 {strides = array<i32>} : memref<304xf32, #tpu.memory_space<vmem>>, vector<16xf32>,
    %swap3A_346 = arith.constant 64 : index
    %swap3A_347 = tpu.vector_load %arg7[%swap3A_346] {strides = array<i32>} : memref<304xf32, #tpu.memory_space<vmem>>, vector<16xf32>,
    tpu.vector_store %arg7[%swap3A_346], %broadcast_in_dim3A_338 {strides = array<i32>} : memref<304xf32, #tpu.memory_space<vmem>>, vector<16xf32>,
    %swap3A_348 = arith.constant 80 : index
    %swap3A_349 = tpu.vector_load %arg7[%swap3A_348] {strides = array<i32>} : memref<304xf32, #tpu.memory_space<vmem>>, vector<16xf32>,
    tpu.vector_store %arg7[%swap3A_348], %broadcast_in_dim3A_338 {strides = array<i32>} : memref<304xf32, #tpu.memory_space<vmem>>, vector<16xf32>,
    %swap3A_350 = arith.constant 96 : index
    %swap3A_351 = tpu.vector_load %arg7[%swap3A_350] {strides = array<i32>} : memref<304xf32, #tpu.memory_space<vmem>>, vector<16xf32>,
    tpu.vector_store %arg7[%swap3A_350], %broadcast_in_dim3A_338 {strides = array<i32>} : memref<304xf32, #tpu.memory_space<vmem>>, vector<16xf32>,
    %swap3A_352 = arith.constant 112 : index
    %swap3A_353 = tpu.vector_load %arg7[%swap3A_352] {strides = array<i32>} : memref<304xf32, #tpu.memory_space<vmem>>, vector<16xf32>,
    tpu.vector_store %arg7[%swap3A_352], %broadcast_in_dim3A_338 {strides = array<i32>} : memref<304xf32, #tpu.memory_space<vmem>>, vector<16xf32>,
    %swap3A_354 = arith.constant 128 : index
    %swap3A_355 = tpu.vector_load %arg7[%swap3A_354] {strides = array<i32>} : memref<304xf32, #tpu.memory_space<vmem>>, vector<16xf32>,
    tpu.vector_store %arg7[%swap3A_354], %broadcast_in_dim3A_338 {strides = array<i32>} : memref<304xf32, #tpu.memory_space<vmem>>, vector<16xf32>,
    %swap3A_356 = arith.constant 144 : index
    %swap3A_357 = tpu.vector_load %arg7[%swap3A_356] {strides = array<i32>} : memref<304xf32, #tpu.memory_space<vmem>>, vector<16xf32>,
    tpu.vector_store %arg7[%swap3A_356], %broadcast_in_dim3A_338 {strides = array<i32>} : memref<304xf32, #tpu.memory_space<vmem>>, vector<16xf32>,
    %swap3A_358 = arith.constant 160 : index
    %swap3A_359 = tpu.vector_load %arg7[%swap3A_358] {strides = array<i32>} : memref<304xf32, #tpu.memory_space<vmem>>, vector<16xf32>,
    tpu.vector_store %arg7[%swap3A_358], %broadcast_in_dim3A_338 {strides = array<i32>} : memref<304xf32, #tpu.memory_space<vmem>>, vector<16xf32>,
    %swap3A_360 = arith.constant 176 : index
    %swap3A_361 = tpu.vector_load %arg7[%swap3A_360] {strides = array<i32>} : memref<304xf32, #tpu.memory_space<vmem>>, vector<16xf32>,
    tpu.vector_store %arg7[%swap3A_360], %broadcast_in_dim3A_338 {strides = array<i32>} : memref<304xf32, #tpu.memory_space<vmem>>, vector<16xf32>,
    %swap3A_362 = arith.constant 192 : index
    %swap3A_363 = tpu.vector_load %arg7[%swap3A_362] {strides = array<i32>} : memref<304xf32, #tpu.memory_space<vmem>>, vector<16xf32>,
    tpu.vector_store %arg7[%swap3A_362], %broadcast_in_dim3A_338 {strides = array<i32>} : memref<304xf32, #tpu.memory_space<vmem>>, vector<16xf32>,
    %swap3A_364 = arith.constant 208 : index
    %swap3A_365 = tpu.vector_load %arg7[%swap3A_364] {strides = array<i32>} : memref<304xf32, #tpu.memory_space<vmem>>, vector<16xf32>,
    tpu.vector_store %arg7[%swap3A_364], %broadcast_in_dim3A_338 {strides = array<i32>} : memref<304xf32, #tpu.memory_space<vmem>>, vector<16xf32>,
    %swap3A_366 = arith.constant 224 : index
    %swap3A_367 = tpu.vector_load %arg7[%swap3A_366] {strides = array<i32>} : memref<304xf32, #tpu.memory_space<vmem>>, vector<16xf32>,
    tpu.vector_store %arg7[%swap3A_366], %broadcast_in_dim3A_338 {strides = array<i32>} : memref<304xf32, #tpu.memory_space<vmem>>, vector<16xf32>,
    %swap3A_368 = arith.constant 240 : index
    %swap3A_369 = tpu.vector_load %arg7[%swap3A_368] {strides = array<i32>} : memref<304xf32, #tpu.memory_space<vmem>>, vector<16xf32>,
    tpu.vector_store %arg7[%swap3A_368], %broadcast_in_dim3A_338 {strides = array<i32>} : memref<304xf32, #tpu.memory_space<vmem>>, vector<16xf32>,
    %swap3A_370 = arith.constant 256 : index
    %swap3A_371 = tpu.vector_load %arg7[%swap3A_370] {strides = array<i32>} : memref<304xf32, #tpu.memory_space<vmem>>, vector<16xf32>,
    tpu.vector_store %arg7[%swap3A_370], %broadcast_in_dim3A_338 {strides = array<i32>} : memref<304xf32, #tpu.memory_space<vmem>>, vector<16xf32>,
    %swap3A_372 = arith.constant 272 : index
    %swap3A_373 = tpu.vector_load %arg7[%swap3A_372] {strides = array<i32>} : memref<304xf32, #tpu.memory_space<vmem>>, vector<16xf32>,
    tpu.vector_store %arg7[%swap3A_372], %broadcast_in_dim3A_338 {strides = array<i32>} : memref<304xf32, #tpu.memory_space<vmem>>, vector<16xf32>,
    %swap3A_374 = arith.constant 288 : index
    %swap3A_375 = tpu.vector_load %arg7[%swap3A_374] {strides = array<i32>} : memref<304xf32, #tpu.memory_space<vmem>>, vector<16xf32>,
    tpu.vector_store %arg7[%swap3A_374], %broadcast_in_dim3A_338 {strides = array<i32>} : memref<304xf32, #tpu.memory_space<vmem>>, vector<16xf32>,
    %swap3A_376 = arith.constant 0 : index
    %swap3A_377 = tpu.vector_load %arg8[%swap3A_376] {strides = array<i32>} : memref<32xf32, #tpu.memory_space<vmem>>, vector<16xf32>,
    tpu.vector_store %arg8[%swap3A_376], %broadcast_in_dim3A_338 {strides = array<i32>} : memref<32xf32, #tpu.memory_space<vmem>>, vector<16xf32>,
    %swap3A_378 = arith.constant 16 : index
    %swap3A_379 = tpu.vector_load %arg8[%swap3A_378] {strides = array<i32>} : memref<32xf32, #tpu.memory_space<vmem>>, vector<16xf32>,
    tpu.vector_store %arg8[%swap3A_378], %broadcast_in_dim3A_338 {strides = array<i32>} : memref<32xf32, #tpu.memory_space<vmem>>, vector<16xf32>,
    %iota3A = tpu.iota {dimensions = array<i32: 0>} : vector<16xi32>
    %broadcast_in_dim3A_380 = arith.constant 1.000000e+00 : f32
    %broadcast_in_dim3A_381 = vector.broadcast %broadcast_in_dim3A_380 : f32 to vector<16xf32>
    %scan3A = arith.constant 0 : i32
    %scan3A_382 = arith.constant 256 : i32
    %scan3A_383 = arith.addi %scan3A, %scan3A_382 : i32
    %scan3A_384 = arith.constant 1 : i32
    scf.for %scan3A_522 = %scan3A to %scan3A_383 step %scan3A_384  : i32 {
      %mul3A_523 = arith.constant 1 : i32
      %mul3A_524 = arith.muli %scan3A_522, %mul3A_523 : i32
      %add3A_525 = arith.constant 0 : i32
      %add3A_526 = arith.addi %add3A_525, %mul3A_524 : i32
      %mul3A_527 = arith.constant 16 : i32
      %mul3A_528 = arith.muli %add3A_526, %mul3A_527 : i32
      %get3A_529 = arith.index_cast %mul3A_528 : i32 to index
      %get3A_530 = tpu.vector_load %arg5[%get3A_529] {strides = array<i32>} : memref<77824xf32, #tpu.memory_space<vmem>>, vector<16xf32>,
      %broadcast_in_dim3A_531 = arith.constant 0 : i32
      %broadcast_in_dim3A_532 = vector.broadcast %broadcast_in_dim3A_531 : i32 to vector<16xi32>
      %add3A_533 = arith.constant 4096 : i32
      %add3A_534 = arith.addi %add3A_533, %mul3A_528 : i32
      %get3A_535 = arith.index_cast %add3A_534 : i32 to index
      %get3A_536 = tpu.vector_load %arg5[%get3A_535] {strides = array<i32>} : memref<77824xf32, #tpu.memory_space<vmem>>, vector<16xf32>,
      %gt3A = arith.cmpf ogt, %get3A_536, %get3A_530 : vector<16xf32>
      %select_n3A_537 = arith.select %gt3A, %get3A_536, %get3A_530 : vector<16xi1>, vector<16xf32>
      %broadcast_in_dim3A_538 = arith.constant 1 : i32
      %broadcast_in_dim3A_539 = vector.broadcast %broadcast_in_dim3A_538 : i32 to vector<16xi32>
      %select_n3A_540 = arith.select %gt3A, %broadcast_in_dim3A_539, %broadcast_in_dim3A_532 : vector<16xi1>, vector<16xi32>
      %add3A_541 = arith.constant 8192 : i32
      %add3A_542 = arith.addi %add3A_541, %mul3A_528 : i32
      %get3A_543 = arith.index_cast %add3A_542 : i32 to index
      %get3A_544 = tpu.vector_load %arg5[%get3A_543] {strides = array<i32>} : memref<77824xf32, #tpu.memory_space<vmem>>, vector<16xf32>,
      %gt3A_545 = arith.cmpf ogt, %get3A_544, %select_n3A_537 : vector<16xf32>
      %select_n3A_546 = arith.select %gt3A_545, %get3A_544, %select_n3A_537 : vector<16xi1>, vector<16xf32>
      %broadcast_in_dim3A_547 = arith.constant 2 : i32
      %broadcast_in_dim3A_548 = vector.broadcast %broadcast_in_dim3A_547 : i32 to vector<16xi32>
      %select_n3A_549 = arith.select %gt3A_545, %broadcast_in_dim3A_548, %select_n3A_540 : vector<16xi1>, vector<16xi32>
      %add3A_550 = arith.constant 12288 : i32
      %add3A_551 = arith.addi %add3A_550, %mul3A_528 : i32
      %get3A_552 = arith.index_cast %add3A_551 : i32 to index
      %get3A_553 = tpu.vector_load %arg5[%get3A_552] {strides = array<i32>} : memref<77824xf32, #tpu.memory_space<vmem>>, vector<16xf32>,
      %gt3A_554 = arith.cmpf ogt, %get3A_553, %select_n3A_546 : vector<16xf32>
      %select_n3A_555 = arith.select %gt3A_554, %get3A_553, %select_n3A_546 : vector<16xi1>, vector<16xf32>
      %broadcast_in_dim3A_556 = arith.constant 3 : i32
      %broadcast_in_dim3A_557 = vector.broadcast %broadcast_in_dim3A_556 : i32 to vector<16xi32>
      %select_n3A_558 = arith.select %gt3A_554, %broadcast_in_dim3A_557, %select_n3A_549 : vector<16xi1>, vector<16xi32>
      %add3A_559 = arith.constant 16384 : i32
      %add3A_560 = arith.addi %add3A_559, %mul3A_528 : i32
      %get3A_561 = arith.index_cast %add3A_560 : i32 to index
      %get3A_562 = tpu.vector_load %arg5[%get3A_561] {strides = array<i32>} : memref<77824xf32, #tpu.memory_space<vmem>>, vector<16xf32>,
      %gt3A_563 = arith.cmpf ogt, %get3A_562, %select_n3A_555 : vector<16xf32>
      %select_n3A_564 = arith.select %gt3A_563, %get3A_562, %select_n3A_555 : vector<16xi1>, vector<16xf32>
      %broadcast_in_dim3A_565 = arith.constant 4 : i32
      %broadcast_in_dim3A_566 = vector.broadcast %broadcast_in_dim3A_565 : i32 to vector<16xi32>
      %select_n3A_567 = arith.select %gt3A_563, %broadcast_in_dim3A_566, %select_n3A_558 : vector<16xi1>, vector<16xi32>
      %add3A_568 = arith.constant 20480 : i32
      %add3A_569 = arith.addi %add3A_568, %mul3A_528 : i32
      %get3A_570 = arith.index_cast %add3A_569 : i32 to index
      %get3A_571 = tpu.vector_load %arg5[%get3A_570] {strides = array<i32>} : memref<77824xf32, #tpu.memory_space<vmem>>, vector<16xf32>,
      %gt3A_572 = arith.cmpf ogt, %get3A_571, %select_n3A_564 : vector<16xf32>
      %select_n3A_573 = arith.select %gt3A_572, %get3A_571, %select_n3A_564 : vector<16xi1>, vector<16xf32>
      %broadcast_in_dim3A_574 = arith.constant 5 : i32
      %broadcast_in_dim3A_575 = vector.broadcast %broadcast_in_dim3A_574 : i32 to vector<16xi32>
      %select_n3A_576 = arith.select %gt3A_572, %broadcast_in_dim3A_575, %select_n3A_567 : vector<16xi1>, vector<16xi32>
      %add3A_577 = arith.constant 24576 : i32
      %add3A_578 = arith.addi %add3A_577, %mul3A_528 : i32
      %get3A_579 = arith.index_cast %add3A_578 : i32 to index
      %get3A_580 = tpu.vector_load %arg5[%get3A_579] {strides = array<i32>} : memref<77824xf32, #tpu.memory_space<vmem>>, vector<16xf32>,
      %gt3A_581 = arith.cmpf ogt, %get3A_580, %select_n3A_573 : vector<16xf32>
      %select_n3A_582 = arith.select %gt3A_581, %get3A_580, %select_n3A_573 : vector<16xi1>, vector<16xf32>
      %broadcast_in_dim3A_583 = arith.constant 6 : i32
      %broadcast_in_dim3A_584 = vector.broadcast %broadcast_in_dim3A_583 : i32 to vector<16xi32>
      %select_n3A_585 = arith.select %gt3A_581, %broadcast_in_dim3A_584, %select_n3A_576 : vector<16xi1>, vector<16xi32>
      %add3A_586 = arith.constant 28672 : i32
      %add3A_587 = arith.addi %add3A_586, %mul3A_528 : i32
      %get3A_588 = arith.index_cast %add3A_587 : i32 to index
      %get3A_589 = tpu.vector_load %arg5[%get3A_588] {strides = array<i32>} : memref<77824xf32, #tpu.memory_space<vmem>>, vector<16xf32>,
      %gt3A_590 = arith.cmpf ogt, %get3A_589, %select_n3A_582 : vector<16xf32>
      %select_n3A_591 = arith.select %gt3A_590, %get3A_589, %select_n3A_582 : vector<16xi1>, vector<16xf32>
      %broadcast_in_dim3A_592 = arith.constant 7 : i32
      %broadcast_in_dim3A_593 = vector.broadcast %broadcast_in_dim3A_592 : i32 to vector<16xi32>
      %select_n3A_594 = arith.select %gt3A_590, %broadcast_in_dim3A_593, %select_n3A_585 : vector<16xi1>, vector<16xi32>
      %add3A_595 = arith.constant 32768 : i32
      %add3A_596 = arith.addi %add3A_595, %mul3A_528 : i32
      %get3A_597 = arith.index_cast %add3A_596 : i32 to index
      %get3A_598 = tpu.vector_load %arg5[%get3A_597] {strides = array<i32>} : memref<77824xf32, #tpu.memory_space<vmem>>, vector<16xf32>,
      %gt3A_599 = arith.cmpf ogt, %get3A_598, %select_n3A_591 : vector<16xf32>
      %select_n3A_600 = arith.select %gt3A_599, %get3A_598, %select_n3A_591 : vector<16xi1>, vector<16xf32>
      %broadcast_in_dim3A_601 = arith.constant 8 : i32
      %broadcast_in_dim3A_602 = vector.broadcast %broadcast_in_dim3A_601 : i32 to vector<16xi32>
      %select_n3A_603 = arith.select %gt3A_599, %broadcast_in_dim3A_602, %select_n3A_594 : vector<16xi1>, vector<16xi32>
      %add3A_604 = arith.constant 36864 : i32
      %add3A_605 = arith.addi %add3A_604, %mul3A_528 : i32
      %get3A_606 = arith.index_cast %add3A_605 : i32 to index
      %get3A_607 = tpu.vector_load %arg5[%get3A_606] {strides = array<i32>} : memref<77824xf32, #tpu.memory_space<vmem>>, vector<16xf32>,
      %gt3A_608 = arith.cmpf ogt, %get3A_607, %select_n3A_600 : vector<16xf32>
      %select_n3A_609 = arith.select %gt3A_608, %get3A_607, %select_n3A_600 : vector<16xi1>, vector<16xf32>
      %broadcast_in_dim3A_610 = arith.constant 9 : i32
      %broadcast_in_dim3A_611 = vector.broadcast %broadcast_in_dim3A_610 : i32 to vector<16xi32>
      %select_n3A_612 = arith.select %gt3A_608, %broadcast_in_dim3A_611, %select_n3A_603 : vector<16xi1>, vector<16xi32>
      %add3A_613 = arith.constant 40960 : i32
      %add3A_614 = arith.addi %add3A_613, %mul3A_528 : i32
      %get3A_615 = arith.index_cast %add3A_614 : i32 to index
      %get3A_616 = tpu.vector_load %arg5[%get3A_615] {strides = array<i32>} : memref<77824xf32, #tpu.memory_space<vmem>>, vector<16xf32>,
      %gt3A_617 = arith.cmpf ogt, %get3A_616, %select_n3A_609 : vector<16xf32>
      %select_n3A_618 = arith.select %gt3A_617, %get3A_616, %select_n3A_609 : vector<16xi1>, vector<16xf32>
      %broadcast_in_dim3A_619 = arith.constant 10 : i32
      %broadcast_in_dim3A_620 = vector.broadcast %broadcast_in_dim3A_619 : i32 to vector<16xi32>
      %select_n3A_621 = arith.select %gt3A_617, %broadcast_in_dim3A_620, %select_n3A_612 : vector<16xi1>, vector<16xi32>
      %add3A_622 = arith.constant 45056 : i32
      %add3A_623 = arith.addi %add3A_622, %mul3A_528 : i32
      %get3A_624 = arith.index_cast %add3A_623 : i32 to index
      %get3A_625 = tpu.vector_load %arg5[%get3A_624] {strides = array<i32>} : memref<77824xf32, #tpu.memory_space<vmem>>, vector<16xf32>,
      %gt3A_626 = arith.cmpf ogt, %get3A_625, %select_n3A_618 : vector<16xf32>
      %select_n3A_627 = arith.select %gt3A_626, %get3A_625, %select_n3A_618 : vector<16xi1>, vector<16xf32>
      %broadcast_in_dim3A_628 = arith.constant 11 : i32
      %broadcast_in_dim3A_629 = vector.broadcast %broadcast_in_dim3A_628 : i32 to vector<16xi32>
      %select_n3A_630 = arith.select %gt3A_626, %broadcast_in_dim3A_629, %select_n3A_621 : vector<16xi1>, vector<16xi32>
      %add3A_631 = arith.constant 49152 : i32
      %add3A_632 = arith.addi %add3A_631, %mul3A_528 : i32
      %get3A_633 = arith.index_cast %add3A_632 : i32 to index
      %get3A_634 = tpu.vector_load %arg5[%get3A_633] {strides = array<i32>} : memref<77824xf32, #tpu.memory_space<vmem>>, vector<16xf32>,
      %gt3A_635 = arith.cmpf ogt, %get3A_634, %select_n3A_627 : vector<16xf32>
      %select_n3A_636 = arith.select %gt3A_635, %get3A_634, %select_n3A_627 : vector<16xi1>, vector<16xf32>
      %broadcast_in_dim3A_637 = arith.constant 12 : i32
      %broadcast_in_dim3A_638 = vector.broadcast %broadcast_in_dim3A_637 : i32 to vector<16xi32>
      %select_n3A_639 = arith.select %gt3A_635, %broadcast_in_dim3A_638, %select_n3A_630 : vector<16xi1>, vector<16xi32>
      %add3A_640 = arith.constant 53248 : i32
      %add3A_641 = arith.addi %add3A_640, %mul3A_528 : i32
      %get3A_642 = arith.index_cast %add3A_641 : i32 to index
      %get3A_643 = tpu.vector_load %arg5[%get3A_642] {strides = array<i32>} : memref<77824xf32, #tpu.memory_space<vmem>>, vector<16xf32>,
      %gt3A_644 = arith.cmpf ogt, %get3A_643, %select_n3A_636 : vector<16xf32>
      %select_n3A_645 = arith.select %gt3A_644, %get3A_643, %select_n3A_636 : vector<16xi1>, vector<16xf32>
      %broadcast_in_dim3A_646 = arith.constant 13 : i32
      %broadcast_in_dim3A_647 = vector.broadcast %broadcast_in_dim3A_646 : i32 to vector<16xi32>
      %select_n3A_648 = arith.select %gt3A_644, %broadcast_in_dim3A_647, %select_n3A_639 : vector<16xi1>, vector<16xi32>
      %add3A_649 = arith.constant 57344 : i32
      %add3A_650 = arith.addi %add3A_649, %mul3A_528 : i32
      %get3A_651 = arith.index_cast %add3A_650 : i32 to index
      %get3A_652 = tpu.vector_load %arg5[%get3A_651] {strides = array<i32>} : memref<77824xf32, #tpu.memory_space<vmem>>, vector<16xf32>,
      %gt3A_653 = arith.cmpf ogt, %get3A_652, %select_n3A_645 : vector<16xf32>
      %select_n3A_654 = arith.select %gt3A_653, %get3A_652, %select_n3A_645 : vector<16xi1>, vector<16xf32>
      %broadcast_in_dim3A_655 = arith.constant 14 : i32
      %broadcast_in_dim3A_656 = vector.broadcast %broadcast_in_dim3A_655 : i32 to vector<16xi32>
      %select_n3A_657 = arith.select %gt3A_653, %broadcast_in_dim3A_656, %select_n3A_648 : vector<16xi1>, vector<16xi32>
      %add3A_658 = arith.constant 61440 : i32
      %add3A_659 = arith.addi %add3A_658, %mul3A_528 : i32
      %get3A_660 = arith.index_cast %add3A_659 : i32 to index
      %get3A_661 = tpu.vector_load %arg5[%get3A_660] {strides = array<i32>} : memref<77824xf32, #tpu.memory_space<vmem>>, vector<16xf32>,
      %gt3A_662 = arith.cmpf ogt, %get3A_661, %select_n3A_654 : vector<16xf32>
      %select_n3A_663 = arith.select %gt3A_662, %get3A_661, %select_n3A_654 : vector<16xi1>, vector<16xf32>
      %broadcast_in_dim3A_664 = arith.constant 15 : i32
      %broadcast_in_dim3A_665 = vector.broadcast %broadcast_in_dim3A_664 : i32 to vector<16xi32>
      %select_n3A_666 = arith.select %gt3A_662, %broadcast_in_dim3A_665, %select_n3A_657 : vector<16xi1>, vector<16xi32>
      %add3A_667 = arith.constant 65536 : i32
      %add3A_668 = arith.addi %add3A_667, %mul3A_528 : i32
      %get3A_669 = arith.index_cast %add3A_668 : i32 to index
      %get3A_670 = tpu.vector_load %arg5[%get3A_669] {strides = array<i32>} : memref<77824xf32, #tpu.memory_space<vmem>>, vector<16xf32>,
      %gt3A_671 = arith.cmpf ogt, %get3A_670, %select_n3A_663 : vector<16xf32>
      %select_n3A_672 = arith.select %gt3A_671, %get3A_670, %select_n3A_663 : vector<16xi1>, vector<16xf32>
      %broadcast_in_dim3A_673 = arith.constant 16 : i32
      %broadcast_in_dim3A_674 = vector.broadcast %broadcast_in_dim3A_673 : i32 to vector<16xi32>
      %select_n3A_675 = arith.select %gt3A_671, %broadcast_in_dim3A_674, %select_n3A_666 : vector<16xi1>, vector<16xi32>
      %add3A_676 = arith.constant 69632 : i32
      %add3A_677 = arith.addi %add3A_676, %mul3A_528 : i32
      %get3A_678 = arith.index_cast %add3A_677 : i32 to index
      %get3A_679 = tpu.vector_load %arg5[%get3A_678] {strides = array<i32>} : memref<77824xf32, #tpu.memory_space<vmem>>, vector<16xf32>,
      %gt3A_680 = arith.cmpf ogt, %get3A_679, %select_n3A_672 : vector<16xf32>
      %select_n3A_681 = arith.select %gt3A_680, %get3A_679, %select_n3A_672 : vector<16xi1>, vector<16xf32>
      %broadcast_in_dim3A_682 = arith.constant 17 : i32
      %broadcast_in_dim3A_683 = vector.broadcast %broadcast_in_dim3A_682 : i32 to vector<16xi32>
      %select_n3A_684 = arith.select %gt3A_680, %broadcast_in_dim3A_683, %select_n3A_675 : vector<16xi1>, vector<16xi32>
      %add3A_685 = arith.constant 73728 : i32
      %add3A_686 = arith.addi %add3A_685, %mul3A_528 : i32
      %get3A_687 = arith.index_cast %add3A_686 : i32 to index
      %get3A_688 = tpu.vector_load %arg5[%get3A_687] {strides = array<i32>} : memref<77824xf32, #tpu.memory_space<vmem>>, vector<16xf32>,
      %gt3A_689 = arith.cmpf ogt, %get3A_688, %select_n3A_681 : vector<16xf32>
      %select_n3A_690 = arith.select %gt3A_689, %get3A_688, %select_n3A_681 : vector<16xi1>, vector<16xf32>
      %broadcast_in_dim3A_691 = arith.constant 18 : i32
      %broadcast_in_dim3A_692 = vector.broadcast %broadcast_in_dim3A_691 : i32 to vector<16xi32>
      %select_n3A_693 = arith.select %gt3A_689, %broadcast_in_dim3A_692, %select_n3A_684 : vector<16xi1>, vector<16xi32>
      %mul3A_694 = arith.constant 1024 : i32
      %mul3A_695 = vector.broadcast %mul3A_694 : i32 to vector<16xi32>
      %mul3A_696 = arith.muli %select_n3A_693, %mul3A_695 : vector<16xi32>
      %add3A_697 = arith.addi %mul3A_696, %iota3A : vector<16xi32>
      %swap3A_698 = arith.index_cast %mul3A_528 : i32 to index
      %swap3A_699 = tpu.vector_load %arg6[%swap3A_698] {strides = array<i32>} : memref<4096xi32, #tpu.memory_space<vmem>>, vector<16xi32>,
      tpu.vector_store %arg6[%swap3A_698], %add3A_697 {strides = array<i32>} : memref<4096xi32, #tpu.memory_space<vmem>>, vector<16xi32>,
      %mul3A_700 = arith.constant 16 : i32
      %mul3A_701 = vector.broadcast %mul3A_700 : i32 to vector<16xi32>
      %mul3A_702 = arith.muli %select_n3A_693, %mul3A_701 : vector<16xi32>
      %add3A_703 = arith.addi %mul3A_702, %iota3A : vector<16xi32>
      tpu.vector_store_idx %arg7[%add3A_703], %broadcast_in_dim3A_381 {add = true} : memref<304xf32, #tpu.memory_space<vmem>>[vector<16xi32>], vector<16xf32>,
    }
    %scan3A_385 = arith.constant 256 : i32
    %eq3A_386 = arith.constant 15 : i32
    %eq3A_387 = vector.broadcast %eq3A_386 : i32 to vector<16xi32>
    %eq3A_388 = arith.cmpi eq, %iota3A, %eq3A_387 : vector<16xi32>
    %get3A = arith.constant 0 : index
    %get3A_389 = tpu.vector_load %arg7[%get3A] {strides = array<i32>} : memref<304xf32, #tpu.memory_space<vmem>>, vector<16xf32>,
    %broadcast_in_dim3A_390 = arith.constant true
    %broadcast_in_dim3A_391 = vector.broadcast %broadcast_in_dim3A_390 : i1 to vector<16xi1>
    %masked_cumsum3A = tpu.scan <sum>, %get3A_389 masked %broadcast_in_dim3A_391 : vector<16xf32>, vector<16xi1> -> vector<16xf32>
    %broadcast_in_dim3A_392 = arith.constant 0 : i32
    %broadcast_in_dim3A_393 = vector.broadcast %broadcast_in_dim3A_392 : i32 to vector<16xi32>
    tpu.vector_store_idx %arg8[%broadcast_in_dim3A_393], %masked_cumsum3A masked %eq3A_388 : memref<32xf32, #tpu.memory_space<vmem>>[vector<16xi32>], vector<16xf32>, vector<16xi1>
    %get3A_394 = arith.constant 16 : index
    %get3A_395 = tpu.vector_load %arg7[%get3A_394] {strides = array<i32>} : memref<304xf32, #tpu.memory_space<vmem>>, vector<16xf32>,
    %broadcast_in_dim3A_396 = arith.constant true
    %broadcast_in_dim3A_397 = vector.broadcast %broadcast_in_dim3A_396 : i1 to vector<16xi1>
    %masked_cumsum3A_398 = tpu.scan <sum>, %get3A_395 masked %broadcast_in_dim3A_397 : vector<16xf32>, vector<16xi1> -> vector<16xf32>
    %broadcast_in_dim3A_399 = arith.constant 1 : i32
    %broadcast_in_dim3A_400 = vector.broadcast %broadcast_in_dim3A_399 : i32 to vector<16xi32>
    tpu.vector_store_idx %arg8[%broadcast_in_dim3A_400], %masked_cumsum3A_398 masked %eq3A_388 : memref<32xf32, #tpu.memory_space<vmem>>[vector<16xi32>], vector<16xf32>, vector<16xi1>
    %get3A_401 = arith.constant 32 : index
    %get3A_402 = tpu.vector_load %arg7[%get3A_401] {strides = array<i32>} : memref<304xf32, #tpu.memory_space<vmem>>, vector<16xf32>,
    %broadcast_in_dim3A_403 = arith.constant true
    %broadcast_in_dim3A_404 = vector.broadcast %broadcast_in_dim3A_403 : i1 to vector<16xi1>
    %masked_cumsum3A_405 = tpu.scan <sum>, %get3A_402 masked %broadcast_in_dim3A_404 : vector<16xf32>, vector<16xi1> -> vector<16xf32>
    %broadcast_in_dim3A_406 = arith.constant 2 : i32
    %broadcast_in_dim3A_407 = vector.broadcast %broadcast_in_dim3A_406 : i32 to vector<16xi32>
    tpu.vector_store_idx %arg8[%broadcast_in_dim3A_407], %masked_cumsum3A_405 masked %eq3A_388 : memref<32xf32, #tpu.memory_space<vmem>>[vector<16xi32>], vector<16xf32>, vector<16xi1>
    %get3A_408 = arith.constant 48 : index
    %get3A_409 = tpu.vector_load %arg7[%get3A_408] {strides = array<i32>} : memref<304xf32, #tpu.memory_space<vmem>>, vector<16xf32>,
    %broadcast_in_dim3A_410 = arith.constant true
    %broadcast_in_dim3A_411 = vector.broadcast %broadcast_in_dim3A_410 : i1 to vector<16xi1>
    %masked_cumsum3A_412 = tpu.scan <sum>, %get3A_409 masked %broadcast_in_dim3A_411 : vector<16xf32>, vector<16xi1> -> vector<16xf32>
    %broadcast_in_dim3A_413 = arith.constant 3 : i32
    %broadcast_in_dim3A_414 = vector.broadcast %broadcast_in_dim3A_413 : i32 to vector<16xi32>
    tpu.vector_store_idx %arg8[%broadcast_in_dim3A_414], %masked_cumsum3A_412 masked %eq3A_388 : memref<32xf32, #tpu.memory_space<vmem>>[vector<16xi32>], vector<16xf32>, vector<16xi1>
    %get3A_415 = arith.constant 64 : index
    %get3A_416 = tpu.vector_load %arg7[%get3A_415] {strides = array<i32>} : memref<304xf32, #tpu.memory_space<vmem>>, vector<16xf32>,
    %broadcast_in_dim3A_417 = arith.constant true
    %broadcast_in_dim3A_418 = vector.broadcast %broadcast_in_dim3A_417 : i1 to vector<16xi1>
    %masked_cumsum3A_419 = tpu.scan <sum>, %get3A_416 masked %broadcast_in_dim3A_418 : vector<16xf32>, vector<16xi1> -> vector<16xf32>
    %broadcast_in_dim3A_420 = arith.constant 4 : i32
    %broadcast_in_dim3A_421 = vector.broadcast %broadcast_in_dim3A_420 : i32 to vector<16xi32>
    tpu.vector_store_idx %arg8[%broadcast_in_dim3A_421], %masked_cumsum3A_419 masked %eq3A_388 : memref<32xf32, #tpu.memory_space<vmem>>[vector<16xi32>], vector<16xf32>, vector<16xi1>
    %get3A_422 = arith.constant 80 : index
    %get3A_423 = tpu.vector_load %arg7[%get3A_422] {strides = array<i32>} : memref<304xf32, #tpu.memory_space<vmem>>, vector<16xf32>,
    %broadcast_in_dim3A_424 = arith.constant true
    %broadcast_in_dim3A_425 = vector.broadcast %broadcast_in_dim3A_424 : i1 to vector<16xi1>
    %masked_cumsum3A_426 = tpu.scan <sum>, %get3A_423 masked %broadcast_in_dim3A_425 : vector<16xf32>, vector<16xi1> -> vector<16xf32>
    %broadcast_in_dim3A_427 = arith.constant 5 : i32
    %broadcast_in_dim3A_428 = vector.broadcast %broadcast_in_dim3A_427 : i32 to vector<16xi32>
    tpu.vector_store_idx %arg8[%broadcast_in_dim3A_428], %masked_cumsum3A_426 masked %eq3A_388 : memref<32xf32, #tpu.memory_space<vmem>>[vector<16xi32>], vector<16xf32>, vector<16xi1>
    %get3A_429 = arith.constant 96 : index
    %get3A_430 = tpu.vector_load %arg7[%get3A_429] {strides = array<i32>} : memref<304xf32, #tpu.memory_space<vmem>>, vector<16xf32>,
    %broadcast_in_dim3A_431 = arith.constant true
    %broadcast_in_dim3A_432 = vector.broadcast %broadcast_in_dim3A_431 : i1 to vector<16xi1>
    %masked_cumsum3A_433 = tpu.scan <sum>, %get3A_430 masked %broadcast_in_dim3A_432 : vector<16xf32>, vector<16xi1> -> vector<16xf32>
    %broadcast_in_dim3A_434 = arith.constant 6 : i32
    %broadcast_in_dim3A_435 = vector.broadcast %broadcast_in_dim3A_434 : i32 to vector<16xi32>
    tpu.vector_store_idx %arg8[%broadcast_in_dim3A_435], %masked_cumsum3A_433 masked %eq3A_388 : memref<32xf32, #tpu.memory_space<vmem>>[vector<16xi32>], vector<16xf32>, vector<16xi1>
    %get3A_436 = arith.constant 112 : index
    %get3A_437 = tpu.vector_load %arg7[%get3A_436] {strides = array<i32>} : memref<304xf32, #tpu.memory_space<vmem>>, vector<16xf32>,
    %broadcast_in_dim3A_438 = arith.constant true
    %broadcast_in_dim3A_439 = vector.broadcast %broadcast_in_dim3A_438 : i1 to vector<16xi1>
    %masked_cumsum3A_440 = tpu.scan <sum>, %get3A_437 masked %broadcast_in_dim3A_439 : vector<16xf32>, vector<16xi1> -> vector<16xf32>
    %broadcast_in_dim3A_441 = arith.constant 7 : i32
    %broadcast_in_dim3A_442 = vector.broadcast %broadcast_in_dim3A_441 : i32 to vector<16xi32>
    tpu.vector_store_idx %arg8[%broadcast_in_dim3A_442], %masked_cumsum3A_440 masked %eq3A_388 : memref<32xf32, #tpu.memory_space<vmem>>[vector<16xi32>], vector<16xf32>, vector<16xi1>
    %get3A_443 = arith.constant 128 : index
    %get3A_444 = tpu.vector_load %arg7[%get3A_443] {strides = array<i32>} : memref<304xf32, #tpu.memory_space<vmem>>, vector<16xf32>,
    %broadcast_in_dim3A_445 = arith.constant true
    %broadcast_in_dim3A_446 = vector.broadcast %broadcast_in_dim3A_445 : i1 to vector<16xi1>
    %masked_cumsum3A_447 = tpu.scan <sum>, %get3A_444 masked %broadcast_in_dim3A_446 : vector<16xf32>, vector<16xi1> -> vector<16xf32>
    %broadcast_in_dim3A_448 = arith.constant 8 : i32
    %broadcast_in_dim3A_449 = vector.broadcast %broadcast_in_dim3A_448 : i32 to vector<16xi32>
    tpu.vector_store_idx %arg8[%broadcast_in_dim3A_449], %masked_cumsum3A_447 masked %eq3A_388 : memref<32xf32, #tpu.memory_space<vmem>>[vector<16xi32>], vector<16xf32>, vector<16xi1>
    %get3A_450 = arith.constant 144 : index
    %get3A_451 = tpu.vector_load %arg7[%get3A_450] {strides = array<i32>} : memref<304xf32, #tpu.memory_space<vmem>>, vector<16xf32>,
    %broadcast_in_dim3A_452 = arith.constant true
    %broadcast_in_dim3A_453 = vector.broadcast %broadcast_in_dim3A_452 : i1 to vector<16xi1>
    %masked_cumsum3A_454 = tpu.scan <sum>, %get3A_451 masked %broadcast_in_dim3A_453 : vector<16xf32>, vector<16xi1> -> vector<16xf32>
    %broadcast_in_dim3A_455 = arith.constant 9 : i32
    %broadcast_in_dim3A_456 = vector.broadcast %broadcast_in_dim3A_455 : i32 to vector<16xi32>
    tpu.vector_store_idx %arg8[%broadcast_in_dim3A_456], %masked_cumsum3A_454 masked %eq3A_388 : memref<32xf32, #tpu.memory_space<vmem>>[vector<16xi32>], vector<16xf32>, vector<16xi1>
    %get3A_457 = arith.constant 160 : index
    %get3A_458 = tpu.vector_load %arg7[%get3A_457] {strides = array<i32>} : memref<304xf32, #tpu.memory_space<vmem>>, vector<16xf32>,
    %broadcast_in_dim3A_459 = arith.constant true
    %broadcast_in_dim3A_460 = vector.broadcast %broadcast_in_dim3A_459 : i1 to vector<16xi1>
    %masked_cumsum3A_461 = tpu.scan <sum>, %get3A_458 masked %broadcast_in_dim3A_460 : vector<16xf32>, vector<16xi1> -> vector<16xf32>
    %broadcast_in_dim3A_462 = arith.constant 10 : i32
    %broadcast_in_dim3A_463 = vector.broadcast %broadcast_in_dim3A_462 : i32 to vector<16xi32>
    tpu.vector_store_idx %arg8[%broadcast_in_dim3A_463], %masked_cumsum3A_461 masked %eq3A_388 : memref<32xf32, #tpu.memory_space<vmem>>[vector<16xi32>], vector<16xf32>, vector<16xi1>
    %get3A_464 = arith.constant 176 : index
    %get3A_465 = tpu.vector_load %arg7[%get3A_464] {strides = array<i32>} : memref<304xf32, #tpu.memory_space<vmem>>, vector<16xf32>,
    %broadcast_in_dim3A_466 = arith.constant true
    %broadcast_in_dim3A_467 = vector.broadcast %broadcast_in_dim3A_466 : i1 to vector<16xi1>
    %masked_cumsum3A_468 = tpu.scan <sum>, %get3A_465 masked %broadcast_in_dim3A_467 : vector<16xf32>, vector<16xi1> -> vector<16xf32>
    %broadcast_in_dim3A_469 = arith.constant 11 : i32
    %broadcast_in_dim3A_470 = vector.broadcast %broadcast_in_dim3A_469 : i32 to vector<16xi32>
    tpu.vector_store_idx %arg8[%broadcast_in_dim3A_470], %masked_cumsum3A_468 masked %eq3A_388 : memref<32xf32, #tpu.memory_space<vmem>>[vector<16xi32>], vector<16xf32>, vector<16xi1>
    %get3A_471 = arith.constant 192 : index
    %get3A_472 = tpu.vector_load %arg7[%get3A_471] {strides = array<i32>} : memref<304xf32, #tpu.memory_space<vmem>>, vector<16xf32>,
    %broadcast_in_dim3A_473 = arith.constant true
    %broadcast_in_dim3A_474 = vector.broadcast %broadcast_in_dim3A_473 : i1 to vector<16xi1>
    %masked_cumsum3A_475 = tpu.scan <sum>, %get3A_472 masked %broadcast_in_dim3A_474 : vector<16xf32>, vector<16xi1> -> vector<16xf32>
    %broadcast_in_dim3A_476 = arith.constant 12 : i32
    %broadcast_in_dim3A_477 = vector.broadcast %broadcast_in_dim3A_476 : i32 to vector<16xi32>
    tpu.vector_store_idx %arg8[%broadcast_in_dim3A_477], %masked_cumsum3A_475 masked %eq3A_388 : memref<32xf32, #tpu.memory_space<vmem>>[vector<16xi32>], vector<16xf32>, vector<16xi1>
    %get3A_478 = arith.constant 208 : index
    %get3A_479 = tpu.vector_load %arg7[%get3A_478] {strides = array<i32>} : memref<304xf32, #tpu.memory_space<vmem>>, vector<16xf32>,
    %broadcast_in_dim3A_480 = arith.constant true
    %broadcast_in_dim3A_481 = vector.broadcast %broadcast_in_dim3A_480 : i1 to vector<16xi1>
    %masked_cumsum3A_482 = tpu.scan <sum>, %get3A_479 masked %broadcast_in_dim3A_481 : vector<16xf32>, vector<16xi1> -> vector<16xf32>
    %broadcast_in_dim3A_483 = arith.constant 13 : i32
    %broadcast_in_dim3A_484 = vector.broadcast %broadcast_in_dim3A_483 : i32 to vector<16xi32>
    tpu.vector_store_idx %arg8[%broadcast_in_dim3A_484], %masked_cumsum3A_482 masked %eq3A_388 : memref<32xf32, #tpu.memory_space<vmem>>[vector<16xi32>], vector<16xf32>, vector<16xi1>
    %get3A_485 = arith.constant 224 : index
    %get3A_486 = tpu.vector_load %arg7[%get3A_485] {strides = array<i32>} : memref<304xf32, #tpu.memory_space<vmem>>, vector<16xf32>,
    %broadcast_in_dim3A_487 = arith.constant true
    %broadcast_in_dim3A_488 = vector.broadcast %broadcast_in_dim3A_487 : i1 to vector<16xi1>
    %masked_cumsum3A_489 = tpu.scan <sum>, %get3A_486 masked %broadcast_in_dim3A_488 : vector<16xf32>, vector<16xi1> -> vector<16xf32>
    %broadcast_in_dim3A_490 = arith.constant 14 : i32
    %broadcast_in_dim3A_491 = vector.broadcast %broadcast_in_dim3A_490 : i32 to vector<16xi32>
    tpu.vector_store_idx %arg8[%broadcast_in_dim3A_491], %masked_cumsum3A_489 masked %eq3A_388 : memref<32xf32, #tpu.memory_space<vmem>>[vector<16xi32>], vector<16xf32>, vector<16xi1>
    %get3A_492 = arith.constant 240 : index
    %get3A_493 = tpu.vector_load %arg7[%get3A_492] {strides = array<i32>} : memref<304xf32, #tpu.memory_space<vmem>>, vector<16xf32>,
    %broadcast_in_dim3A_494 = arith.constant true
    %broadcast_in_dim3A_495 = vector.broadcast %broadcast_in_dim3A_494 : i1 to vector<16xi1>
    %masked_cumsum3A_496 = tpu.scan <sum>, %get3A_493 masked %broadcast_in_dim3A_495 : vector<16xf32>, vector<16xi1> -> vector<16xf32>
    %broadcast_in_dim3A_497 = arith.constant 15 : i32
    %broadcast_in_dim3A_498 = vector.broadcast %broadcast_in_dim3A_497 : i32 to vector<16xi32>
    tpu.vector_store_idx %arg8[%broadcast_in_dim3A_498], %masked_cumsum3A_496 masked %eq3A_388 : memref<32xf32, #tpu.memory_space<vmem>>[vector<16xi32>], vector<16xf32>, vector<16xi1>
    %get3A_499 = arith.constant 256 : index
    %get3A_500 = tpu.vector_load %arg7[%get3A_499] {strides = array<i32>} : memref<304xf32, #tpu.memory_space<vmem>>, vector<16xf32>,
    %broadcast_in_dim3A_501 = arith.constant true
    %broadcast_in_dim3A_502 = vector.broadcast %broadcast_in_dim3A_501 : i1 to vector<16xi1>
    %masked_cumsum3A_503 = tpu.scan <sum>, %get3A_500 masked %broadcast_in_dim3A_502 : vector<16xf32>, vector<16xi1> -> vector<16xf32>
    %broadcast_in_dim3A_504 = arith.constant 16 : i32
    %broadcast_in_dim3A_505 = vector.broadcast %broadcast_in_dim3A_504 : i32 to vector<16xi32>
    tpu.vector_store_idx %arg8[%broadcast_in_dim3A_505], %masked_cumsum3A_503 masked %eq3A_388 : memref<32xf32, #tpu.memory_space<vmem>>[vector<16xi32>], vector<16xf32>, vector<16xi1>
    %get3A_506 = arith.constant 272 : index
    %get3A_507 = tpu.vector_load %arg7[%get3A_506] {strides = array<i32>} : memref<304xf32, #tpu.memory_space<vmem>>, vector<16xf32>,
    %broadcast_in_dim3A_508 = arith.constant true
    %broadcast_in_dim3A_509 = vector.broadcast %broadcast_in_dim3A_508 : i1 to vector<16xi1>
    %masked_cumsum3A_510 = tpu.scan <sum>, %get3A_507 masked %broadcast_in_dim3A_509 : vector<16xf32>, vector<16xi1> -> vector<16xf32>
    %broadcast_in_dim3A_511 = arith.constant 17 : i32
    %broadcast_in_dim3A_512 = vector.broadcast %broadcast_in_dim3A_511 : i32 to vector<16xi32>
    tpu.vector_store_idx %arg8[%broadcast_in_dim3A_512], %masked_cumsum3A_510 masked %eq3A_388 : memref<32xf32, #tpu.memory_space<vmem>>[vector<16xi32>], vector<16xf32>, vector<16xi1>
    %get3A_513 = arith.constant 288 : index
    %get3A_514 = tpu.vector_load %arg7[%get3A_513] {strides = array<i32>} : memref<304xf32, #tpu.memory_space<vmem>>, vector<16xf32>,
    %broadcast_in_dim3A_515 = arith.constant true
    %broadcast_in_dim3A_516 = vector.broadcast %broadcast_in_dim3A_515 : i1 to vector<16xi1>
    %masked_cumsum3A_517 = tpu.scan <sum>, %get3A_514 masked %broadcast_in_dim3A_516 : vector<16xf32>, vector<16xi1> -> vector<16xf32>
    %broadcast_in_dim3A_518 = arith.constant 18 : i32
    %broadcast_in_dim3A_519 = vector.broadcast %broadcast_in_dim3A_518 : i32 to vector<16xi32>
    tpu.vector_store_idx %arg8[%broadcast_in_dim3A_519], %masked_cumsum3A_517 masked %eq3A_388 : memref<32xf32, #tpu.memory_space<vmem>>[vector<16xi32>], vector<16xf32>, vector<16xi1>
    %mul3A_520 = arith.constant 4096 : i32
    %mul3A_521 = arith.muli %add3A, %mul3A_520 : i32
    "tpu.region"() ({
      %run_scoped3A = tpu.sem_alloc : memref<!tpu.dma_semaphore, #tpu.memory_space<semaphore_mem>>
      %dma_start3A_522 = tpu.memref_slice %arg3[%mul3A_521] : memref<131072xi32, #tpu.memory_space<hbm>> -> memref<4096xi32, #tpu.memory_space<hbm>>
      %dma_start3A_523 = tpu.memref_slice %arg3[%mul3A_521] : memref<131072xi32, #tpu.memory_space<hbm>> -> memref<4096xi32, #tpu.memory_space<hbm>>
      tpu.enqueue_dma source(%arg6 : memref<4096xi32, #tpu.memory_space<vmem>>) target(%dma_start3A_523 : memref<4096xi32, #tpu.memory_space<hbm>>) target_semaphore(%run_scoped3A : memref<!tpu.dma_semaphore, #tpu.memory_space<semaphore_mem>>)
      %dma_wait3A_524 = tpu.memref_slice %arg3[%mul3A_521] : memref<131072xi32, #tpu.memory_space<hbm>> -> memref<4096xi32, #tpu.memory_space<hbm>>
      %dma_wait3A_525 = tpu.memref_slice %arg3[%mul3A_521] : memref<131072xi32, #tpu.memory_space<hbm>> -> memref<4096xi32, #tpu.memory_space<hbm>>
      tpu.wait_dma2 semaphore(%run_scoped3A : memref<!tpu.dma_semaphore, #tpu.memory_space<semaphore_mem>>) src(%arg6 : memref<4096xi32, #tpu.memory_space<vmem>>) dst(%dma_wait3A_525 : memref<4096xi32, #tpu.memory_space<hbm>>)
      tpu.yield
    }) : () -> ()
    "tpu.region"() ({
      %run_scoped3A = tpu.sem_alloc : memref<!tpu.dma_semaphore, #tpu.memory_space<semaphore_mem>>
      %dma_start3A_522 = arith.constant 0 : i32
      %dma_start3A_523 = tpu.memref_slice %arg4[%add3A, %dma_start3A_522] : memref<32x32xf32, #tpu.memory_space<hbm>> -> memref<1x32xf32, #tpu.memory_space<hbm>>
      %dma_start3A_524 = tpu.memref_squeeze %dma_start3A_523 : memref<1x32xf32, #tpu.memory_space<hbm>> -> memref<32xf32, #tpu.memory_space<hbm>>
      %dma_start3A_525 = arith.constant 0 : i32
      %dma_start3A_526 = tpu.memref_slice %arg4[%add3A, %dma_start3A_525] : memref<32x32xf32, #tpu.memory_space<hbm>> -> memref<1x32xf32, #tpu.memory_space<hbm>>
      %dma_start3A_527 = tpu.memref_squeeze %dma_start3A_526 : memref<1x32xf32, #tpu.memory_space<hbm>> -> memref<32xf32, #tpu.memory_space<hbm>>
      tpu.enqueue_dma source(%arg8 : memref<32xf32, #tpu.memory_space<vmem>>) target(%dma_start3A_527 : memref<32xf32, #tpu.memory_space<hbm>>) target_semaphore(%run_scoped3A : memref<!tpu.dma_semaphore, #tpu.memory_space<semaphore_mem>>)
      %dma_wait3A_528 = arith.constant 0 : i32
      %dma_wait3A_529 = tpu.memref_slice %arg4[%add3A, %dma_wait3A_528] : memref<32x32xf32, #tpu.memory_space<hbm>> -> memref<1x32xf32, #tpu.memory_space<hbm>>
      %dma_wait3A_530 = tpu.memref_squeeze %dma_wait3A_529 : memref<1x32xf32, #tpu.memory_space<hbm>> -> memref<32xf32, #tpu.memory_space<hbm>>
      %dma_wait3A_531 = arith.constant 0 : i32
      %dma_wait3A_532 = tpu.memref_slice %arg4[%add3A, %dma_wait3A_531] : memref<32x32xf32, #tpu.memory_space<hbm>> -> memref<1x32xf32, #tpu.memory_space<hbm>>
      %dma_wait3A_533 = tpu.memref_squeeze %dma_wait3A_532 : memref<1x32xf32, #tpu.memory_space<hbm>> -> memref<32xf32, #tpu.memory_space<hbm>>
      tpu.wait_dma2 semaphore(%run_scoped3A : memref<!tpu.dma_semaphore, #tpu.memory_space<semaphore_mem>>) src(%arg8 : memref<32xf32, #tpu.memory_space<vmem>>) dst(%dma_wait3A_533 : memref<32xf32, #tpu.memory_space<hbm>>)
      tpu.yield
    }) : () -> ()
    return
  }
}

module attributes {stable_mosaic.version = 14 : i64} {
  func.func @_loss_body(%arg0: i32, %arg1: memref<8x19x4x64xf32, #tpu.memory_space<vmem>>, %arg2: memref<32x32xf32, #tpu.memory_space<vmem>>, %arg3: memref<19x256x128xf32, #tpu.memory_space<vmem>>, %arg4: memref<1x1xf32, #tpu.memory_space<smem>>, %arg5: memref<19x4x64x128xf32, #tpu.memory_space<vmem>>, %arg6: memref<19x4x64xf32, #tpu.memory_space<vmem>>, %arg7: memref<19x4x64x128xf32, #tpu.memory_space<vmem>>) attributes {dimension_semantics = [#tpu.dimension_semantics<arbitrary>], iteration_bounds = array<i64: 24>, scalar_prefetch = 0 : i64, scratch_operands = 3 : i64, tpu.core_type = #tpu.core_type<tc>, window_params = [{pipeline_mode = #tpu.pipeline_mode<synchronous>, transform_indices = @transform_0, window_bounds = array<i64: 8, 19, 4, 64>}, {pipeline_mode = #tpu.pipeline_mode<synchronous>, transform_indices = @transform_1, window_bounds = array<i64: 32, 32>}, {transform_indices = @transform_2, window_bounds = array<i64: 19, 256, 128>}, {transform_indices = @transform_3, window_bounds = array<i64: 1, 1>}]} {
    %get3A = arith.constant 0 : index
    %get3A_0 = arith.constant 0 : index
    %get3A_1 = arith.constant 0 : index
    %get3A_2 = vector.load %arg3[%get3A, %get3A_0, %get3A_1] : memref<19x256x128xf32, #tpu.memory_space<vmem>>, vector<19x256x128xf32>
    %reshape3A = vector.shape_cast %get3A_2 : vector<19x256x128xf32> to vector<19x4x64x128xf32>
    %eq3A = arith.constant 0 : i32
    %eq3A_3 = arith.cmpi eq, %arg0, %eq3A : i32
    %convert_element_type3A = arith.extui %eq3A_3 : i1 to i32
    %cond3A = arith.constant 5.000000e+00 : f32
    %cond3A_4 = arith.constant 0 : i32
    %cond3A_5 = arith.cmpi ne, %convert_element_type3A, %cond3A_4 : i32
    scf.if %cond3A_5 {
      %get3A_30 = arith.constant 0 : index
      %get3A_31 = arith.constant 0 : index
      %get3A_32 = arith.constant 0 : index
      %get3A_33 = arith.constant 0 : index
      %get3A_34 = vector.load %arg1[%get3A_30, %get3A_31, %get3A_32, %get3A_33] : memref<8x19x4x64xf32, #tpu.memory_space<vmem>>, vector<8x19x4x64xf32>
      %reduce_sum3A_35 = arith.constant dense<0.000000e+00> : vector<19x4x64xf32>
      %reduce_sum3A_36 = vector.multi_reduction <add>, %get3A_34, %reduce_sum3A_35 [0] : vector<8x19x4x64xf32> to vector<19x4x64xf32>
      %get3A_37 = arith.constant 0 : index
      %get3A_38 = arith.constant 0 : index
      %get3A_39 = vector.load %arg2[%get3A_37, %get3A_38] : memref<32x32xf32, #tpu.memory_space<vmem>>, vector<32x32xf32>
      %reduce_sum3A_40 = arith.constant dense<0.000000e+00> : vector<32xf32>
      %reduce_sum3A_41 = vector.multi_reduction <add>, %get3A_39, %reduce_sum3A_40 [0] : vector<32x32xf32> to vector<32xf32>
      %slice3A = vector.extract_strided_slice %reduce_sum3A_41 {offsets = [0], sizes = [19], strides = [1]} : vector<32xf32> to vector<19xf32>
      %gt3A_42 = arith.constant 0.000000e+00 : f32
      %gt3A_43 = vector.broadcast %gt3A_42 : f32 to vector<19xf32>
      %gt3A_44 = arith.cmpf ogt, %slice3A, %gt3A_43 : vector<19xf32>
      %broadcast_in_dim3A_45 = arith.constant 1.000000e+00 : f32
      %broadcast_in_dim3A_46 = vector.broadcast %broadcast_in_dim3A_45 : f32 to vector<19xf32>
      %select_n3A = arith.select %gt3A_44, %slice3A, %broadcast_in_dim3A_46 : vector<19xi1>, vector<19xf32>
      %broadcast_in_dim3A_47 = vector.shape_cast %select_n3A : vector<19xf32> to vector<19x1x1xf32>
      %div3A = vector.broadcast %broadcast_in_dim3A_47 : vector<19x1x1xf32> to vector<19x4x64xf32>
      %div3A_48 = arith.divf %reduce_sum3A_36, %div3A : vector<19x4x64xf32>
      %mul3A_49 = arith.mulf %div3A_48, %div3A_48 : vector<19x4x64xf32>
      %reduce_sum3A_50 = arith.constant dense<0.000000e+00> : vector<19xf32>
      %reduce_sum3A_51 = vector.multi_reduction <add>, %mul3A_49, %reduce_sum3A_50 [1, 2] : vector<19x4x64xf32> to vector<19xf32>
      %broadcast_in_dim3A_52 = vector.shape_cast %reduce_sum3A_51 : vector<19xf32> to vector<19x1x1xf32>
      %sqrt3A = math.sqrt %broadcast_in_dim3A_52 : vector<19x1x1xf32>
      %max3A = arith.constant 9.99999996E-13 : f32
      %max3A_53 = vector.broadcast %max3A : f32 to vector<19x1x1xf32>
      %max3A_54 = arith.maximumf %sqrt3A, %max3A_53 : vector<19x1x1xf32>
      %div3A_55 = vector.broadcast %max3A_54 : vector<19x1x1xf32> to vector<19x4x64xf32>
      %div3A_56 = arith.divf %div3A_48, %div3A_55 : vector<19x4x64xf32>
      %mul3A_57 = vector.broadcast %cond3A : f32 to vector<19x4x64xf32>
      %mul3A_58 = arith.mulf %div3A_56, %mul3A_57 : vector<19x4x64xf32>
      %broadcast_in_dim3A_59 = vector.shape_cast %mul3A_58 : vector<19x4x64xf32> to vector<19x4x64x1xf32>
      %broadcast_in_dim3A_60 = vector.shape_cast %broadcast_in_dim3A_59 : vector<19x4x64x1xf32> to vector<19x4x64x1xf32>
      %broadcast_in_dim3A_61 = vector.broadcast %broadcast_in_dim3A_60 : vector<19x4x64x1xf32> to vector<19x4x64x128xf32>
      %swap3A = arith.constant 0 : index
      %swap3A_62 = arith.constant 0 : index
      %swap3A_63 = arith.constant 0 : index
      %swap3A_64 = arith.constant 0 : index
      %swap3A_65 = vector.load %arg5[%swap3A, %swap3A_62, %swap3A_63, %swap3A_64] : memref<19x4x64x128xf32, #tpu.memory_space<vmem>>, vector<19x4x64x128xf32>
      tpu.vector_store %arg5[%swap3A, %swap3A_62, %swap3A_63, %swap3A_64], %broadcast_in_dim3A_61 {strides = array<i32>} : memref<19x4x64x128xf32, #tpu.memory_space<vmem>>, vector<19x4x64x128xf32>,
      %slice3A_66 = vector.extract_strided_slice %reshape3A {offsets = [0, 0, 0, 0], sizes = [19, 4, 64, 1], strides = [1, 1, 1, 1]} : vector<19x4x64x128xf32> to vector<19x4x64x1xf32>
      %squeeze3A = vector.shape_cast %slice3A_66 : vector<19x4x64x1xf32> to vector<19x4x64xf32>
      %mul3A_67 = arith.mulf %mul3A_58, %squeeze3A : vector<19x4x64xf32>
      %swap3A_68 = arith.constant 0 : index
      %swap3A_69 = arith.constant 0 : index
      %swap3A_70 = arith.constant 0 : index
      %swap3A_71 = vector.load %arg6[%swap3A_68, %swap3A_69, %swap3A_70] : memref<19x4x64xf32, #tpu.memory_space<vmem>>, vector<19x4x64xf32>
      tpu.vector_store %arg6[%swap3A_68, %swap3A_69, %swap3A_70], %mul3A_67 {strides = array<i32>} : memref<19x4x64xf32, #tpu.memory_space<vmem>>, vector<19x4x64xf32>,
      %swap3A_72 = arith.constant 0.000000e+00 : f32
      %swap3A_73 = arith.constant 0 : index
      %swap3A_74 = arith.constant 0 : index
      %swap3A_75 = memref.load %arg4[%swap3A_73, %swap3A_74] : memref<1x1xf32, #tpu.memory_space<smem>>
      memref.store %swap3A_72, %arg4[%swap3A_73, %swap3A_74] : memref<1x1xf32, #tpu.memory_space<smem>>
    } else {
    }
    %reduce_sum3A = arith.constant dense<0.000000e+00> : vector<4x64x128xf32>
    %reduce_sum3A_6 = vector.multi_reduction <add>, %reshape3A, %reduce_sum3A [0] : vector<19x4x64x128xf32> to vector<4x64x128xf32>
    %get3A_7 = arith.constant 0 : index
    %get3A_8 = arith.constant 0 : index
    %get3A_9 = arith.constant 0 : index
    %get3A_10 = arith.constant 0 : index
    %get3A_11 = vector.load %arg5[%get3A_7, %get3A_8, %get3A_9, %get3A_10] : memref<19x4x64x128xf32, #tpu.memory_space<vmem>>, vector<19x4x64x128xf32>
    %mul3A = arith.mulf %get3A_11, %reshape3A : vector<19x4x64x128xf32>
    %broadcast_in_dim3A = vector.shape_cast %reduce_sum3A_6 : vector<4x64x128xf32> to vector<1x4x64x128xf32>
    %mul3A_12 = vector.broadcast %broadcast_in_dim3A : vector<1x4x64x128xf32> to vector<19x4x64x128xf32>
    %mul3A_13 = arith.mulf %get3A_11, %mul3A_12 : vector<19x4x64x128xf32>
    %sub3A = arith.subf %mul3A_13, %mul3A : vector<19x4x64x128xf32>
    %exp3A = math.exp %mul3A : vector<19x4x64x128xf32>
    %exp3A_14 = math.exp %sub3A : vector<19x4x64x128xf32>
    %add3A = arith.addf %exp3A, %exp3A_14 : vector<19x4x64x128xf32>
    %eq3A_15 = arith.constant 0 : i32
    %eq3A_16 = arith.cmpi eq, %arg0, %eq3A_15 : i32
    %convert_element_type3A_17 = arith.extui %eq3A_16 : i1 to i32
    %cond3A_18 = arith.constant 0 : i32
    %cond3A_19 = arith.cmpi ne, %convert_element_type3A_17, %cond3A_18 : i32
    scf.if %cond3A_19 {
      %swap3A = arith.constant 0 : index
      %swap3A_30 = arith.constant 0 : index
      %swap3A_31 = arith.constant 0 : index
      %swap3A_32 = arith.constant 0 : index
      %swap3A_33 = vector.load %arg7[%swap3A, %swap3A_30, %swap3A_31, %swap3A_32] : memref<19x4x64x128xf32, #tpu.memory_space<vmem>>, vector<19x4x64x128xf32>
      tpu.vector_store %arg7[%swap3A, %swap3A_30, %swap3A_31, %swap3A_32], %add3A {strides = array<i32>} : memref<19x4x64x128xf32, #tpu.memory_space<vmem>>, vector<19x4x64x128xf32>,
    } else {
    }
    %gt3A = arith.constant 0 : i32
    %gt3A_20 = arith.cmpi sgt, %arg0, %gt3A : i32
    %lt3A = arith.constant 23 : i32
    %lt3A_21 = arith.cmpi slt, %arg0, %lt3A : i32
    %and3A = arith.andi %gt3A_20, %lt3A_21 : i1
    %convert_element_type3A_22 = arith.extui %and3A : i1 to i32
    %cond3A_23 = arith.constant 0 : i32
    %cond3A_24 = arith.cmpi ne, %convert_element_type3A_22, %cond3A_23 : i32
    scf.if %cond3A_24 {
      %get3A_30 = arith.constant 0 : index
      %get3A_31 = arith.constant 0 : index
      %get3A_32 = arith.constant 0 : index
      %get3A_33 = arith.constant 0 : index
      %get3A_34 = vector.load %arg7[%get3A_30, %get3A_31, %get3A_32, %get3A_33] : memref<19x4x64x128xf32, #tpu.memory_space<vmem>>, vector<19x4x64x128xf32>
      %add3A_35 = arith.addf %get3A_34, %add3A : vector<19x4x64x128xf32>
      %swap3A = arith.constant 0 : index
      %swap3A_36 = arith.constant 0 : index
      %swap3A_37 = arith.constant 0 : index
      %swap3A_38 = arith.constant 0 : index
      %swap3A_39 = vector.load %arg7[%swap3A, %swap3A_36, %swap3A_37, %swap3A_38] : memref<19x4x64x128xf32, #tpu.memory_space<vmem>>, vector<19x4x64x128xf32>
      tpu.vector_store %arg7[%swap3A, %swap3A_36, %swap3A_37, %swap3A_38], %add3A_35 {strides = array<i32>} : memref<19x4x64x128xf32, #tpu.memory_space<vmem>>, vector<19x4x64x128xf32>,
    } else {
    }
    %eq3A_25 = arith.constant 23 : i32
    %eq3A_26 = arith.cmpi eq, %arg0, %eq3A_25 : i32
    %convert_element_type3A_27 = arith.extui %eq3A_26 : i1 to i32
    %cond3A_28 = arith.constant 0 : i32
    %cond3A_29 = arith.cmpi ne, %convert_element_type3A_27, %cond3A_28 : i32
    scf.if %cond3A_29 {
      %iota3A = tpu.iota {dimensions = array<i32: 3>} : vector<19x4x64x128xi32>
      %lt3A_30 = arith.constant 31 : i32
      %lt3A_31 = vector.broadcast %lt3A_30 : i32 to vector<19x4x64x128xi32>
      %lt3A_32 = arith.cmpi slt, %iota3A, %lt3A_31 : vector<19x4x64x128xi32>
      %jit3A = arith.constant 0.000000e+00 : f32
      %broadcast_in_dim3A_33 = vector.broadcast %jit3A : f32 to vector<19x4x64x128xf32>
      %select_n3A = arith.select %lt3A_32, %add3A, %broadcast_in_dim3A_33 : vector<19x4x64x128xi1>, vector<19x4x64x128xf32>
      %get3A_34 = arith.constant 0 : index
      %get3A_35 = arith.constant 0 : index
      %get3A_36 = arith.constant 0 : index
      %get3A_37 = arith.constant 0 : index
      %get3A_38 = vector.load %arg7[%get3A_34, %get3A_35, %get3A_36, %get3A_37] : memref<19x4x64x128xf32, #tpu.memory_space<vmem>>, vector<19x4x64x128xf32>
      %add3A_39 = arith.addf %get3A_38, %select_n3A : vector<19x4x64x128xf32>
      %reduce_sum3A_40 = arith.constant dense<0.000000e+00> : vector<19x4x64xf32>
      %reduce_sum3A_41 = vector.multi_reduction <add>, %add3A_39, %reduce_sum3A_40 [3] : vector<19x4x64x128xf32> to vector<19x4x64xf32>
      %get3A_42 = arith.constant 0 : index
      %get3A_43 = arith.constant 0 : index
      %get3A_44 = vector.load %arg2[%get3A_42, %get3A_43] : memref<32x32xf32, #tpu.memory_space<vmem>>, vector<32x32xf32>
      %reduce_sum3A_45 = arith.constant dense<0.000000e+00> : vector<32xf32>
      %reduce_sum3A_46 = vector.multi_reduction <add>, %get3A_44, %reduce_sum3A_45 [0] : vector<32x32xf32> to vector<32xf32>
      %slice3A = vector.extract_strided_slice %reduce_sum3A_46 {offsets = [0], sizes = [19], strides = [1]} : vector<32xf32> to vector<19xf32>
      %gt3A_47 = arith.constant 0.000000e+00 : f32
      %gt3A_48 = vector.broadcast %gt3A_47 : f32 to vector<19xf32>
      %gt3A_49 = arith.cmpf ogt, %slice3A, %gt3A_48 : vector<19xf32>
      %convert_element_type3A_50 = arith.extui %gt3A_49 : vector<19xi1> to vector<19xi32>
      %convert_element_type3A_51 = arith.sitofp %convert_element_type3A_50 : vector<19xi32> to vector<19xf32>
      %broadcast_in_dim3A_52 = vector.shape_cast %convert_element_type3A_51 : vector<19xf32> to vector<19x1x1xf32>
      %log3A = math.log %reduce_sum3A_41 : vector<19x4x64xf32>
      %get3A_53 = arith.constant 0 : index
      %get3A_54 = arith.constant 0 : index
      %get3A_55 = arith.constant 0 : index
      %get3A_56 = vector.load %arg6[%get3A_53, %get3A_54, %get3A_55] : memref<19x4x64xf32, #tpu.memory_space<vmem>>, vector<19x4x64xf32>
      %sub3A_57 = arith.subf %log3A, %get3A_56 : vector<19x4x64xf32>
      %mul3A_58 = vector.broadcast %broadcast_in_dim3A_52 : vector<19x1x1xf32> to vector<19x4x64xf32>
      %mul3A_59 = arith.mulf %mul3A_58, %sub3A_57 : vector<19x4x64xf32>
      %reduce_sum3A_60 = vector.shape_cast %mul3A_59 : vector<19x4x64xf32> to vector<1x19x4x64xf32>
      %reduce_sum3A_61 = arith.constant dense<0.000000e+00> : vector<1xf32>
      %reduce_sum3A_62 = vector.multi_reduction <add>, %reduce_sum3A_60, %reduce_sum3A_61 [1, 2, 3] : vector<1x19x4x64xf32> to vector<1xf32>
      %reduce_sum3A_63 = vector.shape_cast %reduce_sum3A_62 : vector<1xf32> to vector<1x1x1x1xf32>
      %reduce_sum3A_64 = vector.extract %reduce_sum3A_63[0, 0, 0, 0] : f32 from vector<1x1x1x1xf32>
      %div3A = arith.constant 2.560000e+02 : f32
      %div3A_65 = arith.divf %reduce_sum3A_64, %div3A : f32
      %swap3A = arith.constant 0 : index
      %swap3A_66 = arith.constant 0 : index
      %swap3A_67 = memref.load %arg4[%swap3A, %swap3A_66] : memref<1x1xf32, #tpu.memory_space<smem>>
      memref.store %div3A_65, %arg4[%swap3A, %swap3A_66] : memref<1x1xf32, #tpu.memory_space<smem>>
    } else {
    }
    return
  }
  func.func @transform_0(%arg0: i32) -> (i32, i32, i32, i32) {
    %c0_i32 = arith.constant 0 : i32
    %c0_i32_0 = arith.constant 0 : i32
    %c0_i32_1 = arith.constant 0 : i32
    %c0_i32_2 = arith.constant 0 : i32
    %c0_i32_3 = arith.constant 0 : i32
    return %c0_i32, %c0_i32_0, %c0_i32_1, %c0_i32_2 : i32, i32, i32, i32
  }
  func.func @transform_1(%arg0: i32) -> (i32, i32) {
    %c0_i32 = arith.constant 0 : i32
    %c0_i32_0 = arith.constant 0 : i32
    %c0_i32_1 = arith.constant 0 : i32
    return %c0_i32, %c0_i32_0 : i32, i32
  }
  func.func @transform_2(%arg0: i32) -> (i32, i32, i32) {
    %c0_i32 = arith.constant 0 : i32
    %c0_i32_0 = arith.constant 0 : i32
    %c0_i32_1 = arith.constant 0 : i32
    return %c0_i32, %c0_i32_0, %arg0 : i32, i32, i32
  }
  func.func @transform_3(%arg0: i32) -> (i32, i32) {
    %c0_i32 = arith.constant 0 : i32
    %c0_i32_0 = arith.constant 0 : i32
    %c0_i32_1 = arith.constant 0 : i32
    return %c0_i32, %c0_i32_0 : i32, i32
  }
}

</mosaic_0001>

<sc_bundles>
// kernel: kernel.5.cloned.1.call-start
scs
__scs_entry_jumppad:
0x0: {  	(pc) =	sbr.rel $0x88, $3  }
0x1: {  	(tag) =	ssettag $0x0;
	lr =	simm.s32 $0x1  }
0x2: {  	[smem:$0x3F9E] =	sst lr;
	_ =	strace $0xD0000000  }
0x3: {  	_ = 	snop  }
0x4: {  	_ = 	snop  }
0x5: {  	_ = 	snop  }
0x6: {  	_ = 	snop  }
0x7: {  	_ = 	snop  }
__scs_overlays_trampoline_lowered:
0x8: {  	[smem:$0x3FAD] =	sst s0  }
0x9: {  	[smem:$0x3FAE] =	sst s1  }
0xa: {  	[smem:$0x3FAF] =	sst s2  }
0xb: {  	[smem:$0x3FB0] =	sst s3  }
0xc: {  	[smem:$0x3FB1] =	sst s4  }
0xd: {  	[smem:$0x3FB2] =	sst s5  }
0xe: {  	[smem:$0x3FB3] =	sst s6  }
0xf: {  	[smem:$0x3FB4] =	sst s7  }
0x10: {  	[smem:$0x3FB5] =	sst s8  }
0x11: {  	[smem:$0x3FB6] =	sst s9;
	s0 =	simm.s32 @!p0 $0x0  }
0x12: {  	s1 =	sld [smem:$0x3F9C];
	s0 =	simm.s32 @p0 $0x1  }
0x13: {  	[smem:$0x3FB7] =	sst s0;
	s0 =	simm.s32 @!p1 $0x0  }
0x14: {  	s2 =	sld [smem:$0x3F9B];
	s0 =	simm.s32 @p1 $0x1  }
0x15: {  	[smem:$0x3FB8] =	sst s0;
	s0 =	simm.s32 @!p2 $0x0  }
0x16: {  	s3 =	sld [smem:$0x3FDB];
	s0 =	simm.s32 @p2 $0x1  }
0x17: {  	s4 =	simm.s32 $0x1BF5;
	[smem:$0x3FBA] =	sst s0  }
0x18: {  	s0 =	sld [smem:$0x3F9D];
	_ =	swait.ge [sflag:s4], $0x0  }
0x19: {  	s7 =	sld [smem:$0x3F9E]  }
0x1a: {  	s8 =	sadd.s32 $0xFFFFE003, lr  }
0x1b: {  	s9 =	sadd.s32 $0xFFFFFEF7, lr;
	s5 =	simm.s32 $0xFFFFFFFF;
	p2 =	slt.u32 s8, $0xFFFFF086  }
0x1c: {  	p1 =	slt.u32 s9, $0xF7A;
	s5 =	simm.s32 @!p2 $0x0  }
0x1d: {  	s5 =	simm.s32 @p1 $0x1;
	p0 =	seq.s32 s7, s2  }
0x1e: {  	s7 =	smul.u32 @!p0 $0xF7A, s2;
	p2 =	seq.s32 @!p0 s5, $0x0  }
0x1f: {  	s9 =	smul.u32 $0xF7A, s1;
	s8 =	simm.s32 @!p0 $0x1BF5;
	p2 =	por !p2, p0  }
0x20: {  	[sflag:s8] =	ssyncset.s32 @!p0 $0xFFFFF086;
	s6 =	sadd.s32 @!p0 s3, s7;
	s7 =	simm.s32 @!p0 $0x108  }
0x21: {  	s3 =	sadd.s32 s3, s9;
	s6 =	sadd.s32 @!p0 $0x88, s6;
	s7 =	simm.s32 @p2 $0x1082  }
0x22: {  	[simem:s7], [sflag:s8] =	dma.local @!p0 [hbm:s6], $0xF7A  }
0x23: {  	s9 =	sor.u32 $0xD0000000, s2;
	s6 =	simm.s32 $0x108;
	_ =	swait.ge @!p0 [sflag:s8], $0x0  }
0x24: {  	s3 =	sadd.s32 $0x88, s3;
	s6 =	simm.s32 @!p1 $0x1082;
	[sflag:s4] =	ssyncset.s32 $0xFFFFF086  }
0x25: {  	[simem:s6], [sflag:s4] =	dma.local [hbm:s3], $0xF7A  }
0x26: {  	[smem:$0x3F9E] =	sst s1;
	(tag) =	ssettag s2;
	_ =	strace s9  }
0x27: {  	s1 =	sld [smem:$0x3FAE]  }
0x28: {  	s2 =	sld [smem:$0x3FAF]  }
0x29: {  	s4 =	sld [smem:$0x3FB1]  }
0x2a: {  	p0 =	seq.s32 s5, $0x0;
	s5 =	sld [smem:$0x3FB2]  }
0x2b: {  	s6 =	sld [smem:$0x3FB3]  }
0x2c: {  	s7 =	sld [smem:$0x3FB4]  }
0x2d: {  	s3 =	simm.s32 $0x108;
	s8 =	sld [smem:$0x3FB5]  }
0x2e: {  	s3 =	simm.s32 @!p0 $0x1082;
	s9 =	sld [smem:$0x3FB6]  }
0x2f: {  	lr =	sadd.s32 s0, s3;
	s0 =	sld [smem:$0x3FAD]  }
0x30: {  	s3 =	sld [smem:$0x3FB0]  }
0x31: {  	[smem:$0x3FB9] =	sst s10  }
0x32: {  	s10 =	sld [smem:$0x3FB7];
	_ =	sdelay $0x3  }
0x33: {  	p0 =	seq.s32 s10, $0x1;
	s10 =	sld [smem:$0x3FB9];
	_ =	sdelay $0x3  }
0x34: {  	[smem:$0x3FB9] =	sst s10  }
0x35: {  	s10 =	sld [smem:$0x3FB8];
	_ =	sdelay $0x3  }
0x36: {  	p1 =	seq.s32 s10, $0x1;
	s10 =	sld [smem:$0x3FB9];
	_ =	sdelay $0x3  }
0x37: {  	[smem:$0x3FB9] =	sst s10  }
0x38: {  	s10 =	sld [smem:$0x3FBA]  }
0x39: {  	_ = 	snop;
	(pc) =	sbr.ind lr, $3  }
0x3a: {  	_ = 	snop  }
0x3b: {  	_ = 	snop  }
0x3c: {  	p2 =	seq.s32 s10, $0x1;
	s10 =	sld [smem:$0x3FB9]  }
0x3d: {  	_ =	shalt  }
0x3e: {  	_ =	shalt  }
0x3f: {  	_ =	shalt  }
0x40: {  	_ =	shalt  }
0x41: {  	_ =	shalt  }
0x42: {  	_ =	shalt  }
0x43: {  	_ =	shalt  }
0x44: {  	_ =	shalt  }
0x45: {  	_ =	shalt  }
0x46: {  	_ =	shalt  }
0x47: {  	_ =	shalt  }
0x48: {  	_ =	shalt  }
0x49: {  	_ =	shalt  }
0x4a: {  	_ =	shalt  }
0x4b: {  	_ =	shalt  }
0x4c: {  	_ =	shalt  }
0x4d: {  	_ =	shalt  }
0x4e: {  	_ =	shalt  }
0x4f: {  	_ =	shalt  }
0x50: {  	_ =	shalt  }
0x51: {  	_ =	shalt  }
0x52: {  	_ =	shalt  }
0x53: {  	_ =	shalt  }
0x54: {  	_ =	shalt  }
0x55: {  	_ =	shalt  }
0x56: {  	_ =	shalt  }
0x57: {  	_ =	shalt  }
0x58: {  	_ =	shalt  }
0x59: {  	_ =	shalt  }
0x5a: {  	_ =	shalt  }
0x5b: {  	_ =	shalt  }
0x5c: {  	_ =	shalt  }
0x5d: {  	_ =	shalt  }
0x5e: {  	_ =	shalt  }
0x5f: {  	_ =	shalt  }
0x60: {  	_ =	shalt  }
0x61: {  	_ =	shalt  }
0x62: {  	_ =	shalt  }
0x63: {  	_ =	shalt  }
0x64: {  	_ =	shalt  }
0x65: {  	_ =	shalt  }
0x66: {  	_ =	shalt  }
0x67: {  	_ =	shalt  }
0x68: {  	_ =	shalt  }
0x69: {  	_ =	shalt  }
0x6a: {  	_ =	shalt  }
0x6b: {  	_ =	shalt  }
0x6c: {  	_ =	shalt  }
0x6d: {  	_ =	shalt  }
0x6e: {  	_ =	shalt  }
0x6f: {  	_ =	shalt  }
0x70: {  	_ =	shalt  }
0x71: {  	_ =	shalt  }
0x72: {  	_ =	shalt  }
0x73: {  	_ =	shalt  }
0x74: {  	_ =	shalt  }
0x75: {  	_ =	shalt  }
0x76: {  	_ =	shalt  }
0x77: {  	_ =	shalt  }
0x78: {  	_ =	shalt  }
0x79: {  	_ =	shalt  }
0x7a: {  	_ =	shalt  }
0x7b: {  	_ =	shalt  }
0x7c: {  	_ =	shalt  }
0x7d: {  	_ =	shalt  }
0x7e: {  	_ =	shalt  }
0x7f: {  	_ =	shalt  }
0x80: {  	_ =	shalt  }
0x81: {  	_ =	shalt  }
0x82: {  	_ =	shalt  }
0x83: {  	_ =	shalt  }
0x84: {  	_ =	shalt  }
0x85: {  	_ =	shalt  }
0x86: {  	_ =	shalt  }
0x87: {  	_ =	shalt  }
.Lfunc_end0:
.L_simem_size_0:
called_computation_lowered:
.L_overlay_start_0:
0x88: {  	s2 =	sld [smem:$0x3FD9]  }
0x89: {  	s3 =	sld [smem:$0x3FFE];
	_ =	sdelay $0x1  }
0x8a: {  	s1 =	srdreg.scid  }
0x8b: {  	s0 =	sand.u32 $0x1, s1  }
0x8c: {  	s14 =	sshll.u32 s0, $0xA;
	s2 =	sadd.s32 s3, s2  }
0x8d: {  	s2 =	sadd.s32 s2, s14  }
0x8e: {  	[smem:$0x3FC5] =	sst s2  }
0x8f: {  	_ = 	snop  }
0x90: {  	s2 =	sld [smem:$0x3FD0];
	_ =	sdelay $0x2  }
0x91: {  	s4 =	simm.s32 $0xA;
	s5 =	simm.s32 $0x10;
	s15 =	sld [smem:$0x3FC8]  }
0x92: {  	[smem:s5], [sflag:s4] =	dma.local [hbm:s2], $0x1  }
0x93: {  	_ =	swait.eq [sflag:s4], $0x1  }
0x94: {  	[sflag:s4] =	ssyncset.done $0x0  }
0x95: {  	[sflag:s4] =	ssyncadd.s32 $0xFFFFFFFF  }
0x96: {  	s16 =	sld [smem:$0x10];
	(tm) =	ssettm $0x1  }
0x97: {  	s17 =	sld [smem:$0x3FFB];
	_ =	sdelay $0x3  }
0x98: {  	_ =	strace s17  }
0x99: {  	s4 =	sld [smem:$0x3FFC];
	_ =	sdelay $0x3  }
0x9a: {  	_ =	strace s4  }
0x9b: {  	s4 =	sld [smem:$0x3FFD];
	_ =	sdelay $0x3  }
0x9c: {  	_ =	strace s4  }
0x9d: {  	_ =	strace $0x8FFFFFFF  }
0x9e: {  	s18 =	sld [smem:$0x3FDB];
	_ =	sdelay $0x1  }
0x9f: {  	s19 =	simm.s32 $_scs_section_size  }
0xa0: {  	s6 =	simm.s32 $_size__tile_overlayer_lowered;
	s7 =	simm.s32 $_tile_overlayer_lowered  }
0xa1: {  	s22 =	simm.s32 $0x1BFF;
	s21 =	sshll.u32 s7, $0x1;
	s4 =	sadd.s32 s19, s18  }
0xa2: {  	s8 =	simm.s32 $0x0;
	s20 =	sshll.u32 s6, $0x1;
	s6 =	sadd.s32 s21, s4  }
0xa3: {  	[timem:s8], [sflag:s22] =	dma.local [hbm:s6], s20  }
0xa4: {  	_ =	swait.ge [sflag:s22], s20  }
0xa5: {  	s5 =	ssub.s32 $0x0, s20;
	[sflag:s22] =	ssyncset.done $0x0  }
0xa6: {  	[sflag:s22] =	ssyncadd.s32 s5;
	_ =	sdelay $0x1  }
0xa7: {  	s23 =	simm.s32 $0x1B8B  }
0xa8: {  	_ =	swait.ge [sflag:s23], $0x1  }
0xa9: {  	[sflag:s23] =	ssyncset.done $0x0  }
0xaa: {  	s25 =	simm.s32 $0x1B8E;
	s24 =	sld [smem:$0x3FFE];
	[sflag:s23] =	ssyncadd.s32 $0xFFFFFFFF  }
0xab: {  	s26 =	simm.s32 $execute0_lowered;
	[smem:$0x3FD2] =	sst s25  }
0xac: {  	s6 =	sshll.u32 s26, $0x1;
	_ =	strace $0x80000046;
	[dreg:$0x1] =	wrdreg $0xFFFFFFFF  }
0xad: {  	s28 =	simm.s32 $_size_execute0_lowered;
	s4 =	sadd.s32 s4, s6;
	[dreg:$0x0] =	wrdreg $0x0  }
0xae: {  	s6 =	sshll.u32 s28, $0x1;
	[dreg:$0x2] =	wrdreg s4  }
0xaf: {  	[dreg:$0x3] =	wrdreg s6  }
0xb0: {  	[dreg:$0x4] =	wrdreg $0xC0  }
0xb1: {  	_ =	task [dreg:s8], $0x5FFFF  }
0xb2: {  	[dreg:$0x1] =	wrdreg $0xFFFFFFFF  }
0xb3: {  	[dreg:$0x0] =	wrdreg $0x60  }
0xb4: {  	[dreg:$0x2] =	wrdreg s15  }
0xb5: {  	[dreg:$0x3] =	wrdreg s16  }
0xb6: {  	[dreg:$0x4] =	wrdreg s24  }
0xb7: {  	[dreg:$0x5] =	wrdreg $0x9  }
0xb8: {  	_ =	task.clear_ibuf [dreg:s8], $0x6FFFF;
	_ =	strace $0x90000046  }
0xb9: {  	s29 =	simm.s32 $0x9;
	_ =	strace $0x80000048  }
0xba: {  	_ =	swait.ge [sflag:s29], $0x1  }
0xbb: {  	[sflag:s29] =	ssyncadd.s32 $0xFFFFFFFF  }
0xbc: {  	_ =	strace $0x90000048  }
0xbd: {  	_ =	sfence  }
0xbe: {  	s30 =	sld [smem:$0x0];
	_ =	sdelay $0x2  }
0xbf: {  	s31 =	sshll.u32 s1, $0xD;
	s1 =	sshrl.u32 s1, $0x2  }
0xc0: {  	s3 =	sand.u32 $0x4000, s31;
	s1 =	sadd.s32 s1, s30  }
0xc1: {  	s0 =	sor.u32 s3, s0;
	s1 =	sshll.u32 s1, $0x11  }
0xc2: {  	s0 =	sor.u32 s1, s0  }
0xc3: {  	s0 =	sadd.s32 $0x8F2B, s0  }
0xc4: {  	[sflag:s0] =	ssyncadd.remote.s32 $0x1  }
0xc5: {  	_ =	sfence.sel $0xFFFF  }
0xc6: {  	[dreg:$0x0] =	wrdreg $0xFFFFFFFF;
	(pc) =	sbr.abs _section_cstart, $3  }
0xc7: {  	[dreg:$0x1] =	wrdreg $0xFFFFFFFF  }
0xc8: {  	_ =	task.clear_ibuf [dreg:s8], $0x2FFFF;
	_ =	strace $0x9FFFFFFF  }
0xc9: {  	(tm) =	ssettm $0x7FFFFFFF  }
tec
execute0_lowered:
.L_overlay_start_1:
0x0: {  	(tag) =	ssettag $0x1  }
0x1: {  	s1 =	rddreg [dreg:$0x0]  }
0x2: {  	s0 =	srdreg.scid;
	s4 =	rddreg [dreg:$0x1]  }
0x3: {  	s3 =	stileid.u32;
	s6 =	rddreg [dreg:$0x2]  }
0x4: {  	s28 =	simm.s32 $0x1;
	s29 =	simm.s32 $0x14000;
	s30 =	simm.s32 $0x14180  }
0x5: {  	s0 =	sand.u32 $0x1, s0;
	s2 =	sshll.u32 s3, $0x1;
	s22 =	sshrl.u32 s3, $0x1  }
0x6: {  	s31 =	simm.s32 $0x13000;
	s5 =	sor.u32 s0, s2;
	s3 =	smul.u32 $0x4C000, s22  }
0x7: {  	s2 =	simm.s32 $0x0;
	s0 =	ssub.s32 $0x2, s0;
	s7 =	sshll.u32 s5, $0xC  }
0x8: {  	[smem:$0x7FF] =	sst s2;
	s23 =	sshll.u32 s5, $0x4;
	s8 =	sshrl.u32 s0, $0x1  }
0x9: {  	s5 =	sshll.u32 s5, $0x9;
	s7 =	sand.u32 $0x3000, s7;
	_ =	strace $0x80000047  }
0xa: {  	s24 =	sadd.s32 s23, s6;
	s0 =	ssub.s32 s0, s8;
	s3 =	sor.u32 s3, s7  }
0xb: {  	s22 =	sadd.s32 s4, s5;
	s23 =	sadd.s32 $0x1A00, s24;
	s3 =	sshrl.u32 s3, $0x3  }
0xc: {  	v0 =	vimm.f32 $0.0e+00;
	v1 =	vimm.s32 $0x0;
	s24 =	smax.u32 s0, $0x1;
	s0 =	simm.s32 $0x0;
	s3 =	sadd.s32 s1, s3  }
0xd: {  	v2 =	vlaneseq.u32;
	v3 =	vimm.f32 $1.000000000e+00;
	vm0 =	vcmask $0x3F3C;
	s1 =	simm.s32 $0x2;
	s25 =	sadd.s32 $0x800, s3;
	s26 =	sadd.s32 $0x1000, s3  }
0xe: {  	v4 =	vimm.s32 $0x1;
	v5 =	vimm.s32 $0x2;
	v6 =	vimm.s32 $0x3;
	s6 =	sadd.s32 $0x1800, s3;
	s7 =	sadd.s32 $0x2000, s3;
	s8 =	sadd.s32 $0x2800, s3  }
0xf: {  	v7 =	vimm.s32 $0x4;
	v8 =	vimm.s32 $0x5;
	v9 =	vimm.s32 $0x6;
	s9 =	sadd.s32 $0x3000, s3;
	s10 =	sadd.s32 $0x3800, s3;
	s11 =	sadd.s32 $0x4000, s3  }
0x10: {  	v10 =	vimm.s32 $0x7;
	v11 =	vimm.s32 $0x8;
	v12 =	vimm.s32 $0x9;
	s12 =	sadd.s32 $0x4800, s3;
	s13 =	sadd.s32 $0x5000, s3;
	s14 =	sadd.s32 $0x5800, s3  }
0x11: {  	v13 =	vimm.s32 $0xA;
	v14 =	vimm.s32 $0xB;
	v15 =	vimm.s32 $0xC;
	s15 =	sadd.s32 $0x6000, s3;
	s16 =	sadd.s32 $0x6800, s3;
	s17 =	sadd.s32 $0x7000, s3  }
0x12: {  	v16 =	vimm.s32 $0xD;
	v17 =	vimm.s32 $0xE;
	v18 =	vimm.s32 $0xF;
	s18 =	sadd.s32 $0x7800, s3;
	s19 =	sadd.s32 $0x8000, s3;
	[dreg:$0x4] =	wrdreg s25  }
0x13: {  	v19 =	vimm.s32 $0x10;
	v20 =	vimm.s32 $0x11;
	v21 =	vimm.s32 $0x12;
	s20 =	sadd.s32 $0x8800, s3;
	s21 =	sadd.s32 $0x9000, s3;
	[dreg:$0x5] =	wrdreg s26  }
.LBB2_1:
0x14: {  	[tilespmem:s2], [sflag:$0x1] =	stream.linear.gather [hbm4b:s3+s2], $0x1000, $0x38;
	[tilespmem:$0x14200] =	vst v63  }
0x15: {  	s4 =	rddreg [dreg:$0x4];
	s5 =	simm.s32 $0x1000  }
0x16: {  	[tilespmem:s5], [sflag:$0x1] =	stream.linear.gather [hbm4b:s4+s2], $0x1000, $0x38;
	[tilespmem:$0x14200] =	vst v63  }
0x17: {  	s25 =	rddreg [dreg:$0x5];
	s26 =	simm.s32 $0x2000  }
0x18: {  	[tilespmem:s26], [sflag:$0x1] =	stream.linear.gather [hbm4b:s25+s2], $0x1000, $0x38;
	[tilespmem:$0x14200] =	vst v63  }
0x19: {  	s25 =	simm.s32 $0x3000  }
0x1a: {  	[tilespmem:s25], [sflag:$0x1] =	stream.linear.gather [hbm4b:s6+s2], $0x1000, $0x38;
	[tilespmem:$0x14200] =	vst v63  }
0x1b: {  	s26 =	simm.s32 $0x4000  }
0x1c: {  	[tilespmem:s26], [sflag:$0x1] =	stream.linear.gather [hbm4b:s7+s2], $0x1000, $0x38;
	[tilespmem:$0x14200] =	vst v63  }
0x1d: {  	s5 =	simm.s32 $0x5000  }
0x1e: {  	[tilespmem:s5], [sflag:$0x1] =	stream.linear.gather [hbm4b:s8+s2], $0x1000, $0x38;
	[tilespmem:$0x14200] =	vst v63  }
0x1f: {  	s25 =	simm.s32 $0x6000  }
0x20: {  	[tilespmem:s25], [sflag:$0x1] =	stream.linear.gather [hbm4b:s9+s2], $0x1000, $0x38;
	[tilespmem:$0x14200] =	vst v63  }
0x21: {  	s26 =	simm.s32 $0x7000  }
0x22: {  	[tilespmem:s26], [sflag:$0x1] =	stream.linear.gather [hbm4b:s10+s2], $0x1000, $0x38;
	[tilespmem:$0x14200] =	vst v63  }
0x23: {  	s5 =	simm.s32 $0x8000  }
0x24: {  	[tilespmem:s5], [sflag:$0x1] =	stream.linear.gather [hbm4b:s11+s2], $0x1000, $0x38;
	[tilespmem:$0x14200] =	vst v63  }
0x25: {  	s25 =	simm.s32 $0x9000  }
0x26: {  	[tilespmem:s25], [sflag:$0x1] =	stream.linear.gather [hbm4b:s12+s2], $0x1000, $0x38;
	[tilespmem:$0x14200] =	vst v63  }
0x27: {  	s26 =	simm.s32 $0xA000  }
0x28: {  	[tilespmem:s26], [sflag:$0x1] =	stream.linear.gather [hbm4b:s13+s2], $0x1000, $0x38;
	[tilespmem:$0x14200] =	vst v63  }
0x29: {  	s5 =	simm.s32 $0xB000  }
0x2a: {  	[tilespmem:s5], [sflag:$0x1] =	stream.linear.gather [hbm4b:s14+s2], $0x1000, $0x38;
	[tilespmem:$0x14200] =	vst v63  }
0x2b: {  	s25 =	simm.s32 $0xC000  }
0x2c: {  	[tilespmem:s25], [sflag:$0x1] =	stream.linear.gather [hbm4b:s15+s2], $0x1000, $0x38;
	[tilespmem:$0x14200] =	vst v63  }
0x2d: {  	s26 =	simm.s32 $0xD000  }
0x2e: {  	[tilespmem:s26], [sflag:$0x1] =	stream.linear.gather [hbm4b:s16+s2], $0x1000, $0x38;
	[tilespmem:$0x14200] =	vst v63  }
0x2f: {  	s5 =	simm.s32 $0xE000  }
0x30: {  	[tilespmem:s5], [sflag:$0x1] =	stream.linear.gather [hbm4b:s17+s2], $0x1000, $0x38;
	[tilespmem:$0x14200] =	vst v63  }
0x31: {  	s25 =	simm.s32 $0xF000  }
0x32: {  	[tilespmem:s25], [sflag:$0x1] =	stream.linear.gather [hbm4b:s18+s2], $0x1000, $0x38;
	[tilespmem:$0x14200] =	vst v63  }
0x33: {  	s26 =	simm.s32 $0x10000  }
0x34: {  	[tilespmem:s26], [sflag:$0x1] =	stream.linear.gather [hbm4b:s19+s2], $0x1000, $0x38;
	[tilespmem:$0x14200] =	vst v63  }
0x35: {  	s5 =	simm.s32 $0x11000  }
0x36: {  	[tilespmem:s5], [sflag:$0x1] =	stream.linear.gather [hbm4b:s20+s2], $0x1000, $0x38;
	[tilespmem:$0x14200] =	vst v63  }
0x37: {  	s25 =	simm.s32 $0x12000  }
0x38: {  	[tilespmem:s25], [sflag:$0x1] =	stream.linear.gather [hbm4b:s21+s2], $0x1000, $0x38;
	[tilespmem:$0x14200] =	vst v63  }
0x39: {  	_ =	swait.ge [sflag:s28], $0x1000  }
0x3a: {  	[sflag:s28] =	ssyncset.done $0x0  }
0x3b: {  	[sflag:s28] =	ssyncadd.s32 $0xFFFFF000  }
0x3c: {  	_ =	swait.ge [sflag:s28], $0x1000  }
0x3d: {  	[sflag:s28] =	ssyncset.done $0x0  }
0x3e: {  	[sflag:s28] =	ssyncadd.s32 $0xFFFFF000  }
0x3f: {  	_ =	swait.ge [sflag:s28], $0x1000  }
0x40: {  	[sflag:s28] =	ssyncset.done $0x0  }
0x41: {  	[sflag:s28] =	ssyncadd.s32 $0xFFFFF000  }
0x42: {  	_ =	swait.ge [sflag:s28], $0x1000  }
0x43: {  	[sflag:s28] =	ssyncset.done $0x0  }
0x44: {  	[sflag:s28] =	ssyncadd.s32 $0xFFFFF000  }
0x45: {  	_ =	swait.ge [sflag:s28], $0x1000  }
0x46: {  	[sflag:s28] =	ssyncset.done $0x0  }
0x47: {  	[sflag:s28] =	ssyncadd.s32 $0xFFFFF000  }
0x48: {  	_ =	swait.ge [sflag:s28], $0x1000  }
0x49: {  	[sflag:s28] =	ssyncset.done $0x0  }
0x4a: {  	[sflag:s28] =	ssyncadd.s32 $0xFFFFF000  }
0x4b: {  	_ =	swait.ge [sflag:s28], $0x1000  }
0x4c: {  	[sflag:s28] =	ssyncset.done $0x0  }
0x4d: {  	[sflag:s28] =	ssyncadd.s32 $0xFFFFF000  }
0x4e: {  	_ =	swait.ge [sflag:s28], $0x1000  }
0x4f: {  	[sflag:s28] =	ssyncset.done $0x0  }
0x50: {  	[sflag:s28] =	ssyncadd.s32 $0xFFFFF000  }
0x51: {  	_ =	swait.ge [sflag:s28], $0x1000  }
0x52: {  	[sflag:s28] =	ssyncset.done $0x0  }
0x53: {  	[sflag:s28] =	ssyncadd.s32 $0xFFFFF000  }
0x54: {  	_ =	swait.ge [sflag:s28], $0x1000  }
0x55: {  	[sflag:s28] =	ssyncset.done $0x0  }
0x56: {  	[sflag:s28] =	ssyncadd.s32 $0xFFFFF000  }
0x57: {  	_ =	swait.ge [sflag:s28], $0x1000  }
0x58: {  	[sflag:s28] =	ssyncset.done $0x0  }
0x59: {  	[sflag:s28] =	ssyncadd.s32 $0xFFFFF000  }
0x5a: {  	_ =	swait.ge [sflag:s28], $0x1000  }
0x5b: {  	[sflag:s28] =	ssyncset.done $0x0  }
0x5c: {  	[sflag:s28] =	ssyncadd.s32 $0xFFFFF000  }
0x5d: {  	_ =	swait.ge [sflag:s28], $0x1000  }
0x5e: {  	[sflag:s28] =	ssyncset.done $0x0  }
0x5f: {  	[sflag:s28] =	ssyncadd.s32 $0xFFFFF000  }
0x60: {  	_ =	swait.ge [sflag:s28], $0x1000  }
0x61: {  	[sflag:s28] =	ssyncset.done $0x0  }
0x62: {  	[sflag:s28] =	ssyncadd.s32 $0xFFFFF000  }
0x63: {  	_ =	swait.ge [sflag:s28], $0x1000  }
0x64: {  	[sflag:s28] =	ssyncset.done $0x0  }
0x65: {  	[sflag:s28] =	ssyncadd.s32 $0xFFFFF000  }
0x66: {  	_ =	swait.ge [sflag:s28], $0x1000  }
0x67: {  	[sflag:s28] =	ssyncset.done $0x0  }
0x68: {  	[sflag:s28] =	ssyncadd.s32 $0xFFFFF000  }
0x69: {  	_ =	swait.ge [sflag:s28], $0x1000  }
0x6a: {  	[sflag:s28] =	ssyncset.done $0x0  }
0x6b: {  	[sflag:s28] =	ssyncadd.s32 $0xFFFFF000  }
0x6c: {  	_ =	swait.ge [sflag:s28], $0x1000  }
0x6d: {  	[sflag:s28] =	ssyncset.done $0x0  }
0x6e: {  	[sflag:s28] =	ssyncadd.s32 $0xFFFFF000  }
0x6f: {  	_ =	swait.ge [sflag:s28], $0x1000  }
0x70: {  	[sflag:s28] =	ssyncset.done $0x0  }
0x71: {  	[sflag:s28] =	ssyncadd.s32 $0xFFFFF000  }
0x72: {  	[tilespmem:$0x14000] =	vst v0  }
0x73: {  	[tilespmem:$0x14010] =	vst v0  }
0x74: {  	[tilespmem:$0x14020] =	vst v0  }
0x75: {  	[tilespmem:$0x14030] =	vst v0  }
0x76: {  	[tilespmem:$0x14040] =	vst v0  }
0x77: {  	[tilespmem:$0x14050] =	vst v0  }
0x78: {  	[tilespmem:$0x14060] =	vst v0  }
0x79: {  	[tilespmem:$0x14070] =	vst v0  }
0x7a: {  	[tilespmem:$0x14080] =	vst v0  }
0x7b: {  	[tilespmem:$0x14090] =	vst v0  }
0x7c: {  	[tilespmem:$0x140A0] =	vst v0  }
0x7d: {  	[tilespmem:$0x140B0] =	vst v0  }
0x7e: {  	[tilespmem:$0x140C0] =	vst v0  }
0x7f: {  	[tilespmem:$0x140D0] =	vst v0  }
0x80: {  	[tilespmem:$0x140E0] =	vst v0  }
0x81: {  	[tilespmem:$0x140F0] =	vst v0  }
0x82: {  	[tilespmem:$0x14100] =	vst v0  }
0x83: {  	[tilespmem:$0x14110] =	vst v0  }
0x84: {  	[tilespmem:$0x14120] =	vst v0  }
0x85: {  	[tilespmem:$0x14180] =	vst v0  }
0x86: {  	[tilespmem:$0x14190] =	vst v0  }
0x87: {  	s26 =	sand.u32 $0xFF0, s2;
	v22 =	vld [tilespmem:s2+$0x0]  }
0x88: {  	v23 =	vld [tilespmem:s26+$0x1000];
	_ =	sdelay $0x1  }
0x89: {  	v24 =	vld [tilespmem:s26+$0x2000];
	_ =	sdelay $0x1  }
0x8a: {  	v25 =	vld [tilespmem:s26+$0x3000]  }
0x8b: {  	vm1 =	vgt.f32 v23, v22  }
0x8c: {  	v22 =	vsel vm1, v23, v22;
	v23 =	vld [tilespmem:s26+$0x4000]  }
0x8d: {  	vm2 =	vgt.f32 v24, v22  }
0x8e: {  	v54 =	vld [tilespmem:s26+$0x5000];
	v22 =	vsel vm2, v24, v22  }
0x8f: {  	vm3 =	vgt.f32 v25, v22  }
0x90: {  	v55 =	vld [tilespmem:s26+$0x6000];
	v22 =	vsel vm3, v25, v22  }
0x91: {  	vm4 =	vgt.f32 v23, v22  }
0x92: {  	v22 =	vsel vm4, v23, v22;
	v23 =	vld [tilespmem:s26+$0x7000]  }
0x93: {  	vm5 =	vgt.f32 v54, v22  }
0x94: {  	v56 =	vld [tilespmem:s26+$0x8000];
	v22 =	vsel vm5, v54, v22  }
0x95: {  	vm6 =	vgt.f32 v55, v22  }
0x96: {  	v57 =	vld [tilespmem:s26+$0x9000];
	v22 =	vsel vm6, v55, v22  }
0x97: {  	vm7 =	vgt.f32 v23, v22  }
0x98: {  	v22 =	vsel vm7, v23, v22;
	v23 =	vld [tilespmem:s26+$0xA000]  }
0x99: {  	vm8 =	vgt.f32 v56, v22  }
0x9a: {  	v58 =	vld [tilespmem:s26+$0xB000];
	v22 =	vsel vm8, v56, v22  }
0x9b: {  	vm9 =	vgt.f32 v57, v22  }
0x9c: {  	v59 =	vld [tilespmem:s26+$0xC000];
	v22 =	vsel vm9, v57, v22  }
0x9d: {  	v26 =	vsel vm1, $0x1, v1;
	vm1 =	vgt.f32 v23, v22  }
0x9e: {  	v26 =	vsel vm2, $0x2, v26;
	v22 =	vsel vm1, v23, v22;
	v23 =	vld [tilespmem:s26+$0xD000]  }
0x9f: {  	v26 =	vsel vm3, $0x3, v26;
	vm2 =	vgt.f32 v58, v22  }
0xa0: {  	v60 =	vld [tilespmem:s26+$0xE000];
	v26 =	vsel vm4, $0x4, v26;
	v22 =	vsel vm2, v58, v22  }
0xa1: {  	v26 =	vsel vm5, $0x5, v26;
	vm3 =	vgt.f32 v59, v22  }
0xa2: {  	v61 =	vld [tilespmem:s26+$0xF000];
	v26 =	vsel vm6, $0x6, v26;
	v22 =	vsel vm3, v59, v22  }
0xa3: {  	v26 =	vsel vm7, $0x7, v26;
	vm14 =	vgt.f32 v23, v22  }
0xa4: {  	v26 =	vsel vm8, $0x8, v26;
	v22 =	vsel vm14, v23, v22;
	v23 =	vld [tilespmem:s26+$0x10000]  }
0xa5: {  	v26 =	vsel vm9, $0x9, v26;
	vm15 =	vgt.f32 v60, v22  }
0xa6: {  	v62 =	vld [tilespmem:s26+$0x11000];
	v26 =	vsel vm1, $0xA, v26;
	v22 =	vsel vm15, v60, v22  }
0xa7: {  	v26 =	vsel vm2, $0xB, v26;
	vm1 =	vgt.f32 v61, v22  }
0xa8: {  	v63 =	vld [tilespmem:s26+$0x12000];
	v26 =	vsel vm3, $0xC, v26;
	v22 =	vsel vm1, v61, v22  }
0xa9: {  	v26 =	vsel vm14, $0xD, v26;
	vm2 =	vgt.f32 v23, v22  }
0xaa: {  	v26 =	vsel vm15, $0xE, v26;
	v22 =	vsel vm2, v23, v22  }
0xab: {  	v23 =	vsel vm1, $0xF, v26;
	vm1 =	vgt.f32 v62, v22  }
0xac: {  	v23 =	vsel vm2, $0x10, v23;
	v22 =	vsel vm1, v62, v22  }
0xad: {  	v23 =	vsel vm1, $0x11, v23;
	vm1 =	vgt.f32 v63, v22  }
0xae: {  	v22 =	vsel vm1, $0x12, v23  }
0xaf: {  	v23 =	vshll.u32 v22, $0xA;
	v22 =	vshll.u32 v22, $0x4  }
0xb0: {  	v23 =	vor.u32 v2, v23;
	v22 =	vor.u32 v2, v22  }
0xb1: {  	s4 =	simm.s32 $0x13000;
	s25 =	simm.s32 $0x10;
	s26 =	simm.s32 $0x0;
	[tilespmem:s31+$0x0] =	vst v23  }
.LBB2_2:
0xb2: {  	_ =	sdelay $0x2  }
0xb3: {  	p0 =	sne.s32 s25, $0xFF0;
	[tilespmem:v22+s29+$0x0] =	vst.idx.add.f32.msk $0xffff, v3;
	s26 =	sadd.s32 $0x10, s26;
	s4 =	sadd.s32 $0x10, s4  }
0xb4: {  	s5 =	sand.u32 $0xFF0, s25;
	s25 =	sadd.s32 $0x10, s25;
	v22 =	vld [tilespmem:s26+$0x0]  }
0xb5: {  	v23 =	vld [tilespmem:s5+$0x1000];
	_ =	sdelay $0x1  }
0xb6: {  	v24 =	vld [tilespmem:s5+$0x2000];
	_ =	sdelay $0x1  }
0xb7: {  	v25 =	vld [tilespmem:s5+$0x3000]  }
0xb8: {  	vm1 =	vgt.f32 v23, v22  }
0xb9: {  	v22 =	vsel vm1, v23, v22;
	v23 =	vld [tilespmem:s5+$0x4000]  }
0xba: {  	vm2 =	vgt.f32 v24, v22  }
0xbb: {  	v22 =	vsel vm2, v24, v22;
	v24 =	vld [tilespmem:s5+$0x5000]  }
0xbc: {  	vm3 =	vgt.f32 v25, v22  }
0xbd: {  	v22 =	vsel vm3, v25, v22;
	v25 =	vld [tilespmem:s5+$0x6000]  }
0xbe: {  	vm4 =	vgt.f32 v23, v22  }
0xbf: {  	v22 =	vsel vm4, v23, v22;
	v23 =	vld [tilespmem:s5+$0x7000]  }
0xc0: {  	vm5 =	vgt.f32 v24, v22  }
0xc1: {  	v22 =	vsel vm5, v24, v22;
	v24 =	vld [tilespmem:s5+$0x8000]  }
0xc2: {  	vm6 =	vgt.f32 v25, v22  }
0xc3: {  	v22 =	vsel vm6, v25, v22;
	v25 =	vld [tilespmem:s5+$0x9000]  }
0xc4: {  	vm7 =	vgt.f32 v23, v22  }
0xc5: {  	v22 =	vsel vm7, v23, v22;
	v23 =	vld [tilespmem:s5+$0xA000]  }
0xc6: {  	vm8 =	vgt.f32 v24, v22  }
0xc7: {  	v22 =	vsel vm8, v24, v22;
	v24 =	vld [tilespmem:s5+$0xB000]  }
0xc8: {  	vm9 =	vgt.f32 v25, v22  }
0xc9: {  	v22 =	vsel vm9, v25, v22;
	v25 =	vld [tilespmem:s5+$0xC000]  }
0xca: {  	v26 =	vsel vm1, $0x1, v1;
	vm1 =	vgt.f32 v23, v22  }
0xcb: {  	v26 =	vsel vm2, $0x2, v26;
	v22 =	vsel vm1, v23, v22;
	v23 =	vld [tilespmem:s5+$0xD000]  }
0xcc: {  	v26 =	vsel vm3, $0x3, v26;
	vm2 =	vgt.f32 v24, v22  }
0xcd: {  	v26 =	vsel vm4, $0x4, v26;
	v22 =	vsel vm2, v24, v22;
	v24 =	vld [tilespmem:s5+$0xE000]  }
0xce: {  	v26 =	vsel vm5, $0x5, v26;
	vm3 =	vgt.f32 v25, v22  }
0xcf: {  	v26 =	vsel vm6, $0x6, v26;
	v22 =	vsel vm3, v25, v22;
	v25 =	vld [tilespmem:s5+$0xF000]  }
0xd0: {  	v26 =	vsel vm7, $0x7, v26;
	vm4 =	vgt.f32 v23, v22  }
0xd1: {  	v26 =	vsel vm8, $0x8, v26;
	v22 =	vsel vm4, v23, v22;
	v23 =	vld [tilespmem:s5+$0x10000]  }
0xd2: {  	v26 =	vsel vm9, $0x9, v26;
	vm5 =	vgt.f32 v24, v22  }
0xd3: {  	v26 =	vsel vm1, $0xA, v26;
	v22 =	vsel vm5, v24, v22;
	v24 =	vld [tilespmem:s5+$0x11000]  }
0xd4: {  	v26 =	vsel vm2, $0xB, v26;
	vm1 =	vgt.f32 v25, v22  }
0xd5: {  	v26 =	vsel vm3, $0xC, v26;
	v22 =	vsel vm1, v25, v22;
	v25 =	vld [tilespmem:s5+$0x12000]  }
0xd6: {  	v26 =	vsel vm4, $0xD, v26;
	vm2 =	vgt.f32 v23, v22  }
0xd7: {  	v26 =	vsel vm5, $0xE, v26;
	v22 =	vsel vm2, v23, v22  }
0xd8: {  	v23 =	vsel vm1, $0xF, v26;
	vm1 =	vgt.f32 v24, v22  }
0xd9: {  	v23 =	vsel vm2, $0x10, v23;
	v22 =	vsel vm1, v24, v22  }
.Ltmp0:
0xda: {  	v23 =	vsel vm1, $0x11, v23;
	vm1 =	vgt.f32 v25, v22;
	(pc) =	sbr.rel @p0 .LBB2_2-.Ltmp0, $4  }
0xdb: {  	v22 =	vsel vm1, $0x12, v23  }
0xdc: {  	v23 =	vshll.u32 v22, $0xA;
	v22 =	vshll.u32 v22, $0x4  }
0xdd: {  	v23 =	vor.u32 v2, v23;
	v22 =	vor.u32 v2, v22  }
0xde: {  	[tilespmem:s4+$0x0] =	vst v23  }
0xdf: {  	_ =	sdelay $0x3  }
0xe0: {  	[tilespmem:v22+s29+$0x0] =	vst.idx.add.f32.msk $0xffff, v3  }
0xe1: {  	v22 =	vld [tilespmem:$0x14000];
	_ =	sdelay $0x4  }
0xe2: {  	(xrf2) =	vadd.scan.msk.f32 $0xffff, v22;
	_ =	sdelay $0x9  }
0xe3: {  	v22, _, _ =	vpop (xrf2)  }
0xe4: {  	[tilespmem:v1+s30+$0x0] =	vst.idx.msk vm0, v22  }
0xe5: {  	v22 =	vld [tilespmem:$0x14010];
	_ =	sdelay $0x4  }
0xe6: {  	(xrf2) =	vadd.scan.msk.f32 $0xffff, v22;
	_ =	sdelay $0x9  }
0xe7: {  	v22, _, _ =	vpop (xrf2)  }
0xe8: {  	[tilespmem:v4+s30+$0x0] =	vst.idx.msk vm0, v22  }
0xe9: {  	v22 =	vld [tilespmem:$0x14020];
	_ =	sdelay $0x4  }
0xea: {  	(xrf2) =	vadd.scan.msk.f32 $0xffff, v22;
	_ =	sdelay $0x9  }
0xeb: {  	v22, _, _ =	vpop (xrf2)  }
0xec: {  	[tilespmem:v5+s30+$0x0] =	vst.idx.msk vm0, v22  }
0xed: {  	v22 =	vld [tilespmem:$0x14030];
	_ =	sdelay $0x4  }
0xee: {  	(xrf2) =	vadd.scan.msk.f32 $0xffff, v22;
	_ =	sdelay $0x9  }
0xef: {  	v22, _, _ =	vpop (xrf2)  }
0xf0: {  	[tilespmem:v6+s30+$0x0] =	vst.idx.msk vm0, v22  }
0xf1: {  	v22 =	vld [tilespmem:$0x14040];
	_ =	sdelay $0x4  }
0xf2: {  	(xrf2) =	vadd.scan.msk.f32 $0xffff, v22;
	_ =	sdelay $0x9  }
0xf3: {  	v22, _, _ =	vpop (xrf2)  }
0xf4: {  	[tilespmem:v7+s30+$0x0] =	vst.idx.msk vm0, v22  }
0xf5: {  	v22 =	vld [tilespmem:$0x14050];
	_ =	sdelay $0x4  }
0xf6: {  	(xrf2) =	vadd.scan.msk.f32 $0xffff, v22;
	_ =	sdelay $0x9  }
0xf7: {  	v22, _, _ =	vpop (xrf2)  }
0xf8: {  	[tilespmem:v8+s30+$0x0] =	vst.idx.msk vm0, v22  }
0xf9: {  	v22 =	vld [tilespmem:$0x14060];
	_ =	sdelay $0x4  }
0xfa: {  	(xrf2) =	vadd.scan.msk.f32 $0xffff, v22;
	_ =	sdelay $0x9  }
0xfb: {  	v22, _, _ =	vpop (xrf2)  }
0xfc: {  	[tilespmem:v9+s30+$0x0] =	vst.idx.msk vm0, v22  }
0xfd: {  	v22 =	vld [tilespmem:$0x14070];
	_ =	sdelay $0x4  }
0xfe: {  	(xrf2) =	vadd.scan.msk.f32 $0xffff, v22;
	_ =	sdelay $0x9  }
0xff: {  	v22, _, _ =	vpop (xrf2)  }
0x100: {  	[tilespmem:v10+s30+$0x0] =	vst.idx.msk vm0, v22  }
0x101: {  	v22 =	vld [tilespmem:$0x14080];
	_ =	sdelay $0x4  }
0x102: {  	(xrf2) =	vadd.scan.msk.f32 $0xffff, v22;
	_ =	sdelay $0x9  }
0x103: {  	v22, _, _ =	vpop (xrf2)  }
0x104: {  	[tilespmem:v11+s30+$0x0] =	vst.idx.msk vm0, v22  }
0x105: {  	v22 =	vld [tilespmem:$0x14090];
	_ =	sdelay $0x4  }
0x106: {  	(xrf2) =	vadd.scan.msk.f32 $0xffff, v22;
	_ =	sdelay $0x9  }
0x107: {  	v22, _, _ =	vpop (xrf2)  }
0x108: {  	[tilespmem:v12+s30+$0x0] =	vst.idx.msk vm0, v22  }
0x109: {  	v22 =	vld [tilespmem:$0x140A0];
	_ =	sdelay $0x4  }
0x10a: {  	(xrf2) =	vadd.scan.msk.f32 $0xffff, v22;
	_ =	sdelay $0x9  }
0x10b: {  	v22, _, _ =	vpop (xrf2)  }
0x10c: {  	[tilespmem:v13+s30+$0x0] =	vst.idx.msk vm0, v22  }
0x10d: {  	v22 =	vld [tilespmem:$0x140B0];
	_ =	sdelay $0x4  }
0x10e: {  	(xrf2) =	vadd.scan.msk.f32 $0xffff, v22;
	_ =	sdelay $0x9  }
0x10f: {  	v22, _, _ =	vpop (xrf2)  }
0x110: {  	[tilespmem:v14+s30+$0x0] =	vst.idx.msk vm0, v22  }
0x111: {  	v22 =	vld [tilespmem:$0x140C0];
	_ =	sdelay $0x4  }
0x112: {  	(xrf2) =	vadd.scan.msk.f32 $0xffff, v22;
	_ =	sdelay $0x9  }
0x113: {  	v22, _, _ =	vpop (xrf2)  }
0x114: {  	[tilespmem:v15+s30+$0x0] =	vst.idx.msk vm0, v22  }
0x115: {  	v22 =	vld [tilespmem:$0x140D0];
	_ =	sdelay $0x4  }
0x116: {  	(xrf2) =	vadd.scan.msk.f32 $0xffff, v22;
	_ =	sdelay $0x9  }
0x117: {  	v22, _, _ =	vpop (xrf2)  }
0x118: {  	[tilespmem:v16+s30+$0x0] =	vst.idx.msk vm0, v22  }
0x119: {  	v22 =	vld [tilespmem:$0x140E0];
	_ =	sdelay $0x4  }
0x11a: {  	(xrf2) =	vadd.scan.msk.f32 $0xffff, v22;
	_ =	sdelay $0x9  }
0x11b: {  	v22, _, _ =	vpop (xrf2)  }
0x11c: {  	[tilespmem:v17+s30+$0x0] =	vst.idx.msk vm0, v22  }
0x11d: {  	v22 =	vld [tilespmem:$0x140F0];
	_ =	sdelay $0x4  }
0x11e: {  	(xrf2) =	vadd.scan.msk.f32 $0xffff, v22;
	_ =	sdelay $0x9  }
0x11f: {  	v22, _, _ =	vpop (xrf2)  }
0x120: {  	[tilespmem:v18+s30+$0x0] =	vst.idx.msk vm0, v22  }
0x121: {  	v22 =	vld [tilespmem:$0x14100];
	_ =	sdelay $0x4  }
0x122: {  	(xrf2) =	vadd.scan.msk.f32 $0xffff, v22;
	_ =	sdelay $0x9  }
0x123: {  	v22, _, _ =	vpop (xrf2)  }
0x124: {  	[tilespmem:v19+s30+$0x0] =	vst.idx.msk vm0, v22  }
0x125: {  	v22 =	vld [tilespmem:$0x14110];
	_ =	sdelay $0x4  }
0x126: {  	(xrf2) =	vadd.scan.msk.f32 $0xffff, v22;
	_ =	sdelay $0x9  }
0x127: {  	v22, _, _ =	vpop (xrf2)  }
0x128: {  	[tilespmem:v20+s30+$0x0] =	vst.idx.msk vm0, v22  }
0x129: {  	v22 =	vld [tilespmem:$0x14120];
	_ =	sdelay $0x4  }
0x12a: {  	(xrf2) =	vadd.scan.msk.f32 $0xffff, v22;
	_ =	sdelay $0x9  }
0x12b: {  	v22, _, _ =	vpop (xrf2)  }
0x12c: {  	[tilespmem:v21+s30+$0x0] =	vst.idx.msk vm0, v22  }
0x12d: {  	[hbm4b:s22+s2] =	stream.linear.scatter [tilespmem:s31], [sflag:$0x2], $0x1000, $0x38;
	[tilespmem:$0x14200] =	vst v63  }
0x12e: {  	s0 =	sadd.s32 $0x1, s0;
	_ =	swait.ge [sflag:s1], $0x1000  }
0x12f: {  	p0 =	sne.s32 s0, s24;
	[sflag:s1] =	ssyncset.done $0x0  }
.Ltmp1:
0x130: {  	[sflag:s1] =	ssyncadd.s32 $0xFFFFF000;
	(pc) =	sbr.rel @p0 .LBB2_1-.Ltmp1, $4  }
0x131: {  	[hbm4b:s23+s2] =	stream.linear.scatter [tilespmem:s30], [sflag:$0x2], $0x80, $0x38;
	[tilespmem:$0x14200] =	vst v63  }
0x132: {  	_ =	swait.ge [sflag:s1], $0x80  }
0x133: {  	[sflag:s1] =	ssyncset.done $0x0  }
0x134: {  	[sflag:s1] =	ssyncadd.s32 $0xFFFFFF80  }
0x135: {  	_ =	sfence.sel $0x180000  }
0x136: {  	[bflag:$0x0] =	sbarrier.arrive $0xFFFF  }
0x137: {  	_ =	strace $0x90000047  }
0x138: {  	s0 =	stileid.u32;
	[bflag:$0x2] =	sbarrier.arrive $0xFFFF  }
0x139: {  	p0 =	sne.s32 s0, $0x0;
	s0 =	rddreg [dreg:$0x3]  }
0x13a: {  	s0 =	sadd.s32 @!p0 $0x100000, s0  }
0x13b: {  	[sflag:s0] =	ssyncadd.tile.s32 @!p0 $0x1;
	_ =	shalt  }
.Lfunc_end2:
_tile_overlayer_lowered:
.L_overlay_start_2:
0x13c: {  	(tag) =	ssettag $0x2  }
0x13d: {  	s0 =	rddreg [dreg:$0x0];
	s2 =	stileid.u32  }
0x13e: {  	s1 =	rddreg [dreg:$0x1];
	p0 =	sne.s32 s2, $0x0  }
0x13f: {  	s3 =	rddreg [dreg:$0x2];
	[bflag:$0x3] =	sbarrier.arrive $0xFFFF;
	s2 =	simm.s32 @!p0 $0x1C02  }
0x140: {  	[timem:s3], [sflag:s2] =	dma.local @!p0 [hbm:s0], s1  }
0x141: {  	s0 =	simm.s32 @!p0 $0x2  }
0x142: {  	_ =	swait.ge @!p0 [sflag:s0], s1  }
0x143: {  	s1 =	ssub.s32 @!p0 $0x0, s1;
	[sflag:s0] =	ssyncset.done @!p0 $0x0  }
0x144: {  	[sflag:s0] =	ssyncadd.s32 @!p0 s1  }
0x145: {  	[bflag:$0x3] =	sbarrier.arrive $0xFFFF  }
0x146: {  	_ =	shalt  }

// kernel: kernel.8.cloned.1.call-start
scs
__scs_entry_jumppad:
0x0: {  	(pc) =	sbr.rel $0x88, $3  }
0x1: {  	(tag) =	ssettag $0x0;
	lr =	simm.s32 $0x1  }
0x2: {  	[smem:$0x3F9E] =	sst lr;
	_ =	strace $0xD0000000  }
0x3: {  	_ = 	snop  }
0x4: {  	_ = 	snop  }
0x5: {  	_ = 	snop  }
0x6: {  	_ = 	snop  }
0x7: {  	_ = 	snop  }
__scs_overlays_trampoline_lowered:
0x8: {  	[smem:$0x3FAD] =	sst s0  }
0x9: {  	[smem:$0x3FAE] =	sst s1  }
0xa: {  	[smem:$0x3FAF] =	sst s2  }
0xb: {  	[smem:$0x3FB0] =	sst s3  }
0xc: {  	[smem:$0x3FB1] =	sst s4  }
0xd: {  	[smem:$0x3FB2] =	sst s5  }
0xe: {  	[smem:$0x3FB3] =	sst s6  }
0xf: {  	[smem:$0x3FB4] =	sst s7  }
0x10: {  	[smem:$0x3FB5] =	sst s8  }
0x11: {  	[smem:$0x3FB6] =	sst s9;
	s0 =	simm.s32 @!p0 $0x0  }
0x12: {  	s1 =	sld [smem:$0x3F9C];
	s0 =	simm.s32 @p0 $0x1  }
0x13: {  	[smem:$0x3FB7] =	sst s0;
	s0 =	simm.s32 @!p1 $0x0  }
0x14: {  	s2 =	sld [smem:$0x3F9B];
	s0 =	simm.s32 @p1 $0x1  }
0x15: {  	[smem:$0x3FB8] =	sst s0;
	s0 =	simm.s32 @!p2 $0x0  }
0x16: {  	s3 =	sld [smem:$0x3FDB];
	s0 =	simm.s32 @p2 $0x1  }
0x17: {  	s4 =	simm.s32 $0x1BF5;
	[smem:$0x3FBA] =	sst s0  }
0x18: {  	s0 =	sld [smem:$0x3F9D];
	_ =	swait.ge [sflag:s4], $0x0  }
0x19: {  	s7 =	sld [smem:$0x3F9E]  }
0x1a: {  	s8 =	sadd.s32 $0xFFFFE003, lr  }
0x1b: {  	s9 =	sadd.s32 $0xFFFFFEF7, lr;
	s5 =	simm.s32 $0xFFFFFFFF;
	p2 =	slt.u32 s8, $0xFFFFF086  }
0x1c: {  	p1 =	slt.u32 s9, $0xF7A;
	s5 =	simm.s32 @!p2 $0x0  }
0x1d: {  	s5 =	simm.s32 @p1 $0x1;
	p0 =	seq.s32 s7, s2  }
0x1e: {  	s7 =	smul.u32 @!p0 $0xF7A, s2;
	p2 =	seq.s32 @!p0 s5, $0x0  }
0x1f: {  	s9 =	smul.u32 $0xF7A, s1;
	s8 =	simm.s32 @!p0 $0x1BF5;
	p2 =	por !p2, p0  }
0x20: {  	[sflag:s8] =	ssyncset.s32 @!p0 $0xFFFFF086;
	s6 =	sadd.s32 @!p0 s3, s7;
	s7 =	simm.s32 @!p0 $0x108  }
0x21: {  	s3 =	sadd.s32 s3, s9;
	s6 =	sadd.s32 @!p0 $0x88, s6;
	s7 =	simm.s32 @p2 $0x1082  }
0x22: {  	[simem:s7], [sflag:s8] =	dma.local @!p0 [hbm:s6], $0xF7A  }
0x23: {  	s9 =	sor.u32 $0xD0000000, s2;
	s6 =	simm.s32 $0x108;
	_ =	swait.ge @!p0 [sflag:s8], $0x0  }
0x24: {  	s3 =	sadd.s32 $0x88, s3;
	s6 =	simm.s32 @!p1 $0x1082;
	[sflag:s4] =	ssyncset.s32 $0xFFFFF086  }
0x25: {  	[simem:s6], [sflag:s4] =	dma.local [hbm:s3], $0xF7A  }
0x26: {  	[smem:$0x3F9E] =	sst s1;
	(tag) =	ssettag s2;
	_ =	strace s9  }
0x27: {  	s1 =	sld [smem:$0x3FAE]  }
0x28: {  	s2 =	sld [smem:$0x3FAF]  }
0x29: {  	s4 =	sld [smem:$0x3FB1]  }
0x2a: {  	p0 =	seq.s32 s5, $0x0;
	s5 =	sld [smem:$0x3FB2]  }
0x2b: {  	s6 =	sld [smem:$0x3FB3]  }
0x2c: {  	s7 =	sld [smem:$0x3FB4]  }
0x2d: {  	s3 =	simm.s32 $0x108;
	s8 =	sld [smem:$0x3FB5]  }
0x2e: {  	s3 =	simm.s32 @!p0 $0x1082;
	s9 =	sld [smem:$0x3FB6]  }
0x2f: {  	lr =	sadd.s32 s0, s3;
	s0 =	sld [smem:$0x3FAD]  }
0x30: {  	s3 =	sld [smem:$0x3FB0]  }
0x31: {  	[smem:$0x3FB9] =	sst s10  }
0x32: {  	s10 =	sld [smem:$0x3FB7];
	_ =	sdelay $0x3  }
0x33: {  	p0 =	seq.s32 s10, $0x1;
	s10 =	sld [smem:$0x3FB9];
	_ =	sdelay $0x3  }
0x34: {  	[smem:$0x3FB9] =	sst s10  }
0x35: {  	s10 =	sld [smem:$0x3FB8];
	_ =	sdelay $0x3  }
0x36: {  	p1 =	seq.s32 s10, $0x1;
	s10 =	sld [smem:$0x3FB9];
	_ =	sdelay $0x3  }
0x37: {  	[smem:$0x3FB9] =	sst s10  }
0x38: {  	s10 =	sld [smem:$0x3FBA]  }
0x39: {  	_ = 	snop;
	(pc) =	sbr.ind lr, $3  }
0x3a: {  	_ = 	snop  }
0x3b: {  	_ = 	snop  }
0x3c: {  	p2 =	seq.s32 s10, $0x1;
	s10 =	sld [smem:$0x3FB9]  }
0x3d: {  	_ =	shalt  }
0x3e: {  	_ =	shalt  }
0x3f: {  	_ =	shalt  }
0x40: {  	_ =	shalt  }
0x41: {  	_ =	shalt  }
0x42: {  	_ =	shalt  }
0x43: {  	_ =	shalt  }
0x44: {  	_ =	shalt  }
0x45: {  	_ =	shalt  }
0x46: {  	_ =	shalt  }
0x47: {  	_ =	shalt  }
0x48: {  	_ =	shalt  }
0x49: {  	_ =	shalt  }
0x4a: {  	_ =	shalt  }
0x4b: {  	_ =	shalt  }
0x4c: {  	_ =	shalt  }
0x4d: {  	_ =	shalt  }
0x4e: {  	_ =	shalt  }
0x4f: {  	_ =	shalt  }
0x50: {  	_ =	shalt  }
0x51: {  	_ =	shalt  }
0x52: {  	_ =	shalt  }
0x53: {  	_ =	shalt  }
0x54: {  	_ =	shalt  }
0x55: {  	_ =	shalt  }
0x56: {  	_ =	shalt  }
0x57: {  	_ =	shalt  }
0x58: {  	_ =	shalt  }
0x59: {  	_ =	shalt  }
0x5a: {  	_ =	shalt  }
0x5b: {  	_ =	shalt  }
0x5c: {  	_ =	shalt  }
0x5d: {  	_ =	shalt  }
0x5e: {  	_ =	shalt  }
0x5f: {  	_ =	shalt  }
0x60: {  	_ =	shalt  }
0x61: {  	_ =	shalt  }
0x62: {  	_ =	shalt  }
0x63: {  	_ =	shalt  }
0x64: {  	_ =	shalt  }
0x65: {  	_ =	shalt  }
0x66: {  	_ =	shalt  }
0x67: {  	_ =	shalt  }
0x68: {  	_ =	shalt  }
0x69: {  	_ =	shalt  }
0x6a: {  	_ =	shalt  }
0x6b: {  	_ =	shalt  }
0x6c: {  	_ =	shalt  }
0x6d: {  	_ =	shalt  }
0x6e: {  	_ =	shalt  }
0x6f: {  	_ =	shalt  }
0x70: {  	_ =	shalt  }
0x71: {  	_ =	shalt  }
0x72: {  	_ =	shalt  }
0x73: {  	_ =	shalt  }
0x74: {  	_ =	shalt  }
0x75: {  	_ =	shalt  }
0x76: {  	_ =	shalt  }
0x77: {  	_ =	shalt  }
0x78: {  	_ =	shalt  }
0x79: {  	_ =	shalt  }
0x7a: {  	_ =	shalt  }
0x7b: {  	_ =	shalt  }
0x7c: {  	_ =	shalt  }
0x7d: {  	_ =	shalt  }
0x7e: {  	_ =	shalt  }
0x7f: {  	_ =	shalt  }
0x80: {  	_ =	shalt  }
0x81: {  	_ =	shalt  }
0x82: {  	_ =	shalt  }
0x83: {  	_ =	shalt  }
0x84: {  	_ =	shalt  }
0x85: {  	_ =	shalt  }
0x86: {  	_ =	shalt  }
0x87: {  	_ =	shalt  }
.Lfunc_end0:
.L_simem_size_0:
called_computation.1_lowered:
.L_overlay_start_0:
0x88: {  	s2 =	sld [smem:$0x3FD9]  }
0x89: {  	s3 =	sld [smem:$0x3FFE];
	_ =	sdelay $0x1  }
0x8a: {  	s1 =	srdreg.scid  }
0x8b: {  	s0 =	sand.u32 $0x1, s1  }
0x8c: {  	s14 =	sshll.u32 s0, $0xA;
	s2 =	sadd.s32 s3, s2  }
0x8d: {  	s2 =	sadd.s32 s2, s14  }
0x8e: {  	[smem:$0x3FC5] =	sst s2  }
0x8f: {  	_ = 	snop  }
0x90: {  	s2 =	sld [smem:$0x3FD0];
	_ =	sdelay $0x2  }
0x91: {  	s4 =	simm.s32 $0xA;
	s5 =	simm.s32 $0x10;
	s15 =	sld [smem:$0x3FC9]  }
0x92: {  	[smem:s5], [sflag:s4] =	dma.local [hbm:s2], $0x1  }
0x93: {  	_ =	swait.eq [sflag:s4], $0x1  }
0x94: {  	[sflag:s4] =	ssyncset.done $0x0  }
0x95: {  	[sflag:s4] =	ssyncadd.s32 $0xFFFFFFFF  }
0x96: {  	s16 =	sld [smem:$0x10];
	(tm) =	ssettm $0x1  }
0x97: {  	s17 =	sld [smem:$0x3FFB];
	_ =	sdelay $0x3  }
0x98: {  	_ =	strace s17  }
0x99: {  	s4 =	sld [smem:$0x3FFC];
	_ =	sdelay $0x3  }
0x9a: {  	_ =	strace s4  }
0x9b: {  	s4 =	sld [smem:$0x3FFD];
	_ =	sdelay $0x3  }
0x9c: {  	_ =	strace s4  }
0x9d: {  	_ =	strace $0x8FFFFFFF  }
0x9e: {  	s18 =	sld [smem:$0x3FDB];
	_ =	sdelay $0x1  }
0x9f: {  	s19 =	simm.s32 $_scs_section_size  }
0xa0: {  	s6 =	simm.s32 $_size__tile_overlayer_lowered;
	s7 =	simm.s32 $_tile_overlayer_lowered  }
0xa1: {  	s22 =	simm.s32 $0x1BFF;
	s21 =	sshll.u32 s7, $0x1;
	s4 =	sadd.s32 s19, s18  }
0xa2: {  	s8 =	simm.s32 $0x0;
	s20 =	sshll.u32 s6, $0x1;
	s6 =	sadd.s32 s21, s4  }
0xa3: {  	[timem:s8], [sflag:s22] =	dma.local [hbm:s6], s20  }
0xa4: {  	_ =	swait.ge [sflag:s22], s20  }
0xa5: {  	s5 =	ssub.s32 $0x0, s20;
	[sflag:s22] =	ssyncset.done $0x0  }
0xa6: {  	[sflag:s22] =	ssyncadd.s32 s5;
	_ =	sdelay $0x1  }
0xa7: {  	s23 =	simm.s32 $0x1B8B  }
0xa8: {  	_ =	swait.ge [sflag:s23], $0x1  }
0xa9: {  	[sflag:s23] =	ssyncset.done $0x0  }
0xaa: {  	s25 =	simm.s32 $0x1B8E;
	s24 =	sld [smem:$0x3FFE];
	[sflag:s23] =	ssyncadd.s32 $0xFFFFFFFF  }
0xab: {  	s26 =	simm.s32 $execute0_lowered;
	[smem:$0x3FD2] =	sst s25  }
0xac: {  	s6 =	sshll.u32 s26, $0x1;
	_ =	strace $0x80000049;
	[dreg:$0x1] =	wrdreg $0xFFFFFFFF  }
0xad: {  	s28 =	simm.s32 $_size_execute0_lowered;
	s4 =	sadd.s32 s4, s6;
	[dreg:$0x0] =	wrdreg $0x0  }
0xae: {  	s6 =	sshll.u32 s28, $0x1;
	[dreg:$0x2] =	wrdreg s4  }
0xaf: {  	[dreg:$0x3] =	wrdreg s6  }
0xb0: {  	[dreg:$0x4] =	wrdreg $0xC0  }
0xb1: {  	_ =	task [dreg:s8], $0x5FFFF  }
0xb2: {  	[dreg:$0x1] =	wrdreg $0xFFFFFFFF  }
0xb3: {  	[dreg:$0x0] =	wrdreg $0x60  }
0xb4: {  	[dreg:$0x2] =	wrdreg s15  }
0xb5: {  	[dreg:$0x3] =	wrdreg s16  }
0xb6: {  	[dreg:$0x4] =	wrdreg s24  }
0xb7: {  	[dreg:$0x5] =	wrdreg $0x9  }
0xb8: {  	_ =	task.clear_ibuf [dreg:s8], $0x6FFFF;
	_ =	strace $0x90000049  }
0xb9: {  	s29 =	simm.s32 $0x9;
	_ =	strace $0x8000004B  }
0xba: {  	_ =	swait.ge [sflag:s29], $0x1  }
0xbb: {  	[sflag:s29] =	ssyncadd.s32 $0xFFFFFFFF  }
0xbc: {  	_ =	strace $0x9000004B  }
0xbd: {  	_ =	sfence  }
0xbe: {  	s30 =	sld [smem:$0x0];
	_ =	sdelay $0x2  }
0xbf: {  	s31 =	sshll.u32 s1, $0xD;
	s1 =	sshrl.u32 s1, $0x2  }
0xc0: {  	s3 =	sand.u32 $0x4000, s31;
	s1 =	sadd.s32 s1, s30  }
0xc1: {  	s0 =	sor.u32 s3, s0;
	s1 =	sshll.u32 s1, $0x11  }
0xc2: {  	s0 =	sor.u32 s1, s0  }
0xc3: {  	s0 =	sadd.s32 $0x8F2B, s0  }
0xc4: {  	[sflag:s0] =	ssyncadd.remote.s32 $0x1  }
0xc5: {  	_ =	sfence.sel $0xFFFF  }
0xc6: {  	[dreg:$0x0] =	wrdreg $0xFFFFFFFF;
	(pc) =	sbr.abs _section_cstart, $3  }
0xc7: {  	[dreg:$0x1] =	wrdreg $0xFFFFFFFF  }
0xc8: {  	_ =	task.clear_ibuf [dreg:s8], $0x2FFFF;
	_ =	strace $0x9FFFFFFF  }
0xc9: {  	(tm) =	ssettm $0x7FFFFFFF  }
tec
execute0_lowered:
.L_overlay_start_1:
0x0: {  	(tag) =	ssettag $0x1  }
0x1: {  	s1 =	rddreg [dreg:$0x0]  }
0x2: {  	s0 =	rddreg [dreg:$0x1]  }
0x3: {  	s2 =	rddreg [dreg:$0x2];
	s5 =	stileid.u32  }
0x4: {  	s3 =	srdreg.scid;
	s4 =	sshll.u32 s5, $0x1;
	s5 =	sshrl.u32 s5, $0x1  }
0x5: {  	s6 =	sand.u32 $0x1, s3;
	s4 =	sand.u32 $0x2, s4;
	s7 =	smul.u32 $0x4C, s5  }
0x6: {  	s3 =	simm.s32 $0x0;
	s10 =	sadd.s32 $0x1800, s1;
	s4 =	sor.u32 s6, s4  }
0x7: {  	s9 =	sshll.u32 s5, $0x16;
	s7 =	sor.u32 s7, s4;
	s4 =	sshll.u32 s4, $0x14  }
0x8: {  	[smem:$0x7FF] =	sst s3;
	s11 =	sshll.u32 s5, $0xB;
	s4 =	sor.u32 s9, s4  }
0x9: {  	s5 =	sadd.s32 $0x800, s1;
	s0 =	sadd.s32 s0, s11;
	s12 =	sshrl.u32 s4, $0x3  }
0xa: {  	_ =	strace $0x8000004A;
	[dreg:$0x4] =	wrdreg s0;
	s13 =	sadd.s32 s1, s12  }
0xb: {  	s9 =	sadd.s32 $0x1000, s1;
	s14 =	sadd.s32 s12, s5;
	[dreg:$0x5] =	wrdreg s13  }
0xc: {  	s11 =	sadd.s32 $0x2000, s1;
	s15 =	sadd.s32 s12, s9;
	[dreg:$0x6] =	wrdreg s14  }
0xd: {  	s7 =	sshll.u32 s7, $0x3;
	s16 =	sadd.s32 s12, s10;
	[dreg:$0x7] =	wrdreg s15  }
0xe: {  	s2 =	sadd.s32 s7, s2;
	s17 =	sadd.s32 s12, s11;
	[dreg:$0x8] =	wrdreg s16  }
0xf: {  	s21 =	sadd.s32 $0x1C00, s2;
	[dreg:$0x9] =	wrdreg s17  }
0x10: {  	s22 =	sadd.s32 $0x1C20, s2;
	[dreg:$0xd] =	wrdreg s21  }
0x11: {  	s23 =	sadd.s32 $0x1C40, s2;
	[dreg:$0xe] =	wrdreg s22  }
0x12: {  	s24 =	sadd.s32 $0x1C60, s2;
	[dreg:$0xf] =	wrdreg s23  }
0x13: {  	s25 =	sadd.s32 $0x1C80, s2;
	[dreg:$0x10] =	wrdreg s24  }
0x14: {  	s6 =	ssub.s32 $0x2, s6;
	s26 =	sadd.s32 $0x1CA0, s2;
	[dreg:$0x11] =	wrdreg s25  }
0x15: {  	s8 =	sshrl.u32 s6, $0x1;
	s7 =	sadd.s32 $0x1CC0, s2;
	[dreg:$0x12] =	wrdreg s26  }
0x16: {  	s6 =	ssub.s32 s6, s8;
	s8 =	sadd.s32 $0x1CE0, s2;
	[dreg:$0x13] =	wrdreg s7  }
0x17: {  	s28 =	simm.s32 $0x11000;
	[dreg:$0x14] =	wrdreg s8;
	s13 =	sadd.s32 $0x1D20, s2  }
0x18: {  	s29 =	simm.s32 $0x12000;
	s14 =	sadd.s32 $0x1D40, s2;
	[dreg:$0x16] =	wrdreg s13  }
0x19: {  	s30 =	simm.s32 $0x13000;
	s21 =	sadd.s32 $0x1DC0, s2;
	[dreg:$0x17] =	wrdreg s14  }
0x1a: {  	s31 =	simm.s32 $0x14000;
	s22 =	sadd.s32 $0x1DE0, s2;
	[dreg:$0x1b] =	wrdreg s21  }
0x1b: {  	s0 =	simm.s32 $0x18C00;
	s23 =	sadd.s32 $0x1E00, s2;
	[dreg:$0x1c] =	wrdreg s22  }
0x1c: {  	s15 =	sadd.s32 $0x2800, s1;
	s24 =	sadd.s32 $0x1E20, s2;
	[dreg:$0x1d] =	wrdreg s23  }
0x1d: {  	s16 =	sadd.s32 $0x3000, s1;
	s25 =	sadd.s32 $0x1E40, s2;
	[dreg:$0x1e] =	wrdreg s24  }
0x1e: {  	s17 =	sadd.s32 $0x3800, s1;
	s26 =	smax.u32 s6, $0x1;
	[dreg:$0x1f] =	wrdreg s25  }
0x1f: {  	s6 =	simm.s32 $0x0;
	s18 =	sadd.s32 s12, s15;
	[smem:$0x7FD] =	sst s26  }
0x20: {  	s19 =	sadd.s32 s12, s16;
	s20 =	sadd.s32 s12, s17;
	[dreg:$0xa] =	wrdreg s18  }
0x21: {  	s12 =	sadd.s32 $0x1D00, s2;
	s21 =	simm.s32 $0x1;
	[dreg:$0xb] =	wrdreg s19  }
0x22: {  	s22 =	simm.s32 $0xC000;
	s23 =	simm.s32 $0xD000;
	[dreg:$0xc] =	wrdreg s20  }
0x23: {  	s24 =	simm.s32 $0xE000;
	[dreg:$0x15] =	wrdreg s12;
	s18 =	sadd.s32 $0x1D60, s2  }
0x24: {  	s25 =	simm.s32 $0xF000;
	s19 =	sadd.s32 $0x1D80, s2;
	[dreg:$0x18] =	wrdreg s18  }
0x25: {  	s26 =	simm.s32 $0x10000;
	s20 =	sadd.s32 $0x1DA0, s2;
	[dreg:$0x19] =	wrdreg s19  }
0x26: {  	v0 =	vimm.f32 $0.0e+00;
	vm0 =	vcmask $0x3F3C;
	s2 =	simm.s32 $0x2;
	[dreg:$0x1a] =	wrdreg s20;
	s20 =	simm.s32 $0x3  }
.LBB2_1:
0x27: {  	s7 =	rddreg [dreg:$0x4]  }
0x28: {  	[tilespmem:s3], [sflag:$0x3] =	stream.linear.gather [hbm4b:s7+s3], $0x4000, $0x38;
	[tilespmem:$0x19100] =	vst v63  }
0x29: {  	_ =	swait.ge [sflag:s20], $0x4000  }
0x2a: {  	[sflag:s20] =	ssyncset.done $0x0  }
0x2b: {  	s8 =	simm.s32 $0x0;
	s7 =	simm.s32 $0x40;
	[sflag:s20] =	ssyncadd.s32 $0xFFFFC000  }
.LBB2_2:
0x2c: {  	p0 =	sne.s32 s7, $0x12FC0;
	[tilespmem:s8+$0x14000] =	vst v0;
	s8 =	smov.u32 s7;
	s7 =	sadd.s32 $0x40, s7  }
.Ltmp0:
0x2d: {  	(pc) =	sbr.rel @p0 .LBB2_2-.Ltmp0, $2  }
0x2e: {  	_ =	sdelay $0x2  }
0x2f: {  	s8 =	sshra.s32 s8, $0x2  }
0x30: {  	[tilespmem:s8+$0x14000] =	vst v0;
	s7 =	simm.s32 $0x0;
	s14 =	rddreg [dreg:$0x5];
	s12 =	simm.s32 $0x4000  }
0x31: {  	[tilespmem:s12], [sflag:$0x1] =	stream.linear.gather [hbm4b:s14+s7], $0x1000, $0x38;
	[tilespmem:$0x19100] =	vst v63  }
0x32: {  	s18 =	rddreg [dreg:$0x6];
	s19 =	simm.s32 $0x5000  }
0x33: {  	[tilespmem:s19], [sflag:$0x1] =	stream.linear.gather [hbm4b:s18+s7], $0x1000, $0x38;
	[tilespmem:$0x19100] =	vst v63  }
0x34: {  	s13 =	rddreg [dreg:$0x7];
	s14 =	simm.s32 $0x6000  }
0x35: {  	[tilespmem:s14], [sflag:$0x1] =	stream.linear.gather [hbm4b:s13+s7], $0x1000, $0x38;
	[tilespmem:$0x19100] =	vst v63  }
0x36: {  	s18 =	rddreg [dreg:$0x8];
	s19 =	simm.s32 $0x7000  }
0x37: {  	[tilespmem:s19], [sflag:$0x1] =	stream.linear.gather [hbm4b:s18+s7], $0x1000, $0x38;
	[tilespmem:$0x19100] =	vst v63  }
0x38: {  	s13 =	rddreg [dreg:$0x9];
	s14 =	simm.s32 $0x8000  }
0x39: {  	[tilespmem:s14], [sflag:$0x1] =	stream.linear.gather [hbm4b:s13+s7], $0x1000, $0x38;
	[tilespmem:$0x19100] =	vst v63  }
0x3a: {  	s18 =	rddreg [dreg:$0xa];
	s19 =	simm.s32 $0x9000  }
0x3b: {  	[tilespmem:s19], [sflag:$0x1] =	stream.linear.gather [hbm4b:s18+s7], $0x1000, $0x38;
	[tilespmem:$0x19100] =	vst v63  }
0x3c: {  	p0 =	por $0x0, $0x0;
	s13 =	rddreg [dreg:$0xb];
	s14 =	simm.s32 $0xA000  }
0x3d: {  	[tilespmem:s14], [sflag:$0x1] =	stream.linear.gather [hbm4b:s13+s7], $0x1000, $0x38;
	[tilespmem:$0x19100] =	vst v63  }
0x3e: {  	s8 =	simm.s32 $0x0;
	s18 =	rddreg [dreg:$0xc];
	s19 =	simm.s32 $0xB000  }
0x3f: {  	[tilespmem:s19], [sflag:$0x1] =	stream.linear.gather [hbm4b:s18+s7], $0x1000, $0x38;
	[tilespmem:$0x19100] =	vst v63  }
.LBB2_4:
0x40: {  	s12 =	sshll.u32 s8, $0x10  }
0x41: {  	s13 =	sshll.u32 s8, $0xD;
	s12 =	sand.u32 $0xE0000, s12  }
0x42: {  	s13 =	sand.u32 $0x2000, s13;
	s12 =	sor.u32 s4, s12  }
0x43: {  	s12 =	sor.u32 s12, s13  }
0x44: {  	s12 =	sor.u32 $0x1000, s12  }
0x45: {  	s12 =	sshrl.u32 s12, $0x3  }
0x46: {  	s14 =	sadd.s32 s1, s12  }
0x47: {  	[tilespmem:s22], [sflag:$0x2] =	stream.linear.gather [hbm4b:s14+s7], $0x1000, $0x38;
	[tilespmem:$0x19100] =	vst v63  }
0x48: {  	s18 =	sadd.s32 s12, s5  }
0x49: {  	[tilespmem:s23], [sflag:$0x2] =	stream.linear.gather [hbm4b:s18+s7], $0x1000, $0x38;
	[tilespmem:$0x19100] =	vst v63  }
0x4a: {  	s19 =	sadd.s32 s12, s9  }
0x4b: {  	[tilespmem:s24], [sflag:$0x2] =	stream.linear.gather [hbm4b:s19+s7], $0x1000, $0x38;
	[tilespmem:$0x19100] =	vst v63  }
0x4c: {  	s14 =	sadd.s32 s12, s10  }
0x4d: {  	[tilespmem:s25], [sflag:$0x2] =	stream.linear.gather [hbm4b:s14+s7], $0x1000, $0x38;
	[tilespmem:$0x19100] =	vst v63  }
0x4e: {  	s18 =	sadd.s32 s12, s11  }
0x4f: {  	[tilespmem:s26], [sflag:$0x2] =	stream.linear.gather [hbm4b:s18+s7], $0x1000, $0x38;
	[tilespmem:$0x19100] =	vst v63  }
0x50: {  	s19 =	sadd.s32 s12, s15  }
0x51: {  	[tilespmem:s28], [sflag:$0x2] =	stream.linear.gather [hbm4b:s19+s7], $0x1000, $0x38;
	[tilespmem:$0x19100] =	vst v63  }
0x52: {  	s14 =	sadd.s32 s12, s16  }
0x53: {  	[tilespmem:s29], [sflag:$0x2] =	stream.linear.gather [hbm4b:s14+s7], $0x1000, $0x38;
	[tilespmem:$0x19100] =	vst v63  }
0x54: {  	s12 =	sadd.s32 s12, s17  }
0x55: {  	[tilespmem:s30], [sflag:$0x2] =	stream.linear.gather [hbm4b:s12+s7], $0x1000, $0x38;
	[tilespmem:$0x19100] =	vst v63  }
0x56: {  	_ =	swait.ge [sflag:s21], $0x1000  }
0x57: {  	[sflag:s21] =	ssyncset.done $0x0  }
0x58: {  	[sflag:s21] =	ssyncadd.s32 $0xFFFFF000  }
0x59: {  	_ =	swait.ge [sflag:s21], $0x1000  }
0x5a: {  	[sflag:s21] =	ssyncset.done $0x0  }
0x5b: {  	[sflag:s21] =	ssyncadd.s32 $0xFFFFF000  }
0x5c: {  	_ =	swait.ge [sflag:s21], $0x1000  }
0x5d: {  	[sflag:s21] =	ssyncset.done $0x0  }
0x5e: {  	[sflag:s21] =	ssyncadd.s32 $0xFFFFF000  }
0x5f: {  	_ =	swait.ge [sflag:s21], $0x1000  }
0x60: {  	[sflag:s21] =	ssyncset.done $0x0  }
0x61: {  	[sflag:s21] =	ssyncadd.s32 $0xFFFFF000  }
0x62: {  	_ =	swait.ge [sflag:s21], $0x1000  }
0x63: {  	[sflag:s21] =	ssyncset.done $0x0  }
0x64: {  	[sflag:s21] =	ssyncadd.s32 $0xFFFFF000  }
0x65: {  	s12 =	simm.s32 $0x1;
	_ =	swait.ge [sflag:s21], $0x1000  }
0x66: {  	s12 =	simm.s32 @!p0 $0x0;
	[sflag:s21] =	ssyncset.done $0x0  }
0x67: {  	s12 =	sshll.u32 s12, $0xD;
	[sflag:s21] =	ssyncadd.s32 $0xFFFFF000  }
0x68: {  	s18 =	sor.u32 $0x70, s12;
	_ =	swait.ge [sflag:s21], $0x1000  }
0x69: {  	v2 =	vmov s18;
	[sflag:s21] =	ssyncset.done $0x0  }
0x6a: {  	[sflag:s21] =	ssyncadd.s32 $0xFFFFF000  }
0x6b: {  	_ =	swait.ge [sflag:s21], $0x1000  }
0x6c: {  	[sflag:s21] =	ssyncset.done $0x0  }
0x6d: {  	s19 =	simm.s32 $0x0;
	[sflag:s21] =	ssyncadd.s32 $0xFFFFF000  }
0x6e: {  	v3 =	vld.idx.msk [tilespmem:v2+s19+$0x0 ss:$0x1], $0xffff  }
0x6f: {  	v4 =	vld.idx.msk [tilespmem:v2+s19+$0xFFFFFF90 ss:$0x1], $0xffff  }
0x70: {  	v5 =	vld.idx.msk [tilespmem:v2+s19+$0xFFFFFFA0 ss:$0x1], $0xffff  }
0x71: {  	v6 =	vld.idx.msk [tilespmem:v2+s19+$0xFFFFFFB0 ss:$0x1], $0xffff  }
0x72: {  	v7 =	vld.idx.msk [tilespmem:v2+s19+$0xFFFFFFC0 ss:$0x1], $0xffff  }
0x73: {  	v8 =	vld.idx.msk [tilespmem:v2+s19+$0xFFFFFFD0 ss:$0x1], $0xffff  }
0x74: {  	v9 =	vld.idx.msk [tilespmem:v2+s19+$0xFFFFFFE0 ss:$0x1], $0xffff  }
0x75: {  	v11 =	vld.idx.msk [tilespmem:v2+s19+$0xFFFFFFF0 ss:$0x1], $0xffff  }
0x76: {  	s14 =	sshll.u32 s8, $0x6;
	v12 =	vld [tilespmem:s19+$0x4000]  }
0x77: {  	s14 =	sand.u32 $0x380, s14;
	v13 =	vld [tilespmem:s19+$0x4010]  }
0x78: {  	v1 =	vmov s14;
	v15 =	vld [tilespmem:s19+$0x4020]  }
0x79: {  	v10 =	vadd.s32 v1, v3;
	v3 =	vld [tilespmem:s19+$0x4070]  }
0x7a: {  	v16 =	vld [tilespmem:s19+$0x4030];
	v4 =	vadd.s32 v1, v4  }
0x7b: {  	v17 =	vld [tilespmem:s19+$0x4040];
	v5 =	vadd.s32 v1, v5  }
0x7c: {  	v18 =	vld [tilespmem:s19+$0x4050];
	v6 =	vadd.s32 v1, v6  }
0x7d: {  	v20 =	vld [tilespmem:s19+$0x4060];
	v7 =	vadd.s32 v1, v7  }
0x7e: {  	v8 =	vadd.s32 v1, v8;
	[tilespmem:v10+s31+$0x0] =	vst.idx.add.f32.msk $0xffff, v3  }
0x7f: {  	v9 =	vadd.s32 v1, v9;
	[tilespmem:v4+s31+$0x0] =	vst.idx.add.f32.msk $0xffff, v12  }
0x80: {  	[tilespmem:v5+s31+$0x0] =	vst.idx.add.f32.msk $0xffff, v13  }
0x81: {  	[tilespmem:v6+s31+$0x0] =	vst.idx.add.f32.msk $0xffff, v15  }
0x82: {  	[tilespmem:v7+s31+$0x0] =	vst.idx.add.f32.msk $0xffff, v16  }
0x83: {  	[tilespmem:v8+s31+$0x0] =	vst.idx.add.f32.msk $0xffff, v17  }
0x84: {  	[tilespmem:v9+s31+$0x0] =	vst.idx.add.f32.msk $0xffff, v18  }
0x85: {  	v14 =	vld [tilespmem:s19+$0x5070]  }
0x86: {  	v57 =	vld [tilespmem:s19+$0x5000]  }
0x87: {  	v3 =	vadd.s32 $0x10, v10;
	v58 =	vld [tilespmem:s19+$0x5010]  }
0x88: {  	v59 =	vadd.s32 $0x10, v4;
	v15 =	vld [tilespmem:s19+$0x5020]  }
0x89: {  	v61 =	vadd.s32 $0x10, v5;
	v16 =	vld [tilespmem:s19+$0x5030]  }
0x8a: {  	v21 =	vadd.s32 $0x10, v6;
	v60 =	vld [tilespmem:s19+$0x5040]  }
0x8b: {  	v23 =	vadd.s32 $0x10, v7;
	v62 =	vld [tilespmem:s19+$0x5050]  }
0x8c: {  	v63 =	vadd.s32 $0x10, v8;
	[tilespmem:v3+s31+$0x0] =	vst.idx.add.f32.msk $0xffff, v14  }
0x8d: {  	[tilespmem:v59+s31+$0x0] =	vst.idx.add.f32.msk $0xffff, v57  }
0x8e: {  	[tilespmem:v61+s31+$0x0] =	vst.idx.add.f32.msk $0xffff, v58  }
0x8f: {  	[tilespmem:v21+s31+$0x0] =	vst.idx.add.f32.msk $0xffff, v15  }
0x90: {  	[tilespmem:v23+s31+$0x0] =	vst.idx.add.f32.msk $0xffff, v16  }
0x91: {  	[tilespmem:v63+s31+$0x0] =	vst.idx.add.f32.msk $0xffff, v60  }
0x92: {  	v3 =	vadd.s32 v1, v11;
	v19 =	vld [tilespmem:s19+$0x6070]  }
0x93: {  	v55 =	vadd.s32 $0x20, v10;
	v24 =	vld [tilespmem:s19+$0x6000]  }
0x94: {  	v25 =	vld [tilespmem:s19+$0x6010]  }
0x95: {  	v26 =	vadd.s32 $0x20, v5;
	v27 =	vld [tilespmem:s19+$0x6030]  }
0x96: {  	v30 =	vadd.s32 $0x20, v7;
	v29 =	vld [tilespmem:s19+$0x6040]  }
0x97: {  	[tilespmem:v3+s31+$0x0] =	vst.idx.add.f32.msk $0xffff, v20  }
0x98: {  	v32 =	vadd.s32 $0x20, v8;
	[tilespmem:v55+s31+$0x0] =	vst.idx.add.f32.msk $0xffff, v19  }
0x99: {  	v22 =	vld [tilespmem:s19+$0x5060]  }
0x9a: {  	[tilespmem:v26+s31+$0x0] =	vst.idx.add.f32.msk $0xffff, v25  }
0x9b: {  	v19 =	vadd.s32 $0x10, v9;
	[tilespmem:v30+s31+$0x0] =	vst.idx.add.f32.msk $0xffff, v27  }
0x9c: {  	v11 =	vadd.s32 $0x30, v10;
	v56 =	vld [tilespmem:s19+$0x7070]  }
0x9d: {  	[tilespmem:v32+s31+$0x0] =	vst.idx.add.f32.msk $0xffff, v29  }
0x9e: {  	v21 =	vadd.s32 $0x10, v3;
	v15 =	vld [tilespmem:s19+$0x7030]  }
0x9f: {  	v17 =	vld [tilespmem:s19+$0x7040]  }
0xa0: {  	[tilespmem:v19+s31+$0x0] =	vst.idx.add.f32.msk $0xffff, v62  }
0xa1: {  	v39 =	vadd.s32 $0x30, v7;
	[tilespmem:v11+s31+$0x0] =	vst.idx.add.f32.msk $0xffff, v56  }
0xa2: {  	v11 =	vadd.s32 $0x40, v10;
	v12 =	vld [tilespmem:s19+$0x8070]  }
0xa3: {  	[tilespmem:v21+s31+$0x0] =	vst.idx.add.f32.msk $0xffff, v22  }
0xa4: {  	v40 =	vadd.s32 $0x30, v8;
	v31 =	vld [tilespmem:s19+$0x6050]  }
0xa5: {  	v33 =	vld [tilespmem:s19+$0x6060]  }
0xa6: {  	[tilespmem:v39+s31+$0x0] =	vst.idx.add.f32.msk $0xffff, v15  }
0xa7: {  	v34 =	vadd.s32 $0x20, v9;
	[tilespmem:v11+s31+$0x0] =	vst.idx.add.f32.msk $0xffff, v12  }
0xa8: {  	v11 =	vadd.s32 $0x50, v10;
	v12 =	vld [tilespmem:s19+$0x9070]  }
0xa9: {  	[tilespmem:v40+s31+$0x0] =	vst.idx.add.f32.msk $0xffff, v17  }
0xaa: {  	v15 =	vld [tilespmem:s19+$0x8030]  }
0xab: {  	v45 =	vadd.s32 $0x40, v7;
	v17 =	vld [tilespmem:s19+$0x8040]  }
0xac: {  	v46 =	vadd.s32 $0x40, v8;
	[tilespmem:v34+s31+$0x0] =	vst.idx.add.f32.msk $0xffff, v31  }
0xad: {  	[tilespmem:v11+s31+$0x0] =	vst.idx.add.f32.msk $0xffff, v12  }
0xae: {  	v11 =	vadd.s32 $0x60, v10;
	v12 =	vld [tilespmem:s19+$0xA070]  }
0xaf: {  	v19 =	vld [tilespmem:s19+$0x7050]  }
0xb0: {  	[tilespmem:v45+s31+$0x0] =	vst.idx.add.f32.msk $0xffff, v15  }
0xb1: {  	v41 =	vadd.s32 $0x30, v9;
	[tilespmem:v46+s31+$0x0] =	vst.idx.add.f32.msk $0xffff, v17  }
0xb2: {  	v15 =	vld [tilespmem:s19+$0x9030]  }
0xb3: {  	v51 =	vadd.s32 $0x50, v7;
	[tilespmem:v11+s31+$0x0] =	vst.idx.add.f32.msk $0xffff, v12  }
0xb4: {  	v10 =	vadd.s32 $0x70, v10;
	v11 =	vld [tilespmem:s19+$0xB070]  }
0xb5: {  	v52 =	vadd.s32 $0x50, v8;
	v17 =	vld [tilespmem:s19+$0x9040]  }
0xb6: {  	[tilespmem:v41+s31+$0x0] =	vst.idx.add.f32.msk $0xffff, v19  }
0xb7: {  	v19 =	vld [tilespmem:s19+$0x8050]  }
0xb8: {  	v47 =	vadd.s32 $0x40, v9;
	[tilespmem:v51+s31+$0x0] =	vst.idx.add.f32.msk $0xffff, v15  }
0xb9: {  	[tilespmem:v10+s31+$0x0] =	vst.idx.add.f32.msk $0xffff, v11;
	v10 =	vadd.s32 $0x20, v4  }
0xba: {  	[tilespmem:v52+s31+$0x0] =	vst.idx.add.f32.msk $0xffff, v17  }
0xbb: {  	v57 =	vadd.s32 $0x60, v7;
	v15 =	vld [tilespmem:s19+$0xA030]  }
0xbc: {  	v58 =	vadd.s32 $0x60, v8;
	v17 =	vld [tilespmem:s19+$0xA040]  }
0xbd: {  	[tilespmem:v47+s31+$0x0] =	vst.idx.add.f32.msk $0xffff, v19  }
0xbe: {  	[tilespmem:v10+s31+$0x0] =	vst.idx.add.f32.msk $0xffff, v24;
	v10 =	vadd.s32 $0x20, v3  }
0xbf: {  	v19 =	vld [tilespmem:s19+$0x9050]  }
0xc0: {  	[tilespmem:v57+s31+$0x0] =	vst.idx.add.f32.msk $0xffff, v15  }
0xc1: {  	[tilespmem:v58+s31+$0x0] =	vst.idx.add.f32.msk $0xffff, v17  }
0xc2: {  	v53 =	vadd.s32 $0x50, v9;
	v61 =	vld [tilespmem:s19+$0xB030]  }
0xc3: {  	[tilespmem:v10+s31+$0x0] =	vst.idx.add.f32.msk $0xffff, v33  }
0xc4: {  	v35 =	vadd.s32 $0x30, v4;
	v10 =	vld [tilespmem:s19+$0x7000]  }
0xc5: {  	v62 =	vld [tilespmem:s19+$0xB040]  }
0xc6: {  	v28 =	vadd.s32 $0x20, v6;
	v11 =	vld [tilespmem:s19+$0x6020]  }
0xc7: {  	[tilespmem:v53+s31+$0x0] =	vst.idx.add.f32.msk $0xffff, v19  }
0xc8: {  	v7 =	vadd.s32 $0x70, v7;
	v21 =	vld [tilespmem:s19+$0x7060]  }
0xc9: {  	[tilespmem:v35+s31+$0x0] =	vst.idx.add.f32.msk $0xffff, v10;
	v10 =	vadd.s32 $0x30, v3  }
0xca: {  	v19 =	vld [tilespmem:s19+$0xA050]  }
0xcb: {  	[tilespmem:v28+s31+$0x0] =	vst.idx.add.f32.msk $0xffff, v11  }
0xcc: {  	v37 =	vadd.s32 $0x30, v5;
	v11 =	vld [tilespmem:s19+$0x7010]  }
0xcd: {  	[tilespmem:v7+s31+$0x0] =	vst.idx.add.f32.msk $0xffff, v61  }
0xce: {  	[tilespmem:v10+s31+$0x0] =	vst.idx.add.f32.msk $0xffff, v21  }
0xcf: {  	v42 =	vadd.s32 $0x40, v4;
	v10 =	vld [tilespmem:s19+$0x8000]  }
0xd0: {  	v38 =	vadd.s32 $0x30, v6;
	v36 =	vld [tilespmem:s19+$0x7020]  }
0xd1: {  	[tilespmem:v37+s31+$0x0] =	vst.idx.add.f32.msk $0xffff, v11  }
0xd2: {  	v8 =	vadd.s32 $0x70, v8;
	v11 =	vld [tilespmem:s19+$0x8010]  }
0xd3: {  	v43 =	vadd.s32 $0x40, v5;
	v21 =	vld [tilespmem:s19+$0x8060]  }
0xd4: {  	[tilespmem:v42+s31+$0x0] =	vst.idx.add.f32.msk $0xffff, v10;
	v10 =	vadd.s32 $0x40, v3  }
0xd5: {  	[tilespmem:v38+s31+$0x0] =	vst.idx.add.f32.msk $0xffff, v36  }
0xd6: {  	v44 =	vadd.s32 $0x40, v6;
	v13 =	vld [tilespmem:s19+$0x8020]  }
0xd7: {  	[tilespmem:v8+s31+$0x0] =	vst.idx.add.f32.msk $0xffff, v62  }
0xd8: {  	[tilespmem:v43+s31+$0x0] =	vst.idx.add.f32.msk $0xffff, v11  }
0xd9: {  	[tilespmem:v10+s31+$0x0] =	vst.idx.add.f32.msk $0xffff, v21  }
0xda: {  	v48 =	vadd.s32 $0x50, v4;
	v10 =	vld [tilespmem:s19+$0x9000]  }
0xdb: {  	v59 =	vadd.s32 $0x60, v9;
	[tilespmem:v44+s31+$0x0] =	vst.idx.add.f32.msk $0xffff, v13  }
0xdc: {  	v49 =	vadd.s32 $0x50, v5;
	v11 =	vld [tilespmem:s19+$0x9010]  }
0xdd: {  	v50 =	vadd.s32 $0x50, v6;
	v13 =	vld [tilespmem:s19+$0x9020]  }
0xde: {  	v21 =	vld [tilespmem:s19+$0x9060]  }
0xdf: {  	[tilespmem:v48+s31+$0x0] =	vst.idx.add.f32.msk $0xffff, v10;
	v10 =	vadd.s32 $0x50, v3  }
0xe0: {  	[tilespmem:v59+s31+$0x0] =	vst.idx.add.f32.msk $0xffff, v19  }
0xe1: {  	[tilespmem:v49+s31+$0x0] =	vst.idx.add.f32.msk $0xffff, v11  }
0xe2: {  	[tilespmem:v50+s31+$0x0] =	vst.idx.add.f32.msk $0xffff, v13  }
0xe3: {  	v55 =	vadd.s32 $0x60, v5;
	v11 =	vld [tilespmem:s19+$0xA010]  }
0xe4: {  	[tilespmem:v10+s31+$0x0] =	vst.idx.add.f32.msk $0xffff, v21  }
0xe5: {  	v54 =	vadd.s32 $0x60, v4;
	v10 =	vld [tilespmem:s19+$0xA000]  }
0xe6: {  	v56 =	vadd.s32 $0x60, v6;
	v13 =	vld [tilespmem:s19+$0xA020]  }
0xe7: {  	v63 =	vld [tilespmem:s19+$0xB050]  }
0xe8: {  	[tilespmem:v55+s31+$0x0] =	vst.idx.add.f32.msk $0xffff, v11  }
0xe9: {  	v21 =	vld [tilespmem:s19+$0xA060]  }
0xea: {  	[tilespmem:v54+s31+$0x0] =	vst.idx.add.f32.msk $0xffff, v10;
	v10 =	vadd.s32 $0x60, v3  }
0xeb: {  	[tilespmem:v56+s31+$0x0] =	vst.idx.add.f32.msk $0xffff, v13  }
0xec: {  	v9 =	vadd.s32 $0x70, v9;
	v60 =	vld [tilespmem:s19+$0xB010]  }
0xed: {  	v5 =	vadd.s32 $0x70, v5;
	v13 =	vld [tilespmem:s19+$0xB020]  }
0xee: {  	v6 =	vadd.s32 $0x70, v6;
	v11 =	vld [tilespmem:s19+$0xB000]  }
0xef: {  	v4 =	vadd.s32 $0x70, v4;
	[tilespmem:v10+s31+$0x0] =	vst.idx.add.f32.msk $0xffff, v21  }
0xf0: {  	v3 =	vadd.s32 $0x70, v3;
	v10 =	vld [tilespmem:s19+$0xB060]  }
0xf1: {  	[tilespmem:v9+s31+$0x0] =	vst.idx.add.f32.msk $0xffff, v63  }
0xf2: {  	[tilespmem:v5+s31+$0x0] =	vst.idx.add.f32.msk $0xffff, v60  }
0xf3: {  	[tilespmem:v6+s31+$0x0] =	vst.idx.add.f32.msk $0xffff, v13  }
0xf4: {  	s13 =	simm.s32 $0x0;
	s14 =	simm.s32 $0x200;
	s12 =	sor.u32 $0x1000, s12;
	[tilespmem:v4+s31+$0x0] =	vst.idx.add.f32.msk $0xffff, v11  }
.LBB2_5:
0xf5: {  	s18 =	sshra.s32 s14, $0x2;
	s13 =	sadd.s32 $0x8, s13;
	[tilespmem:v3+s31+$0x0] =	vst.idx.add.f32.msk $0xffff, v10  }
0xf6: {  	v3 =	vld.idx.msk [tilespmem:v2+s18+$0x0 ss:$0x1], $0xffff;
	p1 =	slt.u32 s13, $0xF8  }
0xf7: {  	v4 =	vld.idx.msk [tilespmem:v2+s18+$0xFFFFFF90 ss:$0x1], $0xffff  }
0xf8: {  	v5 =	vld.idx.msk [tilespmem:v2+s18+$0xFFFFFFA0 ss:$0x1], $0xffff  }
0xf9: {  	v6 =	vld.idx.msk [tilespmem:v2+s18+$0xFFFFFFB0 ss:$0x1], $0xffff  }
0xfa: {  	v7 =	vld.idx.msk [tilespmem:v2+s18+$0xFFFFFFC0 ss:$0x1], $0xffff  }
0xfb: {  	v8 =	vld.idx.msk [tilespmem:v2+s18+$0xFFFFFFD0 ss:$0x1], $0xffff  }
0xfc: {  	v43 =	vadd.s32 v1, v3;
	v3 =	vld [tilespmem:s18+$0x4070]  }
0xfd: {  	v4 =	vadd.s32 v1, v4;
	v9 =	vld.idx.msk [tilespmem:v2+s18+$0xFFFFFFE0 ss:$0x1], $0xffff  }
0xfe: {  	v46 =	vadd.s32 $0x10, v4;
	v33 =	vadd.s32 $0x20, v4;
	v5 =	vadd.s32 v1, v5;
	v10 =	vld.idx.msk [tilespmem:v2+s18+$0xFFFFFFF0 ss:$0x1], $0xffff  }
0xff: {  	v47 =	vadd.s32 $0x10, v5;
	v35 =	vadd.s32 $0x20, v5;
	v48 =	vadd.s32 v1, v6;
	v11 =	vld [tilespmem:s18+$0x4000]  }
0x100: {  	v49 =	vadd.s32 $0x10, v48;
	v40 =	vadd.s32 $0x20, v48;
	v7 =	vadd.s32 v1, v7;
	v6 =	vld [tilespmem:s18+$0x4010]  }
0x101: {  	v50 =	vadd.s32 $0x10, v7;
	v41 =	vadd.s32 $0x20, v7;
	v8 =	vadd.s32 v1, v8;
	[tilespmem:v43+s31+$0x0] =	vst.idx.add.f32.msk $0xffff, v3  }
0x102: {  	v51 =	vadd.s32 $0x10, v8;
	v42 =	vadd.s32 $0x20, v8;
	v3 =	vadd.s32 $0x10, v43;
	v12 =	vld [tilespmem:s18+$0x5070]  }
0x103: {  	v32 =	vadd.s32 $0x30, v4;
	v31 =	vadd.s32 $0x30, v5;
	v52 =	vadd.s32 v1, v9;
	v14 =	vld [tilespmem:s18+$0x4020]  }
0x104: {  	v54 =	vadd.s32 $0x10, v52;
	v44 =	vadd.s32 $0x20, v52;
	v55 =	vadd.s32 v1, v10;
	v53 =	vld [tilespmem:s18+$0x4030]  }
0x105: {  	v34 =	vadd.s32 $0x30, v48;
	v57 =	vadd.s32 $0x10, v55;
	v45 =	vadd.s32 $0x20, v55;
	v56 =	vld [tilespmem:s18+$0x4040]  }
0x106: {  	v38 =	vadd.s32 $0x30, v7;
	v36 =	vadd.s32 $0x30, v8;
	v37 =	vadd.s32 $0x30, v52;
	v58 =	vld [tilespmem:s18+$0x4050]  }
0x107: {  	v25 =	vadd.s32 $0x40, v4;
	v24 =	vadd.s32 $0x40, v5;
	v39 =	vadd.s32 $0x30, v55;
	[tilespmem:v3+s31+$0x0] =	vst.idx.add.f32.msk $0xffff, v12  }
0x108: {  	v27 =	vadd.s32 $0x40, v48;
	v26 =	vadd.s32 $0x40, v7;
	v3 =	vadd.s32 $0x20, v43;
	v9 =	vld [tilespmem:s18+$0x6070]  }
0x109: {  	v30 =	vadd.s32 $0x40, v8;
	v28 =	vadd.s32 $0x40, v52;
	v29 =	vadd.s32 $0x40, v55;
	v59 =	vld [tilespmem:s18+$0x4060]  }
0x10a: {  	v22 =	vadd.s32 $0x50, v4;
	v20 =	vadd.s32 $0x50, v5;
	v18 =	vadd.s32 $0x50, v48;
	[tilespmem:v4+s31+$0x0] =	vst.idx.add.f32.msk $0xffff, v11  }
0x10b: {  	v21 =	vadd.s32 $0x50, v7;
	v19 =	vadd.s32 $0x50, v8;
	v17 =	vadd.s32 $0x50, v52;
	[tilespmem:v5+s31+$0x0] =	vst.idx.add.f32.msk $0xffff, v6  }
0x10c: {  	v13 =	vadd.s32 $0x60, v4;
	v10 =	vadd.s32 $0x60, v5;
	v23 =	vadd.s32 $0x50, v55;
	[tilespmem:v48+s31+$0x0] =	vst.idx.add.f32.msk $0xffff, v14  }
0x10d: {  	v16 =	vadd.s32 $0x60, v48;
	v11 =	vadd.s32 $0x60, v8;
	v14 =	vadd.s32 $0x60, v7;
	[tilespmem:v3+s31+$0x0] =	vst.idx.add.f32.msk $0xffff, v9  }
0x10e: {  	v60 =	vadd.s32 $0x30, v43;
	v15 =	vadd.s32 $0x60, v52;
	v12 =	vadd.s32 $0x60, v55;
	v61 =	vld [tilespmem:s18+$0x7070]  }
0x10f: {  	v6 =	vadd.s32 $0x70, v5;
	v9 =	vadd.s32 $0x70, v4;
	v4 =	vadd.s32 $0x70, v48;
	[tilespmem:v7+s31+$0x0] =	vst.idx.add.f32.msk $0xffff, v53  }
0x110: {  	v5 =	vadd.s32 $0x70, v52;
	v7 =	vadd.s32 $0x70, v7;
	[tilespmem:v8+s31+$0x0] =	vst.idx.add.f32.msk $0xffff, v56;
	v8 =	vadd.s32 $0x70, v8  }
0x111: {  	v3 =	vadd.s32 $0x70, v55;
	[tilespmem:v52+s31+$0x0] =	vst.idx.add.f32.msk $0xffff, v58  }
0x112: {  	[tilespmem:v55+s31+$0x0] =	vst.idx.add.f32.msk $0xffff, v59  }
0x113: {  	[tilespmem:v60+s31+$0x0] =	vst.idx.add.f32.msk $0xffff, v61  }
0x114: {  	v48 =	vadd.s32 $0x40, v43;
	v52 =	vld [tilespmem:s18+$0x8070]  }
0x115: {  	v53 =	vld [tilespmem:s18+$0x5000]  }
0x116: {  	v55 =	vld [tilespmem:s18+$0x5010]  }
0x117: {  	v56 =	vld [tilespmem:s18+$0x5020]  }
0x118: {  	v58 =	vld [tilespmem:s18+$0x5030]  }
0x119: {  	[tilespmem:v48+s31+$0x0] =	vst.idx.add.f32.msk $0xffff, v52  }
0x11a: {  	v48 =	vadd.s32 $0x50, v43;
	v52 =	vld [tilespmem:s18+$0x9070]  }
0x11b: {  	v59 =	vld [tilespmem:s18+$0x5040]  }
0x11c: {  	v60 =	vld [tilespmem:s18+$0x5050]  }
0x11d: {  	v61 =	vld [tilespmem:s18+$0x5060]  }
0x11e: {  	[tilespmem:v46+s31+$0x0] =	vst.idx.add.f32.msk $0xffff, v53  }
0x11f: {  	[tilespmem:v48+s31+$0x0] =	vst.idx.add.f32.msk $0xffff, v52  }
0x120: {  	v46 =	vadd.s32 $0x60, v43;
	v48 =	vld [tilespmem:s18+$0xA070]  }
0x121: {  	[tilespmem:v47+s31+$0x0] =	vst.idx.add.f32.msk $0xffff, v55  }
0x122: {  	[tilespmem:v49+s31+$0x0] =	vst.idx.add.f32.msk $0xffff, v56  }
0x123: {  	[tilespmem:v50+s31+$0x0] =	vst.idx.add.f32.msk $0xffff, v58  }
0x124: {  	[tilespmem:v51+s31+$0x0] =	vst.idx.add.f32.msk $0xffff, v59  }
0x125: {  	[tilespmem:v46+s31+$0x0] =	vst.idx.add.f32.msk $0xffff, v48  }
0x126: {  	v43 =	vadd.s32 $0x70, v43;
	v46 =	vld [tilespmem:s18+$0xB070]  }
0x127: {  	[tilespmem:v54+s31+$0x0] =	vst.idx.add.f32.msk $0xffff, v60  }
0x128: {  	[tilespmem:v57+s31+$0x0] =	vst.idx.add.f32.msk $0xffff, v61  }
0x129: {  	v47 =	vld [tilespmem:s18+$0x6000]  }
0x12a: {  	v48 =	vld [tilespmem:s18+$0x6010]  }
0x12b: {  	[tilespmem:v43+s31+$0x0] =	vst.idx.add.f32.msk $0xffff, v46  }
0x12c: {  	v43 =	vld [tilespmem:s18+$0x6020]  }
0x12d: {  	v46 =	vld [tilespmem:s18+$0x6030]  }
0x12e: {  	v49 =	vld [tilespmem:s18+$0x6040]  }
0x12f: {  	v50 =	vld [tilespmem:s18+$0x6050]  }
0x130: {  	v51 =	vld [tilespmem:s18+$0x6060]  }
0x131: {  	[tilespmem:v33+s31+$0x0] =	vst.idx.add.f32.msk $0xffff, v47  }
0x132: {  	[tilespmem:v35+s31+$0x0] =	vst.idx.add.f32.msk $0xffff, v48  }
0x133: {  	[tilespmem:v40+s31+$0x0] =	vst.idx.add.f32.msk $0xffff, v43  }
0x134: {  	[tilespmem:v41+s31+$0x0] =	vst.idx.add.f32.msk $0xffff, v46  }
0x135: {  	[tilespmem:v42+s31+$0x0] =	vst.idx.add.f32.msk $0xffff, v49  }
0x136: {  	[tilespmem:v44+s31+$0x0] =	vst.idx.add.f32.msk $0xffff, v50  }
0x137: {  	[tilespmem:v45+s31+$0x0] =	vst.idx.add.f32.msk $0xffff, v51  }
0x138: {  	v33 =	vld [tilespmem:s18+$0x7000]  }
0x139: {  	v35 =	vld [tilespmem:s18+$0x7010]  }
0x13a: {  	v40 =	vld [tilespmem:s18+$0x7020]  }
0x13b: {  	v41 =	vld [tilespmem:s18+$0x7030]  }
0x13c: {  	v42 =	vld [tilespmem:s18+$0x7040]  }
0x13d: {  	v43 =	vld [tilespmem:s18+$0x7050]  }
0x13e: {  	v44 =	vld [tilespmem:s18+$0x7060]  }
0x13f: {  	[tilespmem:v32+s31+$0x0] =	vst.idx.add.f32.msk $0xffff, v33  }
0x140: {  	[tilespmem:v31+s31+$0x0] =	vst.idx.add.f32.msk $0xffff, v35  }
0x141: {  	[tilespmem:v34+s31+$0x0] =	vst.idx.add.f32.msk $0xffff, v40  }
0x142: {  	[tilespmem:v38+s31+$0x0] =	vst.idx.add.f32.msk $0xffff, v41  }
0x143: {  	[tilespmem:v36+s31+$0x0] =	vst.idx.add.f32.msk $0xffff, v42  }
0x144: {  	[tilespmem:v37+s31+$0x0] =	vst.idx.add.f32.msk $0xffff, v43  }
0x145: {  	[tilespmem:v39+s31+$0x0] =	vst.idx.add.f32.msk $0xffff, v44  }
0x146: {  	v31 =	vld [tilespmem:s18+$0x8000]  }
0x147: {  	v32 =	vld [tilespmem:s18+$0x8010]  }
0x148: {  	v33 =	vld [tilespmem:s18+$0x8020]  }
0x149: {  	v34 =	vld [tilespmem:s18+$0x8030]  }
0x14a: {  	v35 =	vld [tilespmem:s18+$0x8040]  }
0x14b: {  	v36 =	vld [tilespmem:s18+$0x8050]  }
0x14c: {  	v37 =	vld [tilespmem:s18+$0x8060]  }
0x14d: {  	[tilespmem:v25+s31+$0x0] =	vst.idx.add.f32.msk $0xffff, v31  }
0x14e: {  	[tilespmem:v24+s31+$0x0] =	vst.idx.add.f32.msk $0xffff, v32  }
0x14f: {  	[tilespmem:v27+s31+$0x0] =	vst.idx.add.f32.msk $0xffff, v33  }
0x150: {  	[tilespmem:v26+s31+$0x0] =	vst.idx.add.f32.msk $0xffff, v34  }
0x151: {  	[tilespmem:v30+s31+$0x0] =	vst.idx.add.f32.msk $0xffff, v35  }
0x152: {  	[tilespmem:v28+s31+$0x0] =	vst.idx.add.f32.msk $0xffff, v36  }
0x153: {  	[tilespmem:v29+s31+$0x0] =	vst.idx.add.f32.msk $0xffff, v37  }
0x154: {  	v24 =	vld [tilespmem:s18+$0x9000]  }
0x155: {  	v25 =	vld [tilespmem:s18+$0x9010]  }
0x156: {  	v26 =	vld [tilespmem:s18+$0x9020]  }
0x157: {  	v27 =	vld [tilespmem:s18+$0x9030]  }
0x158: {  	v28 =	vld [tilespmem:s18+$0x9040]  }
0x159: {  	v29 =	vld [tilespmem:s18+$0x9050]  }
0x15a: {  	v30 =	vld [tilespmem:s18+$0x9060]  }
0x15b: {  	[tilespmem:v22+s31+$0x0] =	vst.idx.add.f32.msk $0xffff, v24  }
0x15c: {  	[tilespmem:v20+s31+$0x0] =	vst.idx.add.f32.msk $0xffff, v25  }
0x15d: {  	[tilespmem:v18+s31+$0x0] =	vst.idx.add.f32.msk $0xffff, v26  }
0x15e: {  	[tilespmem:v21+s31+$0x0] =	vst.idx.add.f32.msk $0xffff, v27  }
0x15f: {  	[tilespmem:v19+s31+$0x0] =	vst.idx.add.f32.msk $0xffff, v28  }
0x160: {  	[tilespmem:v17+s31+$0x0] =	vst.idx.add.f32.msk $0xffff, v29  }
0x161: {  	[tilespmem:v23+s31+$0x0] =	vst.idx.add.f32.msk $0xffff, v30  }
0x162: {  	v17 =	vld [tilespmem:s18+$0xA000]  }
0x163: {  	v18 =	vld [tilespmem:s18+$0xA010]  }
0x164: {  	v19 =	vld [tilespmem:s18+$0xA020]  }
0x165: {  	v20 =	vld [tilespmem:s18+$0xA030]  }
0x166: {  	v21 =	vld [tilespmem:s18+$0xA040]  }
0x167: {  	v22 =	vld [tilespmem:s18+$0xA050]  }
0x168: {  	v23 =	vld [tilespmem:s18+$0xA060]  }
0x169: {  	[tilespmem:v13+s31+$0x0] =	vst.idx.add.f32.msk $0xffff, v17  }
0x16a: {  	[tilespmem:v10+s31+$0x0] =	vst.idx.add.f32.msk $0xffff, v18  }
0x16b: {  	[tilespmem:v16+s31+$0x0] =	vst.idx.add.f32.msk $0xffff, v19  }
0x16c: {  	[tilespmem:v14+s31+$0x0] =	vst.idx.add.f32.msk $0xffff, v20  }
0x16d: {  	[tilespmem:v11+s31+$0x0] =	vst.idx.add.f32.msk $0xffff, v21  }
0x16e: {  	[tilespmem:v15+s31+$0x0] =	vst.idx.add.f32.msk $0xffff, v22  }
0x16f: {  	[tilespmem:v12+s31+$0x0] =	vst.idx.add.f32.msk $0xffff, v23  }
0x170: {  	v11 =	vld [tilespmem:s18+$0xB000]  }
0x171: {  	v12 =	vld [tilespmem:s18+$0xB010]  }
0x172: {  	v13 =	vld [tilespmem:s18+$0xB020]  }
0x173: {  	v14 =	vld [tilespmem:s18+$0xB030]  }
0x174: {  	v15 =	vld [tilespmem:s18+$0xB040]  }
0x175: {  	v16 =	vld [tilespmem:s18+$0xB050]  }
0x176: {  	v10 =	vld [tilespmem:s18+$0xB060]  }
0x177: {  	[tilespmem:v9+s31+$0x0] =	vst.idx.add.f32.msk $0xffff, v11  }
.Ltmp1:
0x178: {  	[tilespmem:v6+s31+$0x0] =	vst.idx.add.f32.msk $0xffff, v12;
	(pc) =	sbr.rel @p1 .LBB2_5-.Ltmp1, $4  }
0x179: {  	[tilespmem:v4+s31+$0x0] =	vst.idx.add.f32.msk $0xffff, v13  }
0x17a: {  	[tilespmem:v7+s31+$0x0] =	vst.idx.add.f32.msk $0xffff, v14  }
0x17b: {  	[tilespmem:v8+s31+$0x0] =	vst.idx.add.f32.msk $0xffff, v15  }
0x17c: {  	s14 =	sadd.s32 $0x200, s14;
	[tilespmem:v5+s31+$0x0] =	vst.idx.add.f32.msk $0xffff, v16  }
0x17d: {  	p1 =	seq.s32 s8, $0xF  }
0x17e: {  	s13 =	sshll.u32 @!p1 s8, $0x1  }
0x17f: {  	s13 =	sadd.s32 @!p1 $0x2, s13  }
0x180: {  	s14 =	sshll.u32 @!p1 s13, $0xF  }
0x181: {  	s13 =	sshll.u32 @!p1 s13, $0xC;
	s14 =	sand.u32 @!p1 $0x1E0000, s14  }
0x182: {  	s13 =	sand.u32 @!p1 $0x2000, s13;
	s14 =	sadd.s32 @!p1 s4, s14  }
0x183: {  	s13 =	sor.u32 @!p1 s13, s14  }
0x184: {  	s13 =	sshrl.u32 @!p1 s13, $0x3  }
0x185: {  	[tilespmem:v3+s31+$0x0] =	vst.idx.add.f32.msk $0xffff, v10;
	s18 =	simm.s32 @!p1 $0x0;
	s19 =	simm.s32 @!p1 $0x4000;
	s14 =	sadd.s32 @!p1 s1, s13  }
0x186: {  	[tilespmem:s19], [sflag:$0x1] =	stream.linear.gather @!p1 [hbm4b:s14+s18], $0x1000, $0x38;
	[tilespmem:$0x19100] =	vst v63  }
0x187: {  	s14 =	sadd.s32 @!p1 s13, s5;
	s19 =	simm.s32 @!p1 $0x5000  }
0x188: {  	[tilespmem:s19], [sflag:$0x1] =	stream.linear.gather @!p1 [hbm4b:s14+s18], $0x1000, $0x38;
	[tilespmem:$0x19100] =	vst v63  }
0x189: {  	s14 =	sadd.s32 @!p1 s13, s9;
	s19 =	simm.s32 @!p1 $0x6000  }
0x18a: {  	[tilespmem:s19], [sflag:$0x1] =	stream.linear.gather @!p1 [hbm4b:s14+s18], $0x1000, $0x38;
	[tilespmem:$0x19100] =	vst v63  }
0x18b: {  	s14 =	sadd.s32 @!p1 s13, s10;
	s19 =	simm.s32 @!p1 $0x7000  }
0x18c: {  	[tilespmem:s19], [sflag:$0x1] =	stream.linear.gather @!p1 [hbm4b:s14+s18], $0x1000, $0x38;
	[tilespmem:$0x19100] =	vst v63  }
0x18d: {  	s14 =	sadd.s32 @!p1 s13, s11;
	s19 =	simm.s32 @!p1 $0x8000  }
0x18e: {  	[tilespmem:s19], [sflag:$0x1] =	stream.linear.gather @!p1 [hbm4b:s14+s18], $0x1000, $0x38;
	[tilespmem:$0x19100] =	vst v63  }
0x18f: {  	s14 =	sadd.s32 @!p1 s13, s15;
	s19 =	simm.s32 @!p1 $0x9000  }
0x190: {  	[tilespmem:s19], [sflag:$0x1] =	stream.linear.gather @!p1 [hbm4b:s14+s18], $0x1000, $0x38;
	[tilespmem:$0x19100] =	vst v63  }
0x191: {  	s14 =	sadd.s32 @!p1 s13, s16;
	s19 =	simm.s32 @!p1 $0xA000  }
0x192: {  	[tilespmem:s19], [sflag:$0x1] =	stream.linear.gather @!p1 [hbm4b:s14+s18], $0x1000, $0x38;
	[tilespmem:$0x19100] =	vst v63  }
0x193: {  	s13 =	sadd.s32 @!p1 s13, s17;
	s14 =	simm.s32 @!p1 $0xB000  }
0x194: {  	[tilespmem:s14], [sflag:$0x1] =	stream.linear.gather @!p1 [hbm4b:s13+s18], $0x1000, $0x38;
	[tilespmem:$0x19100] =	vst v63  }
0x195: {  	_ =	swait.ge [sflag:s2], $0x1000  }
0x196: {  	[sflag:s2] =	ssyncset.done $0x0  }
0x197: {  	[sflag:s2] =	ssyncadd.s32 $0xFFFFF000  }
0x198: {  	_ =	swait.ge [sflag:s2], $0x1000  }
0x199: {  	[sflag:s2] =	ssyncset.done $0x0  }
0x19a: {  	[sflag:s2] =	ssyncadd.s32 $0xFFFFF000  }
0x19b: {  	_ =	swait.ge [sflag:s2], $0x1000  }
0x19c: {  	[sflag:s2] =	ssyncset.done $0x0  }
0x19d: {  	[sflag:s2] =	ssyncadd.s32 $0xFFFFF000  }
0x19e: {  	_ =	swait.ge [sflag:s2], $0x1000  }
0x19f: {  	[sflag:s2] =	ssyncset.done $0x0  }
0x1a0: {  	[sflag:s2] =	ssyncadd.s32 $0xFFFFF000  }
0x1a1: {  	_ =	swait.ge [sflag:s2], $0x1000  }
0x1a2: {  	[sflag:s2] =	ssyncset.done $0x0  }
0x1a3: {  	[sflag:s2] =	ssyncadd.s32 $0xFFFFF000  }
0x1a4: {  	_ =	swait.ge [sflag:s2], $0x1000  }
0x1a5: {  	[sflag:s2] =	ssyncset.done $0x0  }
0x1a6: {  	[sflag:s2] =	ssyncadd.s32 $0xFFFFF000  }
0x1a7: {  	_ =	swait.ge [sflag:s2], $0x1000  }
0x1a8: {  	v2 =	vmov s12;
	[sflag:s2] =	ssyncset.done $0x0  }
0x1a9: {  	[sflag:s2] =	ssyncadd.s32 $0xFFFFF000  }
0x1aa: {  	_ =	swait.ge [sflag:s2], $0x1000  }
0x1ab: {  	[sflag:s2] =	ssyncset.done $0x0  }
0x1ac: {  	s19 =	simm.s32 $0x0;
	[sflag:s2] =	ssyncadd.s32 $0xFFFFF000  }
0x1ad: {  	v3 =	vld.idx.msk [tilespmem:v2+s19+$0x70 ss:$0x1], $0xffff  }
0x1ae: {  	v4 =	vld.idx.msk [tilespmem:v2+s19+$0x0 ss:$0x1], $0xffff  }
0x1af: {  	v5 =	vld.idx.msk [tilespmem:v2+s19+$0x10 ss:$0x1], $0xffff  }
0x1b0: {  	v6 =	vld.idx.msk [tilespmem:v2+s19+$0x20 ss:$0x1], $0xffff  }
0x1b1: {  	v7 =	vld.idx.msk [tilespmem:v2+s19+$0x30 ss:$0x1], $0xffff  }
0x1b2: {  	v8 =	vld.idx.msk [tilespmem:v2+s19+$0x40 ss:$0x1], $0xffff  }
0x1b3: {  	v9 =	vld.idx.msk [tilespmem:v2+s19+$0x50 ss:$0x1], $0xffff  }
0x1b4: {  	v11 =	vld.idx.msk [tilespmem:v2+s19+$0x60 ss:$0x1], $0xffff  }
0x1b5: {  	v12 =	vld [tilespmem:s19+$0xC000]  }
0x1b6: {  	v13 =	vld [tilespmem:s19+$0xC010]  }
0x1b7: {  	v15 =	vld [tilespmem:s19+$0xC020]  }
0x1b8: {  	v10 =	vadd.s32 v1, v3;
	v3 =	vld [tilespmem:s19+$0xC070]  }
0x1b9: {  	v16 =	vld [tilespmem:s19+$0xC030];
	v4 =	vadd.s32 v1, v4  }
0x1ba: {  	v17 =	vld [tilespmem:s19+$0xC040];
	v5 =	vadd.s32 v1, v5  }
0x1bb: {  	v18 =	vld [tilespmem:s19+$0xC050];
	v6 =	vadd.s32 v1, v6  }
0x1bc: {  	v20 =	vld [tilespmem:s19+$0xC060];
	v7 =	vadd.s32 v1, v7  }
0x1bd: {  	v8 =	vadd.s32 v1, v8;
	[tilespmem:v10+s31+$0x0] =	vst.idx.add.f32.msk $0xffff, v3  }
0x1be: {  	v9 =	vadd.s32 v1, v9;
	[tilespmem:v4+s31+$0x0] =	vst.idx.add.f32.msk $0xffff, v12  }
0x1bf: {  	[tilespmem:v5+s31+$0x0] =	vst.idx.add.f32.msk $0xffff, v13  }
0x1c0: {  	[tilespmem:v6+s31+$0x0] =	vst.idx.add.f32.msk $0xffff, v15  }
0x1c1: {  	[tilespmem:v7+s31+$0x0] =	vst.idx.add.f32.msk $0xffff, v16  }
0x1c2: {  	[tilespmem:v8+s31+$0x0] =	vst.idx.add.f32.msk $0xffff, v17  }
0x1c3: {  	[tilespmem:v9+s31+$0x0] =	vst.idx.add.f32.msk $0xffff, v18  }
0x1c4: {  	v14 =	vld [tilespmem:s19+$0xD070]  }
0x1c5: {  	v57 =	vld [tilespmem:s19+$0xD000]  }
0x1c6: {  	v3 =	vadd.s32 $0x10, v10;
	v58 =	vld [tilespmem:s19+$0xD010]  }
0x1c7: {  	v59 =	vadd.s32 $0x10, v4;
	v15 =	vld [tilespmem:s19+$0xD020]  }
0x1c8: {  	v61 =	vadd.s32 $0x10, v5;
	v16 =	vld [tilespmem:s19+$0xD030]  }
0x1c9: {  	v21 =	vadd.s32 $0x10, v6;
	v60 =	vld [tilespmem:s19+$0xD040]  }
0x1ca: {  	v23 =	vadd.s32 $0x10, v7;
	v62 =	vld [tilespmem:s19+$0xD050]  }
0x1cb: {  	v63 =	vadd.s32 $0x10, v8;
	[tilespmem:v3+s31+$0x0] =	vst.idx.add.f32.msk $0xffff, v14  }
0x1cc: {  	[tilespmem:v59+s31+$0x0] =	vst.idx.add.f32.msk $0xffff, v57  }
0x1cd: {  	[tilespmem:v61+s31+$0x0] =	vst.idx.add.f32.msk $0xffff, v58  }
0x1ce: {  	[tilespmem:v21+s31+$0x0] =	vst.idx.add.f32.msk $0xffff, v15  }
0x1cf: {  	[tilespmem:v23+s31+$0x0] =	vst.idx.add.f32.msk $0xffff, v16  }
0x1d0: {  	[tilespmem:v63+s31+$0x0] =	vst.idx.add.f32.msk $0xffff, v60  }
0x1d1: {  	v3 =	vadd.s32 v1, v11;
	v19 =	vld [tilespmem:s19+$0xE070]  }
0x1d2: {  	v55 =	vadd.s32 $0x20, v10;
	v24 =	vld [tilespmem:s19+$0xE000]  }
0x1d3: {  	v25 =	vld [tilespmem:s19+$0xE010]  }
0x1d4: {  	v26 =	vadd.s32 $0x20, v5;
	v27 =	vld [tilespmem:s19+$0xE030]  }
0x1d5: {  	v30 =	vadd.s32 $0x20, v7;
	v29 =	vld [tilespmem:s19+$0xE040]  }
0x1d6: {  	[tilespmem:v3+s31+$0x0] =	vst.idx.add.f32.msk $0xffff, v20  }
0x1d7: {  	v32 =	vadd.s32 $0x20, v8;
	[tilespmem:v55+s31+$0x0] =	vst.idx.add.f32.msk $0xffff, v19  }
0x1d8: {  	v22 =	vld [tilespmem:s19+$0xD060]  }
0x1d9: {  	[tilespmem:v26+s31+$0x0] =	vst.idx.add.f32.msk $0xffff, v25  }
0x1da: {  	v19 =	vadd.s32 $0x10, v9;
	[tilespmem:v30+s31+$0x0] =	vst.idx.add.f32.msk $0xffff, v27  }
0x1db: {  	v11 =	vadd.s32 $0x30, v10;
	v56 =	vld [tilespmem:s19+$0xF070]  }
0x1dc: {  	[tilespmem:v32+s31+$0x0] =	vst.idx.add.f32.msk $0xffff, v29  }
0x1dd: {  	v21 =	vadd.s32 $0x10, v3;
	v15 =	vld [tilespmem:s19+$0xF030]  }
0x1de: {  	v17 =	vld [tilespmem:s19+$0xF040]  }
0x1df: {  	[tilespmem:v19+s31+$0x0] =	vst.idx.add.f32.msk $0xffff, v62  }
0x1e0: {  	v39 =	vadd.s32 $0x30, v7;
	[tilespmem:v11+s31+$0x0] =	vst.idx.add.f32.msk $0xffff, v56  }
0x1e1: {  	v11 =	vadd.s32 $0x40, v10;
	v12 =	vld [tilespmem:s19+$0x10070]  }
0x1e2: {  	[tilespmem:v21+s31+$0x0] =	vst.idx.add.f32.msk $0xffff, v22  }
0x1e3: {  	v40 =	vadd.s32 $0x30, v8;
	v31 =	vld [tilespmem:s19+$0xE050]  }
0x1e4: {  	v33 =	vld [tilespmem:s19+$0xE060]  }
0x1e5: {  	[tilespmem:v39+s31+$0x0] =	vst.idx.add.f32.msk $0xffff, v15  }
0x1e6: {  	v34 =	vadd.s32 $0x20, v9;
	[tilespmem:v11+s31+$0x0] =	vst.idx.add.f32.msk $0xffff, v12  }
0x1e7: {  	v11 =	vadd.s32 $0x50, v10;
	v12 =	vld [tilespmem:s19+$0x11070]  }
0x1e8: {  	[tilespmem:v40+s31+$0x0] =	vst.idx.add.f32.msk $0xffff, v17  }
0x1e9: {  	v15 =	vld [tilespmem:s19+$0x10030]  }
0x1ea: {  	v45 =	vadd.s32 $0x40, v7;
	v17 =	vld [tilespmem:s19+$0x10040]  }
0x1eb: {  	v46 =	vadd.s32 $0x40, v8;
	[tilespmem:v34+s31+$0x0] =	vst.idx.add.f32.msk $0xffff, v31  }
0x1ec: {  	[tilespmem:v11+s31+$0x0] =	vst.idx.add.f32.msk $0xffff, v12  }
0x1ed: {  	v11 =	vadd.s32 $0x60, v10;
	v12 =	vld [tilespmem:s19+$0x12070]  }
0x1ee: {  	v19 =	vld [tilespmem:s19+$0xF050]  }
0x1ef: {  	[tilespmem:v45+s31+$0x0] =	vst.idx.add.f32.msk $0xffff, v15  }
0x1f0: {  	v41 =	vadd.s32 $0x30, v9;
	[tilespmem:v46+s31+$0x0] =	vst.idx.add.f32.msk $0xffff, v17  }
0x1f1: {  	v15 =	vld [tilespmem:s19+$0x11030]  }
0x1f2: {  	v51 =	vadd.s32 $0x50, v7;
	[tilespmem:v11+s31+$0x0] =	vst.idx.add.f32.msk $0xffff, v12  }
0x1f3: {  	v10 =	vadd.s32 $0x70, v10;
	v11 =	vld [tilespmem:s19+$0x13070]  }
0x1f4: {  	v52 =	vadd.s32 $0x50, v8;
	v17 =	vld [tilespmem:s19+$0x11040]  }
0x1f5: {  	[tilespmem:v41+s31+$0x0] =	vst.idx.add.f32.msk $0xffff, v19  }
0x1f6: {  	v19 =	vld [tilespmem:s19+$0x10050]  }
0x1f7: {  	v47 =	vadd.s32 $0x40, v9;
	[tilespmem:v51+s31+$0x0] =	vst.idx.add.f32.msk $0xffff, v15  }
0x1f8: {  	[tilespmem:v10+s31+$0x0] =	vst.idx.add.f32.msk $0xffff, v11;
	v10 =	vadd.s32 $0x20, v4  }
0x1f9: {  	[tilespmem:v52+s31+$0x0] =	vst.idx.add.f32.msk $0xffff, v17  }
0x1fa: {  	v57 =	vadd.s32 $0x60, v7;
	v15 =	vld [tilespmem:s19+$0x12030]  }
0x1fb: {  	v58 =	vadd.s32 $0x60, v8;
	v17 =	vld [tilespmem:s19+$0x12040]  }
0x1fc: {  	[tilespmem:v47+s31+$0x0] =	vst.idx.add.f32.msk $0xffff, v19  }
0x1fd: {  	[tilespmem:v10+s31+$0x0] =	vst.idx.add.f32.msk $0xffff, v24;
	v10 =	vadd.s32 $0x20, v3  }
0x1fe: {  	v19 =	vld [tilespmem:s19+$0x11050]  }
0x1ff: {  	[tilespmem:v57+s31+$0x0] =	vst.idx.add.f32.msk $0xffff, v15  }
0x200: {  	[tilespmem:v58+s31+$0x0] =	vst.idx.add.f32.msk $0xffff, v17  }
0x201: {  	v53 =	vadd.s32 $0x50, v9;
	v61 =	vld [tilespmem:s19+$0x13030]  }
0x202: {  	[tilespmem:v10+s31+$0x0] =	vst.idx.add.f32.msk $0xffff, v33  }
0x203: {  	v35 =	vadd.s32 $0x30, v4;
	v10 =	vld [tilespmem:s19+$0xF000]  }
0x204: {  	v62 =	vld [tilespmem:s19+$0x13040]  }
0x205: {  	v28 =	vadd.s32 $0x20, v6;
	v11 =	vld [tilespmem:s19+$0xE020]  }
0x206: {  	[tilespmem:v53+s31+$0x0] =	vst.idx.add.f32.msk $0xffff, v19  }
0x207: {  	v7 =	vadd.s32 $0x70, v7;
	v21 =	vld [tilespmem:s19+$0xF060]  }
0x208: {  	[tilespmem:v35+s31+$0x0] =	vst.idx.add.f32.msk $0xffff, v10;
	v10 =	vadd.s32 $0x30, v3  }
0x209: {  	v19 =	vld [tilespmem:s19+$0x12050]  }
0x20a: {  	[tilespmem:v28+s31+$0x0] =	vst.idx.add.f32.msk $0xffff, v11  }
0x20b: {  	v37 =	vadd.s32 $0x30, v5;
	v11 =	vld [tilespmem:s19+$0xF010]  }
0x20c: {  	[tilespmem:v7+s31+$0x0] =	vst.idx.add.f32.msk $0xffff, v61  }
0x20d: {  	[tilespmem:v10+s31+$0x0] =	vst.idx.add.f32.msk $0xffff, v21  }
0x20e: {  	v42 =	vadd.s32 $0x40, v4;
	v10 =	vld [tilespmem:s19+$0x10000]  }
0x20f: {  	v38 =	vadd.s32 $0x30, v6;
	v36 =	vld [tilespmem:s19+$0xF020]  }
0x210: {  	[tilespmem:v37+s31+$0x0] =	vst.idx.add.f32.msk $0xffff, v11  }
0x211: {  	v8 =	vadd.s32 $0x70, v8;
	v11 =	vld [tilespmem:s19+$0x10010]  }
0x212: {  	v43 =	vadd.s32 $0x40, v5;
	v21 =	vld [tilespmem:s19+$0x10060]  }
0x213: {  	[tilespmem:v42+s31+$0x0] =	vst.idx.add.f32.msk $0xffff, v10;
	v10 =	vadd.s32 $0x40, v3  }
0x214: {  	[tilespmem:v38+s31+$0x0] =	vst.idx.add.f32.msk $0xffff, v36  }
0x215: {  	v44 =	vadd.s32 $0x40, v6;
	v13 =	vld [tilespmem:s19+$0x10020]  }
0x216: {  	[tilespmem:v8+s31+$0x0] =	vst.idx.add.f32.msk $0xffff, v62  }
0x217: {  	[tilespmem:v43+s31+$0x0] =	vst.idx.add.f32.msk $0xffff, v11  }
0x218: {  	[tilespmem:v10+s31+$0x0] =	vst.idx.add.f32.msk $0xffff, v21  }
0x219: {  	v48 =	vadd.s32 $0x50, v4;
	v10 =	vld [tilespmem:s19+$0x11000]  }
0x21a: {  	v59 =	vadd.s32 $0x60, v9;
	[tilespmem:v44+s31+$0x0] =	vst.idx.add.f32.msk $0xffff, v13  }
0x21b: {  	v49 =	vadd.s32 $0x50, v5;
	v11 =	vld [tilespmem:s19+$0x11010]  }
0x21c: {  	v50 =	vadd.s32 $0x50, v6;
	v13 =	vld [tilespmem:s19+$0x11020]  }
0x21d: {  	v21 =	vld [tilespmem:s19+$0x11060]  }
0x21e: {  	[tilespmem:v48+s31+$0x0] =	vst.idx.add.f32.msk $0xffff, v10;
	v10 =	vadd.s32 $0x50, v3  }
0x21f: {  	[tilespmem:v59+s31+$0x0] =	vst.idx.add.f32.msk $0xffff, v19  }
0x220: {  	[tilespmem:v49+s31+$0x0] =	vst.idx.add.f32.msk $0xffff, v11  }
0x221: {  	[tilespmem:v50+s31+$0x0] =	vst.idx.add.f32.msk $0xffff, v13  }
0x222: {  	v55 =	vadd.s32 $0x60, v5;
	v11 =	vld [tilespmem:s19+$0x12010]  }
0x223: {  	[tilespmem:v10+s31+$0x0] =	vst.idx.add.f32.msk $0xffff, v21  }
0x224: {  	v54 =	vadd.s32 $0x60, v4;
	v10 =	vld [tilespmem:s19+$0x12000]  }
0x225: {  	v56 =	vadd.s32 $0x60, v6;
	v13 =	vld [tilespmem:s19+$0x12020]  }
0x226: {  	v63 =	vld [tilespmem:s19+$0x13050]  }
0x227: {  	[tilespmem:v55+s31+$0x0] =	vst.idx.add.f32.msk $0xffff, v11  }
0x228: {  	v21 =	vld [tilespmem:s19+$0x12060]  }
0x229: {  	[tilespmem:v54+s31+$0x0] =	vst.idx.add.f32.msk $0xffff, v10;
	v10 =	vadd.s32 $0x60, v3  }
0x22a: {  	[tilespmem:v56+s31+$0x0] =	vst.idx.add.f32.msk $0xffff, v13  }
0x22b: {  	v9 =	vadd.s32 $0x70, v9;
	v60 =	vld [tilespmem:s19+$0x13010]  }
0x22c: {  	v5 =	vadd.s32 $0x70, v5;
	v13 =	vld [tilespmem:s19+$0x13020]  }
0x22d: {  	v6 =	vadd.s32 $0x70, v6;
	v11 =	vld [tilespmem:s19+$0x13000]  }
0x22e: {  	v4 =	vadd.s32 $0x70, v4;
	[tilespmem:v10+s31+$0x0] =	vst.idx.add.f32.msk $0xffff, v21  }
0x22f: {  	v3 =	vadd.s32 $0x70, v3;
	v10 =	vld [tilespmem:s19+$0x13060]  }
0x230: {  	[tilespmem:v9+s31+$0x0] =	vst.idx.add.f32.msk $0xffff, v63  }
0x231: {  	[tilespmem:v5+s31+$0x0] =	vst.idx.add.f32.msk $0xffff, v60  }
0x232: {  	[tilespmem:v6+s31+$0x0] =	vst.idx.add.f32.msk $0xffff, v13  }
0x233: {  	s12 =	simm.s32 $0x0;
	s13 =	simm.s32 $0x200;
	[tilespmem:v4+s31+$0x0] =	vst.idx.add.f32.msk $0xffff, v11  }
.LBB2_7:
0x234: {  	s14 =	sshra.s32 s13, $0x2;
	s12 =	sadd.s32 $0x8, s12;
	[tilespmem:v3+s31+$0x0] =	vst.idx.add.f32.msk $0xffff, v10  }
0x235: {  	v3 =	vld.idx.msk [tilespmem:v2+s14+$0x70 ss:$0x1], $0xffff;
	p1 =	slt.u32 s12, $0xF8  }
0x236: {  	v4 =	vld.idx.msk [tilespmem:v2+s14+$0x0 ss:$0x1], $0xffff  }
0x237: {  	v5 =	vld.idx.msk [tilespmem:v2+s14+$0x10 ss:$0x1], $0xffff  }
0x238: {  	v6 =	vld.idx.msk [tilespmem:v2+s14+$0x20 ss:$0x1], $0xffff  }
0x239: {  	v7 =	vld.idx.msk [tilespmem:v2+s14+$0x30 ss:$0x1], $0xffff  }
0x23a: {  	v8 =	vld.idx.msk [tilespmem:v2+s14+$0x40 ss:$0x1], $0xffff  }
0x23b: {  	v43 =	vadd.s32 v1, v3;
	v3 =	vld [tilespmem:s14+$0xC070]  }
0x23c: {  	v4 =	vadd.s32 v1, v4;
	v9 =	vld.idx.msk [tilespmem:v2+s14+$0x50 ss:$0x1], $0xffff  }
0x23d: {  	v46 =	vadd.s32 $0x10, v4;
	v33 =	vadd.s32 $0x20, v4;
	v5 =	vadd.s32 v1, v5;
	v10 =	vld.idx.msk [tilespmem:v2+s14+$0x60 ss:$0x1], $0xffff  }
0x23e: {  	v47 =	vadd.s32 $0x10, v5;
	v35 =	vadd.s32 $0x20, v5;
	v48 =	vadd.s32 v1, v6;
	v11 =	vld [tilespmem:s14+$0xC000]  }
0x23f: {  	v49 =	vadd.s32 $0x10, v48;
	v40 =	vadd.s32 $0x20, v48;
	v7 =	vadd.s32 v1, v7;
	v6 =	vld [tilespmem:s14+$0xC010]  }
0x240: {  	v50 =	vadd.s32 $0x10, v7;
	v41 =	vadd.s32 $0x20, v7;
	v8 =	vadd.s32 v1, v8;
	[tilespmem:v43+s31+$0x0] =	vst.idx.add.f32.msk $0xffff, v3  }
0x241: {  	v51 =	vadd.s32 $0x10, v8;
	v42 =	vadd.s32 $0x20, v8;
	v3 =	vadd.s32 $0x10, v43;
	v12 =	vld [tilespmem:s14+$0xD070]  }
0x242: {  	v32 =	vadd.s32 $0x30, v4;
	v31 =	vadd.s32 $0x30, v5;
	v52 =	vadd.s32 v1, v9;
	v14 =	vld [tilespmem:s14+$0xC020]  }
0x243: {  	v54 =	vadd.s32 $0x10, v52;
	v44 =	vadd.s32 $0x20, v52;
	v55 =	vadd.s32 v1, v10;
	v53 =	vld [tilespmem:s14+$0xC030]  }
0x244: {  	v34 =	vadd.s32 $0x30, v48;
	v57 =	vadd.s32 $0x10, v55;
	v45 =	vadd.s32 $0x20, v55;
	v56 =	vld [tilespmem:s14+$0xC040]  }
0x245: {  	v38 =	vadd.s32 $0x30, v7;
	v36 =	vadd.s32 $0x30, v8;
	v37 =	vadd.s32 $0x30, v52;
	v58 =	vld [tilespmem:s14+$0xC050]  }
0x246: {  	v25 =	vadd.s32 $0x40, v4;
	v24 =	vadd.s32 $0x40, v5;
	v39 =	vadd.s32 $0x30, v55;
	[tilespmem:v3+s31+$0x0] =	vst.idx.add.f32.msk $0xffff, v12  }
0x247: {  	v27 =	vadd.s32 $0x40, v48;
	v26 =	vadd.s32 $0x40, v7;
	v3 =	vadd.s32 $0x20, v43;
	v9 =	vld [tilespmem:s14+$0xE070]  }
0x248: {  	v30 =	vadd.s32 $0x40, v8;
	v28 =	vadd.s32 $0x40, v52;
	v29 =	vadd.s32 $0x40, v55;
	v59 =	vld [tilespmem:s14+$0xC060]  }
0x249: {  	v22 =	vadd.s32 $0x50, v4;
	v20 =	vadd.s32 $0x50, v5;
	v18 =	vadd.s32 $0x50, v48;
	[tilespmem:v4+s31+$0x0] =	vst.idx.add.f32.msk $0xffff, v11  }
0x24a: {  	v21 =	vadd.s32 $0x50, v7;
	v19 =	vadd.s32 $0x50, v8;
	v17 =	vadd.s32 $0x50, v52;
	[tilespmem:v5+s31+$0x0] =	vst.idx.add.f32.msk $0xffff, v6  }
0x24b: {  	v13 =	vadd.s32 $0x60, v4;
	v10 =	vadd.s32 $0x60, v5;
	v23 =	vadd.s32 $0x50, v55;
	[tilespmem:v48+s31+$0x0] =	vst.idx.add.f32.msk $0xffff, v14  }
0x24c: {  	v16 =	vadd.s32 $0x60, v48;
	v11 =	vadd.s32 $0x60, v8;
	v14 =	vadd.s32 $0x60, v7;
	[tilespmem:v3+s31+$0x0] =	vst.idx.add.f32.msk $0xffff, v9  }
0x24d: {  	v60 =	vadd.s32 $0x30, v43;
	v15 =	vadd.s32 $0x60, v52;
	v12 =	vadd.s32 $0x60, v55;
	v61 =	vld [tilespmem:s14+$0xF070]  }
0x24e: {  	v6 =	vadd.s32 $0x70, v5;
	v9 =	vadd.s32 $0x70, v4;
	v4 =	vadd.s32 $0x70, v48;
	[tilespmem:v7+s31+$0x0] =	vst.idx.add.f32.msk $0xffff, v53  }
0x24f: {  	v5 =	vadd.s32 $0x70, v52;
	v7 =	vadd.s32 $0x70, v7;
	[tilespmem:v8+s31+$0x0] =	vst.idx.add.f32.msk $0xffff, v56;
	v8 =	vadd.s32 $0x70, v8  }
0x250: {  	v3 =	vadd.s32 $0x70, v55;
	[tilespmem:v52+s31+$0x0] =	vst.idx.add.f32.msk $0xffff, v58  }
0x251: {  	[tilespmem:v55+s31+$0x0] =	vst.idx.add.f32.msk $0xffff, v59  }
0x252: {  	[tilespmem:v60+s31+$0x0] =	vst.idx.add.f32.msk $0xffff, v61  }
0x253: {  	v48 =	vadd.s32 $0x40, v43;
	v52 =	vld [tilespmem:s14+$0x10070]  }
0x254: {  	v53 =	vld [tilespmem:s14+$0xD000]  }
0x255: {  	v55 =	vld [tilespmem:s14+$0xD010]  }
0x256: {  	v56 =	vld [tilespmem:s14+$0xD020]  }
0x257: {  	v58 =	vld [tilespmem:s14+$0xD030]  }
0x258: {  	[tilespmem:v48+s31+$0x0] =	vst.idx.add.f32.msk $0xffff, v52  }
0x259: {  	v48 =	vadd.s32 $0x50, v43;
	v52 =	vld [tilespmem:s14+$0x11070]  }
0x25a: {  	v59 =	vld [tilespmem:s14+$0xD040]  }
0x25b: {  	v60 =	vld [tilespmem:s14+$0xD050]  }
0x25c: {  	v61 =	vld [tilespmem:s14+$0xD060]  }
0x25d: {  	[tilespmem:v46+s31+$0x0] =	vst.idx.add.f32.msk $0xffff, v53  }
0x25e: {  	[tilespmem:v48+s31+$0x0] =	vst.idx.add.f32.msk $0xffff, v52  }
0x25f: {  	v46 =	vadd.s32 $0x60, v43;
	v48 =	vld [tilespmem:s14+$0x12070]  }
0x260: {  	[tilespmem:v47+s31+$0x0] =	vst.idx.add.f32.msk $0xffff, v55  }
0x261: {  	[tilespmem:v49+s31+$0x0] =	vst.idx.add.f32.msk $0xffff, v56  }
0x262: {  	[tilespmem:v50+s31+$0x0] =	vst.idx.add.f32.msk $0xffff, v58  }
0x263: {  	[tilespmem:v51+s31+$0x0] =	vst.idx.add.f32.msk $0xffff, v59  }
0x264: {  	[tilespmem:v46+s31+$0x0] =	vst.idx.add.f32.msk $0xffff, v48  }
0x265: {  	v43 =	vadd.s32 $0x70, v43;
	v46 =	vld [tilespmem:s14+$0x13070]  }
0x266: {  	[tilespmem:v54+s31+$0x0] =	vst.idx.add.f32.msk $0xffff, v60  }
0x267: {  	[tilespmem:v57+s31+$0x0] =	vst.idx.add.f32.msk $0xffff, v61  }
0x268: {  	v47 =	vld [tilespmem:s14+$0xE000]  }
0x269: {  	v48 =	vld [tilespmem:s14+$0xE010]  }
0x26a: {  	[tilespmem:v43+s31+$0x0] =	vst.idx.add.f32.msk $0xffff, v46  }
0x26b: {  	v43 =	vld [tilespmem:s14+$0xE020]  }
0x26c: {  	v46 =	vld [tilespmem:s14+$0xE030]  }
0x26d: {  	v49 =	vld [tilespmem:s14+$0xE040]  }
0x26e: {  	v50 =	vld [tilespmem:s14+$0xE050]  }
0x26f: {  	v51 =	vld [tilespmem:s14+$0xE060]  }
0x270: {  	[tilespmem:v33+s31+$0x0] =	vst.idx.add.f32.msk $0xffff, v47  }
0x271: {  	[tilespmem:v35+s31+$0x0] =	vst.idx.add.f32.msk $0xffff, v48  }
0x272: {  	[tilespmem:v40+s31+$0x0] =	vst.idx.add.f32.msk $0xffff, v43  }
0x273: {  	[tilespmem:v41+s31+$0x0] =	vst.idx.add.f32.msk $0xffff, v46  }
0x274: {  	[tilespmem:v42+s31+$0x0] =	vst.idx.add.f32.msk $0xffff, v49  }
0x275: {  	[tilespmem:v44+s31+$0x0] =	vst.idx.add.f32.msk $0xffff, v50  }
0x276: {  	[tilespmem:v45+s31+$0x0] =	vst.idx.add.f32.msk $0xffff, v51  }
0x277: {  	v33 =	vld [tilespmem:s14+$0xF000]  }
0x278: {  	v35 =	vld [tilespmem:s14+$0xF010]  }
0x279: {  	v40 =	vld [tilespmem:s14+$0xF020]  }
0x27a: {  	v41 =	vld [tilespmem:s14+$0xF030]  }
0x27b: {  	v42 =	vld [tilespmem:s14+$0xF040]  }
0x27c: {  	v43 =	vld [tilespmem:s14+$0xF050]  }
0x27d: {  	v44 =	vld [tilespmem:s14+$0xF060]  }
0x27e: {  	[tilespmem:v32+s31+$0x0] =	vst.idx.add.f32.msk $0xffff, v33  }
0x27f: {  	[tilespmem:v31+s31+$0x0] =	vst.idx.add.f32.msk $0xffff, v35  }
0x280: {  	[tilespmem:v34+s31+$0x0] =	vst.idx.add.f32.msk $0xffff, v40  }
0x281: {  	[tilespmem:v38+s31+$0x0] =	vst.idx.add.f32.msk $0xffff, v41  }
0x282: {  	[tilespmem:v36+s31+$0x0] =	vst.idx.add.f32.msk $0xffff, v42  }
0x283: {  	[tilespmem:v37+s31+$0x0] =	vst.idx.add.f32.msk $0xffff, v43  }
0x284: {  	[tilespmem:v39+s31+$0x0] =	vst.idx.add.f32.msk $0xffff, v44  }
0x285: {  	v31 =	vld [tilespmem:s14+$0x10000]  }
0x286: {  	v32 =	vld [tilespmem:s14+$0x10010]  }
0x287: {  	v33 =	vld [tilespmem:s14+$0x10020]  }
0x288: {  	v34 =	vld [tilespmem:s14+$0x10030]  }
0x289: {  	v35 =	vld [tilespmem:s14+$0x10040]  }
0x28a: {  	v36 =	vld [tilespmem:s14+$0x10050]  }
0x28b: {  	v37 =	vld [tilespmem:s14+$0x10060]  }
0x28c: {  	[tilespmem:v25+s31+$0x0] =	vst.idx.add.f32.msk $0xffff, v31  }
0x28d: {  	[tilespmem:v24+s31+$0x0] =	vst.idx.add.f32.msk $0xffff, v32  }
0x28e: {  	[tilespmem:v27+s31+$0x0] =	vst.idx.add.f32.msk $0xffff, v33  }
0x28f: {  	[tilespmem:v26+s31+$0x0] =	vst.idx.add.f32.msk $0xffff, v34  }
0x290: {  	[tilespmem:v30+s31+$0x0] =	vst.idx.add.f32.msk $0xffff, v35  }
0x291: {  	[tilespmem:v28+s31+$0x0] =	vst.idx.add.f32.msk $0xffff, v36  }
0x292: {  	[tilespmem:v29+s31+$0x0] =	vst.idx.add.f32.msk $0xffff, v37  }
0x293: {  	v24 =	vld [tilespmem:s14+$0x11000]  }
0x294: {  	v25 =	vld [tilespmem:s14+$0x11010]  }
0x295: {  	v26 =	vld [tilespmem:s14+$0x11020]  }
0x296: {  	v27 =	vld [tilespmem:s14+$0x11030]  }
0x297: {  	v28 =	vld [tilespmem:s14+$0x11040]  }
0x298: {  	v29 =	vld [tilespmem:s14+$0x11050]  }
0x299: {  	v30 =	vld [tilespmem:s14+$0x11060]  }
0x29a: {  	[tilespmem:v22+s31+$0x0] =	vst.idx.add.f32.msk $0xffff, v24  }
0x29b: {  	[tilespmem:v20+s31+$0x0] =	vst.idx.add.f32.msk $0xffff, v25  }
0x29c: {  	[tilespmem:v18+s31+$0x0] =	vst.idx.add.f32.msk $0xffff, v26  }
0x29d: {  	[tilespmem:v21+s31+$0x0] =	vst.idx.add.f32.msk $0xffff, v27  }
0x29e: {  	[tilespmem:v19+s31+$0x0] =	vst.idx.add.f32.msk $0xffff, v28  }
0x29f: {  	[tilespmem:v17+s31+$0x0] =	vst.idx.add.f32.msk $0xffff, v29  }
0x2a0: {  	[tilespmem:v23+s31+$0x0] =	vst.idx.add.f32.msk $0xffff, v30  }
0x2a1: {  	v17 =	vld [tilespmem:s14+$0x12000]  }
0x2a2: {  	v18 =	vld [tilespmem:s14+$0x12010]  }
0x2a3: {  	v19 =	vld [tilespmem:s14+$0x12020]  }
0x2a4: {  	v20 =	vld [tilespmem:s14+$0x12030]  }
0x2a5: {  	v21 =	vld [tilespmem:s14+$0x12040]  }
0x2a6: {  	v22 =	vld [tilespmem:s14+$0x12050]  }
0x2a7: {  	v23 =	vld [tilespmem:s14+$0x12060]  }
0x2a8: {  	[tilespmem:v13+s31+$0x0] =	vst.idx.add.f32.msk $0xffff, v17  }
0x2a9: {  	[tilespmem:v10+s31+$0x0] =	vst.idx.add.f32.msk $0xffff, v18  }
0x2aa: {  	[tilespmem:v16+s31+$0x0] =	vst.idx.add.f32.msk $0xffff, v19  }
0x2ab: {  	[tilespmem:v14+s31+$0x0] =	vst.idx.add.f32.msk $0xffff, v20  }
0x2ac: {  	[tilespmem:v11+s31+$0x0] =	vst.idx.add.f32.msk $0xffff, v21  }
0x2ad: {  	[tilespmem:v15+s31+$0x0] =	vst.idx.add.f32.msk $0xffff, v22  }
0x2ae: {  	[tilespmem:v12+s31+$0x0] =	vst.idx.add.f32.msk $0xffff, v23  }
0x2af: {  	v11 =	vld [tilespmem:s14+$0x13000]  }
0x2b0: {  	v12 =	vld [tilespmem:s14+$0x13010]  }
0x2b1: {  	v13 =	vld [tilespmem:s14+$0x13020]  }
0x2b2: {  	v14 =	vld [tilespmem:s14+$0x13030]  }
0x2b3: {  	v15 =	vld [tilespmem:s14+$0x13040]  }
0x2b4: {  	v16 =	vld [tilespmem:s14+$0x13050]  }
0x2b5: {  	v10 =	vld [tilespmem:s14+$0x13060]  }
0x2b6: {  	[tilespmem:v9+s31+$0x0] =	vst.idx.add.f32.msk $0xffff, v11  }
.Ltmp2:
0x2b7: {  	[tilespmem:v6+s31+$0x0] =	vst.idx.add.f32.msk $0xffff, v12;
	(pc) =	sbr.rel @p1 .LBB2_7-.Ltmp2, $4  }
0x2b8: {  	[tilespmem:v4+s31+$0x0] =	vst.idx.add.f32.msk $0xffff, v13  }
0x2b9: {  	[tilespmem:v7+s31+$0x0] =	vst.idx.add.f32.msk $0xffff, v14  }
0x2ba: {  	[tilespmem:v8+s31+$0x0] =	vst.idx.add.f32.msk $0xffff, v15  }
0x2bb: {  	s13 =	sadd.s32 $0x200, s13;
	[tilespmem:v5+s31+$0x0] =	vst.idx.add.f32.msk $0xffff, v16  }
0x2bc: {  	s8 =	sadd.s32 $0x1, s8  }
0x2bd: {  	p1 =	sne.s32 s8, $0x10  }
.Ltmp3:
0x2be: {  	_ = 	snop;
	(pc) =	sbr.rel @p1 .LBB2_4-.Ltmp3, $2  }
0x2bf: {  	_ =	sdelay $0x2  }
0x2c0: {  	[tilespmem:v3+s31+$0x0] =	vst.idx.add.f32.msk $0xffff, v10;
	p0 =	por !p0, !p0  }
0x2c1: {  	s8 =	simm.s32 $0x14040  }
0x2c2: {  	v1 =	vld [tilespmem:s8+$0xFFFFFFC0]  }
0x2c3: {  	v2 =	vld [tilespmem:s8+$0x30]  }
0x2c4: {  	v3 =	vld [tilespmem:s8+$0x0];
	_ =	sdelay $0x2  }
0x2c5: {  	(xrf2) =	vadd.scan.msk.f32 $0xffff, v1  }
0x2c6: {  	(xrf2) =	vadd.scan.msk.f32 $0xffff, v2;
	v2 =	vld [tilespmem:s8+$0xFFFFFFF0]  }
0x2c7: {  	s7 =	simm.s32 $0x0;
	(xrf2) =	vadd.scan.msk.f32 $0xffff, v3  }
0x2c8: {  	v1 =	vmov s7  }
0x2c9: {  	v4 =	vld [tilespmem:s8+$0x10];
	v1 =	vand.u32 $0xFFFFFFF8, v1  }
0x2ca: {  	v1 =	vbroadcast v1, $0x0  }
0x2cb: {  	s12 =	simm.s32 $0x7;
	(xrf2) =	vadd.scan.msk.f32 $0xffff, v2  }
0x2cc: {  	v5 =	vld [tilespmem:s8+$0x20];
	v6 =	vmov s12;
	_ =	sdelay $0x1  }
0x2cd: {  	s19 =	simm.s32 $0x6;
	(xrf2) =	vadd.scan.msk.f32 $0xffff, v4  }
0x2ce: {  	v7 =	vmov s19;
	v3 =	vld [tilespmem:s8+$0xFFFFFFE0];
	v2, _, _ =	vpop (xrf2)  }
0x2cf: {  	v7 =	vand.u32 $0xFFFFFFFE, v7;
	[tilespmem:v1+s0+$0x0] =	vst.idx.msk vm0, v2;
	v4, _, _ =	vpop (xrf2)  }
0x2d0: {  	s13 =	simm.s32 $0x4;
	s12 =	simm.s32 $0x8;
	(xrf2) =	vadd.scan.msk.f32 $0xffff, v5;
	v2 =	vld [tilespmem:s8+$0xFFFFFFD0];
	v1 =	vbroadcast v7, $0x0;
	[tilespmem:v6+s0+$0x0] =	vst.idx.msk vm0, v4;
	v4, _, _ =	vpop (xrf2)  }
.LBB2_10:
0x2d1: {  	p0 =	slt.u32 s12, $0x4B8  }
0x2d2: {  	v5 =	vmov s12;
	v6 =	vmov s13;
	s8 =	sadd.s32 $0x80, s8;
	s13 =	smov.u32 s12;
	s12 =	sadd.s32 $0x8, s12  }
0x2d3: {  	s14 =	sadd.s32 $0x5, s7;
	v7 =	vld [tilespmem:s8+$0xFFFFFFC0];
	v5 =	vand.u32 $0xFFFFFFF8, v5;
	v6 =	vand.u32 $0xFFFFFFFC, v6;
	(xrf2) =	vadd.scan.msk.f32 $0xffff, v3  }
0x2d4: {  	s18 =	sadd.s32 $0x3, s7;
	v3 =	vmov s14;
	v8 =	vld [tilespmem:s8+$0x30];
	v6 =	vbroadcast v6, $0x0;
	v9, _, _ =	vpop (xrf2)  }
0x2d5: {  	v11 =	vmov s18;
	v3 =	vand.u32 $0xFFFFFFFD, v3;
	v10 =	vld [tilespmem:s8+$0x20]  }
0x2d6: {  	v11 =	vand.u32 $0xFFFFFFFB, v11;
	v13 =	vbroadcast v3, $0x0;
	v12 =	vld [tilespmem:s8+$0x10];
	(xrf2) =	vadd.scan.msk.f32 $0xffff, v2  }
0x2d7: {  	s14 =	sadd.s32 $0x1, s7;
	s18 =	sadd.s32 $0x2, s7;
	s7 =	smov.u32 s13;
	v11 =	vbroadcast v11, $0x0;
	v14 =	vld [tilespmem:s8+$0x0];
	v15, _, _ =	vpop (xrf2)  }
0x2d8: {  	v17 =	vmov s18;
	v2 =	vmov s14;
	v16 =	vld [tilespmem:s8+$0xFFFFFFF0]  }
0x2d9: {  	v17 =	vand.u32 $0xFFFFFFFA, v17;
	v3 =	vld [tilespmem:s8+$0xFFFFFFE0];
	(xrf2) =	vadd.scan.msk.f32 $0xffff, v7;
	v7 =	vand.u32 $0xFFFFFFF9, v2  }
0x2da: {  	v17 =	vbroadcast v17, $0x0;
	v2 =	vld [tilespmem:s8+$0xFFFFFFD0];
	v7 =	vbroadcast v7, $0x0;
	[tilespmem:v6+s0+$0x0] =	vst.idx.msk vm0, v4;
	v4, _, _ =	vpop (xrf2)  }
0x2db: {  	[tilespmem:v1+s0+$0x0] =	vst.idx.msk vm0, v4  }
0x2dc: {  	s13 =	sadd.s32 $0x6, s7;
	(xrf2) =	vadd.scan.msk.f32 $0xffff, v8;
	[tilespmem:v13+s0+$0x0] =	vst.idx.msk vm0, v15  }
0x2dd: {  	v1 =	vmov s13;
	[tilespmem:v11+s0+$0x0] =	vst.idx.msk vm0, v9;
	v4, _, _ =	vpop (xrf2)  }
0x2de: {  	v1 =	vand.u32 $0xFFFFFFFE, v1  }
0x2df: {  	v1 =	vbroadcast v1, $0x0;
	(xrf2) =	vadd.scan.msk.f32 $0xffff, v14  }
0x2e0: {  	v5 =	vbroadcast v5, $0x0;
	[tilespmem:v17+s0+$0x0] =	vst.idx.msk vm0, v4;
	v4, _, _ =	vpop (xrf2)  }
0x2e1: {  	s13 =	sadd.s32 $0x7, s7;
	[tilespmem:v7+s0+$0x0] =	vst.idx.msk vm0, v4  }
0x2e2: {  	v4 =	vmov s13;
	(xrf2) =	vadd.scan.msk.f32 $0xffff, v16  }
0x2e3: {  	v6, _, _ =	vpop (xrf2);
	_ =	sdelay $0x1  }
.Ltmp4:
0x2e4: {  	(xrf2) =	vadd.scan.msk.f32 $0xffff, v12;
	(pc) =	sbr.rel @p0 .LBB2_10-.Ltmp4, $4  }
0x2e5: {  	[tilespmem:v5+s0+$0x0] =	vst.idx.msk vm0, v6;
	v5, _, _ =	vpop (xrf2)  }
0x2e6: {  	[tilespmem:v4+s0+$0x0] =	vst.idx.msk vm0, v5  }
0x2e7: {  	(xrf2) =	vadd.scan.msk.f32 $0xffff, v10  }
0x2e8: {  	s13 =	sadd.s32 $0x4, s7;
	v4, _, _ =	vpop (xrf2)  }
0x2e9: {  	v5 =	vmov s13  }
0x2ea: {  	s8 =	sadd.s32 $0x5, s7;
	(xrf2) =	vadd.scan.msk.f32 $0xffff, v3;
	v5 =	vand.u32 $0xFFFFFFFC, v5  }
0x2eb: {  	s19 =	sadd.s32 $0x3, s7;
	v3 =	vmov s8;
	(xrf2) =	vadd.scan.msk.f32 $0xffff, v2;
	v5 =	vbroadcast v5, $0x0  }
0x2ec: {  	s12 =	sadd.s32 $0x2, s7;
	v2 =	vmov s19;
	v3 =	vand.u32 $0xFFFFFFFD, v3  }
0x2ed: {  	s13 =	sadd.s32 $0x1, s7;
	v6 =	vmov s12;
	v2 =	vand.u32 $0xFFFFFFFB, v2;
	v3 =	vbroadcast v3, $0x0  }
0x2ee: {  	v7 =	vmov s13;
	v6 =	vand.u32 $0xFFFFFFFA, v6;
	v2 =	vbroadcast v2, $0x0  }
0x2ef: {  	v8, _, _ =	vpop (xrf2);
	v7 =	vand.u32 $0xFFFFFFF9, v7;
	v6 =	vbroadcast v6, $0x0  }
0x2f0: {  	v7 =	vbroadcast v7, $0x0;
	v9, _, _ =	vpop (xrf2)  }
0x2f1: {  	[tilespmem:v5+s0+$0x0] =	vst.idx.msk vm0, v4;
	v63, _, _ =	vpop (xrf2)  }
0x2f2: {  	[tilespmem:v1+s0+$0x0] =	vst.idx.msk vm0, v63  }
0x2f3: {  	[tilespmem:v3+s0+$0x0] =	vst.idx.msk vm0, v9  }
0x2f4: {  	[tilespmem:v2+s0+$0x0] =	vst.idx.msk vm0, v8;
	v1, _, _ =	vpop (xrf2)  }
0x2f5: {  	[tilespmem:v6+s0+$0x0] =	vst.idx.msk vm0, v1;
	v1, _, _ =	vpop (xrf2)  }
0x2f6: {  	[tilespmem:v7+s0+$0x0] =	vst.idx.msk vm0, v1  }
0x2f7: {  	s14 =	rddreg [dreg:$0xd]  }
0x2f8: {  	[hbm4b:s14+s3] =	stream.linear.scatter [tilespmem:s0], [sflag:$0x1], $0x40, $0x38;
	[tilespmem:$0x19100] =	vst v63  }
0x2f9: {  	s19 =	simm.s32 $0x18C40;
	s18 =	rddreg [dreg:$0xe]  }
0x2fa: {  	[hbm4b:s18+s3] =	stream.linear.scatter [tilespmem:s19], [sflag:$0x1], $0x40, $0x38;
	[tilespmem:$0x19100] =	vst v63  }
0x2fb: {  	s12 =	simm.s32 $0x18C80;
	s8 =	rddreg [dreg:$0xf]  }
0x2fc: {  	[hbm4b:s8+s3] =	stream.linear.scatter [tilespmem:s12], [sflag:$0x1], $0x40, $0x38;
	[tilespmem:$0x19100] =	vst v63  }
0x2fd: {  	s13 =	rddreg [dreg:$0x10];
	s14 =	simm.s32 $0x18CC0  }
0x2fe: {  	[hbm4b:s13+s3] =	stream.linear.scatter [tilespmem:s14], [sflag:$0x1], $0x40, $0x38;
	[tilespmem:$0x19100] =	vst v63  }
0x2ff: {  	s18 =	rddreg [dreg:$0x11];
	s19 =	simm.s32 $0x18D00  }
0x300: {  	[hbm4b:s18+s3] =	stream.linear.scatter [tilespmem:s19], [sflag:$0x1], $0x40, $0x38;
	[tilespmem:$0x19100] =	vst v63  }
0x301: {  	s8 =	rddreg [dreg:$0x12];
	s12 =	simm.s32 $0x18D40  }
0x302: {  	[hbm4b:s8+s3] =	stream.linear.scatter [tilespmem:s12], [sflag:$0x1], $0x40, $0x38;
	[tilespmem:$0x19100] =	vst v63  }
0x303: {  	s13 =	rddreg [dreg:$0x13];
	s14 =	simm.s32 $0x18D80  }
0x304: {  	[hbm4b:s13+s3] =	stream.linear.scatter [tilespmem:s14], [sflag:$0x1], $0x40, $0x38;
	[tilespmem:$0x19100] =	vst v63  }
0x305: {  	s18 =	rddreg [dreg:$0x14];
	s19 =	simm.s32 $0x18DC0  }
0x306: {  	[hbm4b:s18+s3] =	stream.linear.scatter [tilespmem:s19], [sflag:$0x1], $0x40, $0x38;
	[tilespmem:$0x19100] =	vst v63  }
0x307: {  	s8 =	rddreg [dreg:$0x15];
	s12 =	simm.s32 $0x18E00  }
0x308: {  	[hbm4b:s8+s3] =	stream.linear.scatter [tilespmem:s12], [sflag:$0x1], $0x40, $0x38;
	[tilespmem:$0x19100] =	vst v63  }
0x309: {  	s13 =	rddreg [dreg:$0x16];
	s14 =	simm.s32 $0x18E40  }
0x30a: {  	[hbm4b:s13+s3] =	stream.linear.scatter [tilespmem:s14], [sflag:$0x1], $0x40, $0x38;
	[tilespmem:$0x19100] =	vst v63  }
0x30b: {  	s18 =	rddreg [dreg:$0x17];
	s19 =	simm.s32 $0x18E80  }
0x30c: {  	[hbm4b:s18+s3] =	stream.linear.scatter [tilespmem:s19], [sflag:$0x1], $0x40, $0x38;
	[tilespmem:$0x19100] =	vst v63  }
0x30d: {  	s8 =	rddreg [dreg:$0x18];
	s12 =	simm.s32 $0x18EC0  }
0x30e: {  	[hbm4b:s8+s3] =	stream.linear.scatter [tilespmem:s12], [sflag:$0x1], $0x40, $0x38;
	[tilespmem:$0x19100] =	vst v63  }
0x30f: {  	s13 =	rddreg [dreg:$0x19];
	s14 =	simm.s32 $0x18F00  }
0x310: {  	[hbm4b:s13+s3] =	stream.linear.scatter [tilespmem:s14], [sflag:$0x1], $0x40, $0x38;
	[tilespmem:$0x19100] =	vst v63  }
0x311: {  	s18 =	rddreg [dreg:$0x1a];
	s19 =	simm.s32 $0x18F40  }
0x312: {  	[hbm4b:s18+s3] =	stream.linear.scatter [tilespmem:s19], [sflag:$0x1], $0x40, $0x38;
	[tilespmem:$0x19100] =	vst v63  }
0x313: {  	s8 =	rddreg [dreg:$0x1b];
	s12 =	simm.s32 $0x18F80  }
0x314: {  	[hbm4b:s8+s3] =	stream.linear.scatter [tilespmem:s12], [sflag:$0x1], $0x40, $0x38;
	[tilespmem:$0x19100] =	vst v63  }
0x315: {  	s13 =	rddreg [dreg:$0x1c];
	s14 =	simm.s32 $0x18FC0  }
0x316: {  	[hbm4b:s13+s3] =	stream.linear.scatter [tilespmem:s14], [sflag:$0x1], $0x40, $0x38;
	[tilespmem:$0x19100] =	vst v63  }
0x317: {  	s18 =	rddreg [dreg:$0x1d];
	s19 =	simm.s32 $0x19000  }
0x318: {  	[hbm4b:s18+s3] =	stream.linear.scatter [tilespmem:s19], [sflag:$0x1], $0x40, $0x38;
	[tilespmem:$0x19100] =	vst v63  }
0x319: {  	s12 =	rddreg [dreg:$0x1e];
	s13 =	simm.s32 $0x19040  }
0x31a: {  	[hbm4b:s12+s3] =	stream.linear.scatter [tilespmem:s13], [sflag:$0x1], $0x40, $0x38;
	[tilespmem:$0x19100] =	vst v63  }
0x31b: {  	s14 =	rddreg [dreg:$0x1f];
	s18 =	simm.s32 $0x19080  }
0x31c: {  	[hbm4b:s14+s3] =	stream.linear.scatter [tilespmem:s18], [sflag:$0x1], $0x40, $0x38;
	[tilespmem:$0x19100] =	vst v63  }
0x31d: {  	_ =	swait.ge [sflag:s21], $0x40  }
0x31e: {  	[sflag:s21] =	ssyncset.done $0x0  }
0x31f: {  	[sflag:s21] =	ssyncadd.s32 $0xFFFFFFC0  }
0x320: {  	_ =	swait.ge [sflag:s21], $0x40  }
0x321: {  	[sflag:s21] =	ssyncset.done $0x0  }
0x322: {  	[sflag:s21] =	ssyncadd.s32 $0xFFFFFFC0  }
0x323: {  	_ =	swait.ge [sflag:s21], $0x40  }
0x324: {  	[sflag:s21] =	ssyncset.done $0x0  }
0x325: {  	[sflag:s21] =	ssyncadd.s32 $0xFFFFFFC0  }
0x326: {  	_ =	swait.ge [sflag:s21], $0x40  }
0x327: {  	[sflag:s21] =	ssyncset.done $0x0  }
0x328: {  	[sflag:s21] =	ssyncadd.s32 $0xFFFFFFC0  }
0x329: {  	_ =	swait.ge [sflag:s21], $0x40  }
0x32a: {  	[sflag:s21] =	ssyncset.done $0x0  }
0x32b: {  	[sflag:s21] =	ssyncadd.s32 $0xFFFFFFC0  }
0x32c: {  	_ =	swait.ge [sflag:s21], $0x40  }
0x32d: {  	[sflag:s21] =	ssyncset.done $0x0  }
0x32e: {  	[sflag:s21] =	ssyncadd.s32 $0xFFFFFFC0  }
0x32f: {  	_ =	swait.ge [sflag:s21], $0x40  }
0x330: {  	[sflag:s21] =	ssyncset.done $0x0  }
0x331: {  	[sflag:s21] =	ssyncadd.s32 $0xFFFFFFC0  }
0x332: {  	_ =	swait.ge [sflag:s21], $0x40  }
0x333: {  	[sflag:s21] =	ssyncset.done $0x0  }
0x334: {  	[sflag:s21] =	ssyncadd.s32 $0xFFFFFFC0  }
0x335: {  	_ =	swait.ge [sflag:s21], $0x40  }
0x336: {  	[sflag:s21] =	ssyncset.done $0x0  }
0x337: {  	[sflag:s21] =	ssyncadd.s32 $0xFFFFFFC0  }
0x338: {  	_ =	swait.ge [sflag:s21], $0x40  }
0x339: {  	[sflag:s21] =	ssyncset.done $0x0  }
0x33a: {  	[sflag:s21] =	ssyncadd.s32 $0xFFFFFFC0  }
0x33b: {  	_ =	swait.ge [sflag:s21], $0x40  }
0x33c: {  	[sflag:s21] =	ssyncset.done $0x0  }
0x33d: {  	[sflag:s21] =	ssyncadd.s32 $0xFFFFFFC0  }
0x33e: {  	_ =	swait.ge [sflag:s21], $0x40  }
0x33f: {  	[sflag:s21] =	ssyncset.done $0x0  }
0x340: {  	[sflag:s21] =	ssyncadd.s32 $0xFFFFFFC0  }
0x341: {  	_ =	swait.ge [sflag:s21], $0x40  }
0x342: {  	[sflag:s21] =	ssyncset.done $0x0  }
0x343: {  	[sflag:s21] =	ssyncadd.s32 $0xFFFFFFC0  }
0x344: {  	_ =	swait.ge [sflag:s21], $0x40  }
0x345: {  	[sflag:s21] =	ssyncset.done $0x0  }
0x346: {  	[sflag:s21] =	ssyncadd.s32 $0xFFFFFFC0  }
0x347: {  	_ =	swait.ge [sflag:s21], $0x40  }
0x348: {  	[sflag:s21] =	ssyncset.done $0x0  }
0x349: {  	[sflag:s21] =	ssyncadd.s32 $0xFFFFFFC0  }
0x34a: {  	_ =	swait.ge [sflag:s21], $0x40  }
0x34b: {  	[sflag:s21] =	ssyncset.done $0x0  }
0x34c: {  	[sflag:s21] =	ssyncadd.s32 $0xFFFFFFC0  }
0x34d: {  	_ =	swait.ge [sflag:s21], $0x40  }
0x34e: {  	[sflag:s21] =	ssyncset.done $0x0  }
0x34f: {  	[sflag:s21] =	ssyncadd.s32 $0xFFFFFFC0  }
0x350: {  	_ =	swait.ge [sflag:s21], $0x40  }
0x351: {  	[sflag:s21] =	ssyncset.done $0x0  }
0x352: {  	[sflag:s21] =	ssyncadd.s32 $0xFFFFFFC0  }
0x353: {  	_ =	swait.ge [sflag:s21], $0x40  }
0x354: {  	s19 =	sld [smem:$0x7FD];
	_ =	sdelay $0x1  }
0x355: {  	s6 =	sadd.s32 $0x1, s6  }
0x356: {  	p0 =	sne.s32 s6, s19  }
.Ltmp5:
0x357: {  	_ = 	snop;
	(pc) =	sbr.rel @p0 .LBB2_1-.Ltmp5, $3  }
0x358: {  	_ =	sdelay $0x1  }
0x359: {  	[sflag:s21] =	ssyncset.done $0x0  }
0x35a: {  	[sflag:s21] =	ssyncadd.s32 $0xFFFFFFC0  }
0x35b: {  	_ =	sfence.sel $0x180000  }
0x35c: {  	[bflag:$0x0] =	sbarrier.arrive $0xFFFF  }
0x35d: {  	_ =	strace $0x9000004A  }
0x35e: {  	s0 =	stileid.u32;
	[bflag:$0x2] =	sbarrier.arrive $0xFFFF  }
0x35f: {  	p0 =	sne.s32 s0, $0x0;
	s0 =	rddreg [dreg:$0x3]  }
0x360: {  	s0 =	sadd.s32 @!p0 $0x100000, s0  }
0x361: {  	[sflag:s0] =	ssyncadd.tile.s32 @!p0 $0x1;
	_ =	shalt  }
.Lfunc_end2:
_tile_overlayer_lowered:
.L_overlay_start_2:
0x362: {  	(tag) =	ssettag $0x2  }
0x363: {  	s0 =	rddreg [dreg:$0x0];
	s2 =	stileid.u32  }
0x364: {  	s1 =	rddreg [dreg:$0x1];
	p0 =	sne.s32 s2, $0x0  }
0x365: {  	s3 =	rddreg [dreg:$0x2];
	[bflag:$0x3] =	sbarrier.arrive $0xFFFF;
	s2 =	simm.s32 @!p0 $0x1C03  }
0x366: {  	[timem:s3], [sflag:s2] =	dma.local @!p0 [hbm:s0], s1  }
0x367: {  	s0 =	simm.s32 @!p0 $0x3  }
0x368: {  	_ =	swait.ge @!p0 [sflag:s0], s1  }
0x369: {  	s1 =	ssub.s32 @!p0 $0x0, s1;
	[sflag:s0] =	ssyncset.done @!p0 $0x0  }
0x36a: {  	[sflag:s0] =	ssyncadd.s32 @!p0 s1  }
0x36b: {  	[bflag:$0x3] =	sbarrier.arrive $0xFFFF  }
0x36c: {  	_ =	shalt  }

</sc_bundles>
